<compile_context>
chip_gen: v7x
topology: tpu7x:2x2x1
jax: 0.10.2.dev20260603
libtpu: 0.0.44.dev20260713+nightly
codegen_flags: <defaults>
</compile_context>

<pallas_src>
import functools

import jax
import jax.numpy as jnp
from jax import lax
from jax.experimental import pallas as pl
from jax.experimental.pallas import tpu as pltpu
from jax.experimental.pallas import tpu_sc as plsc

_K = 32
_TM = 128
_TB = 128
_CHUNK = 128
_DW = 128


def _knn_body(np3_ref, posT_ref, knn_ref, dscr):
    np3 = np3_ref[0]
    posT = posT_ref[0]
    tm = np3.shape[0]
    n = posT.shape[1]
    k = knn_ref.shape[-1]
    nt = n // 128

    nx = np3[:, 0:1]
    ny = np3[:, 1:2]
    nz = np3[:, 2:3]
    px = posT[0:1, :]
    py = posT[1:2, :]
    pz = posT[2:3, :]
    q2 = nx * nx + ny * ny + nz * nz
    p2 = px * px + py * py + pz * pz
    cross = lax.dot_general(
        np3.astype(jnp.bfloat16), posT.astype(jnp.bfloat16),
        (((1,), (0,)), ((), ())), preferred_element_type=jnp.float32)
    dscr[...] = (q2 + p2) - 2.0 * cross

    li = lax.broadcasted_iota(jnp.int32, (1, 128), 1)
    kiota = lax.broadcasted_iota(jnp.int32, (1, k), 1)
    big = jnp.int32(n)
    inf = jnp.float32(jnp.inf)
    knn0 = jnp.zeros((tm, k), dtype=jnp.int32)

    def body(i, carry):
        sel_prev, knn = carry
        plval = jnp.full((tm, 128), inf, jnp.float32)
        plarg = jnp.zeros((tm, 128), jnp.int32)
        for c in range(nt):
            t = dscr[:, c * 128:(c + 1) * 128]
            t = jnp.where(li == sel_prev - c * 128, inf, t)
            dscr[:, c * 128:(c + 1) * 128] = t
            lt = t < plval
            plval = jnp.where(lt, t, plval)
            plarg = jnp.where(lt, jnp.int32(c), plarg)
        m = jnp.min(plval, axis=1, keepdims=True)
        gidxs = jnp.where(plval == m, plarg * 128 + li, big)
        sel = jnp.min(gidxs, axis=1, keepdims=True)
        knn = jnp.where(kiota == i, sel, knn)
        return sel, knn

    sel0 = jnp.full((tm, 1), -1, jnp.int32)
    _, knn = lax.fori_loop(0, k, body, (sel0, knn0))
    b = pl.program_id(0)
    knn_ref[0] = knn + b * n


def _mlp_body(g_ref, npz_ref, w0_ref, b0_ref, w1_ref, b1_ref, w2_ref, b2_ref,
              out_ref):
    tb = npz_ref.shape[0]
    k = g_ref.shape[0] // tb
    dw = g_ref.shape[1]
    g = g_ref[...]
    npz = npz_ref[...]
    np_rep = jnp.broadcast_to(npz[:, None, :], (tb, k, dw)).reshape(tb * k, dw)
    x = g - np_rep

    dn = (((1,), (0,)), ((), ()))
    hp = jax.lax.Precision.DEFAULT
    h = jnp.maximum(
        lax.dot_general(x, w0_ref[...], dn, precision=hp,
                        preferred_element_type=jnp.float32) + b0_ref[...], 0.0)
    h = jnp.maximum(
        lax.dot_general(h, w1_ref[...], dn, precision=hp,
                        preferred_element_type=jnp.float32) + b1_ref[...], 0.0)
    h = jnp.maximum(
        lax.dot_general(h, w2_ref[...], dn, precision=hp,
                        preferred_element_type=jnp.float32) + b2_ref[...], 0.0)
    co = h.shape[1]
    out_ref[...] = jnp.max(h.reshape(tb, k, co), axis=1)


def _knn_call(new_pos3, posT):
    b, m, _ = new_pos3.shape
    n = posT.shape[2]
    tm = min(_TM, m)
    return pl.pallas_call(
        _knn_body,
        grid=(b, m // tm),
        in_specs=[
            pl.BlockSpec((1, tm, 3), lambda i, j: (i, j, 0)),
            pl.BlockSpec((1, 3, n), lambda i, j: (i, 0, 0)),
        ],
        out_specs=pl.BlockSpec((1, tm, _K), lambda i, j: (i, j, 0)),
        out_shape=jax.ShapeDtypeStruct((b, m, _K), jnp.int32),
        scratch_shapes=[pltpu.VMEM((tm, n), jnp.float32)],
    )(new_pos3, posT)


def _mlp_call(g, npz, w0p, w1t, w2t, b0, b1, b2):
    bm = npz.shape[0]
    dw = g.shape[1]
    tb = min(_TB, bm)
    co = w2t.shape[1]
    ch = w1t.shape[0]
    k = g.shape[0] // bm
    return pl.pallas_call(
        _mlp_body,
        grid=(bm // tb,),
        in_specs=[
            pl.BlockSpec((tb * k, dw), lambda i: (i, 0)),
            pl.BlockSpec((tb, dw), lambda i: (i, 0)),
            pl.BlockSpec((dw, ch), lambda i: (0, 0)),
            pl.BlockSpec((1, ch), lambda i: (0, 0)),
            pl.BlockSpec((ch, ch), lambda i: (0, 0)),
            pl.BlockSpec((1, ch), lambda i: (0, 0)),
            pl.BlockSpec((ch, co), lambda i: (0, 0)),
            pl.BlockSpec((1, co), lambda i: (0, 0)),
        ],
        out_specs=pl.BlockSpec((tb, co), lambda i: (i, 0)),
        out_shape=jax.ShapeDtypeStruct((bm, co), jnp.float32),
    )(g, npz, w0p, b0, w1t, b1, w2t, b2)


def _sc_gather(table, gidx):
    r = gidx.shape[0]
    dw = table.shape[1]
    info = plsc.get_sparse_core_info()
    nw = info.num_cores * info.num_subcores
    per_w = r // nw
    iters = per_w // _CHUNK
    mesh = plsc.VectorSubcoreMesh(core_axis_name="c", subcore_axis_name="s")

    @functools.partial(
        pl.kernel,
        out_type=jax.ShapeDtypeStruct((r, dw), jnp.float32),
        mesh=mesh,
        scratch_types=[
            pltpu.VMEM((_CHUNK,), jnp.int32),
            pltpu.VMEM((_CHUNK, dw), jnp.float32),
            pltpu.SemaphoreType.DMA,
        ],
    )
    def gather_k(tab_hbm, idx_hbm, out_hbm, idx_v, rows_v, sem):
        wid = lax.axis_index("s") * info.num_cores + lax.axis_index("c")
        base = wid * per_w

        def body(i, _):
            off = base + i * _CHUNK
            pltpu.sync_copy(idx_hbm.at[pl.ds(off, _CHUNK)], idx_v)
            pltpu.async_copy(tab_hbm.at[idx_v], rows_v, sem).wait()
            pltpu.sync_copy(rows_v, out_hbm.at[pl.ds(off, _CHUNK)])
            return 0

        lax.fori_loop(0, iters, body, 0)

    return gather_k(table, gidx)


def kernel(pos, features, idx, W0, b0, W1, b1, W2, b2):
    b, n, _ = pos.shape
    m = idx.shape[1]
    c = features.shape[2]
    co = W2.shape[0]
    bm = b * m

    pad = jnp.zeros((b, n, _DW - 3 - c), dtype=jnp.float32)
    table = jnp.concatenate([pos, features, pad], axis=-1).reshape(bm // m * n, _DW)

    offs = (jnp.arange(b, dtype=jnp.int32) * n)[:, None]
    gidx1 = (idx.astype(jnp.int32) + offs).reshape(bm)
    np80 = _sc_gather(table, gidx1)
    new_pos = np80[:, :3].reshape(b, m, 3)

    posT = jnp.swapaxes(pos, 1, 2)
    npz = jnp.concatenate(
        [np80[:, :3], jnp.zeros((bm, _DW - 3), dtype=jnp.float32)], axis=1)
    w0p = jnp.pad(W0, ((0, 0), (0, _DW - W0.shape[1]))).T
    w1t = W1.T
    w2t = W2.T
    b0r, b1r, b2r = b0[None, :], b1[None, :], b2[None, :]

    feats_parts = []
    for i in range(b):
        knn_i = _knn_call(new_pos[i:i + 1], posT[i:i + 1])
        g_i = _sc_gather(table, (knn_i + i * n).reshape(m * _K))
        feats_parts.append(
            _mlp_call(g_i, npz[i * m:(i + 1) * m], w0p, w1t, w2t,
                      b0r, b1r, b2r))
    feats = jnp.concatenate(feats_parts, axis=0)
    return new_pos, feats.reshape(b, m, co)

# --- scband reference (transcript-rebuilt; emitter-appended) ---
"""Pipeline reference for scband-point-conv-19301583028465 (READ-ONLY COPY).

The authoritative reference and input builder live on the scoring server;
editing this copy changes nothing except your own understanding.
"""

import jax, jax.numpy as jnp
import numpy as np

B, N, M, K, C = 8, 8192, 2048, 32, 64
CIN = C + 3  # use_xyz concatenates centered xyz


def setup_inputs(seed: int = 0) -> dict:
    key = jax.random.key(seed)
    ks = jax.random.split(key, 10)
    pos = jax.random.normal(ks[0], (B, N, 3), dtype=jnp.float32)
    features = jax.random.normal(ks[1], (B, N, C), dtype=jnp.float32)
    idx = jax.random.randint(ks[2], (B, M), 0, N)
    W0 = jax.random.normal(ks[3], (64, CIN), dtype=jnp.float32) * (1.0 / np.sqrt(CIN))
    b0 = jnp.zeros((64,), dtype=jnp.float32)
    W1 = jax.random.normal(ks[4], (64, 64), dtype=jnp.float32) * (1.0 / np.sqrt(64))
    b1 = jnp.zeros((64,), dtype=jnp.float32)
    W2 = jax.random.normal(ks[5], (128, 64), dtype=jnp.float32) * (1.0 / np.sqrt(64))
    b2 = jnp.zeros((128,), dtype=jnp.float32)
    return {"pos": pos, "features": features, "idx": idx,
            "W0": W0, "b0": b0, "W1": W1, "b1": b1, "W2": W2, "b2": b2}


def reference(pos, features, idx, W0, b0, W1, b1, W2, b2):
    # gather centroid positions: pctools.group_to_idx selects pos at idx
    new_pos = jnp.take_along_axis(pos, idx[..., None], axis=1)  # [B, M, 3]
    # kNN: squared euclidean distances from each centroid to all points
    q2 = jnp.sum(new_pos ** 2, axis=-1)[:, :, None]            # [B, M, 1]
    p2 = jnp.sum(pos ** 2, axis=-1)[:, None, :]                # [B, 1, N]
    cross = jnp.einsum('bmd,bnd->bmn', new_pos, pos)           # [B, M, N]
    dist = q2 + p2 - 2.0 * cross                               # [B, M, N]
    _, knn_idx = jax.lax.top_k(-dist, K)                       # [B, M, K]
    gather = jax.vmap(lambda arr, i: arr[i])
    grouped_pos = gather(pos, knn_idx)                         # [B, M, K, 3]
    grouped_feat = gather(features, knn_idx)                   # [B, M, K, C]
    # recenter_groups: subtract centroid position
    centered = grouped_pos - new_pos[:, :, None, :]            # [B, M, K, 3]
    # use_xyz: concat centered xyz with grouped features
    x = jnp.concatenate([centered, grouped_feat], axis=-1)     # [B, M, K, C+3]
    # conv2d_mlp with 1x1 kernels == per-point channel MLP (bn=False)
    h = jax.nn.relu(jnp.einsum('bmkc,oc->bmko', x, W0) + b0)
    h = jax.nn.relu(jnp.einsum('bmkc,oc->bmko', h, W1) + b1)
    h = jax.nn.relu(jnp.einsum('bmkc,oc->bmko', h, W2) + b2)   # [B, M, K, 128]
    # aggr: max over neighbor dim (-2)
    feats = jnp.max(h, axis=-2)                                # [B, M, 128]
    return (new_pos, feats)

if __name__ == "__main__":
    import jax
    _d = setup_inputs()
    print(jax.jit(kernel)(*tuple(_d.values())))

</pallas_src>

<mosaic_0001>
#map = affine_map<(d0, d1) -> (0, 0)>
#map1 = affine_map<(d0, d1) -> (0)>
module attributes {stable_mosaic.version = 14 : i64} {
  func.func @gather_k(%arg0: i32, %arg1: i32, %arg2: memref<65536x128xf32, #tpu.memory_space<hbm>>, %arg3: memref<16384xi32, #tpu.memory_space<hbm>>, %arg4: memref<16384x128xf32, #tpu.memory_space<hbm>>, %arg5: memref<128xi32, #tpu.memory_space<vmem>>, %arg6: memref<128x128xf32, #tpu.memory_space<vmem>>, %arg7: memref<!tpu.dma_semaphore, #tpu.memory_space<semaphore_mem>>) attributes {dimension_semantics = [#tpu.dimension_semantics<core_parallel>, #tpu.dimension_semantics<subcore_parallel>], iteration_bounds = array<i64: 2, 16>, scalar_prefetch = 0 : i64, scratch_operands = 3 : i64, tpu.core_type = #tpu.core_type<sc_vector_subcore>, window_params = [{transform_indices = #map}, {transform_indices = #map1}, {transform_indices = #map}]} {
    %mul3A = arith.constant 2 : i32
    %mul3A_0 = arith.muli %arg1, %mul3A : i32
    %add3A = arith.addi %mul3A_0, %arg0 : i32
    %mul3A_1 = arith.constant 512 : i32
    %mul3A_2 = arith.muli %add3A, %mul3A_1 : i32
    %scan3A = arith.constant 0 : i32
    %scan3A_3 = arith.constant 0 : i32
    %scan3A_4 = arith.constant 4 : i32
    %scan3A_5 = arith.addi %scan3A_3, %scan3A_4 : i32
    %scan3A_6 = arith.constant 1 : i32
    %scan3A_7 = scf.for %scan3A_9 = %scan3A_3 to %scan3A_5 step %scan3A_6 iter_args(%scan3A_10 = %scan3A) -> (i32)  : i32 {
      %mul3A_11 = arith.constant 128 : i32
      %mul3A_12 = arith.muli %scan3A_9, %mul3A_11 : i32
      %add3A_13 = arith.addi %mul3A_2, %mul3A_12 : i32
      "tpu.region"() ({
        %run_scoped3A = tpu.sem_alloc : memref<!tpu.dma_semaphore, #tpu.memory_space<semaphore_mem>>
        %dma_start3A_19 = tpu.memref_slice %arg3[%add3A_13] : memref<16384xi32, #tpu.memory_space<hbm>> -> memref<128xi32, #tpu.memory_space<hbm>>
        %dma_start3A_20 = tpu.memref_slice %arg3[%add3A_13] : memref<16384xi32, #tpu.memory_space<hbm>> -> memref<128xi32, #tpu.memory_space<hbm>>
        tpu.enqueue_dma source(%dma_start3A_20 : memref<128xi32, #tpu.memory_space<hbm>>) target(%arg5 : memref<128xi32, #tpu.memory_space<vmem>>) target_semaphore(%run_scoped3A : memref<!tpu.dma_semaphore, #tpu.memory_space<semaphore_mem>>)
        %dma_wait3A_21 = tpu.memref_slice %arg3[%add3A_13] : memref<16384xi32, #tpu.memory_space<hbm>> -> memref<128xi32, #tpu.memory_space<hbm>>
        %dma_wait3A_22 = tpu.memref_slice %arg3[%add3A_13] : memref<16384xi32, #tpu.memory_space<hbm>> -> memref<128xi32, #tpu.memory_space<hbm>>
        tpu.wait_dma2 semaphore(%run_scoped3A : memref<!tpu.dma_semaphore, #tpu.memory_space<semaphore_mem>>) src(%dma_wait3A_22 : memref<128xi32, #tpu.memory_space<hbm>>) dst(%arg5 : memref<128xi32, #tpu.memory_space<vmem>>)
        tpu.yield
      }) : () -> ()
      %dma_start3A = arith.constant 0 : i32
      %dma_start3A_14 = arith.constant 0 : i32
      %dma_start3A_15 = tpu.memref_slice %arg2[%dma_start3A, %dma_start3A_14] : memref<65536x128xf32, #tpu.memory_space<hbm>> -> memref<65536x128xf32, #tpu.memory_space<hbm>>
      tpu.enqueue_indirect_dma source(%dma_start3A_15 : memref<65536x128xf32, #tpu.memory_space<hbm>>) target(%arg6 : memref<128x128xf32, #tpu.memory_space<vmem>>) offsets(%arg5 : memref<128xi32, #tpu.memory_space<vmem>>) semaphore(%arg7 : memref<!tpu.dma_semaphore, #tpu.memory_space<semaphore_mem>>)
      %dma_wait3A = arith.constant 0 : i32
      %dma_wait3A_16 = arith.constant 0 : i32
      %dma_wait3A_17 = tpu.memref_slice %arg2[%dma_wait3A, %dma_wait3A_16] : memref<65536x128xf32, #tpu.memory_space<hbm>> -> memref<65536x128xf32, #tpu.memory_space<hbm>>
      tpu.wait_indirect_dma semaphore(%arg7 : memref<!tpu.dma_semaphore, #tpu.memory_space<semaphore_mem>>) src(%dma_wait3A_17 : memref<65536x128xf32, #tpu.memory_space<hbm>>) dst(%arg6 : memref<128x128xf32, #tpu.memory_space<vmem>>)
      "tpu.region"() ({
        %run_scoped3A = tpu.sem_alloc : memref<!tpu.dma_semaphore, #tpu.memory_space<semaphore_mem>>
        %dma_start3A_19 = arith.constant 0 : i32
        %dma_start3A_20 = tpu.memref_slice %arg4[%add3A_13, %dma_start3A_19] : memref<16384x128xf32, #tpu.memory_space<hbm>> -> memref<128x128xf32, #tpu.memory_space<hbm>>
        %dma_start3A_21 = arith.constant 0 : i32
        %dma_start3A_22 = tpu.memref_slice %arg4[%add3A_13, %dma_start3A_21] : memref<16384x128xf32, #tpu.memory_space<hbm>> -> memref<128x128xf32, #tpu.memory_space<hbm>>
        tpu.enqueue_dma source(%arg6 : memref<128x128xf32, #tpu.memory_space<vmem>>) target(%dma_start3A_22 : memref<128x128xf32, #tpu.memory_space<hbm>>) target_semaphore(%run_scoped3A : memref<!tpu.dma_semaphore, #tpu.memory_space<semaphore_mem>>)
        %dma_wait3A_23 = arith.constant 0 : i32
        %dma_wait3A_24 = tpu.memref_slice %arg4[%add3A_13, %dma_wait3A_23] : memref<16384x128xf32, #tpu.memory_space<hbm>> -> memref<128x128xf32, #tpu.memory_space<hbm>>
        %dma_wait3A_25 = arith.constant 0 : i32
        %dma_wait3A_26 = tpu.memref_slice %arg4[%add3A_13, %dma_wait3A_25] : memref<16384x128xf32, #tpu.memory_space<hbm>> -> memref<128x128xf32, #tpu.memory_space<hbm>>
        tpu.wait_dma2 semaphore(%run_scoped3A : memref<!tpu.dma_semaphore, #tpu.memory_space<semaphore_mem>>) src(%arg6 : memref<128x128xf32, #tpu.memory_space<vmem>>) dst(%dma_wait3A_26 : memref<128x128xf32, #tpu.memory_space<hbm>>)
        tpu.yield
      }) : () -> ()
      %scan3A_18 = arith.constant 0 : i32
      scf.yield %scan3A_18 : i32
    }
    %scan3A_8 = arith.constant 4 : i32
    return
  }
}

#map = affine_map<(d0, d1) -> (0, 0)>
#map1 = affine_map<(d0, d1) -> (0)>
module attributes {stable_mosaic.version = 14 : i64} {
  func.func @gather_k(%arg0: i32, %arg1: i32, %arg2: memref<65536x128xf32, #tpu.memory_space<hbm>>, %arg3: memref<65536xi32, #tpu.memory_space<hbm>>, %arg4: memref<65536x128xf32, #tpu.memory_space<hbm>>, %arg5: memref<128xi32, #tpu.memory_space<vmem>>, %arg6: memref<128x128xf32, #tpu.memory_space<vmem>>, %arg7: memref<!tpu.dma_semaphore, #tpu.memory_space<semaphore_mem>>) attributes {dimension_semantics = [#tpu.dimension_semantics<core_parallel>, #tpu.dimension_semantics<subcore_parallel>], iteration_bounds = array<i64: 2, 16>, scalar_prefetch = 0 : i64, scratch_operands = 3 : i64, tpu.core_type = #tpu.core_type<sc_vector_subcore>, window_params = [{transform_indices = #map}, {transform_indices = #map1}, {transform_indices = #map}]} {
    %mul3A = arith.constant 2 : i32
    %mul3A_0 = arith.muli %arg1, %mul3A : i32
    %add3A = arith.addi %mul3A_0, %arg0 : i32
    %mul3A_1 = arith.constant 2048 : i32
    %mul3A_2 = arith.muli %add3A, %mul3A_1 : i32
    %scan3A = arith.constant 0 : i32
    %scan3A_3 = arith.constant 0 : i32
    %scan3A_4 = arith.constant 16 : i32
    %scan3A_5 = arith.addi %scan3A_3, %scan3A_4 : i32
    %scan3A_6 = arith.constant 1 : i32
    %scan3A_7 = scf.for %scan3A_9 = %scan3A_3 to %scan3A_5 step %scan3A_6 iter_args(%scan3A_10 = %scan3A) -> (i32)  : i32 {
      %mul3A_11 = arith.constant 128 : i32
      %mul3A_12 = arith.muli %scan3A_9, %mul3A_11 : i32
      %add3A_13 = arith.addi %mul3A_2, %mul3A_12 : i32
      "tpu.region"() ({
        %run_scoped3A = tpu.sem_alloc : memref<!tpu.dma_semaphore, #tpu.memory_space<semaphore_mem>>
        %dma_start3A_19 = tpu.memref_slice %arg3[%add3A_13] : memref<65536xi32, #tpu.memory_space<hbm>> -> memref<128xi32, #tpu.memory_space<hbm>>
        %dma_start3A_20 = tpu.memref_slice %arg3[%add3A_13] : memref<65536xi32, #tpu.memory_space<hbm>> -> memref<128xi32, #tpu.memory_space<hbm>>
        tpu.enqueue_dma source(%dma_start3A_20 : memref<128xi32, #tpu.memory_space<hbm>>) target(%arg5 : memref<128xi32, #tpu.memory_space<vmem>>) target_semaphore(%run_scoped3A : memref<!tpu.dma_semaphore, #tpu.memory_space<semaphore_mem>>)
        %dma_wait3A_21 = tpu.memref_slice %arg3[%add3A_13] : memref<65536xi32, #tpu.memory_space<hbm>> -> memref<128xi32, #tpu.memory_space<hbm>>
        %dma_wait3A_22 = tpu.memref_slice %arg3[%add3A_13] : memref<65536xi32, #tpu.memory_space<hbm>> -> memref<128xi32, #tpu.memory_space<hbm>>
        tpu.wait_dma2 semaphore(%run_scoped3A : memref<!tpu.dma_semaphore, #tpu.memory_space<semaphore_mem>>) src(%dma_wait3A_22 : memref<128xi32, #tpu.memory_space<hbm>>) dst(%arg5 : memref<128xi32, #tpu.memory_space<vmem>>)
        tpu.yield
      }) : () -> ()
      %dma_start3A = arith.constant 0 : i32
      %dma_start3A_14 = arith.constant 0 : i32
      %dma_start3A_15 = tpu.memref_slice %arg2[%dma_start3A, %dma_start3A_14] : memref<65536x128xf32, #tpu.memory_space<hbm>> -> memref<65536x128xf32, #tpu.memory_space<hbm>>
      tpu.enqueue_indirect_dma source(%dma_start3A_15 : memref<65536x128xf32, #tpu.memory_space<hbm>>) target(%arg6 : memref<128x128xf32, #tpu.memory_space<vmem>>) offsets(%arg5 : memref<128xi32, #tpu.memory_space<vmem>>) semaphore(%arg7 : memref<!tpu.dma_semaphore, #tpu.memory_space<semaphore_mem>>)
      %dma_wait3A = arith.constant 0 : i32
      %dma_wait3A_16 = arith.constant 0 : i32
      %dma_wait3A_17 = tpu.memref_slice %arg2[%dma_wait3A, %dma_wait3A_16] : memref<65536x128xf32, #tpu.memory_space<hbm>> -> memref<65536x128xf32, #tpu.memory_space<hbm>>
      tpu.wait_indirect_dma semaphore(%arg7 : memref<!tpu.dma_semaphore, #tpu.memory_space<semaphore_mem>>) src(%dma_wait3A_17 : memref<65536x128xf32, #tpu.memory_space<hbm>>) dst(%arg6 : memref<128x128xf32, #tpu.memory_space<vmem>>)
      "tpu.region"() ({
        %run_scoped3A = tpu.sem_alloc : memref<!tpu.dma_semaphore, #tpu.memory_space<semaphore_mem>>
        %dma_start3A_19 = arith.constant 0 : i32
        %dma_start3A_20 = tpu.memref_slice %arg4[%add3A_13, %dma_start3A_19] : memref<65536x128xf32, #tpu.memory_space<hbm>> -> memref<128x128xf32, #tpu.memory_space<hbm>>
        %dma_start3A_21 = arith.constant 0 : i32
        %dma_start3A_22 = tpu.memref_slice %arg4[%add3A_13, %dma_start3A_21] : memref<65536x128xf32, #tpu.memory_space<hbm>> -> memref<128x128xf32, #tpu.memory_space<hbm>>
        tpu.enqueue_dma source(%arg6 : memref<128x128xf32, #tpu.memory_space<vmem>>) target(%dma_start3A_22 : memref<128x128xf32, #tpu.memory_space<hbm>>) target_semaphore(%run_scoped3A : memref<!tpu.dma_semaphore, #tpu.memory_space<semaphore_mem>>)
        %dma_wait3A_23 = arith.constant 0 : i32
        %dma_wait3A_24 = tpu.memref_slice %arg4[%add3A_13, %dma_wait3A_23] : memref<65536x128xf32, #tpu.memory_space<hbm>> -> memref<128x128xf32, #tpu.memory_space<hbm>>
        %dma_wait3A_25 = arith.constant 0 : i32
        %dma_wait3A_26 = tpu.memref_slice %arg4[%add3A_13, %dma_wait3A_25] : memref<65536x128xf32, #tpu.memory_space<hbm>> -> memref<128x128xf32, #tpu.memory_space<hbm>>
        tpu.wait_dma2 semaphore(%run_scoped3A : memref<!tpu.dma_semaphore, #tpu.memory_space<semaphore_mem>>) src(%arg6 : memref<128x128xf32, #tpu.memory_space<vmem>>) dst(%dma_wait3A_26 : memref<128x128xf32, #tpu.memory_space<hbm>>)
        tpu.yield
      }) : () -> ()
      %scan3A_18 = arith.constant 0 : i32
      scf.yield %scan3A_18 : i32
    }
    %scan3A_8 = arith.constant 16 : i32
    return
  }
}

#map = affine_map<(d0, d1) -> (0, 0)>
#map1 = affine_map<(d0, d1) -> (0)>
module attributes {stable_mosaic.version = 14 : i64} {
  func.func @gather_k(%arg0: i32, %arg1: i32, %arg2: memref<65536x128xf32, #tpu.memory_space<hbm>>, %arg3: memref<65536xi32, #tpu.memory_space<hbm>>, %arg4: memref<65536x128xf32, #tpu.memory_space<hbm>>, %arg5: memref<128xi32, #tpu.memory_space<vmem>>, %arg6: memref<128x128xf32, #tpu.memory_space<vmem>>, %arg7: memref<!tpu.dma_semaphore, #tpu.memory_space<semaphore_mem>>) attributes {dimension_semantics = [#tpu.dimension_semantics<core_parallel>, #tpu.dimension_semantics<subcore_parallel>], iteration_bounds = array<i64: 2, 16>, scalar_prefetch = 0 : i64, scratch_operands = 3 : i64, tpu.core_type = #tpu.core_type<sc_vector_subcore>, window_params = [{transform_indices = #map}, {transform_indices = #map1}, {transform_indices = #map}]} {
    %mul3A = arith.constant 2 : i32
    %mul3A_0 = arith.muli %arg1, %mul3A : i32
    %add3A = arith.addi %mul3A_0, %arg0 : i32
    %mul3A_1 = arith.constant 2048 : i32
    %mul3A_2 = arith.muli %add3A, %mul3A_1 : i32
    %scan3A = arith.constant 0 : i32
    %scan3A_3 = arith.constant 0 : i32
    %scan3A_4 = arith.constant 16 : i32
    %scan3A_5 = arith.addi %scan3A_3, %scan3A_4 : i32
    %scan3A_6 = arith.constant 1 : i32
    %scan3A_7 = scf.for %scan3A_9 = %scan3A_3 to %scan3A_5 step %scan3A_6 iter_args(%scan3A_10 = %scan3A) -> (i32)  : i32 {
      %mul3A_11 = arith.constant 128 : i32
      %mul3A_12 = arith.muli %scan3A_9, %mul3A_11 : i32
      %add3A_13 = arith.addi %mul3A_2, %mul3A_12 : i32
      "tpu.region"() ({
        %run_scoped3A = tpu.sem_alloc : memref<!tpu.dma_semaphore, #tpu.memory_space<semaphore_mem>>
        %dma_start3A_19 = tpu.memref_slice %arg3[%add3A_13] : memref<65536xi32, #tpu.memory_space<hbm>> -> memref<128xi32, #tpu.memory_space<hbm>>
        %dma_start3A_20 = tpu.memref_slice %arg3[%add3A_13] : memref<65536xi32, #tpu.memory_space<hbm>> -> memref<128xi32, #tpu.memory_space<hbm>>
        tpu.enqueue_dma source(%dma_start3A_20 : memref<128xi32, #tpu.memory_space<hbm>>) target(%arg5 : memref<128xi32, #tpu.memory_space<vmem>>) target_semaphore(%run_scoped3A : memref<!tpu.dma_semaphore, #tpu.memory_space<semaphore_mem>>)
        %dma_wait3A_21 = tpu.memref_slice %arg3[%add3A_13] : memref<65536xi32, #tpu.memory_space<hbm>> -> memref<128xi32, #tpu.memory_space<hbm>>
        %dma_wait3A_22 = tpu.memref_slice %arg3[%add3A_13] : memref<65536xi32, #tpu.memory_space<hbm>> -> memref<128xi32, #tpu.memory_space<hbm>>
        tpu.wait_dma2 semaphore(%run_scoped3A : memref<!tpu.dma_semaphore, #tpu.memory_space<semaphore_mem>>) src(%dma_wait3A_22 : memref<128xi32, #tpu.memory_space<hbm>>) dst(%arg5 : memref<128xi32, #tpu.memory_space<vmem>>)
        tpu.yield
      }) : () -> ()
      %dma_start3A = arith.constant 0 : i32
      %dma_start3A_14 = arith.constant 0 : i32
      %dma_start3A_15 = tpu.memref_slice %arg2[%dma_start3A, %dma_start3A_14] : memref<65536x128xf32, #tpu.memory_space<hbm>> -> memref<65536x128xf32, #tpu.memory_space<hbm>>
      tpu.enqueue_indirect_dma source(%dma_start3A_15 : memref<65536x128xf32, #tpu.memory_space<hbm>>) target(%arg6 : memref<128x128xf32, #tpu.memory_space<vmem>>) offsets(%arg5 : memref<128xi32, #tpu.memory_space<vmem>>) semaphore(%arg7 : memref<!tpu.dma_semaphore, #tpu.memory_space<semaphore_mem>>)
      %dma_wait3A = arith.constant 0 : i32
      %dma_wait3A_16 = arith.constant 0 : i32
      %dma_wait3A_17 = tpu.memref_slice %arg2[%dma_wait3A, %dma_wait3A_16] : memref<65536x128xf32, #tpu.memory_space<hbm>> -> memref<65536x128xf32, #tpu.memory_space<hbm>>
      tpu.wait_indirect_dma semaphore(%arg7 : memref<!tpu.dma_semaphore, #tpu.memory_space<semaphore_mem>>) src(%dma_wait3A_17 : memref<65536x128xf32, #tpu.memory_space<hbm>>) dst(%arg6 : memref<128x128xf32, #tpu.memory_space<vmem>>)
      "tpu.region"() ({
        %run_scoped3A = tpu.sem_alloc : memref<!tpu.dma_semaphore, #tpu.memory_space<semaphore_mem>>
        %dma_start3A_19 = arith.constant 0 : i32
        %dma_start3A_20 = tpu.memref_slice %arg4[%add3A_13, %dma_start3A_19] : memref<65536x128xf32, #tpu.memory_space<hbm>> -> memref<128x128xf32, #tpu.memory_space<hbm>>
        %dma_start3A_21 = arith.constant 0 : i32
        %dma_start3A_22 = tpu.memref_slice %arg4[%add3A_13, %dma_start3A_21] : memref<65536x128xf32, #tpu.memory_space<hbm>> -> memref<128x128xf32, #tpu.memory_space<hbm>>
        tpu.enqueue_dma source(%arg6 : memref<128x128xf32, #tpu.memory_space<vmem>>) target(%dma_start3A_22 : memref<128x128xf32, #tpu.memory_space<hbm>>) target_semaphore(%run_scoped3A : memref<!tpu.dma_semaphore, #tpu.memory_space<semaphore_mem>>)
        %dma_wait3A_23 = arith.constant 0 : i32
        %dma_wait3A_24 = tpu.memref_slice %arg4[%add3A_13, %dma_wait3A_23] : memref<65536x128xf32, #tpu.memory_space<hbm>> -> memref<128x128xf32, #tpu.memory_space<hbm>>
        %dma_wait3A_25 = arith.constant 0 : i32
        %dma_wait3A_26 = tpu.memref_slice %arg4[%add3A_13, %dma_wait3A_25] : memref<65536x128xf32, #tpu.memory_space<hbm>> -> memref<128x128xf32, #tpu.memory_space<hbm>>
        tpu.wait_dma2 semaphore(%run_scoped3A : memref<!tpu.dma_semaphore, #tpu.memory_space<semaphore_mem>>) src(%arg6 : memref<128x128xf32, #tpu.memory_space<vmem>>) dst(%dma_wait3A_26 : memref<128x128xf32, #tpu.memory_space<hbm>>)
        tpu.yield
      }) : () -> ()
      %scan3A_18 = arith.constant 0 : i32
      scf.yield %scan3A_18 : i32
    }
    %scan3A_8 = arith.constant 16 : i32
    return
  }
}

#map = affine_map<(d0, d1) -> (0, 0)>
#map1 = affine_map<(d0, d1) -> (0)>
module attributes {stable_mosaic.version = 14 : i64} {
  func.func @gather_k(%arg0: i32, %arg1: i32, %arg2: memref<65536x128xf32, #tpu.memory_space<hbm>>, %arg3: memref<65536xi32, #tpu.memory_space<hbm>>, %arg4: memref<65536x128xf32, #tpu.memory_space<hbm>>, %arg5: memref<128xi32, #tpu.memory_space<vmem>>, %arg6: memref<128x128xf32, #tpu.memory_space<vmem>>, %arg7: memref<!tpu.dma_semaphore, #tpu.memory_space<semaphore_mem>>) attributes {dimension_semantics = [#tpu.dimension_semantics<core_parallel>, #tpu.dimension_semantics<subcore_parallel>], iteration_bounds = array<i64: 2, 16>, scalar_prefetch = 0 : i64, scratch_operands = 3 : i64, tpu.core_type = #tpu.core_type<sc_vector_subcore>, window_params = [{transform_indices = #map}, {transform_indices = #map1}, {transform_indices = #map}]} {
    %mul3A = arith.constant 2 : i32
    %mul3A_0 = arith.muli %arg1, %mul3A : i32
    %add3A = arith.addi %mul3A_0, %arg0 : i32
    %mul3A_1 = arith.constant 2048 : i32
    %mul3A_2 = arith.muli %add3A, %mul3A_1 : i32
    %scan3A = arith.constant 0 : i32
    %scan3A_3 = arith.constant 0 : i32
    %scan3A_4 = arith.constant 16 : i32
    %scan3A_5 = arith.addi %scan3A_3, %scan3A_4 : i32
    %scan3A_6 = arith.constant 1 : i32
    %scan3A_7 = scf.for %scan3A_9 = %scan3A_3 to %scan3A_5 step %scan3A_6 iter_args(%scan3A_10 = %scan3A) -> (i32)  : i32 {
      %mul3A_11 = arith.constant 128 : i32
      %mul3A_12 = arith.muli %scan3A_9, %mul3A_11 : i32
      %add3A_13 = arith.addi %mul3A_2, %mul3A_12 : i32
      "tpu.region"() ({
        %run_scoped3A = tpu.sem_alloc : memref<!tpu.dma_semaphore, #tpu.memory_space<semaphore_mem>>
        %dma_start3A_19 = tpu.memref_slice %arg3[%add3A_13] : memref<65536xi32, #tpu.memory_space<hbm>> -> memref<128xi32, #tpu.memory_space<hbm>>
        %dma_start3A_20 = tpu.memref_slice %arg3[%add3A_13] : memref<65536xi32, #tpu.memory_space<hbm>> -> memref<128xi32, #tpu.memory_space<hbm>>
        tpu.enqueue_dma source(%dma_start3A_20 : memref<128xi32, #tpu.memory_space<hbm>>) target(%arg5 : memref<128xi32, #tpu.memory_space<vmem>>) target_semaphore(%run_scoped3A : memref<!tpu.dma_semaphore, #tpu.memory_space<semaphore_mem>>)
        %dma_wait3A_21 = tpu.memref_slice %arg3[%add3A_13] : memref<65536xi32, #tpu.memory_space<hbm>> -> memref<128xi32, #tpu.memory_space<hbm>>
        %dma_wait3A_22 = tpu.memref_slice %arg3[%add3A_13] : memref<65536xi32, #tpu.memory_space<hbm>> -> memref<128xi32, #tpu.memory_space<hbm>>
        tpu.wait_dma2 semaphore(%run_scoped3A : memref<!tpu.dma_semaphore, #tpu.memory_space<semaphore_mem>>) src(%dma_wait3A_22 : memref<128xi32, #tpu.memory_space<hbm>>) dst(%arg5 : memref<128xi32, #tpu.memory_space<vmem>>)
        tpu.yield
      }) : () -> ()
      %dma_start3A = arith.constant 0 : i32
      %dma_start3A_14 = arith.constant 0 : i32
      %dma_start3A_15 = tpu.memref_slice %arg2[%dma_start3A, %dma_start3A_14] : memref<65536x128xf32, #tpu.memory_space<hbm>> -> memref<65536x128xf32, #tpu.memory_space<hbm>>
      tpu.enqueue_indirect_dma source(%dma_start3A_15 : memref<65536x128xf32, #tpu.memory_space<hbm>>) target(%arg6 : memref<128x128xf32, #tpu.memory_space<vmem>>) offsets(%arg5 : memref<128xi32, #tpu.memory_space<vmem>>) semaphore(%arg7 : memref<!tpu.dma_semaphore, #tpu.memory_space<semaphore_mem>>)
      %dma_wait3A = arith.constant 0 : i32
      %dma_wait3A_16 = arith.constant 0 : i32
      %dma_wait3A_17 = tpu.memref_slice %arg2[%dma_wait3A, %dma_wait3A_16] : memref<65536x128xf32, #tpu.memory_space<hbm>> -> memref<65536x128xf32, #tpu.memory_space<hbm>>
      tpu.wait_indirect_dma semaphore(%arg7 : memref<!tpu.dma_semaphore, #tpu.memory_space<semaphore_mem>>) src(%dma_wait3A_17 : memref<65536x128xf32, #tpu.memory_space<hbm>>) dst(%arg6 : memref<128x128xf32, #tpu.memory_space<vmem>>)
      "tpu.region"() ({
        %run_scoped3A = tpu.sem_alloc : memref<!tpu.dma_semaphore, #tpu.memory_space<semaphore_mem>>
        %dma_start3A_19 = arith.constant 0 : i32
        %dma_start3A_20 = tpu.memref_slice %arg4[%add3A_13, %dma_start3A_19] : memref<65536x128xf32, #tpu.memory_space<hbm>> -> memref<128x128xf32, #tpu.memory_space<hbm>>
        %dma_start3A_21 = arith.constant 0 : i32
        %dma_start3A_22 = tpu.memref_slice %arg4[%add3A_13, %dma_start3A_21] : memref<65536x128xf32, #tpu.memory_space<hbm>> -> memref<128x128xf32, #tpu.memory_space<hbm>>
        tpu.enqueue_dma source(%arg6 : memref<128x128xf32, #tpu.memory_space<vmem>>) target(%dma_start3A_22 : memref<128x128xf32, #tpu.memory_space<hbm>>) target_semaphore(%run_scoped3A : memref<!tpu.dma_semaphore, #tpu.memory_space<semaphore_mem>>)
        %dma_wait3A_23 = arith.constant 0 : i32
        %dma_wait3A_24 = tpu.memref_slice %arg4[%add3A_13, %dma_wait3A_23] : memref<65536x128xf32, #tpu.memory_space<hbm>> -> memref<128x128xf32, #tpu.memory_space<hbm>>
        %dma_wait3A_25 = arith.constant 0 : i32
        %dma_wait3A_26 = tpu.memref_slice %arg4[%add3A_13, %dma_wait3A_25] : memref<65536x128xf32, #tpu.memory_space<hbm>> -> memref<128x128xf32, #tpu.memory_space<hbm>>
        tpu.wait_dma2 semaphore(%run_scoped3A : memref<!tpu.dma_semaphore, #tpu.memory_space<semaphore_mem>>) src(%arg6 : memref<128x128xf32, #tpu.memory_space<vmem>>) dst(%dma_wait3A_26 : memref<128x128xf32, #tpu.memory_space<hbm>>)
        tpu.yield
      }) : () -> ()
      %scan3A_18 = arith.constant 0 : i32
      scf.yield %scan3A_18 : i32
    }
    %scan3A_8 = arith.constant 16 : i32
    return
  }
}

#map = affine_map<(d0, d1) -> (0, 0)>
#map1 = affine_map<(d0, d1) -> (0)>
module attributes {stable_mosaic.version = 14 : i64} {
  func.func @gather_k(%arg0: i32, %arg1: i32, %arg2: memref<65536x128xf32, #tpu.memory_space<hbm>>, %arg3: memref<65536xi32, #tpu.memory_space<hbm>>, %arg4: memref<65536x128xf32, #tpu.memory_space<hbm>>, %arg5: memref<128xi32, #tpu.memory_space<vmem>>, %arg6: memref<128x128xf32, #tpu.memory_space<vmem>>, %arg7: memref<!tpu.dma_semaphore, #tpu.memory_space<semaphore_mem>>) attributes {dimension_semantics = [#tpu.dimension_semantics<core_parallel>, #tpu.dimension_semantics<subcore_parallel>], iteration_bounds = array<i64: 2, 16>, scalar_prefetch = 0 : i64, scratch_operands = 3 : i64, tpu.core_type = #tpu.core_type<sc_vector_subcore>, window_params = [{transform_indices = #map}, {transform_indices = #map1}, {transform_indices = #map}]} {
    %mul3A = arith.constant 2 : i32
    %mul3A_0 = arith.muli %arg1, %mul3A : i32
    %add3A = arith.addi %mul3A_0, %arg0 : i32
    %mul3A_1 = arith.constant 2048 : i32
    %mul3A_2 = arith.muli %add3A, %mul3A_1 : i32
    %scan3A = arith.constant 0 : i32
    %scan3A_3 = arith.constant 0 : i32
    %scan3A_4 = arith.constant 16 : i32
    %scan3A_5 = arith.addi %scan3A_3, %scan3A_4 : i32
    %scan3A_6 = arith.constant 1 : i32
    %scan3A_7 = scf.for %scan3A_9 = %scan3A_3 to %scan3A_5 step %scan3A_6 iter_args(%scan3A_10 = %scan3A) -> (i32)  : i32 {
      %mul3A_11 = arith.constant 128 : i32
      %mul3A_12 = arith.muli %scan3A_9, %mul3A_11 : i32
      %add3A_13 = arith.addi %mul3A_2, %mul3A_12 : i32
      "tpu.region"() ({
        %run_scoped3A = tpu.sem_alloc : memref<!tpu.dma_semaphore, #tpu.memory_space<semaphore_mem>>
        %dma_start3A_19 = tpu.memref_slice %arg3[%add3A_13] : memref<65536xi32, #tpu.memory_space<hbm>> -> memref<128xi32, #tpu.memory_space<hbm>>
        %dma_start3A_20 = tpu.memref_slice %arg3[%add3A_13] : memref<65536xi32, #tpu.memory_space<hbm>> -> memref<128xi32, #tpu.memory_space<hbm>>
        tpu.enqueue_dma source(%dma_start3A_20 : memref<128xi32, #tpu.memory_space<hbm>>) target(%arg5 : memref<128xi32, #tpu.memory_space<vmem>>) target_semaphore(%run_scoped3A : memref<!tpu.dma_semaphore, #tpu.memory_space<semaphore_mem>>)
        %dma_wait3A_21 = tpu.memref_slice %arg3[%add3A_13] : memref<65536xi32, #tpu.memory_space<hbm>> -> memref<128xi32, #tpu.memory_space<hbm>>
        %dma_wait3A_22 = tpu.memref_slice %arg3[%add3A_13] : memref<65536xi32, #tpu.memory_space<hbm>> -> memref<128xi32, #tpu.memory_space<hbm>>
        tpu.wait_dma2 semaphore(%run_scoped3A : memref<!tpu.dma_semaphore, #tpu.memory_space<semaphore_mem>>) src(%dma_wait3A_22 : memref<128xi32, #tpu.memory_space<hbm>>) dst(%arg5 : memref<128xi32, #tpu.memory_space<vmem>>)
        tpu.yield
      }) : () -> ()
      %dma_start3A = arith.constant 0 : i32
      %dma_start3A_14 = arith.constant 0 : i32
      %dma_start3A_15 = tpu.memref_slice %arg2[%dma_start3A, %dma_start3A_14] : memref<65536x128xf32, #tpu.memory_space<hbm>> -> memref<65536x128xf32, #tpu.memory_space<hbm>>
      tpu.enqueue_indirect_dma source(%dma_start3A_15 : memref<65536x128xf32, #tpu.memory_space<hbm>>) target(%arg6 : memref<128x128xf32, #tpu.memory_space<vmem>>) offsets(%arg5 : memref<128xi32, #tpu.memory_space<vmem>>) semaphore(%arg7 : memref<!tpu.dma_semaphore, #tpu.memory_space<semaphore_mem>>)
      %dma_wait3A = arith.constant 0 : i32
      %dma_wait3A_16 = arith.constant 0 : i32
      %dma_wait3A_17 = tpu.memref_slice %arg2[%dma_wait3A, %dma_wait3A_16] : memref<65536x128xf32, #tpu.memory_space<hbm>> -> memref<65536x128xf32, #tpu.memory_space<hbm>>
      tpu.wait_indirect_dma semaphore(%arg7 : memref<!tpu.dma_semaphore, #tpu.memory_space<semaphore_mem>>) src(%dma_wait3A_17 : memref<65536x128xf32, #tpu.memory_space<hbm>>) dst(%arg6 : memref<128x128xf32, #tpu.memory_space<vmem>>)
      "tpu.region"() ({
        %run_scoped3A = tpu.sem_alloc : memref<!tpu.dma_semaphore, #tpu.memory_space<semaphore_mem>>
        %dma_start3A_19 = arith.constant 0 : i32
        %dma_start3A_20 = tpu.memref_slice %arg4[%add3A_13, %dma_start3A_19] : memref<65536x128xf32, #tpu.memory_space<hbm>> -> memref<128x128xf32, #tpu.memory_space<hbm>>
        %dma_start3A_21 = arith.constant 0 : i32
        %dma_start3A_22 = tpu.memref_slice %arg4[%add3A_13, %dma_start3A_21] : memref<65536x128xf32, #tpu.memory_space<hbm>> -> memref<128x128xf32, #tpu.memory_space<hbm>>
        tpu.enqueue_dma source(%arg6 : memref<128x128xf32, #tpu.memory_space<vmem>>) target(%dma_start3A_22 : memref<128x128xf32, #tpu.memory_space<hbm>>) target_semaphore(%run_scoped3A : memref<!tpu.dma_semaphore, #tpu.memory_space<semaphore_mem>>)
        %dma_wait3A_23 = arith.constant 0 : i32
        %dma_wait3A_24 = tpu.memref_slice %arg4[%add3A_13, %dma_wait3A_23] : memref<65536x128xf32, #tpu.memory_space<hbm>> -> memref<128x128xf32, #tpu.memory_space<hbm>>
        %dma_wait3A_25 = arith.constant 0 : i32
        %dma_wait3A_26 = tpu.memref_slice %arg4[%add3A_13, %dma_wait3A_25] : memref<65536x128xf32, #tpu.memory_space<hbm>> -> memref<128x128xf32, #tpu.memory_space<hbm>>
        tpu.wait_dma2 semaphore(%run_scoped3A : memref<!tpu.dma_semaphore, #tpu.memory_space<semaphore_mem>>) src(%arg6 : memref<128x128xf32, #tpu.memory_space<vmem>>) dst(%dma_wait3A_26 : memref<128x128xf32, #tpu.memory_space<hbm>>)
        tpu.yield
      }) : () -> ()
      %scan3A_18 = arith.constant 0 : i32
      scf.yield %scan3A_18 : i32
    }
    %scan3A_8 = arith.constant 16 : i32
    return
  }
}

#map = affine_map<(d0, d1) -> (0, 0)>
#map1 = affine_map<(d0, d1) -> (0)>
module attributes {stable_mosaic.version = 14 : i64} {
  func.func @gather_k(%arg0: i32, %arg1: i32, %arg2: memref<65536x128xf32, #tpu.memory_space<hbm>>, %arg3: memref<65536xi32, #tpu.memory_space<hbm>>, %arg4: memref<65536x128xf32, #tpu.memory_space<hbm>>, %arg5: memref<128xi32, #tpu.memory_space<vmem>>, %arg6: memref<128x128xf32, #tpu.memory_space<vmem>>, %arg7: memref<!tpu.dma_semaphore, #tpu.memory_space<semaphore_mem>>) attributes {dimension_semantics = [#tpu.dimension_semantics<core_parallel>, #tpu.dimension_semantics<subcore_parallel>], iteration_bounds = array<i64: 2, 16>, scalar_prefetch = 0 : i64, scratch_operands = 3 : i64, tpu.core_type = #tpu.core_type<sc_vector_subcore>, window_params = [{transform_indices = #map}, {transform_indices = #map1}, {transform_indices = #map}]} {
    %mul3A = arith.constant 2 : i32
    %mul3A_0 = arith.muli %arg1, %mul3A : i32
    %add3A = arith.addi %mul3A_0, %arg0 : i32
    %mul3A_1 = arith.constant 2048 : i32
    %mul3A_2 = arith.muli %add3A, %mul3A_1 : i32
    %scan3A = arith.constant 0 : i32
    %scan3A_3 = arith.constant 0 : i32
    %scan3A_4 = arith.constant 16 : i32
    %scan3A_5 = arith.addi %scan3A_3, %scan3A_4 : i32
    %scan3A_6 = arith.constant 1 : i32
    %scan3A_7 = scf.for %scan3A_9 = %scan3A_3 to %scan3A_5 step %scan3A_6 iter_args(%scan3A_10 = %scan3A) -> (i32)  : i32 {
      %mul3A_11 = arith.constant 128 : i32
      %mul3A_12 = arith.muli %scan3A_9, %mul3A_11 : i32
      %add3A_13 = arith.addi %mul3A_2, %mul3A_12 : i32
      "tpu.region"() ({
        %run_scoped3A = tpu.sem_alloc : memref<!tpu.dma_semaphore, #tpu.memory_space<semaphore_mem>>
        %dma_start3A_19 = tpu.memref_slice %arg3[%add3A_13] : memref<65536xi32, #tpu.memory_space<hbm>> -> memref<128xi32, #tpu.memory_space<hbm>>
        %dma_start3A_20 = tpu.memref_slice %arg3[%add3A_13] : memref<65536xi32, #tpu.memory_space<hbm>> -> memref<128xi32, #tpu.memory_space<hbm>>
        tpu.enqueue_dma source(%dma_start3A_20 : memref<128xi32, #tpu.memory_space<hbm>>) target(%arg5 : memref<128xi32, #tpu.memory_space<vmem>>) target_semaphore(%run_scoped3A : memref<!tpu.dma_semaphore, #tpu.memory_space<semaphore_mem>>)
        %dma_wait3A_21 = tpu.memref_slice %arg3[%add3A_13] : memref<65536xi32, #tpu.memory_space<hbm>> -> memref<128xi32, #tpu.memory_space<hbm>>
        %dma_wait3A_22 = tpu.memref_slice %arg3[%add3A_13] : memref<65536xi32, #tpu.memory_space<hbm>> -> memref<128xi32, #tpu.memory_space<hbm>>
        tpu.wait_dma2 semaphore(%run_scoped3A : memref<!tpu.dma_semaphore, #tpu.memory_space<semaphore_mem>>) src(%dma_wait3A_22 : memref<128xi32, #tpu.memory_space<hbm>>) dst(%arg5 : memref<128xi32, #tpu.memory_space<vmem>>)
        tpu.yield
      }) : () -> ()
      %dma_start3A = arith.constant 0 : i32
      %dma_start3A_14 = arith.constant 0 : i32
      %dma_start3A_15 = tpu.memref_slice %arg2[%dma_start3A, %dma_start3A_14] : memref<65536x128xf32, #tpu.memory_space<hbm>> -> memref<65536x128xf32, #tpu.memory_space<hbm>>
      tpu.enqueue_indirect_dma source(%dma_start3A_15 : memref<65536x128xf32, #tpu.memory_space<hbm>>) target(%arg6 : memref<128x128xf32, #tpu.memory_space<vmem>>) offsets(%arg5 : memref<128xi32, #tpu.memory_space<vmem>>) semaphore(%arg7 : memref<!tpu.dma_semaphore, #tpu.memory_space<semaphore_mem>>)
      %dma_wait3A = arith.constant 0 : i32
      %dma_wait3A_16 = arith.constant 0 : i32
      %dma_wait3A_17 = tpu.memref_slice %arg2[%dma_wait3A, %dma_wait3A_16] : memref<65536x128xf32, #tpu.memory_space<hbm>> -> memref<65536x128xf32, #tpu.memory_space<hbm>>
      tpu.wait_indirect_dma semaphore(%arg7 : memref<!tpu.dma_semaphore, #tpu.memory_space<semaphore_mem>>) src(%dma_wait3A_17 : memref<65536x128xf32, #tpu.memory_space<hbm>>) dst(%arg6 : memref<128x128xf32, #tpu.memory_space<vmem>>)
      "tpu.region"() ({
        %run_scoped3A = tpu.sem_alloc : memref<!tpu.dma_semaphore, #tpu.memory_space<semaphore_mem>>
        %dma_start3A_19 = arith.constant 0 : i32
        %dma_start3A_20 = tpu.memref_slice %arg4[%add3A_13, %dma_start3A_19] : memref<65536x128xf32, #tpu.memory_space<hbm>> -> memref<128x128xf32, #tpu.memory_space<hbm>>
        %dma_start3A_21 = arith.constant 0 : i32
        %dma_start3A_22 = tpu.memref_slice %arg4[%add3A_13, %dma_start3A_21] : memref<65536x128xf32, #tpu.memory_space<hbm>> -> memref<128x128xf32, #tpu.memory_space<hbm>>
        tpu.enqueue_dma source(%arg6 : memref<128x128xf32, #tpu.memory_space<vmem>>) target(%dma_start3A_22 : memref<128x128xf32, #tpu.memory_space<hbm>>) target_semaphore(%run_scoped3A : memref<!tpu.dma_semaphore, #tpu.memory_space<semaphore_mem>>)
        %dma_wait3A_23 = arith.constant 0 : i32
        %dma_wait3A_24 = tpu.memref_slice %arg4[%add3A_13, %dma_wait3A_23] : memref<65536x128xf32, #tpu.memory_space<hbm>> -> memref<128x128xf32, #tpu.memory_space<hbm>>
        %dma_wait3A_25 = arith.constant 0 : i32
        %dma_wait3A_26 = tpu.memref_slice %arg4[%add3A_13, %dma_wait3A_25] : memref<65536x128xf32, #tpu.memory_space<hbm>> -> memref<128x128xf32, #tpu.memory_space<hbm>>
        tpu.wait_dma2 semaphore(%run_scoped3A : memref<!tpu.dma_semaphore, #tpu.memory_space<semaphore_mem>>) src(%arg6 : memref<128x128xf32, #tpu.memory_space<vmem>>) dst(%dma_wait3A_26 : memref<128x128xf32, #tpu.memory_space<hbm>>)
        tpu.yield
      }) : () -> ()
      %scan3A_18 = arith.constant 0 : i32
      scf.yield %scan3A_18 : i32
    }
    %scan3A_8 = arith.constant 16 : i32
    return
  }
}

#map = affine_map<(d0, d1) -> (0, 0)>
#map1 = affine_map<(d0, d1) -> (0)>
module attributes {stable_mosaic.version = 14 : i64} {
  func.func @gather_k(%arg0: i32, %arg1: i32, %arg2: memref<65536x128xf32, #tpu.memory_space<hbm>>, %arg3: memref<65536xi32, #tpu.memory_space<hbm>>, %arg4: memref<65536x128xf32, #tpu.memory_space<hbm>>, %arg5: memref<128xi32, #tpu.memory_space<vmem>>, %arg6: memref<128x128xf32, #tpu.memory_space<vmem>>, %arg7: memref<!tpu.dma_semaphore, #tpu.memory_space<semaphore_mem>>) attributes {dimension_semantics = [#tpu.dimension_semantics<core_parallel>, #tpu.dimension_semantics<subcore_parallel>], iteration_bounds = array<i64: 2, 16>, scalar_prefetch = 0 : i64, scratch_operands = 3 : i64, tpu.core_type = #tpu.core_type<sc_vector_subcore>, window_params = [{transform_indices = #map}, {transform_indices = #map1}, {transform_indices = #map}]} {
    %mul3A = arith.constant 2 : i32
    %mul3A_0 = arith.muli %arg1, %mul3A : i32
    %add3A = arith.addi %mul3A_0, %arg0 : i32
    %mul3A_1 = arith.constant 2048 : i32
    %mul3A_2 = arith.muli %add3A, %mul3A_1 : i32
    %scan3A = arith.constant 0 : i32
    %scan3A_3 = arith.constant 0 : i32
    %scan3A_4 = arith.constant 16 : i32
    %scan3A_5 = arith.addi %scan3A_3, %scan3A_4 : i32
    %scan3A_6 = arith.constant 1 : i32
    %scan3A_7 = scf.for %scan3A_9 = %scan3A_3 to %scan3A_5 step %scan3A_6 iter_args(%scan3A_10 = %scan3A) -> (i32)  : i32 {
      %mul3A_11 = arith.constant 128 : i32
      %mul3A_12 = arith.muli %scan3A_9, %mul3A_11 : i32
      %add3A_13 = arith.addi %mul3A_2, %mul3A_12 : i32
      "tpu.region"() ({
        %run_scoped3A = tpu.sem_alloc : memref<!tpu.dma_semaphore, #tpu.memory_space<semaphore_mem>>
        %dma_start3A_19 = tpu.memref_slice %arg3[%add3A_13] : memref<65536xi32, #tpu.memory_space<hbm>> -> memref<128xi32, #tpu.memory_space<hbm>>
        %dma_start3A_20 = tpu.memref_slice %arg3[%add3A_13] : memref<65536xi32, #tpu.memory_space<hbm>> -> memref<128xi32, #tpu.memory_space<hbm>>
        tpu.enqueue_dma source(%dma_start3A_20 : memref<128xi32, #tpu.memory_space<hbm>>) target(%arg5 : memref<128xi32, #tpu.memory_space<vmem>>) target_semaphore(%run_scoped3A : memref<!tpu.dma_semaphore, #tpu.memory_space<semaphore_mem>>)
        %dma_wait3A_21 = tpu.memref_slice %arg3[%add3A_13] : memref<65536xi32, #tpu.memory_space<hbm>> -> memref<128xi32, #tpu.memory_space<hbm>>
        %dma_wait3A_22 = tpu.memref_slice %arg3[%add3A_13] : memref<65536xi32, #tpu.memory_space<hbm>> -> memref<128xi32, #tpu.memory_space<hbm>>
        tpu.wait_dma2 semaphore(%run_scoped3A : memref<!tpu.dma_semaphore, #tpu.memory_space<semaphore_mem>>) src(%dma_wait3A_22 : memref<128xi32, #tpu.memory_space<hbm>>) dst(%arg5 : memref<128xi32, #tpu.memory_space<vmem>>)
        tpu.yield
      }) : () -> ()
      %dma_start3A = arith.constant 0 : i32
      %dma_start3A_14 = arith.constant 0 : i32
      %dma_start3A_15 = tpu.memref_slice %arg2[%dma_start3A, %dma_start3A_14] : memref<65536x128xf32, #tpu.memory_space<hbm>> -> memref<65536x128xf32, #tpu.memory_space<hbm>>
      tpu.enqueue_indirect_dma source(%dma_start3A_15 : memref<65536x128xf32, #tpu.memory_space<hbm>>) target(%arg6 : memref<128x128xf32, #tpu.memory_space<vmem>>) offsets(%arg5 : memref<128xi32, #tpu.memory_space<vmem>>) semaphore(%arg7 : memref<!tpu.dma_semaphore, #tpu.memory_space<semaphore_mem>>)
      %dma_wait3A = arith.constant 0 : i32
      %dma_wait3A_16 = arith.constant 0 : i32
      %dma_wait3A_17 = tpu.memref_slice %arg2[%dma_wait3A, %dma_wait3A_16] : memref<65536x128xf32, #tpu.memory_space<hbm>> -> memref<65536x128xf32, #tpu.memory_space<hbm>>
      tpu.wait_indirect_dma semaphore(%arg7 : memref<!tpu.dma_semaphore, #tpu.memory_space<semaphore_mem>>) src(%dma_wait3A_17 : memref<65536x128xf32, #tpu.memory_space<hbm>>) dst(%arg6 : memref<128x128xf32, #tpu.memory_space<vmem>>)
      "tpu.region"() ({
        %run_scoped3A = tpu.sem_alloc : memref<!tpu.dma_semaphore, #tpu.memory_space<semaphore_mem>>
        %dma_start3A_19 = arith.constant 0 : i32
        %dma_start3A_20 = tpu.memref_slice %arg4[%add3A_13, %dma_start3A_19] : memref<65536x128xf32, #tpu.memory_space<hbm>> -> memref<128x128xf32, #tpu.memory_space<hbm>>
        %dma_start3A_21 = arith.constant 0 : i32
        %dma_start3A_22 = tpu.memref_slice %arg4[%add3A_13, %dma_start3A_21] : memref<65536x128xf32, #tpu.memory_space<hbm>> -> memref<128x128xf32, #tpu.memory_space<hbm>>
        tpu.enqueue_dma source(%arg6 : memref<128x128xf32, #tpu.memory_space<vmem>>) target(%dma_start3A_22 : memref<128x128xf32, #tpu.memory_space<hbm>>) target_semaphore(%run_scoped3A : memref<!tpu.dma_semaphore, #tpu.memory_space<semaphore_mem>>)
        %dma_wait3A_23 = arith.constant 0 : i32
        %dma_wait3A_24 = tpu.memref_slice %arg4[%add3A_13, %dma_wait3A_23] : memref<65536x128xf32, #tpu.memory_space<hbm>> -> memref<128x128xf32, #tpu.memory_space<hbm>>
        %dma_wait3A_25 = arith.constant 0 : i32
        %dma_wait3A_26 = tpu.memref_slice %arg4[%add3A_13, %dma_wait3A_25] : memref<65536x128xf32, #tpu.memory_space<hbm>> -> memref<128x128xf32, #tpu.memory_space<hbm>>
        tpu.wait_dma2 semaphore(%run_scoped3A : memref<!tpu.dma_semaphore, #tpu.memory_space<semaphore_mem>>) src(%arg6 : memref<128x128xf32, #tpu.memory_space<vmem>>) dst(%dma_wait3A_26 : memref<128x128xf32, #tpu.memory_space<hbm>>)
        tpu.yield
      }) : () -> ()
      %scan3A_18 = arith.constant 0 : i32
      scf.yield %scan3A_18 : i32
    }
    %scan3A_8 = arith.constant 16 : i32
    return
  }
}

#map = affine_map<(d0, d1) -> (0, 0)>
#map1 = affine_map<(d0, d1) -> (0)>
module attributes {stable_mosaic.version = 14 : i64} {
  func.func @gather_k(%arg0: i32, %arg1: i32, %arg2: memref<65536x128xf32, #tpu.memory_space<hbm>>, %arg3: memref<65536xi32, #tpu.memory_space<hbm>>, %arg4: memref<65536x128xf32, #tpu.memory_space<hbm>>, %arg5: memref<128xi32, #tpu.memory_space<vmem>>, %arg6: memref<128x128xf32, #tpu.memory_space<vmem>>, %arg7: memref<!tpu.dma_semaphore, #tpu.memory_space<semaphore_mem>>) attributes {dimension_semantics = [#tpu.dimension_semantics<core_parallel>, #tpu.dimension_semantics<subcore_parallel>], iteration_bounds = array<i64: 2, 16>, scalar_prefetch = 0 : i64, scratch_operands = 3 : i64, tpu.core_type = #tpu.core_type<sc_vector_subcore>, window_params = [{transform_indices = #map}, {transform_indices = #map1}, {transform_indices = #map}]} {
    %mul3A = arith.constant 2 : i32
    %mul3A_0 = arith.muli %arg1, %mul3A : i32
    %add3A = arith.addi %mul3A_0, %arg0 : i32
    %mul3A_1 = arith.constant 2048 : i32
    %mul3A_2 = arith.muli %add3A, %mul3A_1 : i32
    %scan3A = arith.constant 0 : i32
    %scan3A_3 = arith.constant 0 : i32
    %scan3A_4 = arith.constant 16 : i32
    %scan3A_5 = arith.addi %scan3A_3, %scan3A_4 : i32
    %scan3A_6 = arith.constant 1 : i32
    %scan3A_7 = scf.for %scan3A_9 = %scan3A_3 to %scan3A_5 step %scan3A_6 iter_args(%scan3A_10 = %scan3A) -> (i32)  : i32 {
      %mul3A_11 = arith.constant 128 : i32
      %mul3A_12 = arith.muli %scan3A_9, %mul3A_11 : i32
      %add3A_13 = arith.addi %mul3A_2, %mul3A_12 : i32
      "tpu.region"() ({
        %run_scoped3A = tpu.sem_alloc : memref<!tpu.dma_semaphore, #tpu.memory_space<semaphore_mem>>
        %dma_start3A_19 = tpu.memref_slice %arg3[%add3A_13] : memref<65536xi32, #tpu.memory_space<hbm>> -> memref<128xi32, #tpu.memory_space<hbm>>
        %dma_start3A_20 = tpu.memref_slice %arg3[%add3A_13] : memref<65536xi32, #tpu.memory_space<hbm>> -> memref<128xi32, #tpu.memory_space<hbm>>
        tpu.enqueue_dma source(%dma_start3A_20 : memref<128xi32, #tpu.memory_space<hbm>>) target(%arg5 : memref<128xi32, #tpu.memory_space<vmem>>) target_semaphore(%run_scoped3A : memref<!tpu.dma_semaphore, #tpu.memory_space<semaphore_mem>>)
        %dma_wait3A_21 = tpu.memref_slice %arg3[%add3A_13] : memref<65536xi32, #tpu.memory_space<hbm>> -> memref<128xi32, #tpu.memory_space<hbm>>
        %dma_wait3A_22 = tpu.memref_slice %arg3[%add3A_13] : memref<65536xi32, #tpu.memory_space<hbm>> -> memref<128xi32, #tpu.memory_space<hbm>>
        tpu.wait_dma2 semaphore(%run_scoped3A : memref<!tpu.dma_semaphore, #tpu.memory_space<semaphore_mem>>) src(%dma_wait3A_22 : memref<128xi32, #tpu.memory_space<hbm>>) dst(%arg5 : memref<128xi32, #tpu.memory_space<vmem>>)
        tpu.yield
      }) : () -> ()
      %dma_start3A = arith.constant 0 : i32
      %dma_start3A_14 = arith.constant 0 : i32
      %dma_start3A_15 = tpu.memref_slice %arg2[%dma_start3A, %dma_start3A_14] : memref<65536x128xf32, #tpu.memory_space<hbm>> -> memref<65536x128xf32, #tpu.memory_space<hbm>>
      tpu.enqueue_indirect_dma source(%dma_start3A_15 : memref<65536x128xf32, #tpu.memory_space<hbm>>) target(%arg6 : memref<128x128xf32, #tpu.memory_space<vmem>>) offsets(%arg5 : memref<128xi32, #tpu.memory_space<vmem>>) semaphore(%arg7 : memref<!tpu.dma_semaphore, #tpu.memory_space<semaphore_mem>>)
      %dma_wait3A = arith.constant 0 : i32
      %dma_wait3A_16 = arith.constant 0 : i32
      %dma_wait3A_17 = tpu.memref_slice %arg2[%dma_wait3A, %dma_wait3A_16] : memref<65536x128xf32, #tpu.memory_space<hbm>> -> memref<65536x128xf32, #tpu.memory_space<hbm>>
      tpu.wait_indirect_dma semaphore(%arg7 : memref<!tpu.dma_semaphore, #tpu.memory_space<semaphore_mem>>) src(%dma_wait3A_17 : memref<65536x128xf32, #tpu.memory_space<hbm>>) dst(%arg6 : memref<128x128xf32, #tpu.memory_space<vmem>>)
      "tpu.region"() ({
        %run_scoped3A = tpu.sem_alloc : memref<!tpu.dma_semaphore, #tpu.memory_space<semaphore_mem>>
        %dma_start3A_19 = arith.constant 0 : i32
        %dma_start3A_20 = tpu.memref_slice %arg4[%add3A_13, %dma_start3A_19] : memref<65536x128xf32, #tpu.memory_space<hbm>> -> memref<128x128xf32, #tpu.memory_space<hbm>>
        %dma_start3A_21 = arith.constant 0 : i32
        %dma_start3A_22 = tpu.memref_slice %arg4[%add3A_13, %dma_start3A_21] : memref<65536x128xf32, #tpu.memory_space<hbm>> -> memref<128x128xf32, #tpu.memory_space<hbm>>
        tpu.enqueue_dma source(%arg6 : memref<128x128xf32, #tpu.memory_space<vmem>>) target(%dma_start3A_22 : memref<128x128xf32, #tpu.memory_space<hbm>>) target_semaphore(%run_scoped3A : memref<!tpu.dma_semaphore, #tpu.memory_space<semaphore_mem>>)
        %dma_wait3A_23 = arith.constant 0 : i32
        %dma_wait3A_24 = tpu.memref_slice %arg4[%add3A_13, %dma_wait3A_23] : memref<65536x128xf32, #tpu.memory_space<hbm>> -> memref<128x128xf32, #tpu.memory_space<hbm>>
        %dma_wait3A_25 = arith.constant 0 : i32
        %dma_wait3A_26 = tpu.memref_slice %arg4[%add3A_13, %dma_wait3A_25] : memref<65536x128xf32, #tpu.memory_space<hbm>> -> memref<128x128xf32, #tpu.memory_space<hbm>>
        tpu.wait_dma2 semaphore(%run_scoped3A : memref<!tpu.dma_semaphore, #tpu.memory_space<semaphore_mem>>) src(%arg6 : memref<128x128xf32, #tpu.memory_space<vmem>>) dst(%dma_wait3A_26 : memref<128x128xf32, #tpu.memory_space<hbm>>)
        tpu.yield
      }) : () -> ()
      %scan3A_18 = arith.constant 0 : i32
      scf.yield %scan3A_18 : i32
    }
    %scan3A_8 = arith.constant 16 : i32
    return
  }
}

#map = affine_map<(d0, d1) -> (0, 0)>
#map1 = affine_map<(d0, d1) -> (0)>
module attributes {stable_mosaic.version = 14 : i64} {
  func.func @gather_k(%arg0: i32, %arg1: i32, %arg2: memref<65536x128xf32, #tpu.memory_space<hbm>>, %arg3: memref<65536xi32, #tpu.memory_space<hbm>>, %arg4: memref<65536x128xf32, #tpu.memory_space<hbm>>, %arg5: memref<128xi32, #tpu.memory_space<vmem>>, %arg6: memref<128x128xf32, #tpu.memory_space<vmem>>, %arg7: memref<!tpu.dma_semaphore, #tpu.memory_space<semaphore_mem>>) attributes {dimension_semantics = [#tpu.dimension_semantics<core_parallel>, #tpu.dimension_semantics<subcore_parallel>], iteration_bounds = array<i64: 2, 16>, scalar_prefetch = 0 : i64, scratch_operands = 3 : i64, tpu.core_type = #tpu.core_type<sc_vector_subcore>, window_params = [{transform_indices = #map}, {transform_indices = #map1}, {transform_indices = #map}]} {
    %mul3A = arith.constant 2 : i32
    %mul3A_0 = arith.muli %arg1, %mul3A : i32
    %add3A = arith.addi %mul3A_0, %arg0 : i32
    %mul3A_1 = arith.constant 2048 : i32
    %mul3A_2 = arith.muli %add3A, %mul3A_1 : i32
    %scan3A = arith.constant 0 : i32
    %scan3A_3 = arith.constant 0 : i32
    %scan3A_4 = arith.constant 16 : i32
    %scan3A_5 = arith.addi %scan3A_3, %scan3A_4 : i32
    %scan3A_6 = arith.constant 1 : i32
    %scan3A_7 = scf.for %scan3A_9 = %scan3A_3 to %scan3A_5 step %scan3A_6 iter_args(%scan3A_10 = %scan3A) -> (i32)  : i32 {
      %mul3A_11 = arith.constant 128 : i32
      %mul3A_12 = arith.muli %scan3A_9, %mul3A_11 : i32
      %add3A_13 = arith.addi %mul3A_2, %mul3A_12 : i32
      "tpu.region"() ({
        %run_scoped3A = tpu.sem_alloc : memref<!tpu.dma_semaphore, #tpu.memory_space<semaphore_mem>>
        %dma_start3A_19 = tpu.memref_slice %arg3[%add3A_13] : memref<65536xi32, #tpu.memory_space<hbm>> -> memref<128xi32, #tpu.memory_space<hbm>>
        %dma_start3A_20 = tpu.memref_slice %arg3[%add3A_13] : memref<65536xi32, #tpu.memory_space<hbm>> -> memref<128xi32, #tpu.memory_space<hbm>>
        tpu.enqueue_dma source(%dma_start3A_20 : memref<128xi32, #tpu.memory_space<hbm>>) target(%arg5 : memref<128xi32, #tpu.memory_space<vmem>>) target_semaphore(%run_scoped3A : memref<!tpu.dma_semaphore, #tpu.memory_space<semaphore_mem>>)
        %dma_wait3A_21 = tpu.memref_slice %arg3[%add3A_13] : memref<65536xi32, #tpu.memory_space<hbm>> -> memref<128xi32, #tpu.memory_space<hbm>>
        %dma_wait3A_22 = tpu.memref_slice %arg3[%add3A_13] : memref<65536xi32, #tpu.memory_space<hbm>> -> memref<128xi32, #tpu.memory_space<hbm>>
        tpu.wait_dma2 semaphore(%run_scoped3A : memref<!tpu.dma_semaphore, #tpu.memory_space<semaphore_mem>>) src(%dma_wait3A_22 : memref<128xi32, #tpu.memory_space<hbm>>) dst(%arg5 : memref<128xi32, #tpu.memory_space<vmem>>)
        tpu.yield
      }) : () -> ()
      %dma_start3A = arith.constant 0 : i32
      %dma_start3A_14 = arith.constant 0 : i32
      %dma_start3A_15 = tpu.memref_slice %arg2[%dma_start3A, %dma_start3A_14] : memref<65536x128xf32, #tpu.memory_space<hbm>> -> memref<65536x128xf32, #tpu.memory_space<hbm>>
      tpu.enqueue_indirect_dma source(%dma_start3A_15 : memref<65536x128xf32, #tpu.memory_space<hbm>>) target(%arg6 : memref<128x128xf32, #tpu.memory_space<vmem>>) offsets(%arg5 : memref<128xi32, #tpu.memory_space<vmem>>) semaphore(%arg7 : memref<!tpu.dma_semaphore, #tpu.memory_space<semaphore_mem>>)
      %dma_wait3A = arith.constant 0 : i32
      %dma_wait3A_16 = arith.constant 0 : i32
      %dma_wait3A_17 = tpu.memref_slice %arg2[%dma_wait3A, %dma_wait3A_16] : memref<65536x128xf32, #tpu.memory_space<hbm>> -> memref<65536x128xf32, #tpu.memory_space<hbm>>
      tpu.wait_indirect_dma semaphore(%arg7 : memref<!tpu.dma_semaphore, #tpu.memory_space<semaphore_mem>>) src(%dma_wait3A_17 : memref<65536x128xf32, #tpu.memory_space<hbm>>) dst(%arg6 : memref<128x128xf32, #tpu.memory_space<vmem>>)
      "tpu.region"() ({
        %run_scoped3A = tpu.sem_alloc : memref<!tpu.dma_semaphore, #tpu.memory_space<semaphore_mem>>
        %dma_start3A_19 = arith.constant 0 : i32
        %dma_start3A_20 = tpu.memref_slice %arg4[%add3A_13, %dma_start3A_19] : memref<65536x128xf32, #tpu.memory_space<hbm>> -> memref<128x128xf32, #tpu.memory_space<hbm>>
        %dma_start3A_21 = arith.constant 0 : i32
        %dma_start3A_22 = tpu.memref_slice %arg4[%add3A_13, %dma_start3A_21] : memref<65536x128xf32, #tpu.memory_space<hbm>> -> memref<128x128xf32, #tpu.memory_space<hbm>>
        tpu.enqueue_dma source(%arg6 : memref<128x128xf32, #tpu.memory_space<vmem>>) target(%dma_start3A_22 : memref<128x128xf32, #tpu.memory_space<hbm>>) target_semaphore(%run_scoped3A : memref<!tpu.dma_semaphore, #tpu.memory_space<semaphore_mem>>)
        %dma_wait3A_23 = arith.constant 0 : i32
        %dma_wait3A_24 = tpu.memref_slice %arg4[%add3A_13, %dma_wait3A_23] : memref<65536x128xf32, #tpu.memory_space<hbm>> -> memref<128x128xf32, #tpu.memory_space<hbm>>
        %dma_wait3A_25 = arith.constant 0 : i32
        %dma_wait3A_26 = tpu.memref_slice %arg4[%add3A_13, %dma_wait3A_25] : memref<65536x128xf32, #tpu.memory_space<hbm>> -> memref<128x128xf32, #tpu.memory_space<hbm>>
        tpu.wait_dma2 semaphore(%run_scoped3A : memref<!tpu.dma_semaphore, #tpu.memory_space<semaphore_mem>>) src(%arg6 : memref<128x128xf32, #tpu.memory_space<vmem>>) dst(%dma_wait3A_26 : memref<128x128xf32, #tpu.memory_space<hbm>>)
        tpu.yield
      }) : () -> ()
      %scan3A_18 = arith.constant 0 : i32
      scf.yield %scan3A_18 : i32
    }
    %scan3A_8 = arith.constant 16 : i32
    return
  }
}

module attributes {stable_mosaic.version = 14 : i64} {
  func.func @_knn_body(%arg0: i32, %arg1: i32, %arg2: memref<1x128x3xf32, #tpu.memory_space<vmem>>, %arg3: memref<1x3x8192xf32, #tpu.memory_space<vmem>>, %arg4: memref<1x128x32xi32, #tpu.memory_space<vmem>>, %arg5: memref<128x8192xf32, #tpu.memory_space<vmem>>) attributes {dimension_semantics = [#tpu.dimension_semantics<arbitrary>, #tpu.dimension_semantics<arbitrary>], iteration_bounds = array<i64: 1, 16>, scalar_prefetch = 0 : i64, scratch_operands = 1 : i64, tpu.core_type = #tpu.core_type<tc>, window_params = [{transform_indices = @transform_0, window_bounds = array<i64: 1, 128, 3>}, {transform_indices = @transform_1, window_bounds = array<i64: 1, 3, 8192>}, {transform_indices = @transform_2, window_bounds = array<i64: 1, 128, 32>}]} {
    %get3A = arith.constant 0 : index
    %get3A_0 = arith.constant 0 : index
    %get3A_1 = arith.constant 0 : index
    %get3A_2 = vector.load %arg2[%get3A, %get3A_0, %get3A_1] : memref<1x128x3xf32, #tpu.memory_space<vmem>>, vector<1x128x3xf32>
    %get3A_3 = vector.shape_cast %get3A_2 : vector<1x128x3xf32> to vector<128x3xf32>
    %get3A_4 = arith.constant 0 : index
    %get3A_5 = arith.constant 0 : index
    %get3A_6 = arith.constant 0 : index
    %get3A_7 = vector.load %arg3[%get3A_4, %get3A_5, %get3A_6] : memref<1x3x8192xf32, #tpu.memory_space<vmem>>, vector<1x3x8192xf32>
    %get3A_8 = vector.shape_cast %get3A_7 : vector<1x3x8192xf32> to vector<3x8192xf32>
    %slice3A = vector.extract_strided_slice %get3A_3 {offsets = [0, 0], sizes = [128, 1], strides = [1, 1]} : vector<128x3xf32> to vector<128x1xf32>
    %slice3A_9 = vector.extract_strided_slice %get3A_3 {offsets = [0, 1], sizes = [128, 1], strides = [1, 1]} : vector<128x3xf32> to vector<128x1xf32>
    %slice3A_10 = vector.extract_strided_slice %get3A_3 {offsets = [0, 2], sizes = [128, 1], strides = [1, 1]} : vector<128x3xf32> to vector<128x1xf32>
    %slice3A_11 = vector.extract_strided_slice %get3A_8 {offsets = [0, 0], sizes = [1, 8192], strides = [1, 1]} : vector<3x8192xf32> to vector<1x8192xf32>
    %slice3A_12 = vector.extract_strided_slice %get3A_8 {offsets = [1, 0], sizes = [1, 8192], strides = [1, 1]} : vector<3x8192xf32> to vector<1x8192xf32>
    %slice3A_13 = vector.extract_strided_slice %get3A_8 {offsets = [2, 0], sizes = [1, 8192], strides = [1, 1]} : vector<3x8192xf32> to vector<1x8192xf32>
    %mul3A = arith.mulf %slice3A, %slice3A : vector<128x1xf32>
    %mul3A_14 = arith.mulf %slice3A_9, %slice3A_9 : vector<128x1xf32>
    %add3A = arith.addf %mul3A, %mul3A_14 : vector<128x1xf32>
    %mul3A_15 = arith.mulf %slice3A_10, %slice3A_10 : vector<128x1xf32>
    %add3A_16 = arith.addf %add3A, %mul3A_15 : vector<128x1xf32>
    %mul3A_17 = arith.mulf %slice3A_11, %slice3A_11 : vector<1x8192xf32>
    %mul3A_18 = arith.mulf %slice3A_12, %slice3A_12 : vector<1x8192xf32>
    %add3A_19 = arith.addf %mul3A_17, %mul3A_18 : vector<1x8192xf32>
    %mul3A_20 = arith.mulf %slice3A_13, %slice3A_13 : vector<1x8192xf32>
    %add3A_21 = arith.addf %add3A_19, %mul3A_20 : vector<1x8192xf32>
    %convert_element_type3A = arith.truncf %get3A_3 : vector<128x3xf32> to vector<128x3xbf16>
    %convert_element_type3A_22 = arith.truncf %get3A_8 : vector<3x8192xf32> to vector<3x8192xbf16>
    %dot_general3A = arith.constant dense<0.000000e+00> : vector<128x8192xf32>
    %dot_general3A_23 = tpu.matmul %convert_element_type3A, %convert_element_type3A_22, %dot_general3A {dimension_numbers = #tpu.dot_dimension_numbers<[1], [0], [0], [1], [0, 0, 1, 1], [], []>, transpose_lhs_hint = false} : vector<128x3xbf16>, vector<3x8192xbf16>, vector<128x8192xf32> -> vector<128x8192xf32>
    %add3A_24 = vector.broadcast %add3A_16 : vector<128x1xf32> to vector<128x8192xf32>
    %add3A_25 = vector.broadcast %add3A_21 : vector<1x8192xf32> to vector<128x8192xf32>
    %add3A_26 = arith.addf %add3A_24, %add3A_25 : vector<128x8192xf32>
    %mul3A_27 = arith.constant 2.000000e+00 : f32
    %mul3A_28 = vector.broadcast %mul3A_27 : f32 to vector<128x8192xf32>
    %mul3A_29 = arith.mulf %mul3A_28, %dot_general3A_23 : vector<128x8192xf32>
    %sub3A = arith.subf %add3A_26, %mul3A_29 : vector<128x8192xf32>
    %swap3A = arith.constant 0 : index
    %swap3A_30 = arith.constant 0 : index
    %swap3A_31 = vector.load %arg5[%swap3A, %swap3A_30] : memref<128x8192xf32, #tpu.memory_space<vmem>>, vector<128x8192xf32>
    tpu.vector_store %arg5[%swap3A, %swap3A_30], %sub3A {strides = array<i32>} : memref<128x8192xf32, #tpu.memory_space<vmem>>, vector<128x8192xf32>,
    %iota3A = tpu.iota {dimensions = array<i32: 1>} : vector<1x128xi32>
    %iota3A_32 = tpu.iota {dimensions = array<i32: 1>} : vector<1x32xi32>
    %broadcast_in_dim3A = arith.constant 0 : i32
    %broadcast_in_dim3A_33 = vector.broadcast %broadcast_in_dim3A : i32 to vector<128x32xi32>
    %broadcast_in_dim3A_34 = arith.constant -1 : i32
    %broadcast_in_dim3A_35 = vector.broadcast %broadcast_in_dim3A_34 : i32 to vector<128x1xi32>
    %scan3A = arith.constant 0x7F800000 : f32
    %scan3A_36 = arith.constant 8192 : i32
    %scan3A_37 = arith.constant 0 : i32
    %scan3A_38 = arith.constant 32 : i32
    %scan3A_39 = arith.addi %scan3A_37, %scan3A_38 : i32
    %scan3A_40 = arith.constant 1 : i32
    %scan3A_41:2 = scf.for %scan3A_53 = %scan3A_37 to %scan3A_39 step %scan3A_40 iter_args(%scan3A_54 = %broadcast_in_dim3A_35, %scan3A_55 = %broadcast_in_dim3A_33) -> (vector<128x1xi32>, vector<128x32xi32>)  : i32 {
      %broadcast_in_dim3A_56 = vector.broadcast %scan3A : f32 to vector<128x128xf32>
      %broadcast_in_dim3A_57 = arith.constant 0 : i32
      %broadcast_in_dim3A_58 = vector.broadcast %broadcast_in_dim3A_57 : i32 to vector<128x128xi32>
      %get3A_59 = arith.constant 0 : index
      %get3A_60 = arith.constant 0 : index
      %get3A_61 = vector.load %arg5[%get3A_59, %get3A_60] : memref<128x8192xf32, #tpu.memory_space<vmem>>, vector<128x128xf32>
      %sub3A_62 = arith.constant 0 : i32
      %sub3A_63 = vector.broadcast %sub3A_62 : i32 to vector<128x1xi32>
      %sub3A_64 = arith.subi %scan3A_54, %sub3A_63 : vector<128x1xi32>
      %eq3A = vector.broadcast %iota3A : vector<1x128xi32> to vector<128x128xi32>
      %eq3A_65 = vector.broadcast %sub3A_64 : vector<128x1xi32> to vector<128x128xi32>
      %eq3A_66 = arith.cmpi eq, %eq3A, %eq3A_65 : vector<128x128xi32>
      %broadcast_in_dim3A_67 = vector.broadcast %scan3A : f32 to vector<128x128xf32>
      %select_n3A = arith.select %eq3A_66, %broadcast_in_dim3A_67, %get3A_61 : vector<128x128xi1>, vector<128x128xf32>
      %swap3A_68 = arith.constant 0 : index
      %swap3A_69 = arith.constant 0 : index
      %swap3A_70 = vector.load %arg5[%swap3A_68, %swap3A_69] : memref<128x8192xf32, #tpu.memory_space<vmem>>, vector<128x128xf32>
      tpu.vector_store %arg5[%swap3A_68, %swap3A_69], %select_n3A {strides = array<i32>} : memref<128x8192xf32, #tpu.memory_space<vmem>>, vector<128x128xf32>,
      %lt3A = arith.cmpf olt, %select_n3A, %broadcast_in_dim3A_56 : vector<128x128xf32>
      %select_n3A_71 = arith.select %lt3A, %select_n3A, %broadcast_in_dim3A_56 : vector<128x128xi1>, vector<128x128xf32>
      %jit3A = arith.constant 0 : i32
      %broadcast_in_dim3A_72 = vector.broadcast %jit3A : i32 to vector<128x128xi32>
      %select_n3A_73 = arith.select %lt3A, %broadcast_in_dim3A_72, %broadcast_in_dim3A_58 : vector<128x128xi1>, vector<128x128xi32>
      %get3A_74 = arith.constant 0 : index
      %get3A_75 = arith.constant 128 : index
      %get3A_76 = vector.load %arg5[%get3A_74, %get3A_75] : memref<128x8192xf32, #tpu.memory_space<vmem>>, vector<128x128xf32>
      %sub3A_77 = arith.constant 128 : i32
      %sub3A_78 = vector.broadcast %sub3A_77 : i32 to vector<128x1xi32>
      %sub3A_79 = arith.subi %scan3A_54, %sub3A_78 : vector<128x1xi32>
      %eq3A_80 = vector.broadcast %iota3A : vector<1x128xi32> to vector<128x128xi32>
      %eq3A_81 = vector.broadcast %sub3A_79 : vector<128x1xi32> to vector<128x128xi32>
      %eq3A_82 = arith.cmpi eq, %eq3A_80, %eq3A_81 : vector<128x128xi32>
      %broadcast_in_dim3A_83 = vector.broadcast %scan3A : f32 to vector<128x128xf32>
      %select_n3A_84 = arith.select %eq3A_82, %broadcast_in_dim3A_83, %get3A_76 : vector<128x128xi1>, vector<128x128xf32>
      %swap3A_85 = arith.constant 0 : index
      %swap3A_86 = arith.constant 128 : index
      %swap3A_87 = vector.load %arg5[%swap3A_85, %swap3A_86] : memref<128x8192xf32, #tpu.memory_space<vmem>>, vector<128x128xf32>
      tpu.vector_store %arg5[%swap3A_85, %swap3A_86], %select_n3A_84 {strides = array<i32>} : memref<128x8192xf32, #tpu.memory_space<vmem>>, vector<128x128xf32>,
      %lt3A_88 = arith.cmpf olt, %select_n3A_84, %select_n3A_71 : vector<128x128xf32>
      %select_n3A_89 = arith.select %lt3A_88, %select_n3A_84, %select_n3A_71 : vector<128x128xi1>, vector<128x128xf32>
      %jit3A_90 = arith.constant 1 : i32
      %broadcast_in_dim3A_91 = vector.broadcast %jit3A_90 : i32 to vector<128x128xi32>
      %select_n3A_92 = arith.select %lt3A_88, %broadcast_in_dim3A_91, %select_n3A_73 : vector<128x128xi1>, vector<128x128xi32>
      %get3A_93 = arith.constant 0 : index
      %get3A_94 = arith.constant 256 : index
      %get3A_95 = vector.load %arg5[%get3A_93, %get3A_94] : memref<128x8192xf32, #tpu.memory_space<vmem>>, vector<128x128xf32>
      %sub3A_96 = arith.constant 256 : i32
      %sub3A_97 = vector.broadcast %sub3A_96 : i32 to vector<128x1xi32>
      %sub3A_98 = arith.subi %scan3A_54, %sub3A_97 : vector<128x1xi32>
      %eq3A_99 = vector.broadcast %iota3A : vector<1x128xi32> to vector<128x128xi32>
      %eq3A_100 = vector.broadcast %sub3A_98 : vector<128x1xi32> to vector<128x128xi32>
      %eq3A_101 = arith.cmpi eq, %eq3A_99, %eq3A_100 : vector<128x128xi32>
      %broadcast_in_dim3A_102 = vector.broadcast %scan3A : f32 to vector<128x128xf32>
      %select_n3A_103 = arith.select %eq3A_101, %broadcast_in_dim3A_102, %get3A_95 : vector<128x128xi1>, vector<128x128xf32>
      %swap3A_104 = arith.constant 0 : index
      %swap3A_105 = arith.constant 256 : index
      %swap3A_106 = vector.load %arg5[%swap3A_104, %swap3A_105] : memref<128x8192xf32, #tpu.memory_space<vmem>>, vector<128x128xf32>
      tpu.vector_store %arg5[%swap3A_104, %swap3A_105], %select_n3A_103 {strides = array<i32>} : memref<128x8192xf32, #tpu.memory_space<vmem>>, vector<128x128xf32>,
      %lt3A_107 = arith.cmpf olt, %select_n3A_103, %select_n3A_89 : vector<128x128xf32>
      %select_n3A_108 = arith.select %lt3A_107, %select_n3A_103, %select_n3A_89 : vector<128x128xi1>, vector<128x128xf32>
      %jit3A_109 = arith.constant 2 : i32
      %broadcast_in_dim3A_110 = vector.broadcast %jit3A_109 : i32 to vector<128x128xi32>
      %select_n3A_111 = arith.select %lt3A_107, %broadcast_in_dim3A_110, %select_n3A_92 : vector<128x128xi1>, vector<128x128xi32>
      %get3A_112 = arith.constant 0 : index
      %get3A_113 = arith.constant 384 : index
      %get3A_114 = vector.load %arg5[%get3A_112, %get3A_113] : memref<128x8192xf32, #tpu.memory_space<vmem>>, vector<128x128xf32>
      %sub3A_115 = arith.constant 384 : i32
      %sub3A_116 = vector.broadcast %sub3A_115 : i32 to vector<128x1xi32>
      %sub3A_117 = arith.subi %scan3A_54, %sub3A_116 : vector<128x1xi32>
      %eq3A_118 = vector.broadcast %iota3A : vector<1x128xi32> to vector<128x128xi32>
      %eq3A_119 = vector.broadcast %sub3A_117 : vector<128x1xi32> to vector<128x128xi32>
      %eq3A_120 = arith.cmpi eq, %eq3A_118, %eq3A_119 : vector<128x128xi32>
      %broadcast_in_dim3A_121 = vector.broadcast %scan3A : f32 to vector<128x128xf32>
      %select_n3A_122 = arith.select %eq3A_120, %broadcast_in_dim3A_121, %get3A_114 : vector<128x128xi1>, vector<128x128xf32>
      %swap3A_123 = arith.constant 0 : index
      %swap3A_124 = arith.constant 384 : index
      %swap3A_125 = vector.load %arg5[%swap3A_123, %swap3A_124] : memref<128x8192xf32, #tpu.memory_space<vmem>>, vector<128x128xf32>
      tpu.vector_store %arg5[%swap3A_123, %swap3A_124], %select_n3A_122 {strides = array<i32>} : memref<128x8192xf32, #tpu.memory_space<vmem>>, vector<128x128xf32>,
      %lt3A_126 = arith.cmpf olt, %select_n3A_122, %select_n3A_108 : vector<128x128xf32>
      %select_n3A_127 = arith.select %lt3A_126, %select_n3A_122, %select_n3A_108 : vector<128x128xi1>, vector<128x128xf32>
      %jit3A_128 = arith.constant 3 : i32
      %broadcast_in_dim3A_129 = vector.broadcast %jit3A_128 : i32 to vector<128x128xi32>
      %select_n3A_130 = arith.select %lt3A_126, %broadcast_in_dim3A_129, %select_n3A_111 : vector<128x128xi1>, vector<128x128xi32>
      %get3A_131 = arith.constant 0 : index
      %get3A_132 = arith.constant 512 : index
      %get3A_133 = vector.load %arg5[%get3A_131, %get3A_132] : memref<128x8192xf32, #tpu.memory_space<vmem>>, vector<128x128xf32>
      %sub3A_134 = arith.constant 512 : i32
      %sub3A_135 = vector.broadcast %sub3A_134 : i32 to vector<128x1xi32>
      %sub3A_136 = arith.subi %scan3A_54, %sub3A_135 : vector<128x1xi32>
      %eq3A_137 = vector.broadcast %iota3A : vector<1x128xi32> to vector<128x128xi32>
      %eq3A_138 = vector.broadcast %sub3A_136 : vector<128x1xi32> to vector<128x128xi32>
      %eq3A_139 = arith.cmpi eq, %eq3A_137, %eq3A_138 : vector<128x128xi32>
      %broadcast_in_dim3A_140 = vector.broadcast %scan3A : f32 to vector<128x128xf32>
      %select_n3A_141 = arith.select %eq3A_139, %broadcast_in_dim3A_140, %get3A_133 : vector<128x128xi1>, vector<128x128xf32>
      %swap3A_142 = arith.constant 0 : index
      %swap3A_143 = arith.constant 512 : index
      %swap3A_144 = vector.load %arg5[%swap3A_142, %swap3A_143] : memref<128x8192xf32, #tpu.memory_space<vmem>>, vector<128x128xf32>
      tpu.vector_store %arg5[%swap3A_142, %swap3A_143], %select_n3A_141 {strides = array<i32>} : memref<128x8192xf32, #tpu.memory_space<vmem>>, vector<128x128xf32>,
      %lt3A_145 = arith.cmpf olt, %select_n3A_141, %select_n3A_127 : vector<128x128xf32>
      %select_n3A_146 = arith.select %lt3A_145, %select_n3A_141, %select_n3A_127 : vector<128x128xi1>, vector<128x128xf32>
      %jit3A_147 = arith.constant 4 : i32
      %broadcast_in_dim3A_148 = vector.broadcast %jit3A_147 : i32 to vector<128x128xi32>
      %select_n3A_149 = arith.select %lt3A_145, %broadcast_in_dim3A_148, %select_n3A_130 : vector<128x128xi1>, vector<128x128xi32>
      %get3A_150 = arith.constant 0 : index
      %get3A_151 = arith.constant 640 : index
      %get3A_152 = vector.load %arg5[%get3A_150, %get3A_151] : memref<128x8192xf32, #tpu.memory_space<vmem>>, vector<128x128xf32>
      %sub3A_153 = arith.constant 640 : i32
      %sub3A_154 = vector.broadcast %sub3A_153 : i32 to vector<128x1xi32>
      %sub3A_155 = arith.subi %scan3A_54, %sub3A_154 : vector<128x1xi32>
      %eq3A_156 = vector.broadcast %iota3A : vector<1x128xi32> to vector<128x128xi32>
      %eq3A_157 = vector.broadcast %sub3A_155 : vector<128x1xi32> to vector<128x128xi32>
      %eq3A_158 = arith.cmpi eq, %eq3A_156, %eq3A_157 : vector<128x128xi32>
      %broadcast_in_dim3A_159 = vector.broadcast %scan3A : f32 to vector<128x128xf32>
      %select_n3A_160 = arith.select %eq3A_158, %broadcast_in_dim3A_159, %get3A_152 : vector<128x128xi1>, vector<128x128xf32>
      %swap3A_161 = arith.constant 0 : index
      %swap3A_162 = arith.constant 640 : index
      %swap3A_163 = vector.load %arg5[%swap3A_161, %swap3A_162] : memref<128x8192xf32, #tpu.memory_space<vmem>>, vector<128x128xf32>
      tpu.vector_store %arg5[%swap3A_161, %swap3A_162], %select_n3A_160 {strides = array<i32>} : memref<128x8192xf32, #tpu.memory_space<vmem>>, vector<128x128xf32>,
      %lt3A_164 = arith.cmpf olt, %select_n3A_160, %select_n3A_146 : vector<128x128xf32>
      %select_n3A_165 = arith.select %lt3A_164, %select_n3A_160, %select_n3A_146 : vector<128x128xi1>, vector<128x128xf32>
      %jit3A_166 = arith.constant 5 : i32
      %broadcast_in_dim3A_167 = vector.broadcast %jit3A_166 : i32 to vector<128x128xi32>
      %select_n3A_168 = arith.select %lt3A_164, %broadcast_in_dim3A_167, %select_n3A_149 : vector<128x128xi1>, vector<128x128xi32>
      %get3A_169 = arith.constant 0 : index
      %get3A_170 = arith.constant 768 : index
      %get3A_171 = vector.load %arg5[%get3A_169, %get3A_170] : memref<128x8192xf32, #tpu.memory_space<vmem>>, vector<128x128xf32>
      %sub3A_172 = arith.constant 768 : i32
      %sub3A_173 = vector.broadcast %sub3A_172 : i32 to vector<128x1xi32>
      %sub3A_174 = arith.subi %scan3A_54, %sub3A_173 : vector<128x1xi32>
      %eq3A_175 = vector.broadcast %iota3A : vector<1x128xi32> to vector<128x128xi32>
      %eq3A_176 = vector.broadcast %sub3A_174 : vector<128x1xi32> to vector<128x128xi32>
      %eq3A_177 = arith.cmpi eq, %eq3A_175, %eq3A_176 : vector<128x128xi32>
      %broadcast_in_dim3A_178 = vector.broadcast %scan3A : f32 to vector<128x128xf32>
      %select_n3A_179 = arith.select %eq3A_177, %broadcast_in_dim3A_178, %get3A_171 : vector<128x128xi1>, vector<128x128xf32>
      %swap3A_180 = arith.constant 0 : index
      %swap3A_181 = arith.constant 768 : index
      %swap3A_182 = vector.load %arg5[%swap3A_180, %swap3A_181] : memref<128x8192xf32, #tpu.memory_space<vmem>>, vector<128x128xf32>
      tpu.vector_store %arg5[%swap3A_180, %swap3A_181], %select_n3A_179 {strides = array<i32>} : memref<128x8192xf32, #tpu.memory_space<vmem>>, vector<128x128xf32>,
      %lt3A_183 = arith.cmpf olt, %select_n3A_179, %select_n3A_165 : vector<128x128xf32>
      %select_n3A_184 = arith.select %lt3A_183, %select_n3A_179, %select_n3A_165 : vector<128x128xi1>, vector<128x128xf32>
      %jit3A_185 = arith.constant 6 : i32
      %broadcast_in_dim3A_186 = vector.broadcast %jit3A_185 : i32 to vector<128x128xi32>
      %select_n3A_187 = arith.select %lt3A_183, %broadcast_in_dim3A_186, %select_n3A_168 : vector<128x128xi1>, vector<128x128xi32>
      %get3A_188 = arith.constant 0 : index
      %get3A_189 = arith.constant 896 : index
      %get3A_190 = vector.load %arg5[%get3A_188, %get3A_189] : memref<128x8192xf32, #tpu.memory_space<vmem>>, vector<128x128xf32>
      %sub3A_191 = arith.constant 896 : i32
      %sub3A_192 = vector.broadcast %sub3A_191 : i32 to vector<128x1xi32>
      %sub3A_193 = arith.subi %scan3A_54, %sub3A_192 : vector<128x1xi32>
      %eq3A_194 = vector.broadcast %iota3A : vector<1x128xi32> to vector<128x128xi32>
      %eq3A_195 = vector.broadcast %sub3A_193 : vector<128x1xi32> to vector<128x128xi32>
      %eq3A_196 = arith.cmpi eq, %eq3A_194, %eq3A_195 : vector<128x128xi32>
      %broadcast_in_dim3A_197 = vector.broadcast %scan3A : f32 to vector<128x128xf32>
      %select_n3A_198 = arith.select %eq3A_196, %broadcast_in_dim3A_197, %get3A_190 : vector<128x128xi1>, vector<128x128xf32>
      %swap3A_199 = arith.constant 0 : index
      %swap3A_200 = arith.constant 896 : index
      %swap3A_201 = vector.load %arg5[%swap3A_199, %swap3A_200] : memref<128x8192xf32, #tpu.memory_space<vmem>>, vector<128x128xf32>
      tpu.vector_store %arg5[%swap3A_199, %swap3A_200], %select_n3A_198 {strides = array<i32>} : memref<128x8192xf32, #tpu.memory_space<vmem>>, vector<128x128xf32>,
      %lt3A_202 = arith.cmpf olt, %select_n3A_198, %select_n3A_184 : vector<128x128xf32>
      %select_n3A_203 = arith.select %lt3A_202, %select_n3A_198, %select_n3A_184 : vector<128x128xi1>, vector<128x128xf32>
      %jit3A_204 = arith.constant 7 : i32
      %broadcast_in_dim3A_205 = vector.broadcast %jit3A_204 : i32 to vector<128x128xi32>
      %select_n3A_206 = arith.select %lt3A_202, %broadcast_in_dim3A_205, %select_n3A_187 : vector<128x128xi1>, vector<128x128xi32>
      %get3A_207 = arith.constant 0 : index
      %get3A_208 = arith.constant 1024 : index
      %get3A_209 = vector.load %arg5[%get3A_207, %get3A_208] : memref<128x8192xf32, #tpu.memory_space<vmem>>, vector<128x128xf32>
      %sub3A_210 = arith.constant 1024 : i32
      %sub3A_211 = vector.broadcast %sub3A_210 : i32 to vector<128x1xi32>
      %sub3A_212 = arith.subi %scan3A_54, %sub3A_211 : vector<128x1xi32>
      %eq3A_213 = vector.broadcast %iota3A : vector<1x128xi32> to vector<128x128xi32>
      %eq3A_214 = vector.broadcast %sub3A_212 : vector<128x1xi32> to vector<128x128xi32>
      %eq3A_215 = arith.cmpi eq, %eq3A_213, %eq3A_214 : vector<128x128xi32>
      %broadcast_in_dim3A_216 = vector.broadcast %scan3A : f32 to vector<128x128xf32>
      %select_n3A_217 = arith.select %eq3A_215, %broadcast_in_dim3A_216, %get3A_209 : vector<128x128xi1>, vector<128x128xf32>
      %swap3A_218 = arith.constant 0 : index
      %swap3A_219 = arith.constant 1024 : index
      %swap3A_220 = vector.load %arg5[%swap3A_218, %swap3A_219] : memref<128x8192xf32, #tpu.memory_space<vmem>>, vector<128x128xf32>
      tpu.vector_store %arg5[%swap3A_218, %swap3A_219], %select_n3A_217 {strides = array<i32>} : memref<128x8192xf32, #tpu.memory_space<vmem>>, vector<128x128xf32>,
      %lt3A_221 = arith.cmpf olt, %select_n3A_217, %select_n3A_203 : vector<128x128xf32>
      %select_n3A_222 = arith.select %lt3A_221, %select_n3A_217, %select_n3A_203 : vector<128x128xi1>, vector<128x128xf32>
      %jit3A_223 = arith.constant 8 : i32
      %broadcast_in_dim3A_224 = vector.broadcast %jit3A_223 : i32 to vector<128x128xi32>
      %select_n3A_225 = arith.select %lt3A_221, %broadcast_in_dim3A_224, %select_n3A_206 : vector<128x128xi1>, vector<128x128xi32>
      %get3A_226 = arith.constant 0 : index
      %get3A_227 = arith.constant 1152 : index
      %get3A_228 = vector.load %arg5[%get3A_226, %get3A_227] : memref<128x8192xf32, #tpu.memory_space<vmem>>, vector<128x128xf32>
      %sub3A_229 = arith.constant 1152 : i32
      %sub3A_230 = vector.broadcast %sub3A_229 : i32 to vector<128x1xi32>
      %sub3A_231 = arith.subi %scan3A_54, %sub3A_230 : vector<128x1xi32>
      %eq3A_232 = vector.broadcast %iota3A : vector<1x128xi32> to vector<128x128xi32>
      %eq3A_233 = vector.broadcast %sub3A_231 : vector<128x1xi32> to vector<128x128xi32>
      %eq3A_234 = arith.cmpi eq, %eq3A_232, %eq3A_233 : vector<128x128xi32>
      %broadcast_in_dim3A_235 = vector.broadcast %scan3A : f32 to vector<128x128xf32>
      %select_n3A_236 = arith.select %eq3A_234, %broadcast_in_dim3A_235, %get3A_228 : vector<128x128xi1>, vector<128x128xf32>
      %swap3A_237 = arith.constant 0 : index
      %swap3A_238 = arith.constant 1152 : index
      %swap3A_239 = vector.load %arg5[%swap3A_237, %swap3A_238] : memref<128x8192xf32, #tpu.memory_space<vmem>>, vector<128x128xf32>
      tpu.vector_store %arg5[%swap3A_237, %swap3A_238], %select_n3A_236 {strides = array<i32>} : memref<128x8192xf32, #tpu.memory_space<vmem>>, vector<128x128xf32>,
      %lt3A_240 = arith.cmpf olt, %select_n3A_236, %select_n3A_222 : vector<128x128xf32>
      %select_n3A_241 = arith.select %lt3A_240, %select_n3A_236, %select_n3A_222 : vector<128x128xi1>, vector<128x128xf32>
      %jit3A_242 = arith.constant 9 : i32
      %broadcast_in_dim3A_243 = vector.broadcast %jit3A_242 : i32 to vector<128x128xi32>
      %select_n3A_244 = arith.select %lt3A_240, %broadcast_in_dim3A_243, %select_n3A_225 : vector<128x128xi1>, vector<128x128xi32>
      %get3A_245 = arith.constant 0 : index
      %get3A_246 = arith.constant 1280 : index
      %get3A_247 = vector.load %arg5[%get3A_245, %get3A_246] : memref<128x8192xf32, #tpu.memory_space<vmem>>, vector<128x128xf32>
      %sub3A_248 = arith.constant 1280 : i32
      %sub3A_249 = vector.broadcast %sub3A_248 : i32 to vector<128x1xi32>
      %sub3A_250 = arith.subi %scan3A_54, %sub3A_249 : vector<128x1xi32>
      %eq3A_251 = vector.broadcast %iota3A : vector<1x128xi32> to vector<128x128xi32>
      %eq3A_252 = vector.broadcast %sub3A_250 : vector<128x1xi32> to vector<128x128xi32>
      %eq3A_253 = arith.cmpi eq, %eq3A_251, %eq3A_252 : vector<128x128xi32>
      %broadcast_in_dim3A_254 = vector.broadcast %scan3A : f32 to vector<128x128xf32>
      %select_n3A_255 = arith.select %eq3A_253, %broadcast_in_dim3A_254, %get3A_247 : vector<128x128xi1>, vector<128x128xf32>
      %swap3A_256 = arith.constant 0 : index
      %swap3A_257 = arith.constant 1280 : index
      %swap3A_258 = vector.load %arg5[%swap3A_256, %swap3A_257] : memref<128x8192xf32, #tpu.memory_space<vmem>>, vector<128x128xf32>
      tpu.vector_store %arg5[%swap3A_256, %swap3A_257], %select_n3A_255 {strides = array<i32>} : memref<128x8192xf32, #tpu.memory_space<vmem>>, vector<128x128xf32>,
      %lt3A_259 = arith.cmpf olt, %select_n3A_255, %select_n3A_241 : vector<128x128xf32>
      %select_n3A_260 = arith.select %lt3A_259, %select_n3A_255, %select_n3A_241 : vector<128x128xi1>, vector<128x128xf32>
      %jit3A_261 = arith.constant 10 : i32
      %broadcast_in_dim3A_262 = vector.broadcast %jit3A_261 : i32 to vector<128x128xi32>
      %select_n3A_263 = arith.select %lt3A_259, %broadcast_in_dim3A_262, %select_n3A_244 : vector<128x128xi1>, vector<128x128xi32>
      %get3A_264 = arith.constant 0 : index
      %get3A_265 = arith.constant 1408 : index
      %get3A_266 = vector.load %arg5[%get3A_264, %get3A_265] : memref<128x8192xf32, #tpu.memory_space<vmem>>, vector<128x128xf32>
      %sub3A_267 = arith.constant 1408 : i32
      %sub3A_268 = vector.broadcast %sub3A_267 : i32 to vector<128x1xi32>
      %sub3A_269 = arith.subi %scan3A_54, %sub3A_268 : vector<128x1xi32>
      %eq3A_270 = vector.broadcast %iota3A : vector<1x128xi32> to vector<128x128xi32>
      %eq3A_271 = vector.broadcast %sub3A_269 : vector<128x1xi32> to vector<128x128xi32>
      %eq3A_272 = arith.cmpi eq, %eq3A_270, %eq3A_271 : vector<128x128xi32>
      %broadcast_in_dim3A_273 = vector.broadcast %scan3A : f32 to vector<128x128xf32>
      %select_n3A_274 = arith.select %eq3A_272, %broadcast_in_dim3A_273, %get3A_266 : vector<128x128xi1>, vector<128x128xf32>
      %swap3A_275 = arith.constant 0 : index
      %swap3A_276 = arith.constant 1408 : index
      %swap3A_277 = vector.load %arg5[%swap3A_275, %swap3A_276] : memref<128x8192xf32, #tpu.memory_space<vmem>>, vector<128x128xf32>
      tpu.vector_store %arg5[%swap3A_275, %swap3A_276], %select_n3A_274 {strides = array<i32>} : memref<128x8192xf32, #tpu.memory_space<vmem>>, vector<128x128xf32>,
      %lt3A_278 = arith.cmpf olt, %select_n3A_274, %select_n3A_260 : vector<128x128xf32>
      %select_n3A_279 = arith.select %lt3A_278, %select_n3A_274, %select_n3A_260 : vector<128x128xi1>, vector<128x128xf32>
      %jit3A_280 = arith.constant 11 : i32
      %broadcast_in_dim3A_281 = vector.broadcast %jit3A_280 : i32 to vector<128x128xi32>
      %select_n3A_282 = arith.select %lt3A_278, %broadcast_in_dim3A_281, %select_n3A_263 : vector<128x128xi1>, vector<128x128xi32>
      %get3A_283 = arith.constant 0 : index
      %get3A_284 = arith.constant 1536 : index
      %get3A_285 = vector.load %arg5[%get3A_283, %get3A_284] : memref<128x8192xf32, #tpu.memory_space<vmem>>, vector<128x128xf32>
      %sub3A_286 = arith.constant 1536 : i32
      %sub3A_287 = vector.broadcast %sub3A_286 : i32 to vector<128x1xi32>
      %sub3A_288 = arith.subi %scan3A_54, %sub3A_287 : vector<128x1xi32>
      %eq3A_289 = vector.broadcast %iota3A : vector<1x128xi32> to vector<128x128xi32>
      %eq3A_290 = vector.broadcast %sub3A_288 : vector<128x1xi32> to vector<128x128xi32>
      %eq3A_291 = arith.cmpi eq, %eq3A_289, %eq3A_290 : vector<128x128xi32>
      %broadcast_in_dim3A_292 = vector.broadcast %scan3A : f32 to vector<128x128xf32>
      %select_n3A_293 = arith.select %eq3A_291, %broadcast_in_dim3A_292, %get3A_285 : vector<128x128xi1>, vector<128x128xf32>
      %swap3A_294 = arith.constant 0 : index
      %swap3A_295 = arith.constant 1536 : index
      %swap3A_296 = vector.load %arg5[%swap3A_294, %swap3A_295] : memref<128x8192xf32, #tpu.memory_space<vmem>>, vector<128x128xf32>
      tpu.vector_store %arg5[%swap3A_294, %swap3A_295], %select_n3A_293 {strides = array<i32>} : memref<128x8192xf32, #tpu.memory_space<vmem>>, vector<128x128xf32>,
      %lt3A_297 = arith.cmpf olt, %select_n3A_293, %select_n3A_279 : vector<128x128xf32>
      %select_n3A_298 = arith.select %lt3A_297, %select_n3A_293, %select_n3A_279 : vector<128x128xi1>, vector<128x128xf32>
      %jit3A_299 = arith.constant 12 : i32
      %broadcast_in_dim3A_300 = vector.broadcast %jit3A_299 : i32 to vector<128x128xi32>
      %select_n3A_301 = arith.select %lt3A_297, %broadcast_in_dim3A_300, %select_n3A_282 : vector<128x128xi1>, vector<128x128xi32>
      %get3A_302 = arith.constant 0 : index
      %get3A_303 = arith.constant 1664 : index
      %get3A_304 = vector.load %arg5[%get3A_302, %get3A_303] : memref<128x8192xf32, #tpu.memory_space<vmem>>, vector<128x128xf32>
      %sub3A_305 = arith.constant 1664 : i32
      %sub3A_306 = vector.broadcast %sub3A_305 : i32 to vector<128x1xi32>
      %sub3A_307 = arith.subi %scan3A_54, %sub3A_306 : vector<128x1xi32>
      %eq3A_308 = vector.broadcast %iota3A : vector<1x128xi32> to vector<128x128xi32>
      %eq3A_309 = vector.broadcast %sub3A_307 : vector<128x1xi32> to vector<128x128xi32>
      %eq3A_310 = arith.cmpi eq, %eq3A_308, %eq3A_309 : vector<128x128xi32>
      %broadcast_in_dim3A_311 = vector.broadcast %scan3A : f32 to vector<128x128xf32>
      %select_n3A_312 = arith.select %eq3A_310, %broadcast_in_dim3A_311, %get3A_304 : vector<128x128xi1>, vector<128x128xf32>
      %swap3A_313 = arith.constant 0 : index
      %swap3A_314 = arith.constant 1664 : index
      %swap3A_315 = vector.load %arg5[%swap3A_313, %swap3A_314] : memref<128x8192xf32, #tpu.memory_space<vmem>>, vector<128x128xf32>
      tpu.vector_store %arg5[%swap3A_313, %swap3A_314], %select_n3A_312 {strides = array<i32>} : memref<128x8192xf32, #tpu.memory_space<vmem>>, vector<128x128xf32>,
      %lt3A_316 = arith.cmpf olt, %select_n3A_312, %select_n3A_298 : vector<128x128xf32>
      %select_n3A_317 = arith.select %lt3A_316, %select_n3A_312, %select_n3A_298 : vector<128x128xi1>, vector<128x128xf32>
      %jit3A_318 = arith.constant 13 : i32
      %broadcast_in_dim3A_319 = vector.broadcast %jit3A_318 : i32 to vector<128x128xi32>
      %select_n3A_320 = arith.select %lt3A_316, %broadcast_in_dim3A_319, %select_n3A_301 : vector<128x128xi1>, vector<128x128xi32>
      %get3A_321 = arith.constant 0 : index
      %get3A_322 = arith.constant 1792 : index
      %get3A_323 = vector.load %arg5[%get3A_321, %get3A_322] : memref<128x8192xf32, #tpu.memory_space<vmem>>, vector<128x128xf32>
      %sub3A_324 = arith.constant 1792 : i32
      %sub3A_325 = vector.broadcast %sub3A_324 : i32 to vector<128x1xi32>
      %sub3A_326 = arith.subi %scan3A_54, %sub3A_325 : vector<128x1xi32>
      %eq3A_327 = vector.broadcast %iota3A : vector<1x128xi32> to vector<128x128xi32>
      %eq3A_328 = vector.broadcast %sub3A_326 : vector<128x1xi32> to vector<128x128xi32>
      %eq3A_329 = arith.cmpi eq, %eq3A_327, %eq3A_328 : vector<128x128xi32>
      %broadcast_in_dim3A_330 = vector.broadcast %scan3A : f32 to vector<128x128xf32>
      %select_n3A_331 = arith.select %eq3A_329, %broadcast_in_dim3A_330, %get3A_323 : vector<128x128xi1>, vector<128x128xf32>
      %swap3A_332 = arith.constant 0 : index
      %swap3A_333 = arith.constant 1792 : index
      %swap3A_334 = vector.load %arg5[%swap3A_332, %swap3A_333] : memref<128x8192xf32, #tpu.memory_space<vmem>>, vector<128x128xf32>
      tpu.vector_store %arg5[%swap3A_332, %swap3A_333], %select_n3A_331 {strides = array<i32>} : memref<128x8192xf32, #tpu.memory_space<vmem>>, vector<128x128xf32>,
      %lt3A_335 = arith.cmpf olt, %select_n3A_331, %select_n3A_317 : vector<128x128xf32>
      %select_n3A_336 = arith.select %lt3A_335, %select_n3A_331, %select_n3A_317 : vector<128x128xi1>, vector<128x128xf32>
      %jit3A_337 = arith.constant 14 : i32
      %broadcast_in_dim3A_338 = vector.broadcast %jit3A_337 : i32 to vector<128x128xi32>
      %select_n3A_339 = arith.select %lt3A_335, %broadcast_in_dim3A_338, %select_n3A_320 : vector<128x128xi1>, vector<128x128xi32>
      %get3A_340 = arith.constant 0 : index
      %get3A_341 = arith.constant 1920 : index
      %get3A_342 = vector.load %arg5[%get3A_340, %get3A_341] : memref<128x8192xf32, #tpu.memory_space<vmem>>, vector<128x128xf32>
      %sub3A_343 = arith.constant 1920 : i32
      %sub3A_344 = vector.broadcast %sub3A_343 : i32 to vector<128x1xi32>
      %sub3A_345 = arith.subi %scan3A_54, %sub3A_344 : vector<128x1xi32>
      %eq3A_346 = vector.broadcast %iota3A : vector<1x128xi32> to vector<128x128xi32>
      %eq3A_347 = vector.broadcast %sub3A_345 : vector<128x1xi32> to vector<128x128xi32>
      %eq3A_348 = arith.cmpi eq, %eq3A_346, %eq3A_347 : vector<128x128xi32>
      %broadcast_in_dim3A_349 = vector.broadcast %scan3A : f32 to vector<128x128xf32>
      %select_n3A_350 = arith.select %eq3A_348, %broadcast_in_dim3A_349, %get3A_342 : vector<128x128xi1>, vector<128x128xf32>
      %swap3A_351 = arith.constant 0 : index
      %swap3A_352 = arith.constant 1920 : index
      %swap3A_353 = vector.load %arg5[%swap3A_351, %swap3A_352] : memref<128x8192xf32, #tpu.memory_space<vmem>>, vector<128x128xf32>
      tpu.vector_store %arg5[%swap3A_351, %swap3A_352], %select_n3A_350 {strides = array<i32>} : memref<128x8192xf32, #tpu.memory_space<vmem>>, vector<128x128xf32>,
      %lt3A_354 = arith.cmpf olt, %select_n3A_350, %select_n3A_336 : vector<128x128xf32>
      %select_n3A_355 = arith.select %lt3A_354, %select_n3A_350, %select_n3A_336 : vector<128x128xi1>, vector<128x128xf32>
      %jit3A_356 = arith.constant 15 : i32
      %broadcast_in_dim3A_357 = vector.broadcast %jit3A_356 : i32 to vector<128x128xi32>
      %select_n3A_358 = arith.select %lt3A_354, %broadcast_in_dim3A_357, %select_n3A_339 : vector<128x128xi1>, vector<128x128xi32>
      %get3A_359 = arith.constant 0 : index
      %get3A_360 = arith.constant 2048 : index
      %get3A_361 = vector.load %arg5[%get3A_359, %get3A_360] : memref<128x8192xf32, #tpu.memory_space<vmem>>, vector<128x128xf32>
      %sub3A_362 = arith.constant 2048 : i32
      %sub3A_363 = vector.broadcast %sub3A_362 : i32 to vector<128x1xi32>
      %sub3A_364 = arith.subi %scan3A_54, %sub3A_363 : vector<128x1xi32>
      %eq3A_365 = vector.broadcast %iota3A : vector<1x128xi32> to vector<128x128xi32>
      %eq3A_366 = vector.broadcast %sub3A_364 : vector<128x1xi32> to vector<128x128xi32>
      %eq3A_367 = arith.cmpi eq, %eq3A_365, %eq3A_366 : vector<128x128xi32>
      %broadcast_in_dim3A_368 = vector.broadcast %scan3A : f32 to vector<128x128xf32>
      %select_n3A_369 = arith.select %eq3A_367, %broadcast_in_dim3A_368, %get3A_361 : vector<128x128xi1>, vector<128x128xf32>
      %swap3A_370 = arith.constant 0 : index
      %swap3A_371 = arith.constant 2048 : index
      %swap3A_372 = vector.load %arg5[%swap3A_370, %swap3A_371] : memref<128x8192xf32, #tpu.memory_space<vmem>>, vector<128x128xf32>
      tpu.vector_store %arg5[%swap3A_370, %swap3A_371], %select_n3A_369 {strides = array<i32>} : memref<128x8192xf32, #tpu.memory_space<vmem>>, vector<128x128xf32>,
      %lt3A_373 = arith.cmpf olt, %select_n3A_369, %select_n3A_355 : vector<128x128xf32>
      %select_n3A_374 = arith.select %lt3A_373, %select_n3A_369, %select_n3A_355 : vector<128x128xi1>, vector<128x128xf32>
      %jit3A_375 = arith.constant 16 : i32
      %broadcast_in_dim3A_376 = vector.broadcast %jit3A_375 : i32 to vector<128x128xi32>
      %select_n3A_377 = arith.select %lt3A_373, %broadcast_in_dim3A_376, %select_n3A_358 : vector<128x128xi1>, vector<128x128xi32>
      %get3A_378 = arith.constant 0 : index
      %get3A_379 = arith.constant 2176 : index
      %get3A_380 = vector.load %arg5[%get3A_378, %get3A_379] : memref<128x8192xf32, #tpu.memory_space<vmem>>, vector<128x128xf32>
      %sub3A_381 = arith.constant 2176 : i32
      %sub3A_382 = vector.broadcast %sub3A_381 : i32 to vector<128x1xi32>
      %sub3A_383 = arith.subi %scan3A_54, %sub3A_382 : vector<128x1xi32>
      %eq3A_384 = vector.broadcast %iota3A : vector<1x128xi32> to vector<128x128xi32>
      %eq3A_385 = vector.broadcast %sub3A_383 : vector<128x1xi32> to vector<128x128xi32>
      %eq3A_386 = arith.cmpi eq, %eq3A_384, %eq3A_385 : vector<128x128xi32>
      %broadcast_in_dim3A_387 = vector.broadcast %scan3A : f32 to vector<128x128xf32>
      %select_n3A_388 = arith.select %eq3A_386, %broadcast_in_dim3A_387, %get3A_380 : vector<128x128xi1>, vector<128x128xf32>
      %swap3A_389 = arith.constant 0 : index
      %swap3A_390 = arith.constant 2176 : index
      %swap3A_391 = vector.load %arg5[%swap3A_389, %swap3A_390] : memref<128x8192xf32, #tpu.memory_space<vmem>>, vector<128x128xf32>
      tpu.vector_store %arg5[%swap3A_389, %swap3A_390], %select_n3A_388 {strides = array<i32>} : memref<128x8192xf32, #tpu.memory_space<vmem>>, vector<128x128xf32>,
      %lt3A_392 = arith.cmpf olt, %select_n3A_388, %select_n3A_374 : vector<128x128xf32>
      %select_n3A_393 = arith.select %lt3A_392, %select_n3A_388, %select_n3A_374 : vector<128x128xi1>, vector<128x128xf32>
      %jit3A_394 = arith.constant 17 : i32
      %broadcast_in_dim3A_395 = vector.broadcast %jit3A_394 : i32 to vector<128x128xi32>
      %select_n3A_396 = arith.select %lt3A_392, %broadcast_in_dim3A_395, %select_n3A_377 : vector<128x128xi1>, vector<128x128xi32>
      %get3A_397 = arith.constant 0 : index
      %get3A_398 = arith.constant 2304 : index
      %get3A_399 = vector.load %arg5[%get3A_397, %get3A_398] : memref<128x8192xf32, #tpu.memory_space<vmem>>, vector<128x128xf32>
      %sub3A_400 = arith.constant 2304 : i32
      %sub3A_401 = vector.broadcast %sub3A_400 : i32 to vector<128x1xi32>
      %sub3A_402 = arith.subi %scan3A_54, %sub3A_401 : vector<128x1xi32>
      %eq3A_403 = vector.broadcast %iota3A : vector<1x128xi32> to vector<128x128xi32>
      %eq3A_404 = vector.broadcast %sub3A_402 : vector<128x1xi32> to vector<128x128xi32>
      %eq3A_405 = arith.cmpi eq, %eq3A_403, %eq3A_404 : vector<128x128xi32>
      %broadcast_in_dim3A_406 = vector.broadcast %scan3A : f32 to vector<128x128xf32>
      %select_n3A_407 = arith.select %eq3A_405, %broadcast_in_dim3A_406, %get3A_399 : vector<128x128xi1>, vector<128x128xf32>
      %swap3A_408 = arith.constant 0 : index
      %swap3A_409 = arith.constant 2304 : index
      %swap3A_410 = vector.load %arg5[%swap3A_408, %swap3A_409] : memref<128x8192xf32, #tpu.memory_space<vmem>>, vector<128x128xf32>
      tpu.vector_store %arg5[%swap3A_408, %swap3A_409], %select_n3A_407 {strides = array<i32>} : memref<128x8192xf32, #tpu.memory_space<vmem>>, vector<128x128xf32>,
      %lt3A_411 = arith.cmpf olt, %select_n3A_407, %select_n3A_393 : vector<128x128xf32>
      %select_n3A_412 = arith.select %lt3A_411, %select_n3A_407, %select_n3A_393 : vector<128x128xi1>, vector<128x128xf32>
      %jit3A_413 = arith.constant 18 : i32
      %broadcast_in_dim3A_414 = vector.broadcast %jit3A_413 : i32 to vector<128x128xi32>
      %select_n3A_415 = arith.select %lt3A_411, %broadcast_in_dim3A_414, %select_n3A_396 : vector<128x128xi1>, vector<128x128xi32>
      %get3A_416 = arith.constant 0 : index
      %get3A_417 = arith.constant 2432 : index
      %get3A_418 = vector.load %arg5[%get3A_416, %get3A_417] : memref<128x8192xf32, #tpu.memory_space<vmem>>, vector<128x128xf32>
      %sub3A_419 = arith.constant 2432 : i32
      %sub3A_420 = vector.broadcast %sub3A_419 : i32 to vector<128x1xi32>
      %sub3A_421 = arith.subi %scan3A_54, %sub3A_420 : vector<128x1xi32>
      %eq3A_422 = vector.broadcast %iota3A : vector<1x128xi32> to vector<128x128xi32>
      %eq3A_423 = vector.broadcast %sub3A_421 : vector<128x1xi32> to vector<128x128xi32>
      %eq3A_424 = arith.cmpi eq, %eq3A_422, %eq3A_423 : vector<128x128xi32>
      %broadcast_in_dim3A_425 = vector.broadcast %scan3A : f32 to vector<128x128xf32>
      %select_n3A_426 = arith.select %eq3A_424, %broadcast_in_dim3A_425, %get3A_418 : vector<128x128xi1>, vector<128x128xf32>
      %swap3A_427 = arith.constant 0 : index
      %swap3A_428 = arith.constant 2432 : index
      %swap3A_429 = vector.load %arg5[%swap3A_427, %swap3A_428] : memref<128x8192xf32, #tpu.memory_space<vmem>>, vector<128x128xf32>
      tpu.vector_store %arg5[%swap3A_427, %swap3A_428], %select_n3A_426 {strides = array<i32>} : memref<128x8192xf32, #tpu.memory_space<vmem>>, vector<128x128xf32>,
      %lt3A_430 = arith.cmpf olt, %select_n3A_426, %select_n3A_412 : vector<128x128xf32>
      %select_n3A_431 = arith.select %lt3A_430, %select_n3A_426, %select_n3A_412 : vector<128x128xi1>, vector<128x128xf32>
      %jit3A_432 = arith.constant 19 : i32
      %broadcast_in_dim3A_433 = vector.broadcast %jit3A_432 : i32 to vector<128x128xi32>
      %select_n3A_434 = arith.select %lt3A_430, %broadcast_in_dim3A_433, %select_n3A_415 : vector<128x128xi1>, vector<128x128xi32>
      %get3A_435 = arith.constant 0 : index
      %get3A_436 = arith.constant 2560 : index
      %get3A_437 = vector.load %arg5[%get3A_435, %get3A_436] : memref<128x8192xf32, #tpu.memory_space<vmem>>, vector<128x128xf32>
      %sub3A_438 = arith.constant 2560 : i32
      %sub3A_439 = vector.broadcast %sub3A_438 : i32 to vector<128x1xi32>
      %sub3A_440 = arith.subi %scan3A_54, %sub3A_439 : vector<128x1xi32>
      %eq3A_441 = vector.broadcast %iota3A : vector<1x128xi32> to vector<128x128xi32>
      %eq3A_442 = vector.broadcast %sub3A_440 : vector<128x1xi32> to vector<128x128xi32>
      %eq3A_443 = arith.cmpi eq, %eq3A_441, %eq3A_442 : vector<128x128xi32>
      %broadcast_in_dim3A_444 = vector.broadcast %scan3A : f32 to vector<128x128xf32>
      %select_n3A_445 = arith.select %eq3A_443, %broadcast_in_dim3A_444, %get3A_437 : vector<128x128xi1>, vector<128x128xf32>
      %swap3A_446 = arith.constant 0 : index
      %swap3A_447 = arith.constant 2560 : index
      %swap3A_448 = vector.load %arg5[%swap3A_446, %swap3A_447] : memref<128x8192xf32, #tpu.memory_space<vmem>>, vector<128x128xf32>
      tpu.vector_store %arg5[%swap3A_446, %swap3A_447], %select_n3A_445 {strides = array<i32>} : memref<128x8192xf32, #tpu.memory_space<vmem>>, vector<128x128xf32>,
      %lt3A_449 = arith.cmpf olt, %select_n3A_445, %select_n3A_431 : vector<128x128xf32>
      %select_n3A_450 = arith.select %lt3A_449, %select_n3A_445, %select_n3A_431 : vector<128x128xi1>, vector<128x128xf32>
      %jit3A_451 = arith.constant 20 : i32
      %broadcast_in_dim3A_452 = vector.broadcast %jit3A_451 : i32 to vector<128x128xi32>
      %select_n3A_453 = arith.select %lt3A_449, %broadcast_in_dim3A_452, %select_n3A_434 : vector<128x128xi1>, vector<128x128xi32>
      %get3A_454 = arith.constant 0 : index
      %get3A_455 = arith.constant 2688 : index
      %get3A_456 = vector.load %arg5[%get3A_454, %get3A_455] : memref<128x8192xf32, #tpu.memory_space<vmem>>, vector<128x128xf32>
      %sub3A_457 = arith.constant 2688 : i32
      %sub3A_458 = vector.broadcast %sub3A_457 : i32 to vector<128x1xi32>
      %sub3A_459 = arith.subi %scan3A_54, %sub3A_458 : vector<128x1xi32>
      %eq3A_460 = vector.broadcast %iota3A : vector<1x128xi32> to vector<128x128xi32>
      %eq3A_461 = vector.broadcast %sub3A_459 : vector<128x1xi32> to vector<128x128xi32>
      %eq3A_462 = arith.cmpi eq, %eq3A_460, %eq3A_461 : vector<128x128xi32>
      %broadcast_in_dim3A_463 = vector.broadcast %scan3A : f32 to vector<128x128xf32>
      %select_n3A_464 = arith.select %eq3A_462, %broadcast_in_dim3A_463, %get3A_456 : vector<128x128xi1>, vector<128x128xf32>
      %swap3A_465 = arith.constant 0 : index
      %swap3A_466 = arith.constant 2688 : index
      %swap3A_467 = vector.load %arg5[%swap3A_465, %swap3A_466] : memref<128x8192xf32, #tpu.memory_space<vmem>>, vector<128x128xf32>
      tpu.vector_store %arg5[%swap3A_465, %swap3A_466], %select_n3A_464 {strides = array<i32>} : memref<128x8192xf32, #tpu.memory_space<vmem>>, vector<128x128xf32>,
      %lt3A_468 = arith.cmpf olt, %select_n3A_464, %select_n3A_450 : vector<128x128xf32>
      %select_n3A_469 = arith.select %lt3A_468, %select_n3A_464, %select_n3A_450 : vector<128x128xi1>, vector<128x128xf32>
      %jit3A_470 = arith.constant 21 : i32
      %broadcast_in_dim3A_471 = vector.broadcast %jit3A_470 : i32 to vector<128x128xi32>
      %select_n3A_472 = arith.select %lt3A_468, %broadcast_in_dim3A_471, %select_n3A_453 : vector<128x128xi1>, vector<128x128xi32>
      %get3A_473 = arith.constant 0 : index
      %get3A_474 = arith.constant 2816 : index
      %get3A_475 = vector.load %arg5[%get3A_473, %get3A_474] : memref<128x8192xf32, #tpu.memory_space<vmem>>, vector<128x128xf32>
      %sub3A_476 = arith.constant 2816 : i32
      %sub3A_477 = vector.broadcast %sub3A_476 : i32 to vector<128x1xi32>
      %sub3A_478 = arith.subi %scan3A_54, %sub3A_477 : vector<128x1xi32>
      %eq3A_479 = vector.broadcast %iota3A : vector<1x128xi32> to vector<128x128xi32>
      %eq3A_480 = vector.broadcast %sub3A_478 : vector<128x1xi32> to vector<128x128xi32>
      %eq3A_481 = arith.cmpi eq, %eq3A_479, %eq3A_480 : vector<128x128xi32>
      %broadcast_in_dim3A_482 = vector.broadcast %scan3A : f32 to vector<128x128xf32>
      %select_n3A_483 = arith.select %eq3A_481, %broadcast_in_dim3A_482, %get3A_475 : vector<128x128xi1>, vector<128x128xf32>
      %swap3A_484 = arith.constant 0 : index
      %swap3A_485 = arith.constant 2816 : index
      %swap3A_486 = vector.load %arg5[%swap3A_484, %swap3A_485] : memref<128x8192xf32, #tpu.memory_space<vmem>>, vector<128x128xf32>
      tpu.vector_store %arg5[%swap3A_484, %swap3A_485], %select_n3A_483 {strides = array<i32>} : memref<128x8192xf32, #tpu.memory_space<vmem>>, vector<128x128xf32>,
      %lt3A_487 = arith.cmpf olt, %select_n3A_483, %select_n3A_469 : vector<128x128xf32>
      %select_n3A_488 = arith.select %lt3A_487, %select_n3A_483, %select_n3A_469 : vector<128x128xi1>, vector<128x128xf32>
      %jit3A_489 = arith.constant 22 : i32
      %broadcast_in_dim3A_490 = vector.broadcast %jit3A_489 : i32 to vector<128x128xi32>
      %select_n3A_491 = arith.select %lt3A_487, %broadcast_in_dim3A_490, %select_n3A_472 : vector<128x128xi1>, vector<128x128xi32>
      %get3A_492 = arith.constant 0 : index
      %get3A_493 = arith.constant 2944 : index
      %get3A_494 = vector.load %arg5[%get3A_492, %get3A_493] : memref<128x8192xf32, #tpu.memory_space<vmem>>, vector<128x128xf32>
      %sub3A_495 = arith.constant 2944 : i32
      %sub3A_496 = vector.broadcast %sub3A_495 : i32 to vector<128x1xi32>
      %sub3A_497 = arith.subi %scan3A_54, %sub3A_496 : vector<128x1xi32>
      %eq3A_498 = vector.broadcast %iota3A : vector<1x128xi32> to vector<128x128xi32>
      %eq3A_499 = vector.broadcast %sub3A_497 : vector<128x1xi32> to vector<128x128xi32>
      %eq3A_500 = arith.cmpi eq, %eq3A_498, %eq3A_499 : vector<128x128xi32>
      %broadcast_in_dim3A_501 = vector.broadcast %scan3A : f32 to vector<128x128xf32>
      %select_n3A_502 = arith.select %eq3A_500, %broadcast_in_dim3A_501, %get3A_494 : vector<128x128xi1>, vector<128x128xf32>
      %swap3A_503 = arith.constant 0 : index
      %swap3A_504 = arith.constant 2944 : index
      %swap3A_505 = vector.load %arg5[%swap3A_503, %swap3A_504] : memref<128x8192xf32, #tpu.memory_space<vmem>>, vector<128x128xf32>
      tpu.vector_store %arg5[%swap3A_503, %swap3A_504], %select_n3A_502 {strides = array<i32>} : memref<128x8192xf32, #tpu.memory_space<vmem>>, vector<128x128xf32>,
      %lt3A_506 = arith.cmpf olt, %select_n3A_502, %select_n3A_488 : vector<128x128xf32>
      %select_n3A_507 = arith.select %lt3A_506, %select_n3A_502, %select_n3A_488 : vector<128x128xi1>, vector<128x128xf32>
      %jit3A_508 = arith.constant 23 : i32
      %broadcast_in_dim3A_509 = vector.broadcast %jit3A_508 : i32 to vector<128x128xi32>
      %select_n3A_510 = arith.select %lt3A_506, %broadcast_in_dim3A_509, %select_n3A_491 : vector<128x128xi1>, vector<128x128xi32>
      %get3A_511 = arith.constant 0 : index
      %get3A_512 = arith.constant 3072 : index
      %get3A_513 = vector.load %arg5[%get3A_511, %get3A_512] : memref<128x8192xf32, #tpu.memory_space<vmem>>, vector<128x128xf32>
      %sub3A_514 = arith.constant 3072 : i32
      %sub3A_515 = vector.broadcast %sub3A_514 : i32 to vector<128x1xi32>
      %sub3A_516 = arith.subi %scan3A_54, %sub3A_515 : vector<128x1xi32>
      %eq3A_517 = vector.broadcast %iota3A : vector<1x128xi32> to vector<128x128xi32>
      %eq3A_518 = vector.broadcast %sub3A_516 : vector<128x1xi32> to vector<128x128xi32>
      %eq3A_519 = arith.cmpi eq, %eq3A_517, %eq3A_518 : vector<128x128xi32>
      %broadcast_in_dim3A_520 = vector.broadcast %scan3A : f32 to vector<128x128xf32>
      %select_n3A_521 = arith.select %eq3A_519, %broadcast_in_dim3A_520, %get3A_513 : vector<128x128xi1>, vector<128x128xf32>
      %swap3A_522 = arith.constant 0 : index
      %swap3A_523 = arith.constant 3072 : index
      %swap3A_524 = vector.load %arg5[%swap3A_522, %swap3A_523] : memref<128x8192xf32, #tpu.memory_space<vmem>>, vector<128x128xf32>
      tpu.vector_store %arg5[%swap3A_522, %swap3A_523], %select_n3A_521 {strides = array<i32>} : memref<128x8192xf32, #tpu.memory_space<vmem>>, vector<128x128xf32>,
      %lt3A_525 = arith.cmpf olt, %select_n3A_521, %select_n3A_507 : vector<128x128xf32>
      %select_n3A_526 = arith.select %lt3A_525, %select_n3A_521, %select_n3A_507 : vector<128x128xi1>, vector<128x128xf32>
      %jit3A_527 = arith.constant 24 : i32
      %broadcast_in_dim3A_528 = vector.broadcast %jit3A_527 : i32 to vector<128x128xi32>
      %select_n3A_529 = arith.select %lt3A_525, %broadcast_in_dim3A_528, %select_n3A_510 : vector<128x128xi1>, vector<128x128xi32>
      %get3A_530 = arith.constant 0 : index
      %get3A_531 = arith.constant 3200 : index
      %get3A_532 = vector.load %arg5[%get3A_530, %get3A_531] : memref<128x8192xf32, #tpu.memory_space<vmem>>, vector<128x128xf32>
      %sub3A_533 = arith.constant 3200 : i32
      %sub3A_534 = vector.broadcast %sub3A_533 : i32 to vector<128x1xi32>
      %sub3A_535 = arith.subi %scan3A_54, %sub3A_534 : vector<128x1xi32>
      %eq3A_536 = vector.broadcast %iota3A : vector<1x128xi32> to vector<128x128xi32>
      %eq3A_537 = vector.broadcast %sub3A_535 : vector<128x1xi32> to vector<128x128xi32>
      %eq3A_538 = arith.cmpi eq, %eq3A_536, %eq3A_537 : vector<128x128xi32>
      %broadcast_in_dim3A_539 = vector.broadcast %scan3A : f32 to vector<128x128xf32>
      %select_n3A_540 = arith.select %eq3A_538, %broadcast_in_dim3A_539, %get3A_532 : vector<128x128xi1>, vector<128x128xf32>
      %swap3A_541 = arith.constant 0 : index
      %swap3A_542 = arith.constant 3200 : index
      %swap3A_543 = vector.load %arg5[%swap3A_541, %swap3A_542] : memref<128x8192xf32, #tpu.memory_space<vmem>>, vector<128x128xf32>
      tpu.vector_store %arg5[%swap3A_541, %swap3A_542], %select_n3A_540 {strides = array<i32>} : memref<128x8192xf32, #tpu.memory_space<vmem>>, vector<128x128xf32>,
      %lt3A_544 = arith.cmpf olt, %select_n3A_540, %select_n3A_526 : vector<128x128xf32>
      %select_n3A_545 = arith.select %lt3A_544, %select_n3A_540, %select_n3A_526 : vector<128x128xi1>, vector<128x128xf32>
      %jit3A_546 = arith.constant 25 : i32
      %broadcast_in_dim3A_547 = vector.broadcast %jit3A_546 : i32 to vector<128x128xi32>
      %select_n3A_548 = arith.select %lt3A_544, %broadcast_in_dim3A_547, %select_n3A_529 : vector<128x128xi1>, vector<128x128xi32>
      %get3A_549 = arith.constant 0 : index
      %get3A_550 = arith.constant 3328 : index
      %get3A_551 = vector.load %arg5[%get3A_549, %get3A_550] : memref<128x8192xf32, #tpu.memory_space<vmem>>, vector<128x128xf32>
      %sub3A_552 = arith.constant 3328 : i32
      %sub3A_553 = vector.broadcast %sub3A_552 : i32 to vector<128x1xi32>
      %sub3A_554 = arith.subi %scan3A_54, %sub3A_553 : vector<128x1xi32>
      %eq3A_555 = vector.broadcast %iota3A : vector<1x128xi32> to vector<128x128xi32>
      %eq3A_556 = vector.broadcast %sub3A_554 : vector<128x1xi32> to vector<128x128xi32>
      %eq3A_557 = arith.cmpi eq, %eq3A_555, %eq3A_556 : vector<128x128xi32>
      %broadcast_in_dim3A_558 = vector.broadcast %scan3A : f32 to vector<128x128xf32>
      %select_n3A_559 = arith.select %eq3A_557, %broadcast_in_dim3A_558, %get3A_551 : vector<128x128xi1>, vector<128x128xf32>
      %swap3A_560 = arith.constant 0 : index
      %swap3A_561 = arith.constant 3328 : index
      %swap3A_562 = vector.load %arg5[%swap3A_560, %swap3A_561] : memref<128x8192xf32, #tpu.memory_space<vmem>>, vector<128x128xf32>
      tpu.vector_store %arg5[%swap3A_560, %swap3A_561], %select_n3A_559 {strides = array<i32>} : memref<128x8192xf32, #tpu.memory_space<vmem>>, vector<128x128xf32>,
      %lt3A_563 = arith.cmpf olt, %select_n3A_559, %select_n3A_545 : vector<128x128xf32>
      %select_n3A_564 = arith.select %lt3A_563, %select_n3A_559, %select_n3A_545 : vector<128x128xi1>, vector<128x128xf32>
      %jit3A_565 = arith.constant 26 : i32
      %broadcast_in_dim3A_566 = vector.broadcast %jit3A_565 : i32 to vector<128x128xi32>
      %select_n3A_567 = arith.select %lt3A_563, %broadcast_in_dim3A_566, %select_n3A_548 : vector<128x128xi1>, vector<128x128xi32>
      %get3A_568 = arith.constant 0 : index
      %get3A_569 = arith.constant 3456 : index
      %get3A_570 = vector.load %arg5[%get3A_568, %get3A_569] : memref<128x8192xf32, #tpu.memory_space<vmem>>, vector<128x128xf32>
      %sub3A_571 = arith.constant 3456 : i32
      %sub3A_572 = vector.broadcast %sub3A_571 : i32 to vector<128x1xi32>
      %sub3A_573 = arith.subi %scan3A_54, %sub3A_572 : vector<128x1xi32>
      %eq3A_574 = vector.broadcast %iota3A : vector<1x128xi32> to vector<128x128xi32>
      %eq3A_575 = vector.broadcast %sub3A_573 : vector<128x1xi32> to vector<128x128xi32>
      %eq3A_576 = arith.cmpi eq, %eq3A_574, %eq3A_575 : vector<128x128xi32>
      %broadcast_in_dim3A_577 = vector.broadcast %scan3A : f32 to vector<128x128xf32>
      %select_n3A_578 = arith.select %eq3A_576, %broadcast_in_dim3A_577, %get3A_570 : vector<128x128xi1>, vector<128x128xf32>
      %swap3A_579 = arith.constant 0 : index
      %swap3A_580 = arith.constant 3456 : index
      %swap3A_581 = vector.load %arg5[%swap3A_579, %swap3A_580] : memref<128x8192xf32, #tpu.memory_space<vmem>>, vector<128x128xf32>
      tpu.vector_store %arg5[%swap3A_579, %swap3A_580], %select_n3A_578 {strides = array<i32>} : memref<128x8192xf32, #tpu.memory_space<vmem>>, vector<128x128xf32>,
      %lt3A_582 = arith.cmpf olt, %select_n3A_578, %select_n3A_564 : vector<128x128xf32>
      %select_n3A_583 = arith.select %lt3A_582, %select_n3A_578, %select_n3A_564 : vector<128x128xi1>, vector<128x128xf32>
      %jit3A_584 = arith.constant 27 : i32
      %broadcast_in_dim3A_585 = vector.broadcast %jit3A_584 : i32 to vector<128x128xi32>
      %select_n3A_586 = arith.select %lt3A_582, %broadcast_in_dim3A_585, %select_n3A_567 : vector<128x128xi1>, vector<128x128xi32>
      %get3A_587 = arith.constant 0 : index
      %get3A_588 = arith.constant 3584 : index
      %get3A_589 = vector.load %arg5[%get3A_587, %get3A_588] : memref<128x8192xf32, #tpu.memory_space<vmem>>, vector<128x128xf32>
      %sub3A_590 = arith.constant 3584 : i32
      %sub3A_591 = vector.broadcast %sub3A_590 : i32 to vector<128x1xi32>
      %sub3A_592 = arith.subi %scan3A_54, %sub3A_591 : vector<128x1xi32>
      %eq3A_593 = vector.broadcast %iota3A : vector<1x128xi32> to vector<128x128xi32>
      %eq3A_594 = vector.broadcast %sub3A_592 : vector<128x1xi32> to vector<128x128xi32>
      %eq3A_595 = arith.cmpi eq, %eq3A_593, %eq3A_594 : vector<128x128xi32>
      %broadcast_in_dim3A_596 = vector.broadcast %scan3A : f32 to vector<128x128xf32>
      %select_n3A_597 = arith.select %eq3A_595, %broadcast_in_dim3A_596, %get3A_589 : vector<128x128xi1>, vector<128x128xf32>
      %swap3A_598 = arith.constant 0 : index
      %swap3A_599 = arith.constant 3584 : index
      %swap3A_600 = vector.load %arg5[%swap3A_598, %swap3A_599] : memref<128x8192xf32, #tpu.memory_space<vmem>>, vector<128x128xf32>
      tpu.vector_store %arg5[%swap3A_598, %swap3A_599], %select_n3A_597 {strides = array<i32>} : memref<128x8192xf32, #tpu.memory_space<vmem>>, vector<128x128xf32>,
      %lt3A_601 = arith.cmpf olt, %select_n3A_597, %select_n3A_583 : vector<128x128xf32>
      %select_n3A_602 = arith.select %lt3A_601, %select_n3A_597, %select_n3A_583 : vector<128x128xi1>, vector<128x128xf32>
      %jit3A_603 = arith.constant 28 : i32
      %broadcast_in_dim3A_604 = vector.broadcast %jit3A_603 : i32 to vector<128x128xi32>
      %select_n3A_605 = arith.select %lt3A_601, %broadcast_in_dim3A_604, %select_n3A_586 : vector<128x128xi1>, vector<128x128xi32>
      %get3A_606 = arith.constant 0 : index
      %get3A_607 = arith.constant 3712 : index
      %get3A_608 = vector.load %arg5[%get3A_606, %get3A_607] : memref<128x8192xf32, #tpu.memory_space<vmem>>, vector<128x128xf32>
      %sub3A_609 = arith.constant 3712 : i32
      %sub3A_610 = vector.broadcast %sub3A_609 : i32 to vector<128x1xi32>
      %sub3A_611 = arith.subi %scan3A_54, %sub3A_610 : vector<128x1xi32>
      %eq3A_612 = vector.broadcast %iota3A : vector<1x128xi32> to vector<128x128xi32>
      %eq3A_613 = vector.broadcast %sub3A_611 : vector<128x1xi32> to vector<128x128xi32>
      %eq3A_614 = arith.cmpi eq, %eq3A_612, %eq3A_613 : vector<128x128xi32>
      %broadcast_in_dim3A_615 = vector.broadcast %scan3A : f32 to vector<128x128xf32>
      %select_n3A_616 = arith.select %eq3A_614, %broadcast_in_dim3A_615, %get3A_608 : vector<128x128xi1>, vector<128x128xf32>
      %swap3A_617 = arith.constant 0 : index
      %swap3A_618 = arith.constant 3712 : index
      %swap3A_619 = vector.load %arg5[%swap3A_617, %swap3A_618] : memref<128x8192xf32, #tpu.memory_space<vmem>>, vector<128x128xf32>
      tpu.vector_store %arg5[%swap3A_617, %swap3A_618], %select_n3A_616 {strides = array<i32>} : memref<128x8192xf32, #tpu.memory_space<vmem>>, vector<128x128xf32>,
      %lt3A_620 = arith.cmpf olt, %select_n3A_616, %select_n3A_602 : vector<128x128xf32>
      %select_n3A_621 = arith.select %lt3A_620, %select_n3A_616, %select_n3A_602 : vector<128x128xi1>, vector<128x128xf32>
      %jit3A_622 = arith.constant 29 : i32
      %broadcast_in_dim3A_623 = vector.broadcast %jit3A_622 : i32 to vector<128x128xi32>
      %select_n3A_624 = arith.select %lt3A_620, %broadcast_in_dim3A_623, %select_n3A_605 : vector<128x128xi1>, vector<128x128xi32>
      %get3A_625 = arith.constant 0 : index
      %get3A_626 = arith.constant 3840 : index
      %get3A_627 = vector.load %arg5[%get3A_625, %get3A_626] : memref<128x8192xf32, #tpu.memory_space<vmem>>, vector<128x128xf32>
      %sub3A_628 = arith.constant 3840 : i32
      %sub3A_629 = vector.broadcast %sub3A_628 : i32 to vector<128x1xi32>
      %sub3A_630 = arith.subi %scan3A_54, %sub3A_629 : vector<128x1xi32>
      %eq3A_631 = vector.broadcast %iota3A : vector<1x128xi32> to vector<128x128xi32>
      %eq3A_632 = vector.broadcast %sub3A_630 : vector<128x1xi32> to vector<128x128xi32>
      %eq3A_633 = arith.cmpi eq, %eq3A_631, %eq3A_632 : vector<128x128xi32>
      %broadcast_in_dim3A_634 = vector.broadcast %scan3A : f32 to vector<128x128xf32>
      %select_n3A_635 = arith.select %eq3A_633, %broadcast_in_dim3A_634, %get3A_627 : vector<128x128xi1>, vector<128x128xf32>
      %swap3A_636 = arith.constant 0 : index
      %swap3A_637 = arith.constant 3840 : index
      %swap3A_638 = vector.load %arg5[%swap3A_636, %swap3A_637] : memref<128x8192xf32, #tpu.memory_space<vmem>>, vector<128x128xf32>
      tpu.vector_store %arg5[%swap3A_636, %swap3A_637], %select_n3A_635 {strides = array<i32>} : memref<128x8192xf32, #tpu.memory_space<vmem>>, vector<128x128xf32>,
      %lt3A_639 = arith.cmpf olt, %select_n3A_635, %select_n3A_621 : vector<128x128xf32>
      %select_n3A_640 = arith.select %lt3A_639, %select_n3A_635, %select_n3A_621 : vector<128x128xi1>, vector<128x128xf32>
      %jit3A_641 = arith.constant 30 : i32
      %broadcast_in_dim3A_642 = vector.broadcast %jit3A_641 : i32 to vector<128x128xi32>
      %select_n3A_643 = arith.select %lt3A_639, %broadcast_in_dim3A_642, %select_n3A_624 : vector<128x128xi1>, vector<128x128xi32>
      %get3A_644 = arith.constant 0 : index
      %get3A_645 = arith.constant 3968 : index
      %get3A_646 = vector.load %arg5[%get3A_644, %get3A_645] : memref<128x8192xf32, #tpu.memory_space<vmem>>, vector<128x128xf32>
      %sub3A_647 = arith.constant 3968 : i32
      %sub3A_648 = vector.broadcast %sub3A_647 : i32 to vector<128x1xi32>
      %sub3A_649 = arith.subi %scan3A_54, %sub3A_648 : vector<128x1xi32>
      %eq3A_650 = vector.broadcast %iota3A : vector<1x128xi32> to vector<128x128xi32>
      %eq3A_651 = vector.broadcast %sub3A_649 : vector<128x1xi32> to vector<128x128xi32>
      %eq3A_652 = arith.cmpi eq, %eq3A_650, %eq3A_651 : vector<128x128xi32>
      %broadcast_in_dim3A_653 = vector.broadcast %scan3A : f32 to vector<128x128xf32>
      %select_n3A_654 = arith.select %eq3A_652, %broadcast_in_dim3A_653, %get3A_646 : vector<128x128xi1>, vector<128x128xf32>
      %swap3A_655 = arith.constant 0 : index
      %swap3A_656 = arith.constant 3968 : index
      %swap3A_657 = vector.load %arg5[%swap3A_655, %swap3A_656] : memref<128x8192xf32, #tpu.memory_space<vmem>>, vector<128x128xf32>
      tpu.vector_store %arg5[%swap3A_655, %swap3A_656], %select_n3A_654 {strides = array<i32>} : memref<128x8192xf32, #tpu.memory_space<vmem>>, vector<128x128xf32>,
      %lt3A_658 = arith.cmpf olt, %select_n3A_654, %select_n3A_640 : vector<128x128xf32>
      %select_n3A_659 = arith.select %lt3A_658, %select_n3A_654, %select_n3A_640 : vector<128x128xi1>, vector<128x128xf32>
      %jit3A_660 = arith.constant 31 : i32
      %broadcast_in_dim3A_661 = vector.broadcast %jit3A_660 : i32 to vector<128x128xi32>
      %select_n3A_662 = arith.select %lt3A_658, %broadcast_in_dim3A_661, %select_n3A_643 : vector<128x128xi1>, vector<128x128xi32>
      %get3A_663 = arith.constant 0 : index
      %get3A_664 = arith.constant 4096 : index
      %get3A_665 = vector.load %arg5[%get3A_663, %get3A_664] : memref<128x8192xf32, #tpu.memory_space<vmem>>, vector<128x128xf32>
      %sub3A_666 = arith.constant 4096 : i32
      %sub3A_667 = vector.broadcast %sub3A_666 : i32 to vector<128x1xi32>
      %sub3A_668 = arith.subi %scan3A_54, %sub3A_667 : vector<128x1xi32>
      %eq3A_669 = vector.broadcast %iota3A : vector<1x128xi32> to vector<128x128xi32>
      %eq3A_670 = vector.broadcast %sub3A_668 : vector<128x1xi32> to vector<128x128xi32>
      %eq3A_671 = arith.cmpi eq, %eq3A_669, %eq3A_670 : vector<128x128xi32>
      %broadcast_in_dim3A_672 = vector.broadcast %scan3A : f32 to vector<128x128xf32>
      %select_n3A_673 = arith.select %eq3A_671, %broadcast_in_dim3A_672, %get3A_665 : vector<128x128xi1>, vector<128x128xf32>
      %swap3A_674 = arith.constant 0 : index
      %swap3A_675 = arith.constant 4096 : index
      %swap3A_676 = vector.load %arg5[%swap3A_674, %swap3A_675] : memref<128x8192xf32, #tpu.memory_space<vmem>>, vector<128x128xf32>
      tpu.vector_store %arg5[%swap3A_674, %swap3A_675], %select_n3A_673 {strides = array<i32>} : memref<128x8192xf32, #tpu.memory_space<vmem>>, vector<128x128xf32>,
      %lt3A_677 = arith.cmpf olt, %select_n3A_673, %select_n3A_659 : vector<128x128xf32>
      %select_n3A_678 = arith.select %lt3A_677, %select_n3A_673, %select_n3A_659 : vector<128x128xi1>, vector<128x128xf32>
      %jit3A_679 = arith.constant 32 : i32
      %broadcast_in_dim3A_680 = vector.broadcast %jit3A_679 : i32 to vector<128x128xi32>
      %select_n3A_681 = arith.select %lt3A_677, %broadcast_in_dim3A_680, %select_n3A_662 : vector<128x128xi1>, vector<128x128xi32>
      %get3A_682 = arith.constant 0 : index
      %get3A_683 = arith.constant 4224 : index
      %get3A_684 = vector.load %arg5[%get3A_682, %get3A_683] : memref<128x8192xf32, #tpu.memory_space<vmem>>, vector<128x128xf32>
      %sub3A_685 = arith.constant 4224 : i32
      %sub3A_686 = vector.broadcast %sub3A_685 : i32 to vector<128x1xi32>
      %sub3A_687 = arith.subi %scan3A_54, %sub3A_686 : vector<128x1xi32>
      %eq3A_688 = vector.broadcast %iota3A : vector<1x128xi32> to vector<128x128xi32>
      %eq3A_689 = vector.broadcast %sub3A_687 : vector<128x1xi32> to vector<128x128xi32>
      %eq3A_690 = arith.cmpi eq, %eq3A_688, %eq3A_689 : vector<128x128xi32>
      %broadcast_in_dim3A_691 = vector.broadcast %scan3A : f32 to vector<128x128xf32>
      %select_n3A_692 = arith.select %eq3A_690, %broadcast_in_dim3A_691, %get3A_684 : vector<128x128xi1>, vector<128x128xf32>
      %swap3A_693 = arith.constant 0 : index
      %swap3A_694 = arith.constant 4224 : index
      %swap3A_695 = vector.load %arg5[%swap3A_693, %swap3A_694] : memref<128x8192xf32, #tpu.memory_space<vmem>>, vector<128x128xf32>
      tpu.vector_store %arg5[%swap3A_693, %swap3A_694], %select_n3A_692 {strides = array<i32>} : memref<128x8192xf32, #tpu.memory_space<vmem>>, vector<128x128xf32>,
      %lt3A_696 = arith.cmpf olt, %select_n3A_692, %select_n3A_678 : vector<128x128xf32>
      %select_n3A_697 = arith.select %lt3A_696, %select_n3A_692, %select_n3A_678 : vector<128x128xi1>, vector<128x128xf32>
      %jit3A_698 = arith.constant 33 : i32
      %broadcast_in_dim3A_699 = vector.broadcast %jit3A_698 : i32 to vector<128x128xi32>
      %select_n3A_700 = arith.select %lt3A_696, %broadcast_in_dim3A_699, %select_n3A_681 : vector<128x128xi1>, vector<128x128xi32>
      %get3A_701 = arith.constant 0 : index
      %get3A_702 = arith.constant 4352 : index
      %get3A_703 = vector.load %arg5[%get3A_701, %get3A_702] : memref<128x8192xf32, #tpu.memory_space<vmem>>, vector<128x128xf32>
      %sub3A_704 = arith.constant 4352 : i32
      %sub3A_705 = vector.broadcast %sub3A_704 : i32 to vector<128x1xi32>
      %sub3A_706 = arith.subi %scan3A_54, %sub3A_705 : vector<128x1xi32>
      %eq3A_707 = vector.broadcast %iota3A : vector<1x128xi32> to vector<128x128xi32>
      %eq3A_708 = vector.broadcast %sub3A_706 : vector<128x1xi32> to vector<128x128xi32>
      %eq3A_709 = arith.cmpi eq, %eq3A_707, %eq3A_708 : vector<128x128xi32>
      %broadcast_in_dim3A_710 = vector.broadcast %scan3A : f32 to vector<128x128xf32>
      %select_n3A_711 = arith.select %eq3A_709, %broadcast_in_dim3A_710, %get3A_703 : vector<128x128xi1>, vector<128x128xf32>
      %swap3A_712 = arith.constant 0 : index
      %swap3A_713 = arith.constant 4352 : index
      %swap3A_714 = vector.load %arg5[%swap3A_712, %swap3A_713] : memref<128x8192xf32, #tpu.memory_space<vmem>>, vector<128x128xf32>
      tpu.vector_store %arg5[%swap3A_712, %swap3A_713], %select_n3A_711 {strides = array<i32>} : memref<128x8192xf32, #tpu.memory_space<vmem>>, vector<128x128xf32>,
      %lt3A_715 = arith.cmpf olt, %select_n3A_711, %select_n3A_697 : vector<128x128xf32>
      %select_n3A_716 = arith.select %lt3A_715, %select_n3A_711, %select_n3A_697 : vector<128x128xi1>, vector<128x128xf32>
      %jit3A_717 = arith.constant 34 : i32
      %broadcast_in_dim3A_718 = vector.broadcast %jit3A_717 : i32 to vector<128x128xi32>
      %select_n3A_719 = arith.select %lt3A_715, %broadcast_in_dim3A_718, %select_n3A_700 : vector<128x128xi1>, vector<128x128xi32>
      %get3A_720 = arith.constant 0 : index
      %get3A_721 = arith.constant 4480 : index
      %get3A_722 = vector.load %arg5[%get3A_720, %get3A_721] : memref<128x8192xf32, #tpu.memory_space<vmem>>, vector<128x128xf32>
      %sub3A_723 = arith.constant 4480 : i32
      %sub3A_724 = vector.broadcast %sub3A_723 : i32 to vector<128x1xi32>
      %sub3A_725 = arith.subi %scan3A_54, %sub3A_724 : vector<128x1xi32>
      %eq3A_726 = vector.broadcast %iota3A : vector<1x128xi32> to vector<128x128xi32>
      %eq3A_727 = vector.broadcast %sub3A_725 : vector<128x1xi32> to vector<128x128xi32>
      %eq3A_728 = arith.cmpi eq, %eq3A_726, %eq3A_727 : vector<128x128xi32>
      %broadcast_in_dim3A_729 = vector.broadcast %scan3A : f32 to vector<128x128xf32>
      %select_n3A_730 = arith.select %eq3A_728, %broadcast_in_dim3A_729, %get3A_722 : vector<128x128xi1>, vector<128x128xf32>
      %swap3A_731 = arith.constant 0 : index
      %swap3A_732 = arith.constant 4480 : index
      %swap3A_733 = vector.load %arg5[%swap3A_731, %swap3A_732] : memref<128x8192xf32, #tpu.memory_space<vmem>>, vector<128x128xf32>
      tpu.vector_store %arg5[%swap3A_731, %swap3A_732], %select_n3A_730 {strides = array<i32>} : memref<128x8192xf32, #tpu.memory_space<vmem>>, vector<128x128xf32>,
      %lt3A_734 = arith.cmpf olt, %select_n3A_730, %select_n3A_716 : vector<128x128xf32>
      %select_n3A_735 = arith.select %lt3A_734, %select_n3A_730, %select_n3A_716 : vector<128x128xi1>, vector<128x128xf32>
      %jit3A_736 = arith.constant 35 : i32
      %broadcast_in_dim3A_737 = vector.broadcast %jit3A_736 : i32 to vector<128x128xi32>
      %select_n3A_738 = arith.select %lt3A_734, %broadcast_in_dim3A_737, %select_n3A_719 : vector<128x128xi1>, vector<128x128xi32>
      %get3A_739 = arith.constant 0 : index
      %get3A_740 = arith.constant 4608 : index
      %get3A_741 = vector.load %arg5[%get3A_739, %get3A_740] : memref<128x8192xf32, #tpu.memory_space<vmem>>, vector<128x128xf32>
      %sub3A_742 = arith.constant 4608 : i32
      %sub3A_743 = vector.broadcast %sub3A_742 : i32 to vector<128x1xi32>
      %sub3A_744 = arith.subi %scan3A_54, %sub3A_743 : vector<128x1xi32>
      %eq3A_745 = vector.broadcast %iota3A : vector<1x128xi32> to vector<128x128xi32>
      %eq3A_746 = vector.broadcast %sub3A_744 : vector<128x1xi32> to vector<128x128xi32>
      %eq3A_747 = arith.cmpi eq, %eq3A_745, %eq3A_746 : vector<128x128xi32>
      %broadcast_in_dim3A_748 = vector.broadcast %scan3A : f32 to vector<128x128xf32>
      %select_n3A_749 = arith.select %eq3A_747, %broadcast_in_dim3A_748, %get3A_741 : vector<128x128xi1>, vector<128x128xf32>
      %swap3A_750 = arith.constant 0 : index
      %swap3A_751 = arith.constant 4608 : index
      %swap3A_752 = vector.load %arg5[%swap3A_750, %swap3A_751] : memref<128x8192xf32, #tpu.memory_space<vmem>>, vector<128x128xf32>
      tpu.vector_store %arg5[%swap3A_750, %swap3A_751], %select_n3A_749 {strides = array<i32>} : memref<128x8192xf32, #tpu.memory_space<vmem>>, vector<128x128xf32>,
      %lt3A_753 = arith.cmpf olt, %select_n3A_749, %select_n3A_735 : vector<128x128xf32>
      %select_n3A_754 = arith.select %lt3A_753, %select_n3A_749, %select_n3A_735 : vector<128x128xi1>, vector<128x128xf32>
      %jit3A_755 = arith.constant 36 : i32
      %broadcast_in_dim3A_756 = vector.broadcast %jit3A_755 : i32 to vector<128x128xi32>
      %select_n3A_757 = arith.select %lt3A_753, %broadcast_in_dim3A_756, %select_n3A_738 : vector<128x128xi1>, vector<128x128xi32>
      %get3A_758 = arith.constant 0 : index
      %get3A_759 = arith.constant 4736 : index
      %get3A_760 = vector.load %arg5[%get3A_758, %get3A_759] : memref<128x8192xf32, #tpu.memory_space<vmem>>, vector<128x128xf32>
      %sub3A_761 = arith.constant 4736 : i32
      %sub3A_762 = vector.broadcast %sub3A_761 : i32 to vector<128x1xi32>
      %sub3A_763 = arith.subi %scan3A_54, %sub3A_762 : vector<128x1xi32>
      %eq3A_764 = vector.broadcast %iota3A : vector<1x128xi32> to vector<128x128xi32>
      %eq3A_765 = vector.broadcast %sub3A_763 : vector<128x1xi32> to vector<128x128xi32>
      %eq3A_766 = arith.cmpi eq, %eq3A_764, %eq3A_765 : vector<128x128xi32>
      %broadcast_in_dim3A_767 = vector.broadcast %scan3A : f32 to vector<128x128xf32>
      %select_n3A_768 = arith.select %eq3A_766, %broadcast_in_dim3A_767, %get3A_760 : vector<128x128xi1>, vector<128x128xf32>
      %swap3A_769 = arith.constant 0 : index
      %swap3A_770 = arith.constant 4736 : index
      %swap3A_771 = vector.load %arg5[%swap3A_769, %swap3A_770] : memref<128x8192xf32, #tpu.memory_space<vmem>>, vector<128x128xf32>
      tpu.vector_store %arg5[%swap3A_769, %swap3A_770], %select_n3A_768 {strides = array<i32>} : memref<128x8192xf32, #tpu.memory_space<vmem>>, vector<128x128xf32>,
      %lt3A_772 = arith.cmpf olt, %select_n3A_768, %select_n3A_754 : vector<128x128xf32>
      %select_n3A_773 = arith.select %lt3A_772, %select_n3A_768, %select_n3A_754 : vector<128x128xi1>, vector<128x128xf32>
      %jit3A_774 = arith.constant 37 : i32
      %broadcast_in_dim3A_775 = vector.broadcast %jit3A_774 : i32 to vector<128x128xi32>
      %select_n3A_776 = arith.select %lt3A_772, %broadcast_in_dim3A_775, %select_n3A_757 : vector<128x128xi1>, vector<128x128xi32>
      %get3A_777 = arith.constant 0 : index
      %get3A_778 = arith.constant 4864 : index
      %get3A_779 = vector.load %arg5[%get3A_777, %get3A_778] : memref<128x8192xf32, #tpu.memory_space<vmem>>, vector<128x128xf32>
      %sub3A_780 = arith.constant 4864 : i32
      %sub3A_781 = vector.broadcast %sub3A_780 : i32 to vector<128x1xi32>
      %sub3A_782 = arith.subi %scan3A_54, %sub3A_781 : vector<128x1xi32>
      %eq3A_783 = vector.broadcast %iota3A : vector<1x128xi32> to vector<128x128xi32>
      %eq3A_784 = vector.broadcast %sub3A_782 : vector<128x1xi32> to vector<128x128xi32>
      %eq3A_785 = arith.cmpi eq, %eq3A_783, %eq3A_784 : vector<128x128xi32>
      %broadcast_in_dim3A_786 = vector.broadcast %scan3A : f32 to vector<128x128xf32>
      %select_n3A_787 = arith.select %eq3A_785, %broadcast_in_dim3A_786, %get3A_779 : vector<128x128xi1>, vector<128x128xf32>
      %swap3A_788 = arith.constant 0 : index
      %swap3A_789 = arith.constant 4864 : index
      %swap3A_790 = vector.load %arg5[%swap3A_788, %swap3A_789] : memref<128x8192xf32, #tpu.memory_space<vmem>>, vector<128x128xf32>
      tpu.vector_store %arg5[%swap3A_788, %swap3A_789], %select_n3A_787 {strides = array<i32>} : memref<128x8192xf32, #tpu.memory_space<vmem>>, vector<128x128xf32>,
      %lt3A_791 = arith.cmpf olt, %select_n3A_787, %select_n3A_773 : vector<128x128xf32>
      %select_n3A_792 = arith.select %lt3A_791, %select_n3A_787, %select_n3A_773 : vector<128x128xi1>, vector<128x128xf32>
      %jit3A_793 = arith.constant 38 : i32
      %broadcast_in_dim3A_794 = vector.broadcast %jit3A_793 : i32 to vector<128x128xi32>
      %select_n3A_795 = arith.select %lt3A_791, %broadcast_in_dim3A_794, %select_n3A_776 : vector<128x128xi1>, vector<128x128xi32>
      %get3A_796 = arith.constant 0 : index
      %get3A_797 = arith.constant 4992 : index
      %get3A_798 = vector.load %arg5[%get3A_796, %get3A_797] : memref<128x8192xf32, #tpu.memory_space<vmem>>, vector<128x128xf32>
      %sub3A_799 = arith.constant 4992 : i32
      %sub3A_800 = vector.broadcast %sub3A_799 : i32 to vector<128x1xi32>
      %sub3A_801 = arith.subi %scan3A_54, %sub3A_800 : vector<128x1xi32>
      %eq3A_802 = vector.broadcast %iota3A : vector<1x128xi32> to vector<128x128xi32>
      %eq3A_803 = vector.broadcast %sub3A_801 : vector<128x1xi32> to vector<128x128xi32>
      %eq3A_804 = arith.cmpi eq, %eq3A_802, %eq3A_803 : vector<128x128xi32>
      %broadcast_in_dim3A_805 = vector.broadcast %scan3A : f32 to vector<128x128xf32>
      %select_n3A_806 = arith.select %eq3A_804, %broadcast_in_dim3A_805, %get3A_798 : vector<128x128xi1>, vector<128x128xf32>
      %swap3A_807 = arith.constant 0 : index
      %swap3A_808 = arith.constant 4992 : index
      %swap3A_809 = vector.load %arg5[%swap3A_807, %swap3A_808] : memref<128x8192xf32, #tpu.memory_space<vmem>>, vector<128x128xf32>
      tpu.vector_store %arg5[%swap3A_807, %swap3A_808], %select_n3A_806 {strides = array<i32>} : memref<128x8192xf32, #tpu.memory_space<vmem>>, vector<128x128xf32>,
      %lt3A_810 = arith.cmpf olt, %select_n3A_806, %select_n3A_792 : vector<128x128xf32>
      %select_n3A_811 = arith.select %lt3A_810, %select_n3A_806, %select_n3A_792 : vector<128x128xi1>, vector<128x128xf32>
      %jit3A_812 = arith.constant 39 : i32
      %broadcast_in_dim3A_813 = vector.broadcast %jit3A_812 : i32 to vector<128x128xi32>
      %select_n3A_814 = arith.select %lt3A_810, %broadcast_in_dim3A_813, %select_n3A_795 : vector<128x128xi1>, vector<128x128xi32>
      %get3A_815 = arith.constant 0 : index
      %get3A_816 = arith.constant 5120 : index
      %get3A_817 = vector.load %arg5[%get3A_815, %get3A_816] : memref<128x8192xf32, #tpu.memory_space<vmem>>, vector<128x128xf32>
      %sub3A_818 = arith.constant 5120 : i32
      %sub3A_819 = vector.broadcast %sub3A_818 : i32 to vector<128x1xi32>
      %sub3A_820 = arith.subi %scan3A_54, %sub3A_819 : vector<128x1xi32>
      %eq3A_821 = vector.broadcast %iota3A : vector<1x128xi32> to vector<128x128xi32>
      %eq3A_822 = vector.broadcast %sub3A_820 : vector<128x1xi32> to vector<128x128xi32>
      %eq3A_823 = arith.cmpi eq, %eq3A_821, %eq3A_822 : vector<128x128xi32>
      %broadcast_in_dim3A_824 = vector.broadcast %scan3A : f32 to vector<128x128xf32>
      %select_n3A_825 = arith.select %eq3A_823, %broadcast_in_dim3A_824, %get3A_817 : vector<128x128xi1>, vector<128x128xf32>
      %swap3A_826 = arith.constant 0 : index
      %swap3A_827 = arith.constant 5120 : index
      %swap3A_828 = vector.load %arg5[%swap3A_826, %swap3A_827] : memref<128x8192xf32, #tpu.memory_space<vmem>>, vector<128x128xf32>
      tpu.vector_store %arg5[%swap3A_826, %swap3A_827], %select_n3A_825 {strides = array<i32>} : memref<128x8192xf32, #tpu.memory_space<vmem>>, vector<128x128xf32>,
      %lt3A_829 = arith.cmpf olt, %select_n3A_825, %select_n3A_811 : vector<128x128xf32>
      %select_n3A_830 = arith.select %lt3A_829, %select_n3A_825, %select_n3A_811 : vector<128x128xi1>, vector<128x128xf32>
      %jit3A_831 = arith.constant 40 : i32
      %broadcast_in_dim3A_832 = vector.broadcast %jit3A_831 : i32 to vector<128x128xi32>
      %select_n3A_833 = arith.select %lt3A_829, %broadcast_in_dim3A_832, %select_n3A_814 : vector<128x128xi1>, vector<128x128xi32>
      %get3A_834 = arith.constant 0 : index
      %get3A_835 = arith.constant 5248 : index
      %get3A_836 = vector.load %arg5[%get3A_834, %get3A_835] : memref<128x8192xf32, #tpu.memory_space<vmem>>, vector<128x128xf32>
      %sub3A_837 = arith.constant 5248 : i32
      %sub3A_838 = vector.broadcast %sub3A_837 : i32 to vector<128x1xi32>
      %sub3A_839 = arith.subi %scan3A_54, %sub3A_838 : vector<128x1xi32>
      %eq3A_840 = vector.broadcast %iota3A : vector<1x128xi32> to vector<128x128xi32>
      %eq3A_841 = vector.broadcast %sub3A_839 : vector<128x1xi32> to vector<128x128xi32>
      %eq3A_842 = arith.cmpi eq, %eq3A_840, %eq3A_841 : vector<128x128xi32>
      %broadcast_in_dim3A_843 = vector.broadcast %scan3A : f32 to vector<128x128xf32>
      %select_n3A_844 = arith.select %eq3A_842, %broadcast_in_dim3A_843, %get3A_836 : vector<128x128xi1>, vector<128x128xf32>
      %swap3A_845 = arith.constant 0 : index
      %swap3A_846 = arith.constant 5248 : index
      %swap3A_847 = vector.load %arg5[%swap3A_845, %swap3A_846] : memref<128x8192xf32, #tpu.memory_space<vmem>>, vector<128x128xf32>
      tpu.vector_store %arg5[%swap3A_845, %swap3A_846], %select_n3A_844 {strides = array<i32>} : memref<128x8192xf32, #tpu.memory_space<vmem>>, vector<128x128xf32>,
      %lt3A_848 = arith.cmpf olt, %select_n3A_844, %select_n3A_830 : vector<128x128xf32>
      %select_n3A_849 = arith.select %lt3A_848, %select_n3A_844, %select_n3A_830 : vector<128x128xi1>, vector<128x128xf32>
      %jit3A_850 = arith.constant 41 : i32
      %broadcast_in_dim3A_851 = vector.broadcast %jit3A_850 : i32 to vector<128x128xi32>
      %select_n3A_852 = arith.select %lt3A_848, %broadcast_in_dim3A_851, %select_n3A_833 : vector<128x128xi1>, vector<128x128xi32>
      %get3A_853 = arith.constant 0 : index
      %get3A_854 = arith.constant 5376 : index
      %get3A_855 = vector.load %arg5[%get3A_853, %get3A_854] : memref<128x8192xf32, #tpu.memory_space<vmem>>, vector<128x128xf32>
      %sub3A_856 = arith.constant 5376 : i32
      %sub3A_857 = vector.broadcast %sub3A_856 : i32 to vector<128x1xi32>
      %sub3A_858 = arith.subi %scan3A_54, %sub3A_857 : vector<128x1xi32>
      %eq3A_859 = vector.broadcast %iota3A : vector<1x128xi32> to vector<128x128xi32>
      %eq3A_860 = vector.broadcast %sub3A_858 : vector<128x1xi32> to vector<128x128xi32>
      %eq3A_861 = arith.cmpi eq, %eq3A_859, %eq3A_860 : vector<128x128xi32>
      %broadcast_in_dim3A_862 = vector.broadcast %scan3A : f32 to vector<128x128xf32>
      %select_n3A_863 = arith.select %eq3A_861, %broadcast_in_dim3A_862, %get3A_855 : vector<128x128xi1>, vector<128x128xf32>
      %swap3A_864 = arith.constant 0 : index
      %swap3A_865 = arith.constant 5376 : index
      %swap3A_866 = vector.load %arg5[%swap3A_864, %swap3A_865] : memref<128x8192xf32, #tpu.memory_space<vmem>>, vector<128x128xf32>
      tpu.vector_store %arg5[%swap3A_864, %swap3A_865], %select_n3A_863 {strides = array<i32>} : memref<128x8192xf32, #tpu.memory_space<vmem>>, vector<128x128xf32>,
      %lt3A_867 = arith.cmpf olt, %select_n3A_863, %select_n3A_849 : vector<128x128xf32>
      %select_n3A_868 = arith.select %lt3A_867, %select_n3A_863, %select_n3A_849 : vector<128x128xi1>, vector<128x128xf32>
      %jit3A_869 = arith.constant 42 : i32
      %broadcast_in_dim3A_870 = vector.broadcast %jit3A_869 : i32 to vector<128x128xi32>
      %select_n3A_871 = arith.select %lt3A_867, %broadcast_in_dim3A_870, %select_n3A_852 : vector<128x128xi1>, vector<128x128xi32>
      %get3A_872 = arith.constant 0 : index
      %get3A_873 = arith.constant 5504 : index
      %get3A_874 = vector.load %arg5[%get3A_872, %get3A_873] : memref<128x8192xf32, #tpu.memory_space<vmem>>, vector<128x128xf32>
      %sub3A_875 = arith.constant 5504 : i32
      %sub3A_876 = vector.broadcast %sub3A_875 : i32 to vector<128x1xi32>
      %sub3A_877 = arith.subi %scan3A_54, %sub3A_876 : vector<128x1xi32>
      %eq3A_878 = vector.broadcast %iota3A : vector<1x128xi32> to vector<128x128xi32>
      %eq3A_879 = vector.broadcast %sub3A_877 : vector<128x1xi32> to vector<128x128xi32>
      %eq3A_880 = arith.cmpi eq, %eq3A_878, %eq3A_879 : vector<128x128xi32>
      %broadcast_in_dim3A_881 = vector.broadcast %scan3A : f32 to vector<128x128xf32>
      %select_n3A_882 = arith.select %eq3A_880, %broadcast_in_dim3A_881, %get3A_874 : vector<128x128xi1>, vector<128x128xf32>
      %swap3A_883 = arith.constant 0 : index
      %swap3A_884 = arith.constant 5504 : index
      %swap3A_885 = vector.load %arg5[%swap3A_883, %swap3A_884] : memref<128x8192xf32, #tpu.memory_space<vmem>>, vector<128x128xf32>
      tpu.vector_store %arg5[%swap3A_883, %swap3A_884], %select_n3A_882 {strides = array<i32>} : memref<128x8192xf32, #tpu.memory_space<vmem>>, vector<128x128xf32>,
      %lt3A_886 = arith.cmpf olt, %select_n3A_882, %select_n3A_868 : vector<128x128xf32>
      %select_n3A_887 = arith.select %lt3A_886, %select_n3A_882, %select_n3A_868 : vector<128x128xi1>, vector<128x128xf32>
      %jit3A_888 = arith.constant 43 : i32
      %broadcast_in_dim3A_889 = vector.broadcast %jit3A_888 : i32 to vector<128x128xi32>
      %select_n3A_890 = arith.select %lt3A_886, %broadcast_in_dim3A_889, %select_n3A_871 : vector<128x128xi1>, vector<128x128xi32>
      %get3A_891 = arith.constant 0 : index
      %get3A_892 = arith.constant 5632 : index
      %get3A_893 = vector.load %arg5[%get3A_891, %get3A_892] : memref<128x8192xf32, #tpu.memory_space<vmem>>, vector<128x128xf32>
      %sub3A_894 = arith.constant 5632 : i32
      %sub3A_895 = vector.broadcast %sub3A_894 : i32 to vector<128x1xi32>
      %sub3A_896 = arith.subi %scan3A_54, %sub3A_895 : vector<128x1xi32>
      %eq3A_897 = vector.broadcast %iota3A : vector<1x128xi32> to vector<128x128xi32>
      %eq3A_898 = vector.broadcast %sub3A_896 : vector<128x1xi32> to vector<128x128xi32>
      %eq3A_899 = arith.cmpi eq, %eq3A_897, %eq3A_898 : vector<128x128xi32>
      %broadcast_in_dim3A_900 = vector.broadcast %scan3A : f32 to vector<128x128xf32>
      %select_n3A_901 = arith.select %eq3A_899, %broadcast_in_dim3A_900, %get3A_893 : vector<128x128xi1>, vector<128x128xf32>
      %swap3A_902 = arith.constant 0 : index
      %swap3A_903 = arith.constant 5632 : index
      %swap3A_904 = vector.load %arg5[%swap3A_902, %swap3A_903] : memref<128x8192xf32, #tpu.memory_space<vmem>>, vector<128x128xf32>
      tpu.vector_store %arg5[%swap3A_902, %swap3A_903], %select_n3A_901 {strides = array<i32>} : memref<128x8192xf32, #tpu.memory_space<vmem>>, vector<128x128xf32>,
      %lt3A_905 = arith.cmpf olt, %select_n3A_901, %select_n3A_887 : vector<128x128xf32>
      %select_n3A_906 = arith.select %lt3A_905, %select_n3A_901, %select_n3A_887 : vector<128x128xi1>, vector<128x128xf32>
      %jit3A_907 = arith.constant 44 : i32
      %broadcast_in_dim3A_908 = vector.broadcast %jit3A_907 : i32 to vector<128x128xi32>
      %select_n3A_909 = arith.select %lt3A_905, %broadcast_in_dim3A_908, %select_n3A_890 : vector<128x128xi1>, vector<128x128xi32>
      %get3A_910 = arith.constant 0 : index
      %get3A_911 = arith.constant 5760 : index
      %get3A_912 = vector.load %arg5[%get3A_910, %get3A_911] : memref<128x8192xf32, #tpu.memory_space<vmem>>, vector<128x128xf32>
      %sub3A_913 = arith.constant 5760 : i32
      %sub3A_914 = vector.broadcast %sub3A_913 : i32 to vector<128x1xi32>
      %sub3A_915 = arith.subi %scan3A_54, %sub3A_914 : vector<128x1xi32>
      %eq3A_916 = vector.broadcast %iota3A : vector<1x128xi32> to vector<128x128xi32>
      %eq3A_917 = vector.broadcast %sub3A_915 : vector<128x1xi32> to vector<128x128xi32>
      %eq3A_918 = arith.cmpi eq, %eq3A_916, %eq3A_917 : vector<128x128xi32>
      %broadcast_in_dim3A_919 = vector.broadcast %scan3A : f32 to vector<128x128xf32>
      %select_n3A_920 = arith.select %eq3A_918, %broadcast_in_dim3A_919, %get3A_912 : vector<128x128xi1>, vector<128x128xf32>
      %swap3A_921 = arith.constant 0 : index
      %swap3A_922 = arith.constant 5760 : index
      %swap3A_923 = vector.load %arg5[%swap3A_921, %swap3A_922] : memref<128x8192xf32, #tpu.memory_space<vmem>>, vector<128x128xf32>
      tpu.vector_store %arg5[%swap3A_921, %swap3A_922], %select_n3A_920 {strides = array<i32>} : memref<128x8192xf32, #tpu.memory_space<vmem>>, vector<128x128xf32>,
      %lt3A_924 = arith.cmpf olt, %select_n3A_920, %select_n3A_906 : vector<128x128xf32>
      %select_n3A_925 = arith.select %lt3A_924, %select_n3A_920, %select_n3A_906 : vector<128x128xi1>, vector<128x128xf32>
      %jit3A_926 = arith.constant 45 : i32
      %broadcast_in_dim3A_927 = vector.broadcast %jit3A_926 : i32 to vector<128x128xi32>
      %select_n3A_928 = arith.select %lt3A_924, %broadcast_in_dim3A_927, %select_n3A_909 : vector<128x128xi1>, vector<128x128xi32>
      %get3A_929 = arith.constant 0 : index
      %get3A_930 = arith.constant 5888 : index
      %get3A_931 = vector.load %arg5[%get3A_929, %get3A_930] : memref<128x8192xf32, #tpu.memory_space<vmem>>, vector<128x128xf32>
      %sub3A_932 = arith.constant 5888 : i32
      %sub3A_933 = vector.broadcast %sub3A_932 : i32 to vector<128x1xi32>
      %sub3A_934 = arith.subi %scan3A_54, %sub3A_933 : vector<128x1xi32>
      %eq3A_935 = vector.broadcast %iota3A : vector<1x128xi32> to vector<128x128xi32>
      %eq3A_936 = vector.broadcast %sub3A_934 : vector<128x1xi32> to vector<128x128xi32>
      %eq3A_937 = arith.cmpi eq, %eq3A_935, %eq3A_936 : vector<128x128xi32>
      %broadcast_in_dim3A_938 = vector.broadcast %scan3A : f32 to vector<128x128xf32>
      %select_n3A_939 = arith.select %eq3A_937, %broadcast_in_dim3A_938, %get3A_931 : vector<128x128xi1>, vector<128x128xf32>
      %swap3A_940 = arith.constant 0 : index
      %swap3A_941 = arith.constant 5888 : index
      %swap3A_942 = vector.load %arg5[%swap3A_940, %swap3A_941] : memref<128x8192xf32, #tpu.memory_space<vmem>>, vector<128x128xf32>
      tpu.vector_store %arg5[%swap3A_940, %swap3A_941], %select_n3A_939 {strides = array<i32>} : memref<128x8192xf32, #tpu.memory_space<vmem>>, vector<128x128xf32>,
      %lt3A_943 = arith.cmpf olt, %select_n3A_939, %select_n3A_925 : vector<128x128xf32>
      %select_n3A_944 = arith.select %lt3A_943, %select_n3A_939, %select_n3A_925 : vector<128x128xi1>, vector<128x128xf32>
      %jit3A_945 = arith.constant 46 : i32
      %broadcast_in_dim3A_946 = vector.broadcast %jit3A_945 : i32 to vector<128x128xi32>
      %select_n3A_947 = arith.select %lt3A_943, %broadcast_in_dim3A_946, %select_n3A_928 : vector<128x128xi1>, vector<128x128xi32>
      %get3A_948 = arith.constant 0 : index
      %get3A_949 = arith.constant 6016 : index
      %get3A_950 = vector.load %arg5[%get3A_948, %get3A_949] : memref<128x8192xf32, #tpu.memory_space<vmem>>, vector<128x128xf32>
      %sub3A_951 = arith.constant 6016 : i32
      %sub3A_952 = vector.broadcast %sub3A_951 : i32 to vector<128x1xi32>
      %sub3A_953 = arith.subi %scan3A_54, %sub3A_952 : vector<128x1xi32>
      %eq3A_954 = vector.broadcast %iota3A : vector<1x128xi32> to vector<128x128xi32>
      %eq3A_955 = vector.broadcast %sub3A_953 : vector<128x1xi32> to vector<128x128xi32>
      %eq3A_956 = arith.cmpi eq, %eq3A_954, %eq3A_955 : vector<128x128xi32>
      %broadcast_in_dim3A_957 = vector.broadcast %scan3A : f32 to vector<128x128xf32>
      %select_n3A_958 = arith.select %eq3A_956, %broadcast_in_dim3A_957, %get3A_950 : vector<128x128xi1>, vector<128x128xf32>
      %swap3A_959 = arith.constant 0 : index
      %swap3A_960 = arith.constant 6016 : index
      %swap3A_961 = vector.load %arg5[%swap3A_959, %swap3A_960] : memref<128x8192xf32, #tpu.memory_space<vmem>>, vector<128x128xf32>
      tpu.vector_store %arg5[%swap3A_959, %swap3A_960], %select_n3A_958 {strides = array<i32>} : memref<128x8192xf32, #tpu.memory_space<vmem>>, vector<128x128xf32>,
      %lt3A_962 = arith.cmpf olt, %select_n3A_958, %select_n3A_944 : vector<128x128xf32>
      %select_n3A_963 = arith.select %lt3A_962, %select_n3A_958, %select_n3A_944 : vector<128x128xi1>, vector<128x128xf32>
      %jit3A_964 = arith.constant 47 : i32
      %broadcast_in_dim3A_965 = vector.broadcast %jit3A_964 : i32 to vector<128x128xi32>
      %select_n3A_966 = arith.select %lt3A_962, %broadcast_in_dim3A_965, %select_n3A_947 : vector<128x128xi1>, vector<128x128xi32>
      %get3A_967 = arith.constant 0 : index
      %get3A_968 = arith.constant 6144 : index
      %get3A_969 = vector.load %arg5[%get3A_967, %get3A_968] : memref<128x8192xf32, #tpu.memory_space<vmem>>, vector<128x128xf32>
      %sub3A_970 = arith.constant 6144 : i32
      %sub3A_971 = vector.broadcast %sub3A_970 : i32 to vector<128x1xi32>
      %sub3A_972 = arith.subi %scan3A_54, %sub3A_971 : vector<128x1xi32>
      %eq3A_973 = vector.broadcast %iota3A : vector<1x128xi32> to vector<128x128xi32>
      %eq3A_974 = vector.broadcast %sub3A_972 : vector<128x1xi32> to vector<128x128xi32>
      %eq3A_975 = arith.cmpi eq, %eq3A_973, %eq3A_974 : vector<128x128xi32>
      %broadcast_in_dim3A_976 = vector.broadcast %scan3A : f32 to vector<128x128xf32>
      %select_n3A_977 = arith.select %eq3A_975, %broadcast_in_dim3A_976, %get3A_969 : vector<128x128xi1>, vector<128x128xf32>
      %swap3A_978 = arith.constant 0 : index
      %swap3A_979 = arith.constant 6144 : index
      %swap3A_980 = vector.load %arg5[%swap3A_978, %swap3A_979] : memref<128x8192xf32, #tpu.memory_space<vmem>>, vector<128x128xf32>
      tpu.vector_store %arg5[%swap3A_978, %swap3A_979], %select_n3A_977 {strides = array<i32>} : memref<128x8192xf32, #tpu.memory_space<vmem>>, vector<128x128xf32>,
      %lt3A_981 = arith.cmpf olt, %select_n3A_977, %select_n3A_963 : vector<128x128xf32>
      %select_n3A_982 = arith.select %lt3A_981, %select_n3A_977, %select_n3A_963 : vector<128x128xi1>, vector<128x128xf32>
      %jit3A_983 = arith.constant 48 : i32
      %broadcast_in_dim3A_984 = vector.broadcast %jit3A_983 : i32 to vector<128x128xi32>
      %select_n3A_985 = arith.select %lt3A_981, %broadcast_in_dim3A_984, %select_n3A_966 : vector<128x128xi1>, vector<128x128xi32>
      %get3A_986 = arith.constant 0 : index
      %get3A_987 = arith.constant 6272 : index
      %get3A_988 = vector.load %arg5[%get3A_986, %get3A_987] : memref<128x8192xf32, #tpu.memory_space<vmem>>, vector<128x128xf32>
      %sub3A_989 = arith.constant 6272 : i32
      %sub3A_990 = vector.broadcast %sub3A_989 : i32 to vector<128x1xi32>
      %sub3A_991 = arith.subi %scan3A_54, %sub3A_990 : vector<128x1xi32>
      %eq3A_992 = vector.broadcast %iota3A : vector<1x128xi32> to vector<128x128xi32>
      %eq3A_993 = vector.broadcast %sub3A_991 : vector<128x1xi32> to vector<128x128xi32>
      %eq3A_994 = arith.cmpi eq, %eq3A_992, %eq3A_993 : vector<128x128xi32>
      %broadcast_in_dim3A_995 = vector.broadcast %scan3A : f32 to vector<128x128xf32>
      %select_n3A_996 = arith.select %eq3A_994, %broadcast_in_dim3A_995, %get3A_988 : vector<128x128xi1>, vector<128x128xf32>
      %swap3A_997 = arith.constant 0 : index
      %swap3A_998 = arith.constant 6272 : index
      %swap3A_999 = vector.load %arg5[%swap3A_997, %swap3A_998] : memref<128x8192xf32, #tpu.memory_space<vmem>>, vector<128x128xf32>
      tpu.vector_store %arg5[%swap3A_997, %swap3A_998], %select_n3A_996 {strides = array<i32>} : memref<128x8192xf32, #tpu.memory_space<vmem>>, vector<128x128xf32>,
      %lt3A_1000 = arith.cmpf olt, %select_n3A_996, %select_n3A_982 : vector<128x128xf32>
      %select_n3A_1001 = arith.select %lt3A_1000, %select_n3A_996, %select_n3A_982 : vector<128x128xi1>, vector<128x128xf32>
      %jit3A_1002 = arith.constant 49 : i32
      %broadcast_in_dim3A_1003 = vector.broadcast %jit3A_1002 : i32 to vector<128x128xi32>
      %select_n3A_1004 = arith.select %lt3A_1000, %broadcast_in_dim3A_1003, %select_n3A_985 : vector<128x128xi1>, vector<128x128xi32>
      %get3A_1005 = arith.constant 0 : index
      %get3A_1006 = arith.constant 6400 : index
      %get3A_1007 = vector.load %arg5[%get3A_1005, %get3A_1006] : memref<128x8192xf32, #tpu.memory_space<vmem>>, vector<128x128xf32>
      %sub3A_1008 = arith.constant 6400 : i32
      %sub3A_1009 = vector.broadcast %sub3A_1008 : i32 to vector<128x1xi32>
      %sub3A_1010 = arith.subi %scan3A_54, %sub3A_1009 : vector<128x1xi32>
      %eq3A_1011 = vector.broadcast %iota3A : vector<1x128xi32> to vector<128x128xi32>
      %eq3A_1012 = vector.broadcast %sub3A_1010 : vector<128x1xi32> to vector<128x128xi32>
      %eq3A_1013 = arith.cmpi eq, %eq3A_1011, %eq3A_1012 : vector<128x128xi32>
      %broadcast_in_dim3A_1014 = vector.broadcast %scan3A : f32 to vector<128x128xf32>
      %select_n3A_1015 = arith.select %eq3A_1013, %broadcast_in_dim3A_1014, %get3A_1007 : vector<128x128xi1>, vector<128x128xf32>
      %swap3A_1016 = arith.constant 0 : index
      %swap3A_1017 = arith.constant 6400 : index
      %swap3A_1018 = vector.load %arg5[%swap3A_1016, %swap3A_1017] : memref<128x8192xf32, #tpu.memory_space<vmem>>, vector<128x128xf32>
      tpu.vector_store %arg5[%swap3A_1016, %swap3A_1017], %select_n3A_1015 {strides = array<i32>} : memref<128x8192xf32, #tpu.memory_space<vmem>>, vector<128x128xf32>,
      %lt3A_1019 = arith.cmpf olt, %select_n3A_1015, %select_n3A_1001 : vector<128x128xf32>
      %select_n3A_1020 = arith.select %lt3A_1019, %select_n3A_1015, %select_n3A_1001 : vector<128x128xi1>, vector<128x128xf32>
      %jit3A_1021 = arith.constant 50 : i32
      %broadcast_in_dim3A_1022 = vector.broadcast %jit3A_1021 : i32 to vector<128x128xi32>
      %select_n3A_1023 = arith.select %lt3A_1019, %broadcast_in_dim3A_1022, %select_n3A_1004 : vector<128x128xi1>, vector<128x128xi32>
      %get3A_1024 = arith.constant 0 : index
      %get3A_1025 = arith.constant 6528 : index
      %get3A_1026 = vector.load %arg5[%get3A_1024, %get3A_1025] : memref<128x8192xf32, #tpu.memory_space<vmem>>, vector<128x128xf32>
      %sub3A_1027 = arith.constant 6528 : i32
      %sub3A_1028 = vector.broadcast %sub3A_1027 : i32 to vector<128x1xi32>
      %sub3A_1029 = arith.subi %scan3A_54, %sub3A_1028 : vector<128x1xi32>
      %eq3A_1030 = vector.broadcast %iota3A : vector<1x128xi32> to vector<128x128xi32>
      %eq3A_1031 = vector.broadcast %sub3A_1029 : vector<128x1xi32> to vector<128x128xi32>
      %eq3A_1032 = arith.cmpi eq, %eq3A_1030, %eq3A_1031 : vector<128x128xi32>
      %broadcast_in_dim3A_1033 = vector.broadcast %scan3A : f32 to vector<128x128xf32>
      %select_n3A_1034 = arith.select %eq3A_1032, %broadcast_in_dim3A_1033, %get3A_1026 : vector<128x128xi1>, vector<128x128xf32>
      %swap3A_1035 = arith.constant 0 : index
      %swap3A_1036 = arith.constant 6528 : index
      %swap3A_1037 = vector.load %arg5[%swap3A_1035, %swap3A_1036] : memref<128x8192xf32, #tpu.memory_space<vmem>>, vector<128x128xf32>
      tpu.vector_store %arg5[%swap3A_1035, %swap3A_1036], %select_n3A_1034 {strides = array<i32>} : memref<128x8192xf32, #tpu.memory_space<vmem>>, vector<128x128xf32>,
      %lt3A_1038 = arith.cmpf olt, %select_n3A_1034, %select_n3A_1020 : vector<128x128xf32>
      %select_n3A_1039 = arith.select %lt3A_1038, %select_n3A_1034, %select_n3A_1020 : vector<128x128xi1>, vector<128x128xf32>
      %jit3A_1040 = arith.constant 51 : i32
      %broadcast_in_dim3A_1041 = vector.broadcast %jit3A_1040 : i32 to vector<128x128xi32>
      %select_n3A_1042 = arith.select %lt3A_1038, %broadcast_in_dim3A_1041, %select_n3A_1023 : vector<128x128xi1>, vector<128x128xi32>
      %get3A_1043 = arith.constant 0 : index
      %get3A_1044 = arith.constant 6656 : index
      %get3A_1045 = vector.load %arg5[%get3A_1043, %get3A_1044] : memref<128x8192xf32, #tpu.memory_space<vmem>>, vector<128x128xf32>
      %sub3A_1046 = arith.constant 6656 : i32
      %sub3A_1047 = vector.broadcast %sub3A_1046 : i32 to vector<128x1xi32>
      %sub3A_1048 = arith.subi %scan3A_54, %sub3A_1047 : vector<128x1xi32>
      %eq3A_1049 = vector.broadcast %iota3A : vector<1x128xi32> to vector<128x128xi32>
      %eq3A_1050 = vector.broadcast %sub3A_1048 : vector<128x1xi32> to vector<128x128xi32>
      %eq3A_1051 = arith.cmpi eq, %eq3A_1049, %eq3A_1050 : vector<128x128xi32>
      %broadcast_in_dim3A_1052 = vector.broadcast %scan3A : f32 to vector<128x128xf32>
      %select_n3A_1053 = arith.select %eq3A_1051, %broadcast_in_dim3A_1052, %get3A_1045 : vector<128x128xi1>, vector<128x128xf32>
      %swap3A_1054 = arith.constant 0 : index
      %swap3A_1055 = arith.constant 6656 : index
      %swap3A_1056 = vector.load %arg5[%swap3A_1054, %swap3A_1055] : memref<128x8192xf32, #tpu.memory_space<vmem>>, vector<128x128xf32>
      tpu.vector_store %arg5[%swap3A_1054, %swap3A_1055], %select_n3A_1053 {strides = array<i32>} : memref<128x8192xf32, #tpu.memory_space<vmem>>, vector<128x128xf32>,
      %lt3A_1057 = arith.cmpf olt, %select_n3A_1053, %select_n3A_1039 : vector<128x128xf32>
      %select_n3A_1058 = arith.select %lt3A_1057, %select_n3A_1053, %select_n3A_1039 : vector<128x128xi1>, vector<128x128xf32>
      %jit3A_1059 = arith.constant 52 : i32
      %broadcast_in_dim3A_1060 = vector.broadcast %jit3A_1059 : i32 to vector<128x128xi32>
      %select_n3A_1061 = arith.select %lt3A_1057, %broadcast_in_dim3A_1060, %select_n3A_1042 : vector<128x128xi1>, vector<128x128xi32>
      %get3A_1062 = arith.constant 0 : index
      %get3A_1063 = arith.constant 6784 : index
      %get3A_1064 = vector.load %arg5[%get3A_1062, %get3A_1063] : memref<128x8192xf32, #tpu.memory_space<vmem>>, vector<128x128xf32>
      %sub3A_1065 = arith.constant 6784 : i32
      %sub3A_1066 = vector.broadcast %sub3A_1065 : i32 to vector<128x1xi32>
      %sub3A_1067 = arith.subi %scan3A_54, %sub3A_1066 : vector<128x1xi32>
      %eq3A_1068 = vector.broadcast %iota3A : vector<1x128xi32> to vector<128x128xi32>
      %eq3A_1069 = vector.broadcast %sub3A_1067 : vector<128x1xi32> to vector<128x128xi32>
      %eq3A_1070 = arith.cmpi eq, %eq3A_1068, %eq3A_1069 : vector<128x128xi32>
      %broadcast_in_dim3A_1071 = vector.broadcast %scan3A : f32 to vector<128x128xf32>
      %select_n3A_1072 = arith.select %eq3A_1070, %broadcast_in_dim3A_1071, %get3A_1064 : vector<128x128xi1>, vector<128x128xf32>
      %swap3A_1073 = arith.constant 0 : index
      %swap3A_1074 = arith.constant 6784 : index
      %swap3A_1075 = vector.load %arg5[%swap3A_1073, %swap3A_1074] : memref<128x8192xf32, #tpu.memory_space<vmem>>, vector<128x128xf32>
      tpu.vector_store %arg5[%swap3A_1073, %swap3A_1074], %select_n3A_1072 {strides = array<i32>} : memref<128x8192xf32, #tpu.memory_space<vmem>>, vector<128x128xf32>,
      %lt3A_1076 = arith.cmpf olt, %select_n3A_1072, %select_n3A_1058 : vector<128x128xf32>
      %select_n3A_1077 = arith.select %lt3A_1076, %select_n3A_1072, %select_n3A_1058 : vector<128x128xi1>, vector<128x128xf32>
      %jit3A_1078 = arith.constant 53 : i32
      %broadcast_in_dim3A_1079 = vector.broadcast %jit3A_1078 : i32 to vector<128x128xi32>
      %select_n3A_1080 = arith.select %lt3A_1076, %broadcast_in_dim3A_1079, %select_n3A_1061 : vector<128x128xi1>, vector<128x128xi32>
      %get3A_1081 = arith.constant 0 : index
      %get3A_1082 = arith.constant 6912 : index
      %get3A_1083 = vector.load %arg5[%get3A_1081, %get3A_1082] : memref<128x8192xf32, #tpu.memory_space<vmem>>, vector<128x128xf32>
      %sub3A_1084 = arith.constant 6912 : i32
      %sub3A_1085 = vector.broadcast %sub3A_1084 : i32 to vector<128x1xi32>
      %sub3A_1086 = arith.subi %scan3A_54, %sub3A_1085 : vector<128x1xi32>
      %eq3A_1087 = vector.broadcast %iota3A : vector<1x128xi32> to vector<128x128xi32>
      %eq3A_1088 = vector.broadcast %sub3A_1086 : vector<128x1xi32> to vector<128x128xi32>
      %eq3A_1089 = arith.cmpi eq, %eq3A_1087, %eq3A_1088 : vector<128x128xi32>
      %broadcast_in_dim3A_1090 = vector.broadcast %scan3A : f32 to vector<128x128xf32>
      %select_n3A_1091 = arith.select %eq3A_1089, %broadcast_in_dim3A_1090, %get3A_1083 : vector<128x128xi1>, vector<128x128xf32>
      %swap3A_1092 = arith.constant 0 : index
      %swap3A_1093 = arith.constant 6912 : index
      %swap3A_1094 = vector.load %arg5[%swap3A_1092, %swap3A_1093] : memref<128x8192xf32, #tpu.memory_space<vmem>>, vector<128x128xf32>
      tpu.vector_store %arg5[%swap3A_1092, %swap3A_1093], %select_n3A_1091 {strides = array<i32>} : memref<128x8192xf32, #tpu.memory_space<vmem>>, vector<128x128xf32>,
      %lt3A_1095 = arith.cmpf olt, %select_n3A_1091, %select_n3A_1077 : vector<128x128xf32>
      %select_n3A_1096 = arith.select %lt3A_1095, %select_n3A_1091, %select_n3A_1077 : vector<128x128xi1>, vector<128x128xf32>
      %jit3A_1097 = arith.constant 54 : i32
      %broadcast_in_dim3A_1098 = vector.broadcast %jit3A_1097 : i32 to vector<128x128xi32>
      %select_n3A_1099 = arith.select %lt3A_1095, %broadcast_in_dim3A_1098, %select_n3A_1080 : vector<128x128xi1>, vector<128x128xi32>
      %get3A_1100 = arith.constant 0 : index
      %get3A_1101 = arith.constant 7040 : index
      %get3A_1102 = vector.load %arg5[%get3A_1100, %get3A_1101] : memref<128x8192xf32, #tpu.memory_space<vmem>>, vector<128x128xf32>
      %sub3A_1103 = arith.constant 7040 : i32
      %sub3A_1104 = vector.broadcast %sub3A_1103 : i32 to vector<128x1xi32>
      %sub3A_1105 = arith.subi %scan3A_54, %sub3A_1104 : vector<128x1xi32>
      %eq3A_1106 = vector.broadcast %iota3A : vector<1x128xi32> to vector<128x128xi32>
      %eq3A_1107 = vector.broadcast %sub3A_1105 : vector<128x1xi32> to vector<128x128xi32>
      %eq3A_1108 = arith.cmpi eq, %eq3A_1106, %eq3A_1107 : vector<128x128xi32>
      %broadcast_in_dim3A_1109 = vector.broadcast %scan3A : f32 to vector<128x128xf32>
      %select_n3A_1110 = arith.select %eq3A_1108, %broadcast_in_dim3A_1109, %get3A_1102 : vector<128x128xi1>, vector<128x128xf32>
      %swap3A_1111 = arith.constant 0 : index
      %swap3A_1112 = arith.constant 7040 : index
      %swap3A_1113 = vector.load %arg5[%swap3A_1111, %swap3A_1112] : memref<128x8192xf32, #tpu.memory_space<vmem>>, vector<128x128xf32>
      tpu.vector_store %arg5[%swap3A_1111, %swap3A_1112], %select_n3A_1110 {strides = array<i32>} : memref<128x8192xf32, #tpu.memory_space<vmem>>, vector<128x128xf32>,
      %lt3A_1114 = arith.cmpf olt, %select_n3A_1110, %select_n3A_1096 : vector<128x128xf32>
      %select_n3A_1115 = arith.select %lt3A_1114, %select_n3A_1110, %select_n3A_1096 : vector<128x128xi1>, vector<128x128xf32>
      %jit3A_1116 = arith.constant 55 : i32
      %broadcast_in_dim3A_1117 = vector.broadcast %jit3A_1116 : i32 to vector<128x128xi32>
      %select_n3A_1118 = arith.select %lt3A_1114, %broadcast_in_dim3A_1117, %select_n3A_1099 : vector<128x128xi1>, vector<128x128xi32>
      %get3A_1119 = arith.constant 0 : index
      %get3A_1120 = arith.constant 7168 : index
      %get3A_1121 = vector.load %arg5[%get3A_1119, %get3A_1120] : memref<128x8192xf32, #tpu.memory_space<vmem>>, vector<128x128xf32>
      %sub3A_1122 = arith.constant 7168 : i32
      %sub3A_1123 = vector.broadcast %sub3A_1122 : i32 to vector<128x1xi32>
      %sub3A_1124 = arith.subi %scan3A_54, %sub3A_1123 : vector<128x1xi32>
      %eq3A_1125 = vector.broadcast %iota3A : vector<1x128xi32> to vector<128x128xi32>
      %eq3A_1126 = vector.broadcast %sub3A_1124 : vector<128x1xi32> to vector<128x128xi32>
      %eq3A_1127 = arith.cmpi eq, %eq3A_1125, %eq3A_1126 : vector<128x128xi32>
      %broadcast_in_dim3A_1128 = vector.broadcast %scan3A : f32 to vector<128x128xf32>
      %select_n3A_1129 = arith.select %eq3A_1127, %broadcast_in_dim3A_1128, %get3A_1121 : vector<128x128xi1>, vector<128x128xf32>
      %swap3A_1130 = arith.constant 0 : index
      %swap3A_1131 = arith.constant 7168 : index
      %swap3A_1132 = vector.load %arg5[%swap3A_1130, %swap3A_1131] : memref<128x8192xf32, #tpu.memory_space<vmem>>, vector<128x128xf32>
      tpu.vector_store %arg5[%swap3A_1130, %swap3A_1131], %select_n3A_1129 {strides = array<i32>} : memref<128x8192xf32, #tpu.memory_space<vmem>>, vector<128x128xf32>,
      %lt3A_1133 = arith.cmpf olt, %select_n3A_1129, %select_n3A_1115 : vector<128x128xf32>
      %select_n3A_1134 = arith.select %lt3A_1133, %select_n3A_1129, %select_n3A_1115 : vector<128x128xi1>, vector<128x128xf32>
      %jit3A_1135 = arith.constant 56 : i32
      %broadcast_in_dim3A_1136 = vector.broadcast %jit3A_1135 : i32 to vector<128x128xi32>
      %select_n3A_1137 = arith.select %lt3A_1133, %broadcast_in_dim3A_1136, %select_n3A_1118 : vector<128x128xi1>, vector<128x128xi32>
      %get3A_1138 = arith.constant 0 : index
      %get3A_1139 = arith.constant 7296 : index
      %get3A_1140 = vector.load %arg5[%get3A_1138, %get3A_1139] : memref<128x8192xf32, #tpu.memory_space<vmem>>, vector<128x128xf32>
      %sub3A_1141 = arith.constant 7296 : i32
      %sub3A_1142 = vector.broadcast %sub3A_1141 : i32 to vector<128x1xi32>
      %sub3A_1143 = arith.subi %scan3A_54, %sub3A_1142 : vector<128x1xi32>
      %eq3A_1144 = vector.broadcast %iota3A : vector<1x128xi32> to vector<128x128xi32>
      %eq3A_1145 = vector.broadcast %sub3A_1143 : vector<128x1xi32> to vector<128x128xi32>
      %eq3A_1146 = arith.cmpi eq, %eq3A_1144, %eq3A_1145 : vector<128x128xi32>
      %broadcast_in_dim3A_1147 = vector.broadcast %scan3A : f32 to vector<128x128xf32>
      %select_n3A_1148 = arith.select %eq3A_1146, %broadcast_in_dim3A_1147, %get3A_1140 : vector<128x128xi1>, vector<128x128xf32>
      %swap3A_1149 = arith.constant 0 : index
      %swap3A_1150 = arith.constant 7296 : index
      %swap3A_1151 = vector.load %arg5[%swap3A_1149, %swap3A_1150] : memref<128x8192xf32, #tpu.memory_space<vmem>>, vector<128x128xf32>
      tpu.vector_store %arg5[%swap3A_1149, %swap3A_1150], %select_n3A_1148 {strides = array<i32>} : memref<128x8192xf32, #tpu.memory_space<vmem>>, vector<128x128xf32>,
      %lt3A_1152 = arith.cmpf olt, %select_n3A_1148, %select_n3A_1134 : vector<128x128xf32>
      %select_n3A_1153 = arith.select %lt3A_1152, %select_n3A_1148, %select_n3A_1134 : vector<128x128xi1>, vector<128x128xf32>
      %jit3A_1154 = arith.constant 57 : i32
      %broadcast_in_dim3A_1155 = vector.broadcast %jit3A_1154 : i32 to vector<128x128xi32>
      %select_n3A_1156 = arith.select %lt3A_1152, %broadcast_in_dim3A_1155, %select_n3A_1137 : vector<128x128xi1>, vector<128x128xi32>
      %get3A_1157 = arith.constant 0 : index
      %get3A_1158 = arith.constant 7424 : index
      %get3A_1159 = vector.load %arg5[%get3A_1157, %get3A_1158] : memref<128x8192xf32, #tpu.memory_space<vmem>>, vector<128x128xf32>
      %sub3A_1160 = arith.constant 7424 : i32
      %sub3A_1161 = vector.broadcast %sub3A_1160 : i32 to vector<128x1xi32>
      %sub3A_1162 = arith.subi %scan3A_54, %sub3A_1161 : vector<128x1xi32>
      %eq3A_1163 = vector.broadcast %iota3A : vector<1x128xi32> to vector<128x128xi32>
      %eq3A_1164 = vector.broadcast %sub3A_1162 : vector<128x1xi32> to vector<128x128xi32>
      %eq3A_1165 = arith.cmpi eq, %eq3A_1163, %eq3A_1164 : vector<128x128xi32>
      %broadcast_in_dim3A_1166 = vector.broadcast %scan3A : f32 to vector<128x128xf32>
      %select_n3A_1167 = arith.select %eq3A_1165, %broadcast_in_dim3A_1166, %get3A_1159 : vector<128x128xi1>, vector<128x128xf32>
      %swap3A_1168 = arith.constant 0 : index
      %swap3A_1169 = arith.constant 7424 : index
      %swap3A_1170 = vector.load %arg5[%swap3A_1168, %swap3A_1169] : memref<128x8192xf32, #tpu.memory_space<vmem>>, vector<128x128xf32>
      tpu.vector_store %arg5[%swap3A_1168, %swap3A_1169], %select_n3A_1167 {strides = array<i32>} : memref<128x8192xf32, #tpu.memory_space<vmem>>, vector<128x128xf32>,
      %lt3A_1171 = arith.cmpf olt, %select_n3A_1167, %select_n3A_1153 : vector<128x128xf32>
      %select_n3A_1172 = arith.select %lt3A_1171, %select_n3A_1167, %select_n3A_1153 : vector<128x128xi1>, vector<128x128xf32>
      %jit3A_1173 = arith.constant 58 : i32
      %broadcast_in_dim3A_1174 = vector.broadcast %jit3A_1173 : i32 to vector<128x128xi32>
      %select_n3A_1175 = arith.select %lt3A_1171, %broadcast_in_dim3A_1174, %select_n3A_1156 : vector<128x128xi1>, vector<128x128xi32>
      %get3A_1176 = arith.constant 0 : index
      %get3A_1177 = arith.constant 7552 : index
      %get3A_1178 = vector.load %arg5[%get3A_1176, %get3A_1177] : memref<128x8192xf32, #tpu.memory_space<vmem>>, vector<128x128xf32>
      %sub3A_1179 = arith.constant 7552 : i32
      %sub3A_1180 = vector.broadcast %sub3A_1179 : i32 to vector<128x1xi32>
      %sub3A_1181 = arith.subi %scan3A_54, %sub3A_1180 : vector<128x1xi32>
      %eq3A_1182 = vector.broadcast %iota3A : vector<1x128xi32> to vector<128x128xi32>
      %eq3A_1183 = vector.broadcast %sub3A_1181 : vector<128x1xi32> to vector<128x128xi32>
      %eq3A_1184 = arith.cmpi eq, %eq3A_1182, %eq3A_1183 : vector<128x128xi32>
      %broadcast_in_dim3A_1185 = vector.broadcast %scan3A : f32 to vector<128x128xf32>
      %select_n3A_1186 = arith.select %eq3A_1184, %broadcast_in_dim3A_1185, %get3A_1178 : vector<128x128xi1>, vector<128x128xf32>
      %swap3A_1187 = arith.constant 0 : index
      %swap3A_1188 = arith.constant 7552 : index
      %swap3A_1189 = vector.load %arg5[%swap3A_1187, %swap3A_1188] : memref<128x8192xf32, #tpu.memory_space<vmem>>, vector<128x128xf32>
      tpu.vector_store %arg5[%swap3A_1187, %swap3A_1188], %select_n3A_1186 {strides = array<i32>} : memref<128x8192xf32, #tpu.memory_space<vmem>>, vector<128x128xf32>,
      %lt3A_1190 = arith.cmpf olt, %select_n3A_1186, %select_n3A_1172 : vector<128x128xf32>
      %select_n3A_1191 = arith.select %lt3A_1190, %select_n3A_1186, %select_n3A_1172 : vector<128x128xi1>, vector<128x128xf32>
      %jit3A_1192 = arith.constant 59 : i32
      %broadcast_in_dim3A_1193 = vector.broadcast %jit3A_1192 : i32 to vector<128x128xi32>
      %select_n3A_1194 = arith.select %lt3A_1190, %broadcast_in_dim3A_1193, %select_n3A_1175 : vector<128x128xi1>, vector<128x128xi32>
      %get3A_1195 = arith.constant 0 : index
      %get3A_1196 = arith.constant 7680 : index
      %get3A_1197 = vector.load %arg5[%get3A_1195, %get3A_1196] : memref<128x8192xf32, #tpu.memory_space<vmem>>, vector<128x128xf32>
      %sub3A_1198 = arith.constant 7680 : i32
      %sub3A_1199 = vector.broadcast %sub3A_1198 : i32 to vector<128x1xi32>
      %sub3A_1200 = arith.subi %scan3A_54, %sub3A_1199 : vector<128x1xi32>
      %eq3A_1201 = vector.broadcast %iota3A : vector<1x128xi32> to vector<128x128xi32>
      %eq3A_1202 = vector.broadcast %sub3A_1200 : vector<128x1xi32> to vector<128x128xi32>
      %eq3A_1203 = arith.cmpi eq, %eq3A_1201, %eq3A_1202 : vector<128x128xi32>
      %broadcast_in_dim3A_1204 = vector.broadcast %scan3A : f32 to vector<128x128xf32>
      %select_n3A_1205 = arith.select %eq3A_1203, %broadcast_in_dim3A_1204, %get3A_1197 : vector<128x128xi1>, vector<128x128xf32>
      %swap3A_1206 = arith.constant 0 : index
      %swap3A_1207 = arith.constant 7680 : index
      %swap3A_1208 = vector.load %arg5[%swap3A_1206, %swap3A_1207] : memref<128x8192xf32, #tpu.memory_space<vmem>>, vector<128x128xf32>
      tpu.vector_store %arg5[%swap3A_1206, %swap3A_1207], %select_n3A_1205 {strides = array<i32>} : memref<128x8192xf32, #tpu.memory_space<vmem>>, vector<128x128xf32>,
      %lt3A_1209 = arith.cmpf olt, %select_n3A_1205, %select_n3A_1191 : vector<128x128xf32>
      %select_n3A_1210 = arith.select %lt3A_1209, %select_n3A_1205, %select_n3A_1191 : vector<128x128xi1>, vector<128x128xf32>
      %jit3A_1211 = arith.constant 60 : i32
      %broadcast_in_dim3A_1212 = vector.broadcast %jit3A_1211 : i32 to vector<128x128xi32>
      %select_n3A_1213 = arith.select %lt3A_1209, %broadcast_in_dim3A_1212, %select_n3A_1194 : vector<128x128xi1>, vector<128x128xi32>
      %get3A_1214 = arith.constant 0 : index
      %get3A_1215 = arith.constant 7808 : index
      %get3A_1216 = vector.load %arg5[%get3A_1214, %get3A_1215] : memref<128x8192xf32, #tpu.memory_space<vmem>>, vector<128x128xf32>
      %sub3A_1217 = arith.constant 7808 : i32
      %sub3A_1218 = vector.broadcast %sub3A_1217 : i32 to vector<128x1xi32>
      %sub3A_1219 = arith.subi %scan3A_54, %sub3A_1218 : vector<128x1xi32>
      %eq3A_1220 = vector.broadcast %iota3A : vector<1x128xi32> to vector<128x128xi32>
      %eq3A_1221 = vector.broadcast %sub3A_1219 : vector<128x1xi32> to vector<128x128xi32>
      %eq3A_1222 = arith.cmpi eq, %eq3A_1220, %eq3A_1221 : vector<128x128xi32>
      %broadcast_in_dim3A_1223 = vector.broadcast %scan3A : f32 to vector<128x128xf32>
      %select_n3A_1224 = arith.select %eq3A_1222, %broadcast_in_dim3A_1223, %get3A_1216 : vector<128x128xi1>, vector<128x128xf32>
      %swap3A_1225 = arith.constant 0 : index
      %swap3A_1226 = arith.constant 7808 : index
      %swap3A_1227 = vector.load %arg5[%swap3A_1225, %swap3A_1226] : memref<128x8192xf32, #tpu.memory_space<vmem>>, vector<128x128xf32>
      tpu.vector_store %arg5[%swap3A_1225, %swap3A_1226], %select_n3A_1224 {strides = array<i32>} : memref<128x8192xf32, #tpu.memory_space<vmem>>, vector<128x128xf32>,
      %lt3A_1228 = arith.cmpf olt, %select_n3A_1224, %select_n3A_1210 : vector<128x128xf32>
      %select_n3A_1229 = arith.select %lt3A_1228, %select_n3A_1224, %select_n3A_1210 : vector<128x128xi1>, vector<128x128xf32>
      %jit3A_1230 = arith.constant 61 : i32
      %broadcast_in_dim3A_1231 = vector.broadcast %jit3A_1230 : i32 to vector<128x128xi32>
      %select_n3A_1232 = arith.select %lt3A_1228, %broadcast_in_dim3A_1231, %select_n3A_1213 : vector<128x128xi1>, vector<128x128xi32>
      %get3A_1233 = arith.constant 0 : index
      %get3A_1234 = arith.constant 7936 : index
      %get3A_1235 = vector.load %arg5[%get3A_1233, %get3A_1234] : memref<128x8192xf32, #tpu.memory_space<vmem>>, vector<128x128xf32>
      %sub3A_1236 = arith.constant 7936 : i32
      %sub3A_1237 = vector.broadcast %sub3A_1236 : i32 to vector<128x1xi32>
      %sub3A_1238 = arith.subi %scan3A_54, %sub3A_1237 : vector<128x1xi32>
      %eq3A_1239 = vector.broadcast %iota3A : vector<1x128xi32> to vector<128x128xi32>
      %eq3A_1240 = vector.broadcast %sub3A_1238 : vector<128x1xi32> to vector<128x128xi32>
      %eq3A_1241 = arith.cmpi eq, %eq3A_1239, %eq3A_1240 : vector<128x128xi32>
      %broadcast_in_dim3A_1242 = vector.broadcast %scan3A : f32 to vector<128x128xf32>
      %select_n3A_1243 = arith.select %eq3A_1241, %broadcast_in_dim3A_1242, %get3A_1235 : vector<128x128xi1>, vector<128x128xf32>
      %swap3A_1244 = arith.constant 0 : index
      %swap3A_1245 = arith.constant 7936 : index
      %swap3A_1246 = vector.load %arg5[%swap3A_1244, %swap3A_1245] : memref<128x8192xf32, #tpu.memory_space<vmem>>, vector<128x128xf32>
      tpu.vector_store %arg5[%swap3A_1244, %swap3A_1245], %select_n3A_1243 {strides = array<i32>} : memref<128x8192xf32, #tpu.memory_space<vmem>>, vector<128x128xf32>,
      %lt3A_1247 = arith.cmpf olt, %select_n3A_1243, %select_n3A_1229 : vector<128x128xf32>
      %select_n3A_1248 = arith.select %lt3A_1247, %select_n3A_1243, %select_n3A_1229 : vector<128x128xi1>, vector<128x128xf32>
      %jit3A_1249 = arith.constant 62 : i32
      %broadcast_in_dim3A_1250 = vector.broadcast %jit3A_1249 : i32 to vector<128x128xi32>
      %select_n3A_1251 = arith.select %lt3A_1247, %broadcast_in_dim3A_1250, %select_n3A_1232 : vector<128x128xi1>, vector<128x128xi32>
      %get3A_1252 = arith.constant 0 : index
      %get3A_1253 = arith.constant 8064 : index
      %get3A_1254 = vector.load %arg5[%get3A_1252, %get3A_1253] : memref<128x8192xf32, #tpu.memory_space<vmem>>, vector<128x128xf32>
      %sub3A_1255 = arith.constant 8064 : i32
      %sub3A_1256 = vector.broadcast %sub3A_1255 : i32 to vector<128x1xi32>
      %sub3A_1257 = arith.subi %scan3A_54, %sub3A_1256 : vector<128x1xi32>
      %eq3A_1258 = vector.broadcast %iota3A : vector<1x128xi32> to vector<128x128xi32>
      %eq3A_1259 = vector.broadcast %sub3A_1257 : vector<128x1xi32> to vector<128x128xi32>
      %eq3A_1260 = arith.cmpi eq, %eq3A_1258, %eq3A_1259 : vector<128x128xi32>
      %broadcast_in_dim3A_1261 = vector.broadcast %scan3A : f32 to vector<128x128xf32>
      %select_n3A_1262 = arith.select %eq3A_1260, %broadcast_in_dim3A_1261, %get3A_1254 : vector<128x128xi1>, vector<128x128xf32>
      %swap3A_1263 = arith.constant 0 : index
      %swap3A_1264 = arith.constant 8064 : index
      %swap3A_1265 = vector.load %arg5[%swap3A_1263, %swap3A_1264] : memref<128x8192xf32, #tpu.memory_space<vmem>>, vector<128x128xf32>
      tpu.vector_store %arg5[%swap3A_1263, %swap3A_1264], %select_n3A_1262 {strides = array<i32>} : memref<128x8192xf32, #tpu.memory_space<vmem>>, vector<128x128xf32>,
      %lt3A_1266 = arith.cmpf olt, %select_n3A_1262, %select_n3A_1248 : vector<128x128xf32>
      %select_n3A_1267 = arith.select %lt3A_1266, %select_n3A_1262, %select_n3A_1248 : vector<128x128xi1>, vector<128x128xf32>
      %jit3A_1268 = arith.constant 63 : i32
      %broadcast_in_dim3A_1269 = vector.broadcast %jit3A_1268 : i32 to vector<128x128xi32>
      %select_n3A_1270 = arith.select %lt3A_1266, %broadcast_in_dim3A_1269, %select_n3A_1251 : vector<128x128xi1>, vector<128x128xi32>
      %reduce_min3A = arith.constant dense<0x7F800000> : vector<128xf32>
      %reduce_min3A_1271 = vector.multi_reduction <minimumf>, %select_n3A_1267, %reduce_min3A [1] : vector<128x128xf32> to vector<128xf32>
      %broadcast_in_dim3A_1272 = vector.shape_cast %reduce_min3A_1271 : vector<128xf32> to vector<128x1xf32>
      %eq3A_1273 = vector.broadcast %broadcast_in_dim3A_1272 : vector<128x1xf32> to vector<128x128xf32>
      %eq3A_1274 = arith.cmpf oeq, %select_n3A_1267, %eq3A_1273 : vector<128x128xf32>
      %mul3A_1275 = arith.constant 128 : i32
      %mul3A_1276 = vector.broadcast %mul3A_1275 : i32 to vector<128x128xi32>
      %mul3A_1277 = arith.muli %select_n3A_1270, %mul3A_1276 : vector<128x128xi32>
      %add3A_1278 = vector.broadcast %iota3A : vector<1x128xi32> to vector<128x128xi32>
      %add3A_1279 = arith.addi %mul3A_1277, %add3A_1278 : vector<128x128xi32>
      %broadcast_in_dim3A_1280 = vector.broadcast %scan3A_36 : i32 to vector<128x128xi32>
      %select_n3A_1281 = arith.select %eq3A_1274, %add3A_1279, %broadcast_in_dim3A_1280 : vector<128x128xi1>, vector<128x128xi32>
      %reduce_min3A_1282 = arith.constant dense<2147483647> : vector<128xi32>
      %reduce_min3A_1283 = vector.multi_reduction <minsi>, %select_n3A_1281, %reduce_min3A_1282 [1] : vector<128x128xi32> to vector<128xi32>
      %broadcast_in_dim3A_1284 = vector.shape_cast %reduce_min3A_1283 : vector<128xi32> to vector<128x1xi32>
      %eq3A_1285 = vector.broadcast %scan3A_53 : i32 to vector<1x32xi32>
      %eq3A_1286 = arith.cmpi eq, %iota3A_32, %eq3A_1285 : vector<1x32xi32>
      %broadcast_in_dim3A_1287 = vector.shape_cast %eq3A_1286 : vector<1x32xi1> to vector<1x32xi1>
      %broadcast_in_dim3A_1288 = vector.broadcast %broadcast_in_dim3A_1287 : vector<1x32xi1> to vector<128x32xi1>
      %broadcast_in_dim3A_1289 = vector.shape_cast %broadcast_in_dim3A_1284 : vector<128x1xi32> to vector<128x1xi32>
      %broadcast_in_dim3A_1290 = vector.broadcast %broadcast_in_dim3A_1289 : vector<128x1xi32> to vector<128x32xi32>
      %select_n3A_1291 = arith.select %broadcast_in_dim3A_1288, %broadcast_in_dim3A_1290, %scan3A_55 : vector<128x32xi1>, vector<128x32xi32>
      scf.yield %broadcast_in_dim3A_1284, %select_n3A_1291 : vector<128x1xi32>, vector<128x32xi32>
    }
    %scan3A_42 = arith.constant 32 : i32
    %mul3A_43 = arith.constant 8192 : i32
    %mul3A_44 = arith.muli %arg0, %mul3A_43 : i32
    %add3A_45 = vector.broadcast %mul3A_44 : i32 to vector<128x32xi32>
    %add3A_46 = arith.addi %scan3A_41#1, %add3A_45 : vector<128x32xi32>
    %swap3A_47 = arith.constant 0 : index
    %swap3A_48 = arith.constant 0 : index
    %swap3A_49 = arith.constant 0 : index
    %swap3A_50 = vector.load %arg4[%swap3A_47, %swap3A_48, %swap3A_49] : memref<1x128x32xi32, #tpu.memory_space<vmem>>, vector<1x128x32xi32>
    %swap3A_51 = vector.shape_cast %swap3A_50 : vector<1x128x32xi32> to vector<128x32xi32>
    %swap3A_52 = vector.shape_cast %add3A_46 : vector<128x32xi32> to vector<1x128x32xi32>
    tpu.vector_store %arg4[%swap3A_47, %swap3A_48, %swap3A_49], %swap3A_52 {strides = array<i32>} : memref<1x128x32xi32, #tpu.memory_space<vmem>>, vector<1x128x32xi32>,
    return
  }
  func.func @transform_0(%arg0: i32, %arg1: i32) -> (i32, i32, i32) {
    %c0_i32 = arith.constant 0 : i32
    %c0_i32_0 = arith.constant 0 : i32
    return %arg0, %arg1, %c0_i32 : i32, i32, i32
  }
  func.func @transform_1(%arg0: i32, %arg1: i32) -> (i32, i32, i32) {
    %c0_i32 = arith.constant 0 : i32
    %c0_i32_0 = arith.constant 0 : i32
    %c0_i32_1 = arith.constant 0 : i32
    return %arg0, %c0_i32, %c0_i32_0 : i32, i32, i32
  }
  func.func @transform_2(%arg0: i32, %arg1: i32) -> (i32, i32, i32) {
    %c0_i32 = arith.constant 0 : i32
    %c0_i32_0 = arith.constant 0 : i32
    return %arg0, %arg1, %c0_i32 : i32, i32, i32
  }
}

module attributes {stable_mosaic.version = 14 : i64} {
  func.func @_mlp_body(%arg0: i32, %arg1: memref<4096x128xf32, #tpu.memory_space<vmem>>, %arg2: memref<128x128xf32, #tpu.memory_space<vmem>>, %arg3: memref<128x64xf32, #tpu.memory_space<vmem>>, %arg4: memref<1x64xf32, #tpu.memory_space<vmem>>, %arg5: memref<64x64xf32, #tpu.memory_space<vmem>>, %arg6: memref<1x64xf32, #tpu.memory_space<vmem>>, %arg7: memref<64x128xf32, #tpu.memory_space<vmem>>, %arg8: memref<1x128xf32, #tpu.memory_space<vmem>>, %arg9: memref<128x128xf32, #tpu.memory_space<vmem>>) attributes {dimension_semantics = [#tpu.dimension_semantics<arbitrary>], iteration_bounds = array<i64: 16>, scalar_prefetch = 0 : i64, scratch_operands = 0 : i64, tpu.core_type = #tpu.core_type<tc>, window_params = [{transform_indices = @transform_0, window_bounds = array<i64: 4096, 128>}, {transform_indices = @transform_1, window_bounds = array<i64: 128, 128>}, {pipeline_mode = #tpu.pipeline_mode<synchronous>, transform_indices = @transform_2, window_bounds = array<i64: 128, 64>}, {pipeline_mode = #tpu.pipeline_mode<synchronous>, transform_indices = @transform_3, window_bounds = array<i64: 1, 64>}, {pipeline_mode = #tpu.pipeline_mode<synchronous>, transform_indices = @transform_4, window_bounds = array<i64: 64, 64>}, {pipeline_mode = #tpu.pipeline_mode<synchronous>, transform_indices = @transform_5, window_bounds = array<i64: 1, 64>}, {pipeline_mode = #tpu.pipeline_mode<synchronous>, transform_indices = @transform_6, window_bounds = array<i64: 64, 128>}, {pipeline_mode = #tpu.pipeline_mode<synchronous>, transform_indices = @transform_7, window_bounds = array<i64: 1, 128>}, {transform_indices = @transform_8, window_bounds = array<i64: 128, 128>}]} {
    %get3A = arith.constant 0 : index
    %get3A_0 = arith.constant 0 : index
    %get3A_1 = vector.load %arg1[%get3A, %get3A_0] : memref<4096x128xf32, #tpu.memory_space<vmem>>, vector<4096x128xf32>
    %get3A_2 = arith.constant 0 : index
    %get3A_3 = arith.constant 0 : index
    %get3A_4 = vector.load %arg2[%get3A_2, %get3A_3] : memref<128x128xf32, #tpu.memory_space<vmem>>, vector<128x128xf32>
    %broadcast_in_dim3A = vector.shape_cast %get3A_4 : vector<128x128xf32> to vector<128x1x128xf32>
    %broadcast_in_dim3A_5 = vector.shape_cast %broadcast_in_dim3A : vector<128x1x128xf32> to vector<128x1x128xf32>
    %broadcast_in_dim3A_6 = vector.broadcast %broadcast_in_dim3A_5 : vector<128x1x128xf32> to vector<128x32x128xf32>
    %reshape3A = vector.shape_cast %broadcast_in_dim3A_6 : vector<128x32x128xf32> to vector<4096x128xf32>
    %sub3A = arith.subf %get3A_1, %reshape3A : vector<4096x128xf32>
    %get3A_7 = arith.constant 0 : index
    %get3A_8 = arith.constant 0 : index
    %get3A_9 = vector.load %arg3[%get3A_7, %get3A_8] : memref<128x64xf32, #tpu.memory_space<vmem>>, vector<128x64xf32>
    %dot_general3A = arith.constant dense<0.000000e+00> : vector<4096x64xf32>
    %dot_general3A_10 = tpu.matmul %sub3A, %get3A_9, %dot_general3A {dimension_numbers = #tpu.dot_dimension_numbers<[1], [0], [0], [1], [0, 0, 1, 1], [], []>, transpose_lhs_hint = false} : vector<4096x128xf32>, vector<128x64xf32>, vector<4096x64xf32> -> vector<4096x64xf32>
    %get3A_11 = arith.constant 0 : index
    %get3A_12 = arith.constant 0 : index
    %get3A_13 = vector.load %arg4[%get3A_11, %get3A_12] : memref<1x64xf32, #tpu.memory_space<vmem>>, vector<1x64xf32>
    %add3A = vector.broadcast %get3A_13 : vector<1x64xf32> to vector<4096x64xf32>
    %add3A_14 = arith.addf %dot_general3A_10, %add3A : vector<4096x64xf32>
    %max3A = arith.constant 0.000000e+00 : f32
    %max3A_15 = vector.broadcast %max3A : f32 to vector<4096x64xf32>
    %max3A_16 = arith.maximumf %add3A_14, %max3A_15 : vector<4096x64xf32>
    %get3A_17 = arith.constant 0 : index
    %get3A_18 = arith.constant 0 : index
    %get3A_19 = vector.load %arg5[%get3A_17, %get3A_18] : memref<64x64xf32, #tpu.memory_space<vmem>>, vector<64x64xf32>
    %dot_general3A_20 = arith.constant dense<0.000000e+00> : vector<4096x64xf32>
    %dot_general3A_21 = tpu.matmul %max3A_16, %get3A_19, %dot_general3A_20 {dimension_numbers = #tpu.dot_dimension_numbers<[1], [0], [0], [1], [0, 0, 1, 1], [], []>, transpose_lhs_hint = false} : vector<4096x64xf32>, vector<64x64xf32>, vector<4096x64xf32> -> vector<4096x64xf32>
    %get3A_22 = arith.constant 0 : index
    %get3A_23 = arith.constant 0 : index
    %get3A_24 = vector.load %arg6[%get3A_22, %get3A_23] : memref<1x64xf32, #tpu.memory_space<vmem>>, vector<1x64xf32>
    %add3A_25 = vector.broadcast %get3A_24 : vector<1x64xf32> to vector<4096x64xf32>
    %add3A_26 = arith.addf %dot_general3A_21, %add3A_25 : vector<4096x64xf32>
    %max3A_27 = arith.constant 0.000000e+00 : f32
    %max3A_28 = vector.broadcast %max3A_27 : f32 to vector<4096x64xf32>
    %max3A_29 = arith.maximumf %add3A_26, %max3A_28 : vector<4096x64xf32>
    %get3A_30 = arith.constant 0 : index
    %get3A_31 = arith.constant 0 : index
    %get3A_32 = vector.load %arg7[%get3A_30, %get3A_31] : memref<64x128xf32, #tpu.memory_space<vmem>>, vector<64x128xf32>
    %dot_general3A_33 = arith.constant dense<0.000000e+00> : vector<4096x128xf32>
    %dot_general3A_34 = tpu.matmul %max3A_29, %get3A_32, %dot_general3A_33 {dimension_numbers = #tpu.dot_dimension_numbers<[1], [0], [0], [1], [0, 0, 1, 1], [], []>, transpose_lhs_hint = false} : vector<4096x64xf32>, vector<64x128xf32>, vector<4096x128xf32> -> vector<4096x128xf32>
    %get3A_35 = arith.constant 0 : index
    %get3A_36 = arith.constant 0 : index
    %get3A_37 = vector.load %arg8[%get3A_35, %get3A_36] : memref<1x128xf32, #tpu.memory_space<vmem>>, vector<1x128xf32>
    %add3A_38 = vector.broadcast %get3A_37 : vector<1x128xf32> to vector<4096x128xf32>
    %add3A_39 = arith.addf %dot_general3A_34, %add3A_38 : vector<4096x128xf32>
    %max3A_40 = arith.constant 0.000000e+00 : f32
    %max3A_41 = vector.broadcast %max3A_40 : f32 to vector<4096x128xf32>
    %max3A_42 = arith.maximumf %add3A_39, %max3A_41 : vector<4096x128xf32>
    %reshape3A_43 = vector.shape_cast %max3A_42 : vector<4096x128xf32> to vector<128x32x128xf32>
    %reduce_max3A = arith.constant dense<0xFF800000> : vector<128x128xf32>
    %reduce_max3A_44 = vector.multi_reduction <maximumf>, %reshape3A_43, %reduce_max3A [1] : vector<128x32x128xf32> to vector<128x128xf32>
    %swap3A = arith.constant 0 : index
    %swap3A_45 = arith.constant 0 : index
    %swap3A_46 = vector.load %arg9[%swap3A, %swap3A_45] : memref<128x128xf32, #tpu.memory_space<vmem>>, vector<128x128xf32>
    tpu.vector_store %arg9[%swap3A, %swap3A_45], %reduce_max3A_44 {strides = array<i32>} : memref<128x128xf32, #tpu.memory_space<vmem>>, vector<128x128xf32>,
    return
  }
  func.func @transform_0(%arg0: i32) -> (i32, i32) {
    %c0_i32 = arith.constant 0 : i32
    %c0_i32_0 = arith.constant 0 : i32
    return %arg0, %c0_i32 : i32, i32
  }
  func.func @transform_1(%arg0: i32) -> (i32, i32) {
    %c0_i32 = arith.constant 0 : i32
    %c0_i32_0 = arith.constant 0 : i32
    return %arg0, %c0_i32 : i32, i32
  }
  func.func @transform_2(%arg0: i32) -> (i32, i32) {
    %c0_i32 = arith.constant 0 : i32
    %c0_i32_0 = arith.constant 0 : i32
    %c0_i32_1 = arith.constant 0 : i32
    return %c0_i32, %c0_i32_0 : i32, i32
  }
  func.func @transform_3(%arg0: i32) -> (i32, i32) {
    %c0_i32 = arith.constant 0 : i32
    %c0_i32_0 = arith.constant 0 : i32
    %c0_i32_1 = arith.constant 0 : i32
    return %c0_i32, %c0_i32_0 : i32, i32
  }
  func.func @transform_4(%arg0: i32) -> (i32, i32) {
    %c0_i32 = arith.constant 0 : i32
    %c0_i32_0 = arith.constant 0 : i32
    %c0_i32_1 = arith.constant 0 : i32
    return %c0_i32, %c0_i32_0 : i32, i32
  }
  func.func @transform_5(%arg0: i32) -> (i32, i32) {
    %c0_i32 = arith.constant 0 : i32
    %c0_i32_0 = arith.constant 0 : i32
    %c0_i32_1 = arith.constant 0 : i32
    return %c0_i32, %c0_i32_0 : i32, i32
  }
  func.func @transform_6(%arg0: i32) -> (i32, i32) {
    %c0_i32 = arith.constant 0 : i32
    %c0_i32_0 = arith.constant 0 : i32
    %c0_i32_1 = arith.constant 0 : i32
    return %c0_i32, %c0_i32_0 : i32, i32
  }
  func.func @transform_7(%arg0: i32) -> (i32, i32) {
    %c0_i32 = arith.constant 0 : i32
    %c0_i32_0 = arith.constant 0 : i32
    %c0_i32_1 = arith.constant 0 : i32
    return %c0_i32, %c0_i32_0 : i32, i32
  }
  func.func @transform_8(%arg0: i32) -> (i32, i32) {
    %c0_i32 = arith.constant 0 : i32
    %c0_i32_0 = arith.constant 0 : i32
    return %arg0, %c0_i32 : i32, i32
  }
}

</mosaic_0001>

<sc_bundles>
// kernel: kernel.27.cloned.1.call-start
scs
__scs_entry_jumppad:
0x0: {  	(pc) =	sbr.rel $0x88, $3  }
0x1: {  	(tag) =	ssettag $0x0;
	lr =	simm.s32 $0x1  }
0x2: {  	[smem:$0x3F98] =	sst lr;
	_ =	strace $0xD0000000  }
0x3: {  	_ = 	snop  }
0x4: {  	_ = 	snop  }
0x5: {  	_ = 	snop  }
0x6: {  	_ = 	snop  }
0x7: {  	_ = 	snop  }
__scs_overlays_trampoline_lowered:
0x8: {  	[smem:$0x3FA7] =	sst s0  }
0x9: {  	[smem:$0x3FA8] =	sst s1  }
0xa: {  	[smem:$0x3FA9] =	sst s2  }
0xb: {  	[smem:$0x3FAA] =	sst s3  }
0xc: {  	[smem:$0x3FAB] =	sst s4  }
0xd: {  	[smem:$0x3FAC] =	sst s5  }
0xe: {  	[smem:$0x3FAD] =	sst s6  }
0xf: {  	[smem:$0x3FAE] =	sst s7  }
0x10: {  	[smem:$0x3FAF] =	sst s8  }
0x11: {  	[smem:$0x3FB0] =	sst s9;
	s0 =	simm.s32 @!p0 $0x0  }
0x12: {  	s1 =	sld [smem:$0x3F96];
	s0 =	simm.s32 @p0 $0x1  }
0x13: {  	[smem:$0x3FB1] =	sst s0;
	s0 =	simm.s32 @!p1 $0x0  }
0x14: {  	s2 =	sld [smem:$0x3F95];
	s0 =	simm.s32 @p1 $0x1  }
0x15: {  	[smem:$0x3FB2] =	sst s0;
	s0 =	simm.s32 @!p2 $0x0  }
0x16: {  	s3 =	sld [smem:$0x3FDB];
	s0 =	simm.s32 @p2 $0x1  }
0x17: {  	s4 =	simm.s32 $0x1BF5;
	[smem:$0x3FB4] =	sst s0  }
0x18: {  	s0 =	sld [smem:$0x3F97];
	_ =	swait.ge [sflag:s4], $0x0  }
0x19: {  	s7 =	sld [smem:$0x3F98]  }
0x1a: {  	s8 =	sadd.s32 $0xFFFFE003, lr  }
0x1b: {  	s9 =	sadd.s32 $0xFFFFFEF7, lr;
	s5 =	simm.s32 $0xFFFFFFFF;
	p2 =	slt.u32 s8, $0xFFFFF086  }
0x1c: {  	p1 =	slt.u32 s9, $0xF7A;
	s5 =	simm.s32 @!p2 $0x0  }
0x1d: {  	s5 =	simm.s32 @p1 $0x1;
	p0 =	seq.s32 s7, s2  }
0x1e: {  	s7 =	smul.u32 @!p0 $0xF7A, s2;
	p2 =	seq.s32 @!p0 s5, $0x0  }
0x1f: {  	s9 =	smul.u32 $0xF7A, s1;
	s8 =	simm.s32 @!p0 $0x1BF5;
	p2 =	por !p2, p0  }
0x20: {  	[sflag:s8] =	ssyncset.s32 @!p0 $0xFFFFF086;
	s6 =	sadd.s32 @!p0 s3, s7;
	s7 =	simm.s32 @!p0 $0x108  }
0x21: {  	s3 =	sadd.s32 s3, s9;
	s6 =	sadd.s32 @!p0 $0x88, s6;
	s7 =	simm.s32 @p2 $0x1082  }
0x22: {  	[simem:s7], [sflag:s8] =	dma.local @!p0 [hbm:s6], $0xF7A  }
0x23: {  	s9 =	sor.u32 $0xD0000000, s2;
	s6 =	simm.s32 $0x108;
	_ =	swait.ge @!p0 [sflag:s8], $0x0  }
0x24: {  	s3 =	sadd.s32 $0x88, s3;
	s6 =	simm.s32 @!p1 $0x1082;
	[sflag:s4] =	ssyncset.s32 $0xFFFFF086  }
0x25: {  	[simem:s6], [sflag:s4] =	dma.local [hbm:s3], $0xF7A  }
0x26: {  	[smem:$0x3F98] =	sst s1;
	(tag) =	ssettag s2;
	_ =	strace s9  }
0x27: {  	s1 =	sld [smem:$0x3FA8]  }
0x28: {  	s2 =	sld [smem:$0x3FA9]  }
0x29: {  	s4 =	sld [smem:$0x3FAB]  }
0x2a: {  	p0 =	seq.s32 s5, $0x0;
	s5 =	sld [smem:$0x3FAC]  }
0x2b: {  	s6 =	sld [smem:$0x3FAD]  }
0x2c: {  	s7 =	sld [smem:$0x3FAE]  }
0x2d: {  	s3 =	simm.s32 $0x108;
	s8 =	sld [smem:$0x3FAF]  }
0x2e: {  	s3 =	simm.s32 @!p0 $0x1082;
	s9 =	sld [smem:$0x3FB0]  }
0x2f: {  	lr =	sadd.s32 s0, s3;
	s0 =	sld [smem:$0x3FA7]  }
0x30: {  	s3 =	sld [smem:$0x3FAA]  }
0x31: {  	[smem:$0x3FB3] =	sst s10  }
0x32: {  	s10 =	sld [smem:$0x3FB1];
	_ =	sdelay $0x3  }
0x33: {  	p0 =	seq.s32 s10, $0x1;
	s10 =	sld [smem:$0x3FB3];
	_ =	sdelay $0x3  }
0x34: {  	[smem:$0x3FB3] =	sst s10  }
0x35: {  	s10 =	sld [smem:$0x3FB2];
	_ =	sdelay $0x3  }
0x36: {  	p1 =	seq.s32 s10, $0x1;
	s10 =	sld [smem:$0x3FB3];
	_ =	sdelay $0x3  }
0x37: {  	[smem:$0x3FB3] =	sst s10  }
0x38: {  	s10 =	sld [smem:$0x3FB4]  }
0x39: {  	_ = 	snop;
	(pc) =	sbr.ind lr, $3  }
0x3a: {  	_ = 	snop  }
0x3b: {  	_ = 	snop  }
0x3c: {  	p2 =	seq.s32 s10, $0x1;
	s10 =	sld [smem:$0x3FB3]  }
0x3d: {  	_ =	shalt  }
0x3e: {  	_ =	shalt  }
0x3f: {  	_ =	shalt  }
0x40: {  	_ =	shalt  }
0x41: {  	_ =	shalt  }
0x42: {  	_ =	shalt  }
0x43: {  	_ =	shalt  }
0x44: {  	_ =	shalt  }
0x45: {  	_ =	shalt  }
0x46: {  	_ =	shalt  }
0x47: {  	_ =	shalt  }
0x48: {  	_ =	shalt  }
0x49: {  	_ =	shalt  }
0x4a: {  	_ =	shalt  }
0x4b: {  	_ =	shalt  }
0x4c: {  	_ =	shalt  }
0x4d: {  	_ =	shalt  }
0x4e: {  	_ =	shalt  }
0x4f: {  	_ =	shalt  }
0x50: {  	_ =	shalt  }
0x51: {  	_ =	shalt  }
0x52: {  	_ =	shalt  }
0x53: {  	_ =	shalt  }
0x54: {  	_ =	shalt  }
0x55: {  	_ =	shalt  }
0x56: {  	_ =	shalt  }
0x57: {  	_ =	shalt  }
0x58: {  	_ =	shalt  }
0x59: {  	_ =	shalt  }
0x5a: {  	_ =	shalt  }
0x5b: {  	_ =	shalt  }
0x5c: {  	_ =	shalt  }
0x5d: {  	_ =	shalt  }
0x5e: {  	_ =	shalt  }
0x5f: {  	_ =	shalt  }
0x60: {  	_ =	shalt  }
0x61: {  	_ =	shalt  }
0x62: {  	_ =	shalt  }
0x63: {  	_ =	shalt  }
0x64: {  	_ =	shalt  }
0x65: {  	_ =	shalt  }
0x66: {  	_ =	shalt  }
0x67: {  	_ =	shalt  }
0x68: {  	_ =	shalt  }
0x69: {  	_ =	shalt  }
0x6a: {  	_ =	shalt  }
0x6b: {  	_ =	shalt  }
0x6c: {  	_ =	shalt  }
0x6d: {  	_ =	shalt  }
0x6e: {  	_ =	shalt  }
0x6f: {  	_ =	shalt  }
0x70: {  	_ =	shalt  }
0x71: {  	_ =	shalt  }
0x72: {  	_ =	shalt  }
0x73: {  	_ =	shalt  }
0x74: {  	_ =	shalt  }
0x75: {  	_ =	shalt  }
0x76: {  	_ =	shalt  }
0x77: {  	_ =	shalt  }
0x78: {  	_ =	shalt  }
0x79: {  	_ =	shalt  }
0x7a: {  	_ =	shalt  }
0x7b: {  	_ =	shalt  }
0x7c: {  	_ =	shalt  }
0x7d: {  	_ =	shalt  }
0x7e: {  	_ =	shalt  }
0x7f: {  	_ =	shalt  }
0x80: {  	_ =	shalt  }
0x81: {  	_ =	shalt  }
0x82: {  	_ =	shalt  }
0x83: {  	_ =	shalt  }
0x84: {  	_ =	shalt  }
0x85: {  	_ =	shalt  }
0x86: {  	_ =	shalt  }
0x87: {  	_ =	shalt  }
.Lfunc_end0:
.L_simem_size_0:
called_computation.1_lowered:
.L_overlay_start_0:
0x88: {  	s2 =	sld [smem:$0x3FD9]  }
0x89: {  	s3 =	sld [smem:$0x3FFE];
	_ =	sdelay $0x1  }
0x8a: {  	s1 =	srdreg.scid  }
0x8b: {  	s0 =	sand.u32 $0x1, s1  }
0x8c: {  	s14 =	sshll.u32 s0, $0xA;
	s2 =	sadd.s32 s3, s2  }
0x8d: {  	s2 =	sadd.s32 s2, s14  }
0x8e: {  	[smem:$0x3FBF] =	sst s2  }
0x8f: {  	_ = 	snop  }
0x90: {  	s2 =	sld [smem:$0x3FD0];
	_ =	sdelay $0x2  }
0x91: {  	s15 =	simm.s32 $0x11;
	s4 =	simm.s32 $0x10  }
0x92: {  	[smem:s4], [sflag:s15] =	dma.local [hbm:s2], $0x1  }
0x93: {  	_ =	swait.eq [sflag:s15], $0x1  }
0x94: {  	[sflag:s15] =	ssyncset.done $0x0  }
0x95: {  	[sflag:s15] =	ssyncadd.s32 $0xFFFFFFFF  }
0x96: {  	s16 =	sld [smem:$0x11];
	(tm) =	ssettm $0x1  }
0x97: {  	s17 =	sld [smem:$0x3FFB];
	_ =	sdelay $0x3  }
0x98: {  	_ =	strace s17  }
0x99: {  	s3 =	sld [smem:$0x3FFC];
	_ =	sdelay $0x3  }
0x9a: {  	_ =	strace s3  }
0x9b: {  	s3 =	sld [smem:$0x3FFD];
	_ =	sdelay $0x3  }
0x9c: {  	_ =	strace s3  }
0x9d: {  	_ =	strace $0x8FFFFFFF  }
0x9e: {  	s18 =	sld [smem:$0x3FDB];
	_ =	sdelay $0x1  }
0x9f: {  	s19 =	simm.s32 $_scs_section_size  }
0xa0: {  	s5 =	simm.s32 $_size__tile_overlayer_lowered;
	s6 =	simm.s32 $_tile_overlayer_lowered  }
0xa1: {  	s22 =	simm.s32 $0x1BFF;
	s21 =	sshll.u32 s6, $0x1;
	s3 =	sadd.s32 s19, s18  }
0xa2: {  	s7 =	simm.s32 $0x0;
	s20 =	sshll.u32 s5, $0x1;
	s5 =	sadd.s32 s21, s3  }
0xa3: {  	[timem:s7], [sflag:s22] =	dma.local [hbm:s5], s20  }
0xa4: {  	_ =	swait.ge [sflag:s22], s20  }
0xa5: {  	s4 =	ssub.s32 $0x0, s20;
	[sflag:s22] =	ssyncset.done $0x0  }
0xa6: {  	[sflag:s22] =	ssyncadd.s32 s4;
	_ =	sdelay $0x1  }
0xa7: {  	s23 =	simm.s32 $0x1B8B  }
0xa8: {  	_ =	swait.ge [sflag:s23], $0x1  }
0xa9: {  	[sflag:s23] =	ssyncset.done $0x0  }
0xaa: {  	s25 =	simm.s32 $0x1B8E;
	s24 =	sld [smem:$0x3FFE];
	[sflag:s23] =	ssyncadd.s32 $0xFFFFFFFF  }
0xab: {  	s26 =	simm.s32 $execute0_lowered;
	[smem:$0x3FD2] =	sst s25  }
0xac: {  	s5 =	sshll.u32 s26, $0x1;
	_ =	strace $0x80000049;
	[dreg:$0x1] =	wrdreg $0xFFFFFFFF  }
0xad: {  	s28 =	simm.s32 $_size_execute0_lowered;
	s3 =	sadd.s32 s3, s5;
	[dreg:$0x0] =	wrdreg $0x0  }
0xae: {  	s5 =	sshll.u32 s28, $0x1;
	[dreg:$0x2] =	wrdreg s3  }
0xaf: {  	[dreg:$0x3] =	wrdreg s5  }
0xb0: {  	[dreg:$0x4] =	wrdreg $0xC0  }
0xb1: {  	_ =	task [dreg:s7], $0x5FFFF  }
0xb2: {  	[dreg:$0x1] =	wrdreg $0xFFFFFFFF  }
0xb3: {  	[dreg:$0x0] =	wrdreg $0x60  }
0xb4: {  	[dreg:$0x2] =	wrdreg s24  }
0xb5: {  	[dreg:$0x3] =	wrdreg s16  }
0xb6: {  	[dreg:$0x4] =	wrdreg $0x9  }
0xb7: {  	_ =	task.clear_ibuf [dreg:s7], $0x5FFFF;
	_ =	strace $0x90000049  }
0xb8: {  	s29 =	simm.s32 $0x9;
	_ =	strace $0x8000004B  }
0xb9: {  	_ =	swait.ge [sflag:s29], $0x1  }
0xba: {  	[sflag:s29] =	ssyncadd.s32 $0xFFFFFFFF  }
0xbb: {  	_ =	strace $0x9000004B  }
0xbc: {  	_ =	sfence  }
0xbd: {  	s30 =	sld [smem:$0x0];
	_ =	sdelay $0x2  }
0xbe: {  	s31 =	sshll.u32 s1, $0xD;
	s1 =	sshrl.u32 s1, $0x2  }
0xbf: {  	s3 =	sand.u32 $0x4000, s31;
	s1 =	sadd.s32 s1, s30  }
0xc0: {  	s0 =	sor.u32 s3, s0;
	s1 =	sshll.u32 s1, $0x11  }
0xc1: {  	s0 =	sor.u32 s1, s0  }
0xc2: {  	s0 =	sadd.s32 $0x8F2B, s0  }
0xc3: {  	[sflag:s0] =	ssyncadd.remote.s32 $0x1  }
0xc4: {  	_ =	sfence.sel $0xFFFF  }
0xc5: {  	[dreg:$0x0] =	wrdreg $0xFFFFFFFF;
	(pc) =	sbr.abs _section_cstart, $3  }
0xc6: {  	[dreg:$0x1] =	wrdreg $0xFFFFFFFF  }
0xc7: {  	_ =	task.clear_ibuf [dreg:s7], $0x2FFFF;
	_ =	strace $0x9FFFFFFF  }
0xc8: {  	(tm) =	ssettm $0x7FFFFFFF  }
0xc9: {  	_ =	shalt  }
tec
execute0_lowered:
.L_overlay_start_1:
0x0: {  	(tag) =	ssettag $0x1  }
0x1: {  	s1 =	srdreg.scid  }
0x2: {  	s5 =	rddreg [dreg:$0x0];
	s0 =	stileid.u32;
	s15 =	sand.u32 $0x1, s1  }
0x3: {  	s14 =	rddreg [dreg:$0x1];
	s3 =	sshll.u32 s0, $0xA;
	s4 =	sshll.u32 s15, $0x9  }
0x4: {  	s2 =	simm.s32 $0x0;
	s1 =	rddreg [dreg:$0x2];
	s13 =	sor.u32 s4, s3  }
0x5: {  	[smem:$0x7FF] =	sst s2;
	s16 =	sadd.s32 $0x205A00, s5;
	s3 =	sshrl.u32 s13, $0x3  }
0x6: {  	_ =	strace $0x8000004A;
	s4 =	sadd.s32 s16, s3;
	s3 =	simm.s32 $0x2  }
0x7: {  	[tilespmem:s2], [sflag:$0x2] =	stream.linear.gather [hbm4b:s4+s2], $0x80, $0x38;
	[tilespmem:$0x4080] =	vst v63  }
0x8: {  	_ =	swait.ge [sflag:s3], $0x80  }
0x9: {  	s6 =	simm.s32 $0x80;
	[sflag:s3] =	ssyncset.done $0x0  }
0xa: {  	s7 =	simm.s32 $0x1;
	s5 =	sadd.s32 $0x105A00, s5;
	[sflag:s3] =	ssyncadd.s32 $0xFFFFFF80  }
0xb: {  	[tilespmem:s6], [sflag:$0x1] =	stream.indirect.gather [hbm4b:s5+s6], $0x80, s2, s6, $0xb8;
	[tilespmem:$0x4080] =	vst v63  }
0xc: {  	_ =	swait.ge [sflag:s7], $0x4000  }
0xd: {  	s8 =	sshll.u32 s13, $0x4;
	[sflag:s7] =	ssyncset.done $0x0  }
0xe: {  	s8 =	sadd.s32 s14, s8;
	[sflag:s7] =	ssyncadd.s32 $0xFFFFC000  }
0xf: {  	[hbm4b:s8+s2] =	stream.linear.scatter [tilespmem:s6], [sflag:$0x2], $0x4000, $0x38;
	[tilespmem:$0x4080] =	vst v63  }
0x10: {  	s10 =	sor.u32 $0x80, s13;
	_ =	swait.ge [sflag:s3], $0x4000  }
0x11: {  	s9 =	sshrl.u32 s10, $0x3;
	[sflag:s3] =	ssyncset.done $0x0  }
0x12: {  	s9 =	sadd.s32 s16, s9;
	[sflag:s3] =	ssyncadd.s32 $0xFFFFC000  }
0x13: {  	[tilespmem:s2], [sflag:$0x2] =	stream.linear.gather [hbm4b:s9+s2], $0x80, $0x38;
	[tilespmem:$0x4080] =	vst v63  }
0x14: {  	_ =	swait.ge [sflag:s3], $0x80  }
0x15: {  	[sflag:s3] =	ssyncset.done $0x0  }
0x16: {  	[sflag:s3] =	ssyncadd.s32 $0xFFFFFF80  }
0x17: {  	[tilespmem:s6], [sflag:$0x1] =	stream.indirect.gather [hbm4b:s5+s6], $0x80, s2, s6, $0xb8;
	[tilespmem:$0x4080] =	vst v63  }
0x18: {  	_ =	swait.ge [sflag:s7], $0x4000  }
0x19: {  	s10 =	sshll.u32 s10, $0x4;
	[sflag:s7] =	ssyncset.done $0x0  }
0x1a: {  	s10 =	sadd.s32 s14, s10;
	[sflag:s7] =	ssyncadd.s32 $0xFFFFC000  }
0x1b: {  	[hbm4b:s10+s2] =	stream.linear.scatter [tilespmem:s6], [sflag:$0x2], $0x4000, $0x38;
	[tilespmem:$0x4080] =	vst v63  }
0x1c: {  	s12 =	sor.u32 $0x100, s13;
	_ =	swait.ge [sflag:s3], $0x4000  }
0x1d: {  	s11 =	sshrl.u32 s12, $0x3;
	[sflag:s3] =	ssyncset.done $0x0  }
0x1e: {  	s11 =	sadd.s32 s16, s11;
	[sflag:s3] =	ssyncadd.s32 $0xFFFFC000  }
0x1f: {  	[tilespmem:s2], [sflag:$0x2] =	stream.linear.gather [hbm4b:s11+s2], $0x80, $0x38;
	[tilespmem:$0x4080] =	vst v63  }
0x20: {  	_ =	swait.ge [sflag:s3], $0x80  }
0x21: {  	[sflag:s3] =	ssyncset.done $0x0  }
0x22: {  	[sflag:s3] =	ssyncadd.s32 $0xFFFFFF80  }
0x23: {  	[tilespmem:s6], [sflag:$0x1] =	stream.indirect.gather [hbm4b:s5+s6], $0x80, s2, s6, $0xb8;
	[tilespmem:$0x4080] =	vst v63  }
0x24: {  	_ =	swait.ge [sflag:s7], $0x4000  }
0x25: {  	s12 =	sshll.u32 s12, $0x4;
	[sflag:s7] =	ssyncset.done $0x0  }
0x26: {  	s12 =	sadd.s32 s14, s12;
	[sflag:s7] =	ssyncadd.s32 $0xFFFFC000  }
0x27: {  	[hbm4b:s12+s2] =	stream.linear.scatter [tilespmem:s6], [sflag:$0x2], $0x4000, $0x38;
	[tilespmem:$0x4080] =	vst v63  }
0x28: {  	s17 =	sor.u32 $0x180, s13;
	_ =	swait.ge [sflag:s3], $0x4000  }
0x29: {  	s13 =	sshrl.u32 s17, $0x3;
	[sflag:s3] =	ssyncset.done $0x0  }
0x2a: {  	s15 =	ssub.s32 $0x2, s15;
	s13 =	sadd.s32 s16, s13;
	[sflag:s3] =	ssyncadd.s32 $0xFFFFC000  }
0x2b: {  	[tilespmem:s2], [sflag:$0x2] =	stream.linear.gather [hbm4b:s13+s2], $0x80, $0x38;
	[tilespmem:$0x4080] =	vst v63  }
0x2c: {  	s30 =	sshrl.u32 s15, $0x1;
	_ =	swait.ge [sflag:s3], $0x80  }
0x2d: {  	s15 =	ssub.s32 s15, s30;
	[sflag:s3] =	ssyncset.done $0x0  }
0x2e: {  	s15 =	smax.u32 s15, $0x1;
	[sflag:s3] =	ssyncadd.s32 $0xFFFFFF80  }
0x2f: {  	[tilespmem:s6], [sflag:$0x1] =	stream.indirect.gather [hbm4b:s5+s6], $0x80, s2, s6, $0xb8;
	[tilespmem:$0x4080] =	vst v63  }
0x30: {  	p0 =	sne.s32 s15, $0x1;
	_ =	swait.ge [sflag:s7], $0x4000  }
.Ltmp0:
0x31: {  	s31 =	sshll.u32 s17, $0x4;
	[sflag:s7] =	ssyncset.done $0x0;
	(pc) =	sbr.rel @!p0 .LBB2_2-.Ltmp0, $4  }
0x32: {  	s14 =	sadd.s32 s14, s31;
	[sflag:s7] =	ssyncadd.s32 $0xFFFFC000  }
0x33: {  	[hbm4b:s14+s2] =	stream.linear.scatter [tilespmem:s6], [sflag:$0x2], $0x4000, $0x38;
	[tilespmem:$0x4080] =	vst v63  }
0x34: {  	_ =	swait.ge [sflag:s3], $0x4000  }
0x35: {  	s15 =	sadd.s32 $0xFFFFFFFF, s15;
	[sflag:s3] =	ssyncset.done $0x0  }
.LBB2_1:
0x36: {  	p0 =	sne.s32 s15, $0x1;
	s15 =	sadd.s32 $0xFFFFFFFF, s15;
	[sflag:s3] =	ssyncadd.s32 $0xFFFFC000  }
0x37: {  	[tilespmem:s2], [sflag:$0x2] =	stream.linear.gather [hbm4b:s4+s2], $0x80, $0x38;
	[tilespmem:$0x4080] =	vst v63  }
0x38: {  	_ =	swait.ge [sflag:s3], $0x80  }
0x39: {  	[sflag:s3] =	ssyncset.done $0x0  }
0x3a: {  	[sflag:s3] =	ssyncadd.s32 $0xFFFFFF80  }
0x3b: {  	[tilespmem:s6], [sflag:$0x1] =	stream.indirect.gather [hbm4b:s5+s6], $0x80, s2, s6, $0xb8;
	[tilespmem:$0x4080] =	vst v63  }
0x3c: {  	_ =	swait.ge [sflag:s7], $0x4000  }
0x3d: {  	[sflag:s7] =	ssyncset.done $0x0  }
0x3e: {  	[sflag:s7] =	ssyncadd.s32 $0xFFFFC000  }
0x3f: {  	[hbm4b:s8+s2] =	stream.linear.scatter [tilespmem:s6], [sflag:$0x2], $0x4000, $0x38;
	[tilespmem:$0x4080] =	vst v63  }
0x40: {  	_ =	swait.ge [sflag:s3], $0x4000  }
0x41: {  	[sflag:s3] =	ssyncset.done $0x0  }
0x42: {  	[sflag:s3] =	ssyncadd.s32 $0xFFFFC000  }
0x43: {  	[tilespmem:s2], [sflag:$0x2] =	stream.linear.gather [hbm4b:s9+s2], $0x80, $0x38;
	[tilespmem:$0x4080] =	vst v63  }
0x44: {  	_ =	swait.ge [sflag:s3], $0x80  }
0x45: {  	[sflag:s3] =	ssyncset.done $0x0  }
0x46: {  	[sflag:s3] =	ssyncadd.s32 $0xFFFFFF80  }
0x47: {  	[tilespmem:s6], [sflag:$0x1] =	stream.indirect.gather [hbm4b:s5+s6], $0x80, s2, s6, $0xb8;
	[tilespmem:$0x4080] =	vst v63  }
0x48: {  	_ =	swait.ge [sflag:s7], $0x4000  }
0x49: {  	[sflag:s7] =	ssyncset.done $0x0  }
0x4a: {  	[sflag:s7] =	ssyncadd.s32 $0xFFFFC000  }
0x4b: {  	[hbm4b:s10+s2] =	stream.linear.scatter [tilespmem:s6], [sflag:$0x2], $0x4000, $0x38;
	[tilespmem:$0x4080] =	vst v63  }
0x4c: {  	_ =	swait.ge [sflag:s3], $0x4000  }
0x4d: {  	[sflag:s3] =	ssyncset.done $0x0  }
0x4e: {  	[sflag:s3] =	ssyncadd.s32 $0xFFFFC000  }
0x4f: {  	[tilespmem:s2], [sflag:$0x2] =	stream.linear.gather [hbm4b:s11+s2], $0x80, $0x38;
	[tilespmem:$0x4080] =	vst v63  }
0x50: {  	_ =	swait.ge [sflag:s3], $0x80  }
0x51: {  	[sflag:s3] =	ssyncset.done $0x0  }
0x52: {  	[sflag:s3] =	ssyncadd.s32 $0xFFFFFF80  }
0x53: {  	[tilespmem:s6], [sflag:$0x1] =	stream.indirect.gather [hbm4b:s5+s6], $0x80, s2, s6, $0xb8;
	[tilespmem:$0x4080] =	vst v63  }
0x54: {  	_ =	swait.ge [sflag:s7], $0x4000  }
0x55: {  	[sflag:s7] =	ssyncset.done $0x0  }
0x56: {  	[sflag:s7] =	ssyncadd.s32 $0xFFFFC000  }
0x57: {  	[hbm4b:s12+s2] =	stream.linear.scatter [tilespmem:s6], [sflag:$0x2], $0x4000, $0x38;
	[tilespmem:$0x4080] =	vst v63  }
0x58: {  	_ =	swait.ge [sflag:s3], $0x4000  }
0x59: {  	[sflag:s3] =	ssyncset.done $0x0  }
0x5a: {  	[sflag:s3] =	ssyncadd.s32 $0xFFFFC000  }
0x5b: {  	[tilespmem:s2], [sflag:$0x2] =	stream.linear.gather [hbm4b:s13+s2], $0x80, $0x38;
	[tilespmem:$0x4080] =	vst v63  }
0x5c: {  	_ =	swait.ge [sflag:s3], $0x80  }
0x5d: {  	[sflag:s3] =	ssyncset.done $0x0  }
0x5e: {  	[sflag:s3] =	ssyncadd.s32 $0xFFFFFF80  }
0x5f: {  	[tilespmem:s6], [sflag:$0x1] =	stream.indirect.gather [hbm4b:s5+s6], $0x80, s2, s6, $0xb8;
	[tilespmem:$0x4080] =	vst v63  }
0x60: {  	_ =	swait.ge [sflag:s7], $0x4000  }
.Ltmp1:
0x61: {  	[sflag:s7] =	ssyncset.done $0x0;
	(pc) =	sbr.rel @p0 .LBB2_1-.Ltmp1, $4  }
0x62: {  	[sflag:s7] =	ssyncadd.s32 $0xFFFFC000  }
0x63: {  	[hbm4b:s14+s2] =	stream.linear.scatter [tilespmem:s6], [sflag:$0x2], $0x4000, $0x38;
	[tilespmem:$0x4080] =	vst v63  }
0x64: {  	_ =	swait.ge [sflag:s3], $0x4000  }
0x65: {  	[sflag:s3] =	ssyncset.done $0x0  }
.LBB2_2:
0x66: {  	[sflag:s3] =	ssyncadd.s32 $0xFFFFC000  }
0x67: {  	_ =	sfence.sel $0x180000  }
0x68: {  	[bflag:$0x0] =	sbarrier.arrive $0xFFFF  }
0x69: {  	p0 =	sne.s32 s0, $0x0;
	_ =	strace $0x9000004A  }
0x6a: {  	s0 =	sadd.s32 @!p0 $0x100000, s1;
	[bflag:$0x2] =	sbarrier.arrive $0xFFFF  }
0x6b: {  	[sflag:s0] =	ssyncadd.tile.s32 @!p0 $0x1;
	_ =	shalt  }
.Lfunc_end2:
_tile_overlayer_lowered:
.L_overlay_start_2:
0x6c: {  	(tag) =	ssettag $0x2  }
0x6d: {  	s0 =	rddreg [dreg:$0x0];
	s2 =	stileid.u32  }
0x6e: {  	s1 =	rddreg [dreg:$0x1];
	p0 =	sne.s32 s2, $0x0  }
0x6f: {  	s3 =	rddreg [dreg:$0x2];
	[bflag:$0x3] =	sbarrier.arrive $0xFFFF;
	s2 =	simm.s32 @!p0 $0x1C02  }
0x70: {  	[timem:s3], [sflag:s2] =	dma.local @!p0 [hbm:s0], s1  }
0x71: {  	s0 =	simm.s32 @!p0 $0x2  }
0x72: {  	_ =	swait.ge @!p0 [sflag:s0], s1  }
0x73: {  	s1 =	ssub.s32 @!p0 $0x0, s1;
	[sflag:s0] =	ssyncset.done @!p0 $0x0  }
0x74: {  	[sflag:s0] =	ssyncadd.s32 @!p0 s1  }
0x75: {  	[bflag:$0x3] =	sbarrier.arrive $0xFFFF  }
0x76: {  	_ =	shalt  }

// kernel: kernel.30.cloned.1.call-start
scs
__scs_entry_jumppad:
0x0: {  	(pc) =	sbr.rel $0x88, $3  }
0x1: {  	(tag) =	ssettag $0x0;
	lr =	simm.s32 $0x1  }
0x2: {  	[smem:$0x3F98] =	sst lr;
	_ =	strace $0xD0000000  }
0x3: {  	_ = 	snop  }
0x4: {  	_ = 	snop  }
0x5: {  	_ = 	snop  }
0x6: {  	_ = 	snop  }
0x7: {  	_ = 	snop  }
__scs_overlays_trampoline_lowered:
0x8: {  	[smem:$0x3FA7] =	sst s0  }
0x9: {  	[smem:$0x3FA8] =	sst s1  }
0xa: {  	[smem:$0x3FA9] =	sst s2  }
0xb: {  	[smem:$0x3FAA] =	sst s3  }
0xc: {  	[smem:$0x3FAB] =	sst s4  }
0xd: {  	[smem:$0x3FAC] =	sst s5  }
0xe: {  	[smem:$0x3FAD] =	sst s6  }
0xf: {  	[smem:$0x3FAE] =	sst s7  }
0x10: {  	[smem:$0x3FAF] =	sst s8  }
0x11: {  	[smem:$0x3FB0] =	sst s9;
	s0 =	simm.s32 @!p0 $0x0  }
0x12: {  	s1 =	sld [smem:$0x3F96];
	s0 =	simm.s32 @p0 $0x1  }
0x13: {  	[smem:$0x3FB1] =	sst s0;
	s0 =	simm.s32 @!p1 $0x0  }
0x14: {  	s2 =	sld [smem:$0x3F95];
	s0 =	simm.s32 @p1 $0x1  }
0x15: {  	[smem:$0x3FB2] =	sst s0;
	s0 =	simm.s32 @!p2 $0x0  }
0x16: {  	s3 =	sld [smem:$0x3FDB];
	s0 =	simm.s32 @p2 $0x1  }
0x17: {  	s4 =	simm.s32 $0x1BF5;
	[smem:$0x3FB4] =	sst s0  }
0x18: {  	s0 =	sld [smem:$0x3F97];
	_ =	swait.ge [sflag:s4], $0x0  }
0x19: {  	s7 =	sld [smem:$0x3F98]  }
0x1a: {  	s8 =	sadd.s32 $0xFFFFE003, lr  }
0x1b: {  	s9 =	sadd.s32 $0xFFFFFEF7, lr;
	s5 =	simm.s32 $0xFFFFFFFF;
	p2 =	slt.u32 s8, $0xFFFFF086  }
0x1c: {  	p1 =	slt.u32 s9, $0xF7A;
	s5 =	simm.s32 @!p2 $0x0  }
0x1d: {  	s5 =	simm.s32 @p1 $0x1;
	p0 =	seq.s32 s7, s2  }
0x1e: {  	s7 =	smul.u32 @!p0 $0xF7A, s2;
	p2 =	seq.s32 @!p0 s5, $0x0  }
0x1f: {  	s9 =	smul.u32 $0xF7A, s1;
	s8 =	simm.s32 @!p0 $0x1BF5;
	p2 =	por !p2, p0  }
0x20: {  	[sflag:s8] =	ssyncset.s32 @!p0 $0xFFFFF086;
	s6 =	sadd.s32 @!p0 s3, s7;
	s7 =	simm.s32 @!p0 $0x108  }
0x21: {  	s3 =	sadd.s32 s3, s9;
	s6 =	sadd.s32 @!p0 $0x88, s6;
	s7 =	simm.s32 @p2 $0x1082  }
0x22: {  	[simem:s7], [sflag:s8] =	dma.local @!p0 [hbm:s6], $0xF7A  }
0x23: {  	s9 =	sor.u32 $0xD0000000, s2;
	s6 =	simm.s32 $0x108;
	_ =	swait.ge @!p0 [sflag:s8], $0x0  }
0x24: {  	s3 =	sadd.s32 $0x88, s3;
	s6 =	simm.s32 @!p1 $0x1082;
	[sflag:s4] =	ssyncset.s32 $0xFFFFF086  }
0x25: {  	[simem:s6], [sflag:s4] =	dma.local [hbm:s3], $0xF7A  }
0x26: {  	[smem:$0x3F98] =	sst s1;
	(tag) =	ssettag s2;
	_ =	strace s9  }
0x27: {  	s1 =	sld [smem:$0x3FA8]  }
0x28: {  	s2 =	sld [smem:$0x3FA9]  }
0x29: {  	s4 =	sld [smem:$0x3FAB]  }
0x2a: {  	p0 =	seq.s32 s5, $0x0;
	s5 =	sld [smem:$0x3FAC]  }
0x2b: {  	s6 =	sld [smem:$0x3FAD]  }
0x2c: {  	s7 =	sld [smem:$0x3FAE]  }
0x2d: {  	s3 =	simm.s32 $0x108;
	s8 =	sld [smem:$0x3FAF]  }
0x2e: {  	s3 =	simm.s32 @!p0 $0x1082;
	s9 =	sld [smem:$0x3FB0]  }
0x2f: {  	lr =	sadd.s32 s0, s3;
	s0 =	sld [smem:$0x3FA7]  }
0x30: {  	s3 =	sld [smem:$0x3FAA]  }
0x31: {  	[smem:$0x3FB3] =	sst s10  }
0x32: {  	s10 =	sld [smem:$0x3FB1];
	_ =	sdelay $0x3  }
0x33: {  	p0 =	seq.s32 s10, $0x1;
	s10 =	sld [smem:$0x3FB3];
	_ =	sdelay $0x3  }
0x34: {  	[smem:$0x3FB3] =	sst s10  }
0x35: {  	s10 =	sld [smem:$0x3FB2];
	_ =	sdelay $0x3  }
0x36: {  	p1 =	seq.s32 s10, $0x1;
	s10 =	sld [smem:$0x3FB3];
	_ =	sdelay $0x3  }
0x37: {  	[smem:$0x3FB3] =	sst s10  }
0x38: {  	s10 =	sld [smem:$0x3FB4]  }
0x39: {  	_ = 	snop;
	(pc) =	sbr.ind lr, $3  }
0x3a: {  	_ = 	snop  }
0x3b: {  	_ = 	snop  }
0x3c: {  	p2 =	seq.s32 s10, $0x1;
	s10 =	sld [smem:$0x3FB3]  }
0x3d: {  	_ =	shalt  }
0x3e: {  	_ =	shalt  }
0x3f: {  	_ =	shalt  }
0x40: {  	_ =	shalt  }
0x41: {  	_ =	shalt  }
0x42: {  	_ =	shalt  }
0x43: {  	_ =	shalt  }
0x44: {  	_ =	shalt  }
0x45: {  	_ =	shalt  }
0x46: {  	_ =	shalt  }
0x47: {  	_ =	shalt  }
0x48: {  	_ =	shalt  }
0x49: {  	_ =	shalt  }
0x4a: {  	_ =	shalt  }
0x4b: {  	_ =	shalt  }
0x4c: {  	_ =	shalt  }
0x4d: {  	_ =	shalt  }
0x4e: {  	_ =	shalt  }
0x4f: {  	_ =	shalt  }
0x50: {  	_ =	shalt  }
0x51: {  	_ =	shalt  }
0x52: {  	_ =	shalt  }
0x53: {  	_ =	shalt  }
0x54: {  	_ =	shalt  }
0x55: {  	_ =	shalt  }
0x56: {  	_ =	shalt  }
0x57: {  	_ =	shalt  }
0x58: {  	_ =	shalt  }
0x59: {  	_ =	shalt  }
0x5a: {  	_ =	shalt  }
0x5b: {  	_ =	shalt  }
0x5c: {  	_ =	shalt  }
0x5d: {  	_ =	shalt  }
0x5e: {  	_ =	shalt  }
0x5f: {  	_ =	shalt  }
0x60: {  	_ =	shalt  }
0x61: {  	_ =	shalt  }
0x62: {  	_ =	shalt  }
0x63: {  	_ =	shalt  }
0x64: {  	_ =	shalt  }
0x65: {  	_ =	shalt  }
0x66: {  	_ =	shalt  }
0x67: {  	_ =	shalt  }
0x68: {  	_ =	shalt  }
0x69: {  	_ =	shalt  }
0x6a: {  	_ =	shalt  }
0x6b: {  	_ =	shalt  }
0x6c: {  	_ =	shalt  }
0x6d: {  	_ =	shalt  }
0x6e: {  	_ =	shalt  }
0x6f: {  	_ =	shalt  }
0x70: {  	_ =	shalt  }
0x71: {  	_ =	shalt  }
0x72: {  	_ =	shalt  }
0x73: {  	_ =	shalt  }
0x74: {  	_ =	shalt  }
0x75: {  	_ =	shalt  }
0x76: {  	_ =	shalt  }
0x77: {  	_ =	shalt  }
0x78: {  	_ =	shalt  }
0x79: {  	_ =	shalt  }
0x7a: {  	_ =	shalt  }
0x7b: {  	_ =	shalt  }
0x7c: {  	_ =	shalt  }
0x7d: {  	_ =	shalt  }
0x7e: {  	_ =	shalt  }
0x7f: {  	_ =	shalt  }
0x80: {  	_ =	shalt  }
0x81: {  	_ =	shalt  }
0x82: {  	_ =	shalt  }
0x83: {  	_ =	shalt  }
0x84: {  	_ =	shalt  }
0x85: {  	_ =	shalt  }
0x86: {  	_ =	shalt  }
0x87: {  	_ =	shalt  }
.Lfunc_end0:
.L_simem_size_0:
called_computation.2_lowered:
.L_overlay_start_0:
0x88: {  	s2 =	sld [smem:$0x3FD9]  }
0x89: {  	s3 =	sld [smem:$0x3FFE];
	_ =	sdelay $0x1  }
0x8a: {  	s1 =	srdreg.scid  }
0x8b: {  	s0 =	sand.u32 $0x1, s1  }
0x8c: {  	s16 =	sshll.u32 s0, $0xA;
	s2 =	sadd.s32 s3, s2  }
0x8d: {  	s2 =	sadd.s32 s2, s16  }
0x8e: {  	[smem:$0x3FBF] =	sst s2  }
0x8f: {  	_ = 	snop  }
0x90: {  	s2 =	sld [smem:$0x3FD0];
	_ =	sdelay $0x2  }
0x91: {  	s17 =	simm.s32 $0x11;
	s4 =	simm.s32 $0x10  }
0x92: {  	[smem:s4], [sflag:s17] =	dma.local [hbm:s2], $0x1  }
0x93: {  	_ =	swait.eq [sflag:s17], $0x1  }
0x94: {  	[sflag:s17] =	ssyncset.done $0x0  }
0x95: {  	[sflag:s17] =	ssyncadd.s32 $0xFFFFFFFF  }
0x96: {  	s3 =	sld [smem:$0x11];
	(tm) =	ssettm $0x1  }
0x97: {  	s18 =	sld [smem:$0x3FFB];
	_ =	sdelay $0x3  }
0x98: {  	_ =	strace s18  }
0x99: {  	s2 =	sld [smem:$0x3FFC];
	_ =	sdelay $0x3  }
0x9a: {  	_ =	strace s2  }
0x9b: {  	s2 =	sld [smem:$0x3FFD];
	_ =	sdelay $0x3  }
0x9c: {  	_ =	strace s2  }
0x9d: {  	_ =	strace $0x8FFFFFFF  }
0x9e: {  	s19 =	sld [smem:$0x3FDB];
	_ =	sdelay $0x1  }
0x9f: {  	s20 =	simm.s32 $_scs_section_size  }
0xa0: {  	s5 =	simm.s32 $_size__tile_overlayer_lowered;
	s6 =	simm.s32 $_tile_overlayer_lowered  }
0xa1: {  	s7 =	simm.s32 $0x1BFF;
	s21 =	sshll.u32 s6, $0x1;
	s4 =	sadd.s32 s20, s19  }
0xa2: {  	s22 =	simm.s32 $0x0;
	s5 =	sshll.u32 s5, $0x1;
	s6 =	sadd.s32 s21, s4  }
0xa3: {  	[timem:s22], [sflag:s7] =	dma.local [hbm:s6], s5  }
0xa4: {  	_ =	swait.ge [sflag:s7], s5  }
0xa5: {  	s5 =	ssub.s32 $0x0, s5;
	[sflag:s7] =	ssyncset.done $0x0  }
0xa6: {  	[sflag:s7] =	ssyncadd.s32 s5;
	_ =	sdelay $0x1  }
0xa7: {  	s23 =	simm.s32 $0x1B8B  }
0xa8: {  	_ =	swait.ge [sflag:s23], $0x1  }
0xa9: {  	[sflag:s23] =	ssyncset.done $0x0  }
0xaa: {  	[sflag:s23] =	ssyncadd.s32 $0xFFFFFFFF  }
0xab: {  	s5 =	sld [smem:$0x0]  }
0xac: {  	s6 =	sand.u32 $0xFFFFFFFE, s1  }
0xad: {  	p0 =	sne.s32 s1, s6  }
0xae: {  	s6 =	sshll.u32 @p0 s6, $0xE  }
0xaf: {  	s6 =	sadd.s32 @p0 $0x11B8D, s6;
	s7 =	sshll.u32 @p0 s5, $0x11  }
0xb0: {  	s6 =	sor.u32 @p0 s7, s6  }
0xb1: {  	[sflag:s6] =	ssyncadd.remote.s32 @p0 $0x1;
	_ =	sdelay $0x1  }
0xb2: {  	s6 =	simm.s32 @p0 $0x1B8D  }
0xb3: {  	_ =	swait.eq @p0 [sflag:s6], $0x1  }
0xb4: {  	[sflag:s6] =	ssyncadd.s32 @p0 $0xFFFFFFFF  }
0xb5: {  	s7 =	sshll.u32 @!p0 s1, $0xE  }
0xb6: {  	s7 =	sor.u32 @!p0 $0x4000, s7;
	s6 =	simm.s32 @!p0 $0x1B8D  }
0xb7: {  	s5 =	sshll.u32 @!p0 s5, $0x11;
	s7 =	sadd.s32 @!p0 $0x11B8D, s7;
	_ =	swait.eq @!p0 [sflag:s6], $0x1  }
0xb8: {  	s5 =	sor.u32 @!p0 s5, s7;
	[sflag:s6] =	ssyncadd.s32 @!p0 $0xFFFFFFFF  }
0xb9: {  	s25 =	simm.s32 $0x1B8E;
	s24 =	sld [smem:$0x3FFE];
	[sflag:s5] =	ssyncadd.remote.s32 @!p0 $0x1  }
0xba: {  	s26 =	simm.s32 $execute0_lowered;
	[smem:$0x3FD2] =	sst s25  }
0xbb: {  	s6 =	sshll.u32 s26, $0x1;
	_ =	strace $0x8000005E;
	[dreg:$0x1] =	wrdreg $0xFFFFFFFF  }
0xbc: {  	s28 =	simm.s32 $_size_execute0_lowered;
	s4 =	sadd.s32 s4, s6;
	[dreg:$0x0] =	wrdreg $0x0  }
0xbd: {  	s6 =	sshll.u32 s28, $0x1;
	[dreg:$0x2] =	wrdreg s4  }
0xbe: {  	[dreg:$0x3] =	wrdreg s6  }
0xbf: {  	[dreg:$0x4] =	wrdreg $0xC0  }
0xc0: {  	_ =	task [dreg:s22], $0x5FFFF  }
0xc1: {  	[dreg:$0x1] =	wrdreg $0xFFFFFFFF  }
0xc2: {  	[dreg:$0x0] =	wrdreg $0x60  }
0xc3: {  	[dreg:$0x2] =	wrdreg s24  }
0xc4: {  	[dreg:$0x3] =	wrdreg s3  }
0xc5: {  	[dreg:$0x4] =	wrdreg $0x9  }
0xc6: {  	_ =	task.clear_ibuf [dreg:s22], $0x5FFFF;
	_ =	strace $0x9000005E  }
0xc7: {  	s29 =	simm.s32 $0x9;
	_ =	strace $0x80000060  }
0xc8: {  	_ =	swait.ge [sflag:s29], $0x1  }
0xc9: {  	[sflag:s29] =	ssyncadd.s32 $0xFFFFFFFF  }
0xca: {  	_ =	strace $0x90000060  }
0xcb: {  	_ =	sfence  }
0xcc: {  	s30 =	sld [smem:$0x0];
	_ =	sdelay $0x2  }
0xcd: {  	s31 =	sshll.u32 s1, $0xD;
	s1 =	sshrl.u32 s1, $0x2  }
0xce: {  	s4 =	sand.u32 $0x4000, s31;
	s1 =	sadd.s32 s1, s30  }
0xcf: {  	s0 =	sor.u32 s4, s0;
	s1 =	sshll.u32 s1, $0x11  }
0xd0: {  	s0 =	sor.u32 s1, s0  }
0xd1: {  	s0 =	sadd.s32 $0x8F2B, s0  }
0xd2: {  	[sflag:s0] =	ssyncadd.remote.s32 $0x1  }
0xd3: {  	_ =	sfence.sel $0xFFFF  }
0xd4: {  	[dreg:$0x0] =	wrdreg $0xFFFFFFFF;
	(pc) =	sbr.abs _section_cstart, $3  }
0xd5: {  	[dreg:$0x1] =	wrdreg $0xFFFFFFFF  }
0xd6: {  	_ =	task.clear_ibuf [dreg:s22], $0x2FFFF;
	_ =	strace $0x9FFFFFFF  }
0xd7: {  	(tm) =	ssettm $0x7FFFFFFF  }
tec
execute0_lowered:
.L_overlay_start_1:
0x0: {  	(tag) =	ssettag $0x1  }
0x1: {  	s4 =	rddreg [dreg:$0x0]  }
0x2: {  	s6 =	rddreg [dreg:$0x1]  }
0x3: {  	s0 =	rddreg [dreg:$0x2];
	s2 =	simm.s32 $0x0;
	s1 =	stileid.u32  }
0x4: {  	s3 =	srdreg.scid;
	[smem:$0x7FF] =	sst s2  }
0x5: {  	s5 =	sshll.u32 s1, $0x10;
	s7 =	sand.u32 $0x1, s3;
	s3 =	sadd.s32 $0x105A00, s4  }
0x6: {  	s9 =	sshll.u32 s1, $0xC;
	_ =	strace $0x8000005F;
	s5 =	sadd.s32 s5, s4  }
0x7: {  	s29 =	ssub.s32 $0x2, s7;
	s10 =	sshll.u32 s7, $0xB;
	s7 =	sshll.u32 s7, $0xF  }
0x8: {  	s8 =	sshrl.u32 s29, $0x1;
	s30 =	sor.u32 s10, s9;
	s5 =	sadd.s32 s7, s5  }
0x9: {  	s7 =	simm.s32 $0x2;
	s9 =	simm.s32 $0x1;
	s10 =	simm.s32 $0x0  }
0xa: {  	s4 =	ssub.s32 s29, s8;
	s31 =	sshrl.u32 s30, $0x3;
	s5 =	sadd.s32 $0x805A00, s5  }
0xb: {  	s8 =	simm.s32 $0x80;
	s4 =	smax.u32 s4, $0x1;
	s6 =	sadd.s32 s31, s6  }
.LBB2_1:
0xc: {  	s11 =	sadd.s32 $0x0, s6  }
0xd: {  	[tilespmem:s2], [sflag:$0x2] =	stream.linear.gather [hbm4b:s11+s2], $0x80, $0x38;
	[tilespmem:$0x4080] =	vst v63  }
0xe: {  	_ =	swait.ge [sflag:s7], $0x80  }
0xf: {  	[sflag:s7] =	ssyncset.done $0x0  }
0x10: {  	[sflag:s7] =	ssyncadd.s32 $0xFFFFFF80  }
0x11: {  	[tilespmem:s8], [sflag:$0x1] =	stream.indirect.gather [hbm4b:s3+s8], $0x80, s2, s8, $0xb8;
	[tilespmem:$0x4080] =	vst v63  }
0x12: {  	_ =	swait.ge [sflag:s9], $0x4000  }
0x13: {  	[sflag:s9] =	ssyncset.done $0x0  }
0x14: {  	[sflag:s9] =	ssyncadd.s32 $0xFFFFC000  }
0x15: {  	[hbm4b:s5+s2] =	stream.linear.scatter [tilespmem:s8], [sflag:$0x2], $0x4000, $0x38;
	[tilespmem:$0x4080] =	vst v63  }
0x16: {  	s12 =	simm.s32 $0x10;
	_ =	swait.ge [sflag:s7], $0x4000  }
0x17: {  	s13 =	simm.s32 $0x20;
	s11 =	sadd.s32 $0x800, s5;
	[sflag:s7] =	ssyncset.done $0x0  }
.LBB2_2:
0x18: {  	s14 =	sadd.s32 s12, s6  }
0x19: {  	[sflag:s7] =	ssyncadd.s32 $0xFFFFC000;
	s12 =	smov.u32 s13;
	s15 =	sadd.s32 $0x10, s13  }
0x1a: {  	[tilespmem:s2], [sflag:$0x2] =	stream.linear.gather [hbm4b:s14+s2], $0x80, $0x38;
	[tilespmem:$0x4080] =	vst v63  }
0x1b: {  	p0 =	sne.s32 s13, $0xF0;
	_ =	swait.ge [sflag:s7], $0x80  }
0x1c: {  	[sflag:s7] =	ssyncset.done $0x0  }
0x1d: {  	[sflag:s7] =	ssyncadd.s32 $0xFFFFFF80  }
0x1e: {  	[tilespmem:s8], [sflag:$0x1] =	stream.indirect.gather [hbm4b:s3+s8], $0x80, s2, s8, $0xb8;
	[tilespmem:$0x4080] =	vst v63  }
0x1f: {  	_ =	swait.ge [sflag:s9], $0x4000  }
.Ltmp0:
0x20: {  	[sflag:s9] =	ssyncset.done $0x0;
	(pc) =	sbr.rel @p0 .LBB2_2-.Ltmp0, $4  }
0x21: {  	[sflag:s9] =	ssyncadd.s32 $0xFFFFC000  }
0x22: {  	[hbm4b:s11+s2] =	stream.linear.scatter [tilespmem:s8], [sflag:$0x2], $0x4000, $0x38;
	[tilespmem:$0x4080] =	vst v63  }
0x23: {  	_ =	swait.ge [sflag:s7], $0x4000  }
0x24: {  	s13 =	smov.u32 s15;
	s11 =	sadd.s32 $0x800, s11;
	[sflag:s7] =	ssyncset.done $0x0  }
0x25: {  	s12 =	sadd.s32 s12, s6;
	[sflag:s7] =	ssyncadd.s32 $0xFFFFC000  }
0x26: {  	[tilespmem:s2], [sflag:$0x2] =	stream.linear.gather [hbm4b:s12+s2], $0x80, $0x38;
	[tilespmem:$0x4080] =	vst v63  }
0x27: {  	_ =	swait.ge [sflag:s7], $0x80  }
0x28: {  	[sflag:s7] =	ssyncset.done $0x0  }
0x29: {  	[sflag:s7] =	ssyncadd.s32 $0xFFFFFF80  }
0x2a: {  	[tilespmem:s8], [sflag:$0x1] =	stream.indirect.gather [hbm4b:s3+s8], $0x80, s2, s8, $0xb8;
	[tilespmem:$0x4080] =	vst v63  }
0x2b: {  	s10 =	sadd.s32 $0x1, s10;
	_ =	swait.ge [sflag:s9], $0x4000  }
0x2c: {  	p0 =	sne.s32 s10, s4;
	[sflag:s9] =	ssyncset.done $0x0  }
.Ltmp1:
0x2d: {  	[sflag:s9] =	ssyncadd.s32 $0xFFFFC000;
	(pc) =	sbr.rel @p0 .LBB2_1-.Ltmp1, $4  }
0x2e: {  	[hbm4b:s11+s2] =	stream.linear.scatter [tilespmem:s8], [sflag:$0x2], $0x4000, $0x38;
	[tilespmem:$0x4080] =	vst v63  }
0x2f: {  	_ =	swait.ge [sflag:s7], $0x4000  }
0x30: {  	[sflag:s7] =	ssyncset.done $0x0  }
0x31: {  	[sflag:s7] =	ssyncadd.s32 $0xFFFFC000  }
0x32: {  	_ =	sfence.sel $0x180000  }
0x33: {  	[bflag:$0x0] =	sbarrier.arrive $0xFFFF  }
0x34: {  	p0 =	sne.s32 s1, $0x0;
	_ =	strace $0x9000005F  }
0x35: {  	s0 =	sadd.s32 @!p0 $0x100000, s0;
	[bflag:$0x2] =	sbarrier.arrive $0xFFFF  }
0x36: {  	[sflag:s0] =	ssyncadd.tile.s32 @!p0 $0x1;
	_ =	shalt  }
.Lfunc_end2:
_tile_overlayer_lowered:
.L_overlay_start_2:
0x37: {  	(tag) =	ssettag $0x2  }
0x38: {  	s0 =	rddreg [dreg:$0x0];
	s2 =	stileid.u32  }
0x39: {  	s1 =	rddreg [dreg:$0x1];
	p0 =	sne.s32 s2, $0x0  }
0x3a: {  	s3 =	rddreg [dreg:$0x2];
	[bflag:$0x3] =	sbarrier.arrive $0xFFFF;
	s2 =	simm.s32 @!p0 $0x1C02  }
0x3b: {  	[timem:s3], [sflag:s2] =	dma.local @!p0 [hbm:s0], s1  }
0x3c: {  	s0 =	simm.s32 @!p0 $0x2  }
0x3d: {  	_ =	swait.ge @!p0 [sflag:s0], s1  }
0x3e: {  	s1 =	ssub.s32 @!p0 $0x0, s1;
	[sflag:s0] =	ssyncset.done @!p0 $0x0  }
0x3f: {  	[sflag:s0] =	ssyncadd.s32 @!p0 s1  }
0x40: {  	[bflag:$0x3] =	sbarrier.arrive $0xFFFF  }
0x41: {  	_ =	shalt  }

// kernel: kernel.33.cloned.1.call-start
scs
__scs_entry_jumppad:
0x0: {  	(pc) =	sbr.rel $0x88, $3  }
0x1: {  	(tag) =	ssettag $0x0;
	lr =	simm.s32 $0x1  }
0x2: {  	[smem:$0x3F98] =	sst lr;
	_ =	strace $0xD0000000  }
0x3: {  	_ = 	snop  }
0x4: {  	_ = 	snop  }
0x5: {  	_ = 	snop  }
0x6: {  	_ = 	snop  }
0x7: {  	_ = 	snop  }
__scs_overlays_trampoline_lowered:
0x8: {  	[smem:$0x3FA7] =	sst s0  }
0x9: {  	[smem:$0x3FA8] =	sst s1  }
0xa: {  	[smem:$0x3FA9] =	sst s2  }
0xb: {  	[smem:$0x3FAA] =	sst s3  }
0xc: {  	[smem:$0x3FAB] =	sst s4  }
0xd: {  	[smem:$0x3FAC] =	sst s5  }
0xe: {  	[smem:$0x3FAD] =	sst s6  }
0xf: {  	[smem:$0x3FAE] =	sst s7  }
0x10: {  	[smem:$0x3FAF] =	sst s8  }
0x11: {  	[smem:$0x3FB0] =	sst s9;
	s0 =	simm.s32 @!p0 $0x0  }
0x12: {  	s1 =	sld [smem:$0x3F96];
	s0 =	simm.s32 @p0 $0x1  }
0x13: {  	[smem:$0x3FB1] =	sst s0;
	s0 =	simm.s32 @!p1 $0x0  }
0x14: {  	s2 =	sld [smem:$0x3F95];
	s0 =	simm.s32 @p1 $0x1  }
0x15: {  	[smem:$0x3FB2] =	sst s0;
	s0 =	simm.s32 @!p2 $0x0  }
0x16: {  	s3 =	sld [smem:$0x3FDB];
	s0 =	simm.s32 @p2 $0x1  }
0x17: {  	s4 =	simm.s32 $0x1BF5;
	[smem:$0x3FB4] =	sst s0  }
0x18: {  	s0 =	sld [smem:$0x3F97];
	_ =	swait.ge [sflag:s4], $0x0  }
0x19: {  	s7 =	sld [smem:$0x3F98]  }
0x1a: {  	s8 =	sadd.s32 $0xFFFFE003, lr  }
0x1b: {  	s9 =	sadd.s32 $0xFFFFFEF7, lr;
	s5 =	simm.s32 $0xFFFFFFFF;
	p2 =	slt.u32 s8, $0xFFFFF086  }
0x1c: {  	p1 =	slt.u32 s9, $0xF7A;
	s5 =	simm.s32 @!p2 $0x0  }
0x1d: {  	s5 =	simm.s32 @p1 $0x1;
	p0 =	seq.s32 s7, s2  }
0x1e: {  	s7 =	smul.u32 @!p0 $0xF7A, s2;
	p2 =	seq.s32 @!p0 s5, $0x0  }
0x1f: {  	s9 =	smul.u32 $0xF7A, s1;
	s8 =	simm.s32 @!p0 $0x1BF5;
	p2 =	por !p2, p0  }
0x20: {  	[sflag:s8] =	ssyncset.s32 @!p0 $0xFFFFF086;
	s6 =	sadd.s32 @!p0 s3, s7;
	s7 =	simm.s32 @!p0 $0x108  }
0x21: {  	s3 =	sadd.s32 s3, s9;
	s6 =	sadd.s32 @!p0 $0x88, s6;
	s7 =	simm.s32 @p2 $0x1082  }
0x22: {  	[simem:s7], [sflag:s8] =	dma.local @!p0 [hbm:s6], $0xF7A  }
0x23: {  	s9 =	sor.u32 $0xD0000000, s2;
	s6 =	simm.s32 $0x108;
	_ =	swait.ge @!p0 [sflag:s8], $0x0  }
0x24: {  	s3 =	sadd.s32 $0x88, s3;
	s6 =	simm.s32 @!p1 $0x1082;
	[sflag:s4] =	ssyncset.s32 $0xFFFFF086  }
0x25: {  	[simem:s6], [sflag:s4] =	dma.local [hbm:s3], $0xF7A  }
0x26: {  	[smem:$0x3F98] =	sst s1;
	(tag) =	ssettag s2;
	_ =	strace s9  }
0x27: {  	s1 =	sld [smem:$0x3FA8]  }
0x28: {  	s2 =	sld [smem:$0x3FA9]  }
0x29: {  	s4 =	sld [smem:$0x3FAB]  }
0x2a: {  	p0 =	seq.s32 s5, $0x0;
	s5 =	sld [smem:$0x3FAC]  }
0x2b: {  	s6 =	sld [smem:$0x3FAD]  }
0x2c: {  	s7 =	sld [smem:$0x3FAE]  }
0x2d: {  	s3 =	simm.s32 $0x108;
	s8 =	sld [smem:$0x3FAF]  }
0x2e: {  	s3 =	simm.s32 @!p0 $0x1082;
	s9 =	sld [smem:$0x3FB0]  }
0x2f: {  	lr =	sadd.s32 s0, s3;
	s0 =	sld [smem:$0x3FA7]  }
0x30: {  	s3 =	sld [smem:$0x3FAA]  }
0x31: {  	[smem:$0x3FB3] =	sst s10  }
0x32: {  	s10 =	sld [smem:$0x3FB1];
	_ =	sdelay $0x3  }
0x33: {  	p0 =	seq.s32 s10, $0x1;
	s10 =	sld [smem:$0x3FB3];
	_ =	sdelay $0x3  }
0x34: {  	[smem:$0x3FB3] =	sst s10  }
0x35: {  	s10 =	sld [smem:$0x3FB2];
	_ =	sdelay $0x3  }
0x36: {  	p1 =	seq.s32 s10, $0x1;
	s10 =	sld [smem:$0x3FB3];
	_ =	sdelay $0x3  }
0x37: {  	[smem:$0x3FB3] =	sst s10  }
0x38: {  	s10 =	sld [smem:$0x3FB4]  }
0x39: {  	_ = 	snop;
	(pc) =	sbr.ind lr, $3  }
0x3a: {  	_ = 	snop  }
0x3b: {  	_ = 	snop  }
0x3c: {  	p2 =	seq.s32 s10, $0x1;
	s10 =	sld [smem:$0x3FB3]  }
0x3d: {  	_ =	shalt  }
0x3e: {  	_ =	shalt  }
0x3f: {  	_ =	shalt  }
0x40: {  	_ =	shalt  }
0x41: {  	_ =	shalt  }
0x42: {  	_ =	shalt  }
0x43: {  	_ =	shalt  }
0x44: {  	_ =	shalt  }
0x45: {  	_ =	shalt  }
0x46: {  	_ =	shalt  }
0x47: {  	_ =	shalt  }
0x48: {  	_ =	shalt  }
0x49: {  	_ =	shalt  }
0x4a: {  	_ =	shalt  }
0x4b: {  	_ =	shalt  }
0x4c: {  	_ =	shalt  }
0x4d: {  	_ =	shalt  }
0x4e: {  	_ =	shalt  }
0x4f: {  	_ =	shalt  }
0x50: {  	_ =	shalt  }
0x51: {  	_ =	shalt  }
0x52: {  	_ =	shalt  }
0x53: {  	_ =	shalt  }
0x54: {  	_ =	shalt  }
0x55: {  	_ =	shalt  }
0x56: {  	_ =	shalt  }
0x57: {  	_ =	shalt  }
0x58: {  	_ =	shalt  }
0x59: {  	_ =	shalt  }
0x5a: {  	_ =	shalt  }
0x5b: {  	_ =	shalt  }
0x5c: {  	_ =	shalt  }
0x5d: {  	_ =	shalt  }
0x5e: {  	_ =	shalt  }
0x5f: {  	_ =	shalt  }
0x60: {  	_ =	shalt  }
0x61: {  	_ =	shalt  }
0x62: {  	_ =	shalt  }
0x63: {  	_ =	shalt  }
0x64: {  	_ =	shalt  }
0x65: {  	_ =	shalt  }
0x66: {  	_ =	shalt  }
0x67: {  	_ =	shalt  }
0x68: {  	_ =	shalt  }
0x69: {  	_ =	shalt  }
0x6a: {  	_ =	shalt  }
0x6b: {  	_ =	shalt  }
0x6c: {  	_ =	shalt  }
0x6d: {  	_ =	shalt  }
0x6e: {  	_ =	shalt  }
0x6f: {  	_ =	shalt  }
0x70: {  	_ =	shalt  }
0x71: {  	_ =	shalt  }
0x72: {  	_ =	shalt  }
0x73: {  	_ =	shalt  }
0x74: {  	_ =	shalt  }
0x75: {  	_ =	shalt  }
0x76: {  	_ =	shalt  }
0x77: {  	_ =	shalt  }
0x78: {  	_ =	shalt  }
0x79: {  	_ =	shalt  }
0x7a: {  	_ =	shalt  }
0x7b: {  	_ =	shalt  }
0x7c: {  	_ =	shalt  }
0x7d: {  	_ =	shalt  }
0x7e: {  	_ =	shalt  }
0x7f: {  	_ =	shalt  }
0x80: {  	_ =	shalt  }
0x81: {  	_ =	shalt  }
0x82: {  	_ =	shalt  }
0x83: {  	_ =	shalt  }
0x84: {  	_ =	shalt  }
0x85: {  	_ =	shalt  }
0x86: {  	_ =	shalt  }
0x87: {  	_ =	shalt  }
.Lfunc_end0:
.L_simem_size_0:
called_computation.3_lowered:
.L_overlay_start_0:
0x88: {  	s2 =	sld [smem:$0x3FD9]  }
0x89: {  	s3 =	sld [smem:$0x3FFE];
	_ =	sdelay $0x1  }
0x8a: {  	s1 =	srdreg.scid  }
0x8b: {  	s0 =	sand.u32 $0x1, s1  }
0x8c: {  	s16 =	sshll.u32 s0, $0xA;
	s2 =	sadd.s32 s3, s2  }
0x8d: {  	s2 =	sadd.s32 s2, s16  }
0x8e: {  	[smem:$0x3FBF] =	sst s2  }
0x8f: {  	_ = 	snop  }
0x90: {  	(tm) =	ssettm $0x1  }
0x91: {  	s17 =	sld [smem:$0x3FFB];
	_ =	sdelay $0x3  }
0x92: {  	_ =	strace s17  }
0x93: {  	s2 =	sld [smem:$0x3FFC];
	_ =	sdelay $0x3  }
0x94: {  	_ =	strace s2  }
0x95: {  	s2 =	sld [smem:$0x3FFD];
	_ =	sdelay $0x3  }
0x96: {  	_ =	strace s2  }
0x97: {  	_ =	strace $0x8FFFFFFF  }
0x98: {  	s18 =	sld [smem:$0x3FDB];
	_ =	sdelay $0x1  }
0x99: {  	s19 =	simm.s32 $_scs_section_size  }
0x9a: {  	s4 =	simm.s32 $_size__tile_overlayer_lowered;
	s5 =	simm.s32 $_tile_overlayer_lowered  }
0x9b: {  	s22 =	simm.s32 $0x1BFF;
	s21 =	sshll.u32 s5, $0x1;
	s2 =	sadd.s32 s19, s18  }
0x9c: {  	s6 =	simm.s32 $0x0;
	s20 =	sshll.u32 s4, $0x1;
	s4 =	sadd.s32 s21, s2  }
0x9d: {  	[timem:s6], [sflag:s22] =	dma.local [hbm:s4], s20  }
0x9e: {  	_ =	swait.ge [sflag:s22], s20  }
0x9f: {  	s3 =	ssub.s32 $0x0, s20;
	[sflag:s22] =	ssyncset.done $0x0  }
0xa0: {  	[sflag:s22] =	ssyncadd.s32 s3;
	_ =	sdelay $0x1  }
0xa1: {  	s23 =	simm.s32 $0x1B8B  }
0xa2: {  	_ =	swait.ge [sflag:s23], $0x1  }
0xa3: {  	[sflag:s23] =	ssyncset.done $0x0  }
0xa4: {  	s25 =	simm.s32 $0x1B8E;
	s24 =	sld [smem:$0x3FFE];
	[sflag:s23] =	ssyncadd.s32 $0xFFFFFFFF  }
0xa5: {  	s26 =	simm.s32 $execute0_lowered;
	[smem:$0x3FD2] =	sst s25  }
0xa6: {  	s4 =	sshll.u32 s26, $0x1;
	_ =	strace $0x8000004C;
	[dreg:$0x1] =	wrdreg $0xFFFFFFFF  }
0xa7: {  	s28 =	simm.s32 $_size_execute0_lowered;
	s2 =	sadd.s32 s2, s4;
	[dreg:$0x0] =	wrdreg $0x0  }
0xa8: {  	s4 =	sshll.u32 s28, $0x1;
	[dreg:$0x2] =	wrdreg s2  }
0xa9: {  	[dreg:$0x3] =	wrdreg s4  }
0xaa: {  	[dreg:$0x4] =	wrdreg $0xC0  }
0xab: {  	_ =	task [dreg:s6], $0x5FFFF  }
0xac: {  	[dreg:$0x1] =	wrdreg $0xFFFFFFFF  }
0xad: {  	[dreg:$0x0] =	wrdreg $0x60  }
0xae: {  	[dreg:$0x2] =	wrdreg s24  }
0xaf: {  	[dreg:$0x3] =	wrdreg $0xA  }
0xb0: {  	_ =	task.clear_ibuf [dreg:s6], $0x4FFFF;
	_ =	strace $0x9000004C  }
0xb1: {  	s29 =	simm.s32 $0xA;
	_ =	strace $0x8000004E  }
0xb2: {  	_ =	swait.ge [sflag:s29], $0x1  }
0xb3: {  	[sflag:s29] =	ssyncadd.s32 $0xFFFFFFFF  }
0xb4: {  	_ =	strace $0x9000004E  }
0xb5: {  	_ =	sfence  }
0xb6: {  	s30 =	sld [smem:$0x0];
	_ =	sdelay $0x2  }
0xb7: {  	s31 =	sshll.u32 s1, $0xD;
	s1 =	sshrl.u32 s1, $0x2  }
0xb8: {  	s3 =	sand.u32 $0x4000, s31;
	s1 =	sadd.s32 s1, s30  }
0xb9: {  	s0 =	sor.u32 s3, s0;
	s1 =	sshll.u32 s1, $0x11  }
0xba: {  	s0 =	sor.u32 s1, s0  }
0xbb: {  	s0 =	sadd.s32 $0x8F2B, s0  }
0xbc: {  	[sflag:s0] =	ssyncadd.remote.s32 $0x1  }
0xbd: {  	_ =	sfence.sel $0xFFFF  }
0xbe: {  	[dreg:$0x0] =	wrdreg $0xFFFFFFFF;
	(pc) =	sbr.abs _section_cstart, $3  }
0xbf: {  	[dreg:$0x1] =	wrdreg $0xFFFFFFFF  }
0xc0: {  	_ =	task.clear_ibuf [dreg:s6], $0x2FFFF;
	_ =	strace $0x9FFFFFFF  }
0xc1: {  	(tm) =	ssettm $0x7FFFFFFF  }
tec
execute0_lowered:
.L_overlay_start_1:
0x0: {  	(tag) =	ssettag $0x1  }
0x1: {  	s4 =	rddreg [dreg:$0x0]  }
0x2: {  	s0 =	rddreg [dreg:$0x1];
	s2 =	simm.s32 $0x0;
	s3 =	srdreg.scid  }
0x3: {  	s1 =	stileid.u32;
	s10 =	simm.s32 $0x0;
	[smem:$0x7FF] =	sst s2  }
0x4: {  	s5 =	sand.u32 $0x1, s3;
	s6 =	sshll.u32 s1, $0xC;
	s3 =	sadd.s32 $0x105A00, s4  }
0x5: {  	s8 =	sshll.u32 s1, $0x10;
	_ =	strace $0x8000004D;
	s7 =	sshll.u32 s5, $0xB  }
0x6: {  	s31 =	ssub.s32 $0x2, s5;
	s8 =	sadd.s32 s8, s4;
	s5 =	sshll.u32 s5, $0xF  }
0x7: {  	s6 =	sor.u32 s7, s6;
	s9 =	sshrl.u32 s31, $0x1;
	s5 =	sadd.s32 s5, s8  }
0x8: {  	s8 =	simm.s32 $0x80;
	s6 =	sshrl.u32 s6, $0x3;
	s7 =	ssub.s32 s31, s9  }
0x9: {  	s5 =	sadd.s32 $0x205A00, s5;
	s9 =	simm.s32 $0x1;
	s6 =	sadd.s32 s6, s4  }
0xa: {  	s4 =	smax.u32 s7, $0x1;
	s7 =	simm.s32 $0x2;
	s6 =	sadd.s32 $0x29A00, s6  }
.LBB2_1:
0xb: {  	s11 =	sadd.s32 $0x0, s6  }
0xc: {  	[tilespmem:s2], [sflag:$0x2] =	stream.linear.gather [hbm4b:s11+s2], $0x80, $0x38;
	[tilespmem:$0x4080] =	vst v63  }
0xd: {  	_ =	swait.ge [sflag:s7], $0x80  }
0xe: {  	[sflag:s7] =	ssyncset.done $0x0  }
0xf: {  	[sflag:s7] =	ssyncadd.s32 $0xFFFFFF80  }
0x10: {  	[tilespmem:s8], [sflag:$0x1] =	stream.indirect.gather [hbm4b:s3+s8], $0x80, s2, s8, $0xb8;
	[tilespmem:$0x4080] =	vst v63  }
0x11: {  	_ =	swait.ge [sflag:s9], $0x4000  }
0x12: {  	[sflag:s9] =	ssyncset.done $0x0  }
0x13: {  	[sflag:s9] =	ssyncadd.s32 $0xFFFFC000  }
0x14: {  	[hbm4b:s5+s2] =	stream.linear.scatter [tilespmem:s8], [sflag:$0x2], $0x4000, $0x38;
	[tilespmem:$0x4080] =	vst v63  }
0x15: {  	s12 =	simm.s32 $0x10;
	_ =	swait.ge [sflag:s7], $0x4000  }
0x16: {  	s13 =	simm.s32 $0x20;
	s11 =	sadd.s32 $0x800, s5;
	[sflag:s7] =	ssyncset.done $0x0  }
.LBB2_2:
0x17: {  	s14 =	sadd.s32 s12, s6  }
0x18: {  	[sflag:s7] =	ssyncadd.s32 $0xFFFFC000;
	s12 =	smov.u32 s13;
	s15 =	sadd.s32 $0x10, s13  }
0x19: {  	[tilespmem:s2], [sflag:$0x2] =	stream.linear.gather [hbm4b:s14+s2], $0x80, $0x38;
	[tilespmem:$0x4080] =	vst v63  }
0x1a: {  	p0 =	sne.s32 s13, $0xF0;
	_ =	swait.ge [sflag:s7], $0x80  }
0x1b: {  	[sflag:s7] =	ssyncset.done $0x0  }
0x1c: {  	[sflag:s7] =	ssyncadd.s32 $0xFFFFFF80  }
0x1d: {  	[tilespmem:s8], [sflag:$0x1] =	stream.indirect.gather [hbm4b:s3+s8], $0x80, s2, s8, $0xb8;
	[tilespmem:$0x4080] =	vst v63  }
0x1e: {  	_ =	swait.ge [sflag:s9], $0x4000  }
.Ltmp0:
0x1f: {  	[sflag:s9] =	ssyncset.done $0x0;
	(pc) =	sbr.rel @p0 .LBB2_2-.Ltmp0, $4  }
0x20: {  	[sflag:s9] =	ssyncadd.s32 $0xFFFFC000  }
0x21: {  	[hbm4b:s11+s2] =	stream.linear.scatter [tilespmem:s8], [sflag:$0x2], $0x4000, $0x38;
	[tilespmem:$0x4080] =	vst v63  }
0x22: {  	_ =	swait.ge [sflag:s7], $0x4000  }
0x23: {  	s13 =	smov.u32 s15;
	s11 =	sadd.s32 $0x800, s11;
	[sflag:s7] =	ssyncset.done $0x0  }
0x24: {  	s12 =	sadd.s32 s12, s6;
	[sflag:s7] =	ssyncadd.s32 $0xFFFFC000  }
0x25: {  	[tilespmem:s2], [sflag:$0x2] =	stream.linear.gather [hbm4b:s12+s2], $0x80, $0x38;
	[tilespmem:$0x4080] =	vst v63  }
0x26: {  	_ =	swait.ge [sflag:s7], $0x80  }
0x27: {  	[sflag:s7] =	ssyncset.done $0x0  }
0x28: {  	[sflag:s7] =	ssyncadd.s32 $0xFFFFFF80  }
0x29: {  	[tilespmem:s8], [sflag:$0x1] =	stream.indirect.gather [hbm4b:s3+s8], $0x80, s2, s8, $0xb8;
	[tilespmem:$0x4080] =	vst v63  }
0x2a: {  	s10 =	sadd.s32 $0x1, s10;
	_ =	swait.ge [sflag:s9], $0x4000  }
0x2b: {  	p0 =	sne.s32 s10, s4;
	[sflag:s9] =	ssyncset.done $0x0  }
.Ltmp1:
0x2c: {  	[sflag:s9] =	ssyncadd.s32 $0xFFFFC000;
	(pc) =	sbr.rel @p0 .LBB2_1-.Ltmp1, $4  }
0x2d: {  	[hbm4b:s11+s2] =	stream.linear.scatter [tilespmem:s8], [sflag:$0x2], $0x4000, $0x38;
	[tilespmem:$0x4080] =	vst v63  }
0x2e: {  	_ =	swait.ge [sflag:s7], $0x4000  }
0x2f: {  	[sflag:s7] =	ssyncset.done $0x0  }
0x30: {  	[sflag:s7] =	ssyncadd.s32 $0xFFFFC000  }
0x31: {  	_ =	sfence.sel $0x180000  }
0x32: {  	[bflag:$0x0] =	sbarrier.arrive $0xFFFF  }
0x33: {  	p0 =	sne.s32 s1, $0x0;
	_ =	strace $0x9000004D  }
0x34: {  	s0 =	sadd.s32 @!p0 $0x100000, s0;
	[bflag:$0x2] =	sbarrier.arrive $0xFFFF  }
0x35: {  	[sflag:s0] =	ssyncadd.tile.s32 @!p0 $0x1;
	_ =	shalt  }
.Lfunc_end2:
_tile_overlayer_lowered:
.L_overlay_start_2:
0x36: {  	(tag) =	ssettag $0x2  }
0x37: {  	s0 =	rddreg [dreg:$0x0];
	s2 =	stileid.u32  }
0x38: {  	s1 =	rddreg [dreg:$0x1];
	p0 =	sne.s32 s2, $0x0  }
0x39: {  	s3 =	rddreg [dreg:$0x2];
	[bflag:$0x3] =	sbarrier.arrive $0xFFFF;
	s2 =	simm.s32 @!p0 $0x1C02  }
0x3a: {  	[timem:s3], [sflag:s2] =	dma.local @!p0 [hbm:s0], s1  }
0x3b: {  	s0 =	simm.s32 @!p0 $0x2  }
0x3c: {  	_ =	swait.ge @!p0 [sflag:s0], s1  }
0x3d: {  	s1 =	ssub.s32 @!p0 $0x0, s1;
	[sflag:s0] =	ssyncset.done @!p0 $0x0  }
0x3e: {  	[sflag:s0] =	ssyncadd.s32 @!p0 s1  }
0x3f: {  	[bflag:$0x3] =	sbarrier.arrive $0xFFFF  }
0x40: {  	_ =	shalt  }

// kernel: kernel.36.cloned.1.call-start
scs
__scs_entry_jumppad:
0x0: {  	(pc) =	sbr.rel $0x88, $3  }
0x1: {  	(tag) =	ssettag $0x0;
	lr =	simm.s32 $0x1  }
0x2: {  	[smem:$0x3F98] =	sst lr;
	_ =	strace $0xD0000000  }
0x3: {  	_ = 	snop  }
0x4: {  	_ = 	snop  }
0x5: {  	_ = 	snop  }
0x6: {  	_ = 	snop  }
0x7: {  	_ = 	snop  }
__scs_overlays_trampoline_lowered:
0x8: {  	[smem:$0x3FA7] =	sst s0  }
0x9: {  	[smem:$0x3FA8] =	sst s1  }
0xa: {  	[smem:$0x3FA9] =	sst s2  }
0xb: {  	[smem:$0x3FAA] =	sst s3  }
0xc: {  	[smem:$0x3FAB] =	sst s4  }
0xd: {  	[smem:$0x3FAC] =	sst s5  }
0xe: {  	[smem:$0x3FAD] =	sst s6  }
0xf: {  	[smem:$0x3FAE] =	sst s7  }
0x10: {  	[smem:$0x3FAF] =	sst s8  }
0x11: {  	[smem:$0x3FB0] =	sst s9;
	s0 =	simm.s32 @!p0 $0x0  }
0x12: {  	s1 =	sld [smem:$0x3F96];
	s0 =	simm.s32 @p0 $0x1  }
0x13: {  	[smem:$0x3FB1] =	sst s0;
	s0 =	simm.s32 @!p1 $0x0  }
0x14: {  	s2 =	sld [smem:$0x3F95];
	s0 =	simm.s32 @p1 $0x1  }
0x15: {  	[smem:$0x3FB2] =	sst s0;
	s0 =	simm.s32 @!p2 $0x0  }
0x16: {  	s3 =	sld [smem:$0x3FDB];
	s0 =	simm.s32 @p2 $0x1  }
0x17: {  	s4 =	simm.s32 $0x1BF5;
	[smem:$0x3FB4] =	sst s0  }
0x18: {  	s0 =	sld [smem:$0x3F97];
	_ =	swait.ge [sflag:s4], $0x0  }
0x19: {  	s7 =	sld [smem:$0x3F98]  }
0x1a: {  	s8 =	sadd.s32 $0xFFFFE003, lr  }
0x1b: {  	s9 =	sadd.s32 $0xFFFFFEF7, lr;
	s5 =	simm.s32 $0xFFFFFFFF;
	p2 =	slt.u32 s8, $0xFFFFF086  }
0x1c: {  	p1 =	slt.u32 s9, $0xF7A;
	s5 =	simm.s32 @!p2 $0x0  }
0x1d: {  	s5 =	simm.s32 @p1 $0x1;
	p0 =	seq.s32 s7, s2  }
0x1e: {  	s7 =	smul.u32 @!p0 $0xF7A, s2;
	p2 =	seq.s32 @!p0 s5, $0x0  }
0x1f: {  	s9 =	smul.u32 $0xF7A, s1;
	s8 =	simm.s32 @!p0 $0x1BF5;
	p2 =	por !p2, p0  }
0x20: {  	[sflag:s8] =	ssyncset.s32 @!p0 $0xFFFFF086;
	s6 =	sadd.s32 @!p0 s3, s7;
	s7 =	simm.s32 @!p0 $0x108  }
0x21: {  	s3 =	sadd.s32 s3, s9;
	s6 =	sadd.s32 @!p0 $0x88, s6;
	s7 =	simm.s32 @p2 $0x1082  }
0x22: {  	[simem:s7], [sflag:s8] =	dma.local @!p0 [hbm:s6], $0xF7A  }
0x23: {  	s9 =	sor.u32 $0xD0000000, s2;
	s6 =	simm.s32 $0x108;
	_ =	swait.ge @!p0 [sflag:s8], $0x0  }
0x24: {  	s3 =	sadd.s32 $0x88, s3;
	s6 =	simm.s32 @!p1 $0x1082;
	[sflag:s4] =	ssyncset.s32 $0xFFFFF086  }
0x25: {  	[simem:s6], [sflag:s4] =	dma.local [hbm:s3], $0xF7A  }
0x26: {  	[smem:$0x3F98] =	sst s1;
	(tag) =	ssettag s2;
	_ =	strace s9  }
0x27: {  	s1 =	sld [smem:$0x3FA8]  }
0x28: {  	s2 =	sld [smem:$0x3FA9]  }
0x29: {  	s4 =	sld [smem:$0x3FAB]  }
0x2a: {  	p0 =	seq.s32 s5, $0x0;
	s5 =	sld [smem:$0x3FAC]  }
0x2b: {  	s6 =	sld [smem:$0x3FAD]  }
0x2c: {  	s7 =	sld [smem:$0x3FAE]  }
0x2d: {  	s3 =	simm.s32 $0x108;
	s8 =	sld [smem:$0x3FAF]  }
0x2e: {  	s3 =	simm.s32 @!p0 $0x1082;
	s9 =	sld [smem:$0x3FB0]  }
0x2f: {  	lr =	sadd.s32 s0, s3;
	s0 =	sld [smem:$0x3FA7]  }
0x30: {  	s3 =	sld [smem:$0x3FAA]  }
0x31: {  	[smem:$0x3FB3] =	sst s10  }
0x32: {  	s10 =	sld [smem:$0x3FB1];
	_ =	sdelay $0x3  }
0x33: {  	p0 =	seq.s32 s10, $0x1;
	s10 =	sld [smem:$0x3FB3];
	_ =	sdelay $0x3  }
0x34: {  	[smem:$0x3FB3] =	sst s10  }
0x35: {  	s10 =	sld [smem:$0x3FB2];
	_ =	sdelay $0x3  }
0x36: {  	p1 =	seq.s32 s10, $0x1;
	s10 =	sld [smem:$0x3FB3];
	_ =	sdelay $0x3  }
0x37: {  	[smem:$0x3FB3] =	sst s10  }
0x38: {  	s10 =	sld [smem:$0x3FB4]  }
0x39: {  	_ = 	snop;
	(pc) =	sbr.ind lr, $3  }
0x3a: {  	_ = 	snop  }
0x3b: {  	_ = 	snop  }
0x3c: {  	p2 =	seq.s32 s10, $0x1;
	s10 =	sld [smem:$0x3FB3]  }
0x3d: {  	_ =	shalt  }
0x3e: {  	_ =	shalt  }
0x3f: {  	_ =	shalt  }
0x40: {  	_ =	shalt  }
0x41: {  	_ =	shalt  }
0x42: {  	_ =	shalt  }
0x43: {  	_ =	shalt  }
0x44: {  	_ =	shalt  }
0x45: {  	_ =	shalt  }
0x46: {  	_ =	shalt  }
0x47: {  	_ =	shalt  }
0x48: {  	_ =	shalt  }
0x49: {  	_ =	shalt  }
0x4a: {  	_ =	shalt  }
0x4b: {  	_ =	shalt  }
0x4c: {  	_ =	shalt  }
0x4d: {  	_ =	shalt  }
0x4e: {  	_ =	shalt  }
0x4f: {  	_ =	shalt  }
0x50: {  	_ =	shalt  }
0x51: {  	_ =	shalt  }
0x52: {  	_ =	shalt  }
0x53: {  	_ =	shalt  }
0x54: {  	_ =	shalt  }
0x55: {  	_ =	shalt  }
0x56: {  	_ =	shalt  }
0x57: {  	_ =	shalt  }
0x58: {  	_ =	shalt  }
0x59: {  	_ =	shalt  }
0x5a: {  	_ =	shalt  }
0x5b: {  	_ =	shalt  }
0x5c: {  	_ =	shalt  }
0x5d: {  	_ =	shalt  }
0x5e: {  	_ =	shalt  }
0x5f: {  	_ =	shalt  }
0x60: {  	_ =	shalt  }
0x61: {  	_ =	shalt  }
0x62: {  	_ =	shalt  }
0x63: {  	_ =	shalt  }
0x64: {  	_ =	shalt  }
0x65: {  	_ =	shalt  }
0x66: {  	_ =	shalt  }
0x67: {  	_ =	shalt  }
0x68: {  	_ =	shalt  }
0x69: {  	_ =	shalt  }
0x6a: {  	_ =	shalt  }
0x6b: {  	_ =	shalt  }
0x6c: {  	_ =	shalt  }
0x6d: {  	_ =	shalt  }
0x6e: {  	_ =	shalt  }
0x6f: {  	_ =	shalt  }
0x70: {  	_ =	shalt  }
0x71: {  	_ =	shalt  }
0x72: {  	_ =	shalt  }
0x73: {  	_ =	shalt  }
0x74: {  	_ =	shalt  }
0x75: {  	_ =	shalt  }
0x76: {  	_ =	shalt  }
0x77: {  	_ =	shalt  }
0x78: {  	_ =	shalt  }
0x79: {  	_ =	shalt  }
0x7a: {  	_ =	shalt  }
0x7b: {  	_ =	shalt  }
0x7c: {  	_ =	shalt  }
0x7d: {  	_ =	shalt  }
0x7e: {  	_ =	shalt  }
0x7f: {  	_ =	shalt  }
0x80: {  	_ =	shalt  }
0x81: {  	_ =	shalt  }
0x82: {  	_ =	shalt  }
0x83: {  	_ =	shalt  }
0x84: {  	_ =	shalt  }
0x85: {  	_ =	shalt  }
0x86: {  	_ =	shalt  }
0x87: {  	_ =	shalt  }
.Lfunc_end0:
.L_simem_size_0:
called_computation.4_lowered:
.L_overlay_start_0:
0x88: {  	s2 =	sld [smem:$0x3FD9]  }
0x89: {  	s3 =	sld [smem:$0x3FFE];
	_ =	sdelay $0x1  }
0x8a: {  	s1 =	srdreg.scid  }
0x8b: {  	s0 =	sand.u32 $0x1, s1  }
0x8c: {  	s17 =	sshll.u32 s0, $0xA;
	s2 =	sadd.s32 s3, s2  }
0x8d: {  	s2 =	sadd.s32 s2, s17  }
0x8e: {  	[smem:$0x3FBF] =	sst s2  }
0x8f: {  	_ = 	snop  }
0x90: {  	(tm) =	ssettm $0x1  }
0x91: {  	s18 =	sld [smem:$0x3FFB];
	_ =	sdelay $0x3  }
0x92: {  	_ =	strace s18  }
0x93: {  	s2 =	sld [smem:$0x3FFC];
	_ =	sdelay $0x3  }
0x94: {  	_ =	strace s2  }
0x95: {  	s2 =	sld [smem:$0x3FFD];
	_ =	sdelay $0x3  }
0x96: {  	_ =	strace s2  }
0x97: {  	_ =	strace $0x8FFFFFFF  }
0x98: {  	s19 =	sld [smem:$0x3FDB];
	_ =	sdelay $0x1  }
0x99: {  	s20 =	simm.s32 $_scs_section_size  }
0x9a: {  	s4 =	simm.s32 $_size__tile_overlayer_lowered;
	s5 =	simm.s32 $_tile_overlayer_lowered  }
0x9b: {  	s6 =	simm.s32 $0x1BFF;
	s21 =	sshll.u32 s5, $0x1;
	s3 =	sadd.s32 s20, s19  }
0x9c: {  	s22 =	simm.s32 $0x0;
	s4 =	sshll.u32 s4, $0x1;
	s5 =	sadd.s32 s21, s3  }
0x9d: {  	[timem:s22], [sflag:s6] =	dma.local [hbm:s5], s4  }
0x9e: {  	_ =	swait.ge [sflag:s6], s4  }
0x9f: {  	s4 =	ssub.s32 $0x0, s4;
	[sflag:s6] =	ssyncset.done $0x0  }
0xa0: {  	[sflag:s6] =	ssyncadd.s32 s4;
	_ =	sdelay $0x1  }
0xa1: {  	s23 =	simm.s32 $0x1B8B  }
0xa2: {  	_ =	swait.ge [sflag:s23], $0x1  }
0xa3: {  	[sflag:s23] =	ssyncset.done $0x0  }
0xa4: {  	[sflag:s23] =	ssyncadd.s32 $0xFFFFFFFF  }
0xa5: {  	s4 =	sld [smem:$0x0]  }
0xa6: {  	s5 =	sand.u32 $0xFFFFFFFE, s1  }
0xa7: {  	p0 =	sne.s32 s1, s5  }
0xa8: {  	s5 =	sshll.u32 @p0 s5, $0xE  }
0xa9: {  	s5 =	sadd.s32 @p0 $0x11B8D, s5;
	s6 =	sshll.u32 @p0 s4, $0x11  }
0xaa: {  	s5 =	sor.u32 @p0 s6, s5  }
0xab: {  	[sflag:s5] =	ssyncadd.remote.s32 @p0 $0x1;
	_ =	sdelay $0x1  }
0xac: {  	s5 =	simm.s32 @p0 $0x1B8D  }
0xad: {  	_ =	swait.eq @p0 [sflag:s5], $0x1  }
0xae: {  	[sflag:s5] =	ssyncadd.s32 @p0 $0xFFFFFFFF  }
0xaf: {  	s6 =	sshll.u32 @!p0 s1, $0xE  }
0xb0: {  	s6 =	sor.u32 @!p0 $0x4000, s6;
	s5 =	simm.s32 @!p0 $0x1B8D  }
0xb1: {  	s4 =	sshll.u32 @!p0 s4, $0x11;
	s6 =	sadd.s32 @!p0 $0x11B8D, s6;
	_ =	swait.eq @!p0 [sflag:s5], $0x1  }
0xb2: {  	s4 =	sor.u32 @!p0 s4, s6;
	[sflag:s5] =	ssyncadd.s32 @!p0 $0xFFFFFFFF  }
0xb3: {  	s25 =	simm.s32 $0x1B8E;
	s24 =	sld [smem:$0x3FFE];
	[sflag:s4] =	ssyncadd.remote.s32 @!p0 $0x1  }
0xb4: {  	s26 =	simm.s32 $execute0_lowered;
	[smem:$0x3FD2] =	sst s25  }
0xb5: {  	s5 =	sshll.u32 s26, $0x1;
	_ =	strace $0x8000004F;
	[dreg:$0x1] =	wrdreg $0xFFFFFFFF  }
0xb6: {  	s28 =	simm.s32 $_size_execute0_lowered;
	s3 =	sadd.s32 s3, s5;
	[dreg:$0x0] =	wrdreg $0x0  }
0xb7: {  	s5 =	sshll.u32 s28, $0x1;
	[dreg:$0x2] =	wrdreg s3  }
0xb8: {  	[dreg:$0x3] =	wrdreg s5  }
0xb9: {  	[dreg:$0x4] =	wrdreg $0xC0  }
0xba: {  	_ =	task [dreg:s22], $0x5FFFF  }
0xbb: {  	[dreg:$0x1] =	wrdreg $0xFFFFFFFF  }
0xbc: {  	[dreg:$0x0] =	wrdreg $0x60  }
0xbd: {  	[dreg:$0x2] =	wrdreg s24  }
0xbe: {  	[dreg:$0x3] =	wrdreg $0xB  }
0xbf: {  	_ =	task.clear_ibuf [dreg:s22], $0x4FFFF;
	_ =	strace $0x9000004F  }
0xc0: {  	s29 =	simm.s32 $0xB;
	_ =	strace $0x80000051  }
0xc1: {  	_ =	swait.ge [sflag:s29], $0x1  }
0xc2: {  	[sflag:s29] =	ssyncadd.s32 $0xFFFFFFFF  }
0xc3: {  	_ =	strace $0x90000051  }
0xc4: {  	_ =	sfence  }
0xc5: {  	s30 =	sld [smem:$0x0];
	_ =	sdelay $0x2  }
0xc6: {  	s31 =	sshll.u32 s1, $0xD;
	s1 =	sshrl.u32 s1, $0x2  }
0xc7: {  	s4 =	sand.u32 $0x4000, s31;
	s1 =	sadd.s32 s1, s30  }
0xc8: {  	s0 =	sor.u32 s4, s0;
	s1 =	sshll.u32 s1, $0x11  }
0xc9: {  	s0 =	sor.u32 s1, s0  }
0xca: {  	s0 =	sadd.s32 $0x8F2B, s0  }
0xcb: {  	[sflag:s0] =	ssyncadd.remote.s32 $0x1  }
0xcc: {  	_ =	sfence.sel $0xFFFF  }
0xcd: {  	[dreg:$0x0] =	wrdreg $0xFFFFFFFF;
	(pc) =	sbr.abs _section_cstart, $3  }
0xce: {  	[dreg:$0x1] =	wrdreg $0xFFFFFFFF  }
0xcf: {  	_ =	task.clear_ibuf [dreg:s22], $0x2FFFF;
	_ =	strace $0x9FFFFFFF  }
0xd0: {  	(tm) =	ssettm $0x7FFFFFFF  }
0xd1: {  	_ =	shalt  }
tec
execute0_lowered:
.L_overlay_start_1:
0x0: {  	(tag) =	ssettag $0x1  }
0x1: {  	s4 =	rddreg [dreg:$0x0]  }
0x2: {  	s0 =	rddreg [dreg:$0x1];
	s2 =	simm.s32 $0x0;
	s3 =	srdreg.scid  }
0x3: {  	s1 =	stileid.u32;
	s10 =	simm.s32 $0x0;
	[smem:$0x7FF] =	sst s2  }
0x4: {  	s5 =	sand.u32 $0x1, s3;
	s6 =	sshll.u32 s1, $0xC;
	s3 =	sadd.s32 $0x105A00, s4  }
0x5: {  	s8 =	sshll.u32 s1, $0x10;
	_ =	strace $0x80000050;
	s7 =	sshll.u32 s5, $0xB  }
0x6: {  	s31 =	ssub.s32 $0x2, s5;
	s8 =	sadd.s32 s8, s4;
	s5 =	sshll.u32 s5, $0xF  }
0x7: {  	s6 =	sor.u32 s7, s6;
	s9 =	sshrl.u32 s31, $0x1;
	s5 =	sadd.s32 s5, s8  }
0x8: {  	s8 =	simm.s32 $0x80;
	s6 =	sshrl.u32 s6, $0x3;
	s7 =	ssub.s32 s31, s9  }
0x9: {  	s5 =	sadd.s32 $0x305A00, s5;
	s9 =	simm.s32 $0x1;
	s6 =	sadd.s32 s6, s4  }
0xa: {  	s4 =	smax.u32 s7, $0x1;
	s7 =	simm.s32 $0x2;
	s6 =	sadd.s32 $0x2BA00, s6  }
.LBB2_1:
0xb: {  	s11 =	sadd.s32 $0x0, s6  }
0xc: {  	[tilespmem:s2], [sflag:$0x2] =	stream.linear.gather [hbm4b:s11+s2], $0x80, $0x38;
	[tilespmem:$0x4080] =	vst v63  }
0xd: {  	_ =	swait.ge [sflag:s7], $0x80  }
0xe: {  	[sflag:s7] =	ssyncset.done $0x0  }
0xf: {  	[sflag:s7] =	ssyncadd.s32 $0xFFFFFF80  }
0x10: {  	[tilespmem:s8], [sflag:$0x1] =	stream.indirect.gather [hbm4b:s3+s8], $0x80, s2, s8, $0xb8;
	[tilespmem:$0x4080] =	vst v63  }
0x11: {  	_ =	swait.ge [sflag:s9], $0x4000  }
0x12: {  	[sflag:s9] =	ssyncset.done $0x0  }
0x13: {  	[sflag:s9] =	ssyncadd.s32 $0xFFFFC000  }
0x14: {  	[hbm4b:s5+s2] =	stream.linear.scatter [tilespmem:s8], [sflag:$0x2], $0x4000, $0x38;
	[tilespmem:$0x4080] =	vst v63  }
0x15: {  	s12 =	simm.s32 $0x10;
	_ =	swait.ge [sflag:s7], $0x4000  }
0x16: {  	s13 =	simm.s32 $0x20;
	s11 =	sadd.s32 $0x800, s5;
	[sflag:s7] =	ssyncset.done $0x0  }
.LBB2_2:
0x17: {  	s14 =	sadd.s32 s12, s6  }
0x18: {  	[sflag:s7] =	ssyncadd.s32 $0xFFFFC000;
	s12 =	smov.u32 s13;
	s15 =	sadd.s32 $0x10, s13  }
0x19: {  	[tilespmem:s2], [sflag:$0x2] =	stream.linear.gather [hbm4b:s14+s2], $0x80, $0x38;
	[tilespmem:$0x4080] =	vst v63  }
0x1a: {  	p0 =	sne.s32 s13, $0xF0;
	_ =	swait.ge [sflag:s7], $0x80  }
0x1b: {  	[sflag:s7] =	ssyncset.done $0x0  }
0x1c: {  	[sflag:s7] =	ssyncadd.s32 $0xFFFFFF80  }
0x1d: {  	[tilespmem:s8], [sflag:$0x1] =	stream.indirect.gather [hbm4b:s3+s8], $0x80, s2, s8, $0xb8;
	[tilespmem:$0x4080] =	vst v63  }
0x1e: {  	_ =	swait.ge [sflag:s9], $0x4000  }
.Ltmp0:
0x1f: {  	[sflag:s9] =	ssyncset.done $0x0;
	(pc) =	sbr.rel @p0 .LBB2_2-.Ltmp0, $4  }
0x20: {  	[sflag:s9] =	ssyncadd.s32 $0xFFFFC000  }
0x21: {  	[hbm4b:s11+s2] =	stream.linear.scatter [tilespmem:s8], [sflag:$0x2], $0x4000, $0x38;
	[tilespmem:$0x4080] =	vst v63  }
0x22: {  	_ =	swait.ge [sflag:s7], $0x4000  }
0x23: {  	s13 =	smov.u32 s15;
	s11 =	sadd.s32 $0x800, s11;
	[sflag:s7] =	ssyncset.done $0x0  }
0x24: {  	s12 =	sadd.s32 s12, s6;
	[sflag:s7] =	ssyncadd.s32 $0xFFFFC000  }
0x25: {  	[tilespmem:s2], [sflag:$0x2] =	stream.linear.gather [hbm4b:s12+s2], $0x80, $0x38;
	[tilespmem:$0x4080] =	vst v63  }
0x26: {  	_ =	swait.ge [sflag:s7], $0x80  }
0x27: {  	[sflag:s7] =	ssyncset.done $0x0  }
0x28: {  	[sflag:s7] =	ssyncadd.s32 $0xFFFFFF80  }
0x29: {  	[tilespmem:s8], [sflag:$0x1] =	stream.indirect.gather [hbm4b:s3+s8], $0x80, s2, s8, $0xb8;
	[tilespmem:$0x4080] =	vst v63  }
0x2a: {  	s10 =	sadd.s32 $0x1, s10;
	_ =	swait.ge [sflag:s9], $0x4000  }
0x2b: {  	p0 =	sne.s32 s10, s4;
	[sflag:s9] =	ssyncset.done $0x0  }
.Ltmp1:
0x2c: {  	[sflag:s9] =	ssyncadd.s32 $0xFFFFC000;
	(pc) =	sbr.rel @p0 .LBB2_1-.Ltmp1, $4  }
0x2d: {  	[hbm4b:s11+s2] =	stream.linear.scatter [tilespmem:s8], [sflag:$0x2], $0x4000, $0x38;
	[tilespmem:$0x4080] =	vst v63  }
0x2e: {  	_ =	swait.ge [sflag:s7], $0x4000  }
0x2f: {  	[sflag:s7] =	ssyncset.done $0x0  }
0x30: {  	[sflag:s7] =	ssyncadd.s32 $0xFFFFC000  }
0x31: {  	_ =	sfence.sel $0x180000  }
0x32: {  	[bflag:$0x0] =	sbarrier.arrive $0xFFFF  }
0x33: {  	p0 =	sne.s32 s1, $0x0;
	_ =	strace $0x90000050  }
0x34: {  	s0 =	sadd.s32 @!p0 $0x100000, s0;
	[bflag:$0x2] =	sbarrier.arrive $0xFFFF  }
0x35: {  	[sflag:s0] =	ssyncadd.tile.s32 @!p0 $0x1;
	_ =	shalt  }
.Lfunc_end2:
_tile_overlayer_lowered:
.L_overlay_start_2:
0x36: {  	(tag) =	ssettag $0x2  }
0x37: {  	s0 =	rddreg [dreg:$0x0];
	s2 =	stileid.u32  }
0x38: {  	s1 =	rddreg [dreg:$0x1];
	p0 =	sne.s32 s2, $0x0  }
0x39: {  	s3 =	rddreg [dreg:$0x2];
	[bflag:$0x3] =	sbarrier.arrive $0xFFFF;
	s2 =	simm.s32 @!p0 $0x1C02  }
0x3a: {  	[timem:s3], [sflag:s2] =	dma.local @!p0 [hbm:s0], s1  }
0x3b: {  	s0 =	simm.s32 @!p0 $0x2  }
0x3c: {  	_ =	swait.ge @!p0 [sflag:s0], s1  }
0x3d: {  	s1 =	ssub.s32 @!p0 $0x0, s1;
	[sflag:s0] =	ssyncset.done @!p0 $0x0  }
0x3e: {  	[sflag:s0] =	ssyncadd.s32 @!p0 s1  }
0x3f: {  	[bflag:$0x3] =	sbarrier.arrive $0xFFFF  }
0x40: {  	_ =	shalt  }

// kernel: kernel.39.cloned.1.call-start
scs
__scs_entry_jumppad:
0x0: {  	(pc) =	sbr.rel $0x88, $3  }
0x1: {  	(tag) =	ssettag $0x0;
	lr =	simm.s32 $0x1  }
0x2: {  	[smem:$0x3F98] =	sst lr;
	_ =	strace $0xD0000000  }
0x3: {  	_ = 	snop  }
0x4: {  	_ = 	snop  }
0x5: {  	_ = 	snop  }
0x6: {  	_ = 	snop  }
0x7: {  	_ = 	snop  }
__scs_overlays_trampoline_lowered:
0x8: {  	[smem:$0x3FA7] =	sst s0  }
0x9: {  	[smem:$0x3FA8] =	sst s1  }
0xa: {  	[smem:$0x3FA9] =	sst s2  }
0xb: {  	[smem:$0x3FAA] =	sst s3  }
0xc: {  	[smem:$0x3FAB] =	sst s4  }
0xd: {  	[smem:$0x3FAC] =	sst s5  }
0xe: {  	[smem:$0x3FAD] =	sst s6  }
0xf: {  	[smem:$0x3FAE] =	sst s7  }
0x10: {  	[smem:$0x3FAF] =	sst s8  }
0x11: {  	[smem:$0x3FB0] =	sst s9;
	s0 =	simm.s32 @!p0 $0x0  }
0x12: {  	s1 =	sld [smem:$0x3F96];
	s0 =	simm.s32 @p0 $0x1  }
0x13: {  	[smem:$0x3FB1] =	sst s0;
	s0 =	simm.s32 @!p1 $0x0  }
0x14: {  	s2 =	sld [smem:$0x3F95];
	s0 =	simm.s32 @p1 $0x1  }
0x15: {  	[smem:$0x3FB2] =	sst s0;
	s0 =	simm.s32 @!p2 $0x0  }
0x16: {  	s3 =	sld [smem:$0x3FDB];
	s0 =	simm.s32 @p2 $0x1  }
0x17: {  	s4 =	simm.s32 $0x1BF5;
	[smem:$0x3FB4] =	sst s0  }
0x18: {  	s0 =	sld [smem:$0x3F97];
	_ =	swait.ge [sflag:s4], $0x0  }
0x19: {  	s7 =	sld [smem:$0x3F98]  }
0x1a: {  	s8 =	sadd.s32 $0xFFFFE003, lr  }
0x1b: {  	s9 =	sadd.s32 $0xFFFFFEF7, lr;
	s5 =	simm.s32 $0xFFFFFFFF;
	p2 =	slt.u32 s8, $0xFFFFF086  }
0x1c: {  	p1 =	slt.u32 s9, $0xF7A;
	s5 =	simm.s32 @!p2 $0x0  }
0x1d: {  	s5 =	simm.s32 @p1 $0x1;
	p0 =	seq.s32 s7, s2  }
0x1e: {  	s7 =	smul.u32 @!p0 $0xF7A, s2;
	p2 =	seq.s32 @!p0 s5, $0x0  }
0x1f: {  	s9 =	smul.u32 $0xF7A, s1;
	s8 =	simm.s32 @!p0 $0x1BF5;
	p2 =	por !p2, p0  }
0x20: {  	[sflag:s8] =	ssyncset.s32 @!p0 $0xFFFFF086;
	s6 =	sadd.s32 @!p0 s3, s7;
	s7 =	simm.s32 @!p0 $0x108  }
0x21: {  	s3 =	sadd.s32 s3, s9;
	s6 =	sadd.s32 @!p0 $0x88, s6;
	s7 =	simm.s32 @p2 $0x1082  }
0x22: {  	[simem:s7], [sflag:s8] =	dma.local @!p0 [hbm:s6], $0xF7A  }
0x23: {  	s9 =	sor.u32 $0xD0000000, s2;
	s6 =	simm.s32 $0x108;
	_ =	swait.ge @!p0 [sflag:s8], $0x0  }
0x24: {  	s3 =	sadd.s32 $0x88, s3;
	s6 =	simm.s32 @!p1 $0x1082;
	[sflag:s4] =	ssyncset.s32 $0xFFFFF086  }
0x25: {  	[simem:s6], [sflag:s4] =	dma.local [hbm:s3], $0xF7A  }
0x26: {  	[smem:$0x3F98] =	sst s1;
	(tag) =	ssettag s2;
	_ =	strace s9  }
0x27: {  	s1 =	sld [smem:$0x3FA8]  }
0x28: {  	s2 =	sld [smem:$0x3FA9]  }
0x29: {  	s4 =	sld [smem:$0x3FAB]  }
0x2a: {  	p0 =	seq.s32 s5, $0x0;
	s5 =	sld [smem:$0x3FAC]  }
0x2b: {  	s6 =	sld [smem:$0x3FAD]  }
0x2c: {  	s7 =	sld [smem:$0x3FAE]  }
0x2d: {  	s3 =	simm.s32 $0x108;
	s8 =	sld [smem:$0x3FAF]  }
0x2e: {  	s3 =	simm.s32 @!p0 $0x1082;
	s9 =	sld [smem:$0x3FB0]  }
0x2f: {  	lr =	sadd.s32 s0, s3;
	s0 =	sld [smem:$0x3FA7]  }
0x30: {  	s3 =	sld [smem:$0x3FAA]  }
0x31: {  	[smem:$0x3FB3] =	sst s10  }
0x32: {  	s10 =	sld [smem:$0x3FB1];
	_ =	sdelay $0x3  }
0x33: {  	p0 =	seq.s32 s10, $0x1;
	s10 =	sld [smem:$0x3FB3];
	_ =	sdelay $0x3  }
0x34: {  	[smem:$0x3FB3] =	sst s10  }
0x35: {  	s10 =	sld [smem:$0x3FB2];
	_ =	sdelay $0x3  }
0x36: {  	p1 =	seq.s32 s10, $0x1;
	s10 =	sld [smem:$0x3FB3];
	_ =	sdelay $0x3  }
0x37: {  	[smem:$0x3FB3] =	sst s10  }
0x38: {  	s10 =	sld [smem:$0x3FB4]  }
0x39: {  	_ = 	snop;
	(pc) =	sbr.ind lr, $3  }
0x3a: {  	_ = 	snop  }
0x3b: {  	_ = 	snop  }
0x3c: {  	p2 =	seq.s32 s10, $0x1;
	s10 =	sld [smem:$0x3FB3]  }
0x3d: {  	_ =	shalt  }
0x3e: {  	_ =	shalt  }
0x3f: {  	_ =	shalt  }
0x40: {  	_ =	shalt  }
0x41: {  	_ =	shalt  }
0x42: {  	_ =	shalt  }
0x43: {  	_ =	shalt  }
0x44: {  	_ =	shalt  }
0x45: {  	_ =	shalt  }
0x46: {  	_ =	shalt  }
0x47: {  	_ =	shalt  }
0x48: {  	_ =	shalt  }
0x49: {  	_ =	shalt  }
0x4a: {  	_ =	shalt  }
0x4b: {  	_ =	shalt  }
0x4c: {  	_ =	shalt  }
0x4d: {  	_ =	shalt  }
0x4e: {  	_ =	shalt  }
0x4f: {  	_ =	shalt  }
0x50: {  	_ =	shalt  }
0x51: {  	_ =	shalt  }
0x52: {  	_ =	shalt  }
0x53: {  	_ =	shalt  }
0x54: {  	_ =	shalt  }
0x55: {  	_ =	shalt  }
0x56: {  	_ =	shalt  }
0x57: {  	_ =	shalt  }
0x58: {  	_ =	shalt  }
0x59: {  	_ =	shalt  }
0x5a: {  	_ =	shalt  }
0x5b: {  	_ =	shalt  }
0x5c: {  	_ =	shalt  }
0x5d: {  	_ =	shalt  }
0x5e: {  	_ =	shalt  }
0x5f: {  	_ =	shalt  }
0x60: {  	_ =	shalt  }
0x61: {  	_ =	shalt  }
0x62: {  	_ =	shalt  }
0x63: {  	_ =	shalt  }
0x64: {  	_ =	shalt  }
0x65: {  	_ =	shalt  }
0x66: {  	_ =	shalt  }
0x67: {  	_ =	shalt  }
0x68: {  	_ =	shalt  }
0x69: {  	_ =	shalt  }
0x6a: {  	_ =	shalt  }
0x6b: {  	_ =	shalt  }
0x6c: {  	_ =	shalt  }
0x6d: {  	_ =	shalt  }
0x6e: {  	_ =	shalt  }
0x6f: {  	_ =	shalt  }
0x70: {  	_ =	shalt  }
0x71: {  	_ =	shalt  }
0x72: {  	_ =	shalt  }
0x73: {  	_ =	shalt  }
0x74: {  	_ =	shalt  }
0x75: {  	_ =	shalt  }
0x76: {  	_ =	shalt  }
0x77: {  	_ =	shalt  }
0x78: {  	_ =	shalt  }
0x79: {  	_ =	shalt  }
0x7a: {  	_ =	shalt  }
0x7b: {  	_ =	shalt  }
0x7c: {  	_ =	shalt  }
0x7d: {  	_ =	shalt  }
0x7e: {  	_ =	shalt  }
0x7f: {  	_ =	shalt  }
0x80: {  	_ =	shalt  }
0x81: {  	_ =	shalt  }
0x82: {  	_ =	shalt  }
0x83: {  	_ =	shalt  }
0x84: {  	_ =	shalt  }
0x85: {  	_ =	shalt  }
0x86: {  	_ =	shalt  }
0x87: {  	_ =	shalt  }
.Lfunc_end0:
.L_simem_size_0:
called_computation.5_lowered:
.L_overlay_start_0:
0x88: {  	s2 =	sld [smem:$0x3FD9]  }
0x89: {  	s3 =	sld [smem:$0x3FFE];
	_ =	sdelay $0x1  }
0x8a: {  	s1 =	srdreg.scid  }
0x8b: {  	s0 =	sand.u32 $0x1, s1  }
0x8c: {  	s17 =	sshll.u32 s0, $0xA;
	s2 =	sadd.s32 s3, s2  }
0x8d: {  	s2 =	sadd.s32 s2, s17  }
0x8e: {  	[smem:$0x3FBF] =	sst s2  }
0x8f: {  	_ = 	snop  }
0x90: {  	(tm) =	ssettm $0x1  }
0x91: {  	s18 =	sld [smem:$0x3FFB];
	_ =	sdelay $0x3  }
0x92: {  	_ =	strace s18  }
0x93: {  	s2 =	sld [smem:$0x3FFC];
	_ =	sdelay $0x3  }
0x94: {  	_ =	strace s2  }
0x95: {  	s2 =	sld [smem:$0x3FFD];
	_ =	sdelay $0x3  }
0x96: {  	_ =	strace s2  }
0x97: {  	_ =	strace $0x8FFFFFFF  }
0x98: {  	s19 =	sld [smem:$0x3FDB];
	_ =	sdelay $0x1  }
0x99: {  	s20 =	simm.s32 $_scs_section_size  }
0x9a: {  	s4 =	simm.s32 $_size__tile_overlayer_lowered;
	s5 =	simm.s32 $_tile_overlayer_lowered  }
0x9b: {  	s6 =	simm.s32 $0x1BFF;
	s21 =	sshll.u32 s5, $0x1;
	s3 =	sadd.s32 s20, s19  }
0x9c: {  	s22 =	simm.s32 $0x0;
	s4 =	sshll.u32 s4, $0x1;
	s5 =	sadd.s32 s21, s3  }
0x9d: {  	[timem:s22], [sflag:s6] =	dma.local [hbm:s5], s4  }
0x9e: {  	_ =	swait.ge [sflag:s6], s4  }
0x9f: {  	s4 =	ssub.s32 $0x0, s4;
	[sflag:s6] =	ssyncset.done $0x0  }
0xa0: {  	[sflag:s6] =	ssyncadd.s32 s4;
	_ =	sdelay $0x1  }
0xa1: {  	s23 =	simm.s32 $0x1B8B  }
0xa2: {  	_ =	swait.ge [sflag:s23], $0x1  }
0xa3: {  	[sflag:s23] =	ssyncset.done $0x0  }
0xa4: {  	[sflag:s23] =	ssyncadd.s32 $0xFFFFFFFF  }
0xa5: {  	s4 =	sld [smem:$0x0]  }
0xa6: {  	s5 =	sand.u32 $0xFFFFFFFE, s1  }
0xa7: {  	p0 =	sne.s32 s1, s5  }
0xa8: {  	s5 =	sshll.u32 @p0 s5, $0xE  }
0xa9: {  	s5 =	sadd.s32 @p0 $0x11B8D, s5;
	s6 =	sshll.u32 @p0 s4, $0x11  }
0xaa: {  	s5 =	sor.u32 @p0 s6, s5  }
0xab: {  	[sflag:s5] =	ssyncadd.remote.s32 @p0 $0x1;
	_ =	sdelay $0x1  }
0xac: {  	s5 =	simm.s32 @p0 $0x1B8D  }
0xad: {  	_ =	swait.eq @p0 [sflag:s5], $0x1  }
0xae: {  	[sflag:s5] =	ssyncadd.s32 @p0 $0xFFFFFFFF  }
0xaf: {  	s6 =	sshll.u32 @!p0 s1, $0xE  }
0xb0: {  	s6 =	sor.u32 @!p0 $0x4000, s6;
	s5 =	simm.s32 @!p0 $0x1B8D  }
0xb1: {  	s4 =	sshll.u32 @!p0 s4, $0x11;
	s6 =	sadd.s32 @!p0 $0x11B8D, s6;
	_ =	swait.eq @!p0 [sflag:s5], $0x1  }
0xb2: {  	s4 =	sor.u32 @!p0 s4, s6;
	[sflag:s5] =	ssyncadd.s32 @!p0 $0xFFFFFFFF  }
0xb3: {  	s25 =	simm.s32 $0x1B8E;
	s24 =	sld [smem:$0x3FFE];
	[sflag:s4] =	ssyncadd.remote.s32 @!p0 $0x1  }
0xb4: {  	s26 =	simm.s32 $execute0_lowered;
	[smem:$0x3FD2] =	sst s25  }
0xb5: {  	s5 =	sshll.u32 s26, $0x1;
	_ =	strace $0x80000052;
	[dreg:$0x1] =	wrdreg $0xFFFFFFFF  }
0xb6: {  	s28 =	simm.s32 $_size_execute0_lowered;
	s3 =	sadd.s32 s3, s5;
	[dreg:$0x0] =	wrdreg $0x0  }
0xb7: {  	s5 =	sshll.u32 s28, $0x1;
	[dreg:$0x2] =	wrdreg s3  }
0xb8: {  	[dreg:$0x3] =	wrdreg s5  }
0xb9: {  	[dreg:$0x4] =	wrdreg $0xC0  }
0xba: {  	_ =	task [dreg:s22], $0x5FFFF  }
0xbb: {  	[dreg:$0x1] =	wrdreg $0xFFFFFFFF  }
0xbc: {  	[dreg:$0x0] =	wrdreg $0x60  }
0xbd: {  	[dreg:$0x2] =	wrdreg s24  }
0xbe: {  	[dreg:$0x3] =	wrdreg $0xC  }
0xbf: {  	_ =	task.clear_ibuf [dreg:s22], $0x4FFFF;
	_ =	strace $0x90000052  }
0xc0: {  	s29 =	simm.s32 $0xC;
	_ =	strace $0x80000054  }
0xc1: {  	_ =	swait.ge [sflag:s29], $0x1  }
0xc2: {  	[sflag:s29] =	ssyncadd.s32 $0xFFFFFFFF  }
0xc3: {  	_ =	strace $0x90000054  }
0xc4: {  	_ =	sfence  }
0xc5: {  	s30 =	sld [smem:$0x0];
	_ =	sdelay $0x2  }
0xc6: {  	s31 =	sshll.u32 s1, $0xD;
	s1 =	sshrl.u32 s1, $0x2  }
0xc7: {  	s4 =	sand.u32 $0x4000, s31;
	s1 =	sadd.s32 s1, s30  }
0xc8: {  	s0 =	sor.u32 s4, s0;
	s1 =	sshll.u32 s1, $0x11  }
0xc9: {  	s0 =	sor.u32 s1, s0  }
0xca: {  	s0 =	sadd.s32 $0x8F2B, s0  }
0xcb: {  	[sflag:s0] =	ssyncadd.remote.s32 $0x1  }
0xcc: {  	_ =	sfence.sel $0xFFFF  }
0xcd: {  	[dreg:$0x0] =	wrdreg $0xFFFFFFFF;
	(pc) =	sbr.abs _section_cstart, $3  }
0xce: {  	[dreg:$0x1] =	wrdreg $0xFFFFFFFF  }
0xcf: {  	_ =	task.clear_ibuf [dreg:s22], $0x2FFFF;
	_ =	strace $0x9FFFFFFF  }
0xd0: {  	(tm) =	ssettm $0x7FFFFFFF  }
0xd1: {  	_ =	shalt  }
tec
execute0_lowered:
.L_overlay_start_1:
0x0: {  	(tag) =	ssettag $0x1  }
0x1: {  	s4 =	rddreg [dreg:$0x0]  }
0x2: {  	s0 =	rddreg [dreg:$0x1];
	s2 =	simm.s32 $0x0;
	s3 =	srdreg.scid  }
0x3: {  	s1 =	stileid.u32;
	s10 =	simm.s32 $0x0;
	[smem:$0x7FF] =	sst s2  }
0x4: {  	s5 =	sand.u32 $0x1, s3;
	s6 =	sshll.u32 s1, $0xC;
	s3 =	sadd.s32 $0x105A00, s4  }
0x5: {  	s8 =	sshll.u32 s1, $0x10;
	_ =	strace $0x80000053;
	s7 =	sshll.u32 s5, $0xB  }
0x6: {  	s31 =	ssub.s32 $0x2, s5;
	s8 =	sadd.s32 s8, s4;
	s5 =	sshll.u32 s5, $0xF  }
0x7: {  	s6 =	sor.u32 s7, s6;
	s9 =	sshrl.u32 s31, $0x1;
	s5 =	sadd.s32 s5, s8  }
0x8: {  	s8 =	simm.s32 $0x80;
	s6 =	sshrl.u32 s6, $0x3;
	s7 =	ssub.s32 s31, s9  }
0x9: {  	s5 =	sadd.s32 $0x405A00, s5;
	s9 =	simm.s32 $0x1;
	s6 =	sadd.s32 s6, s4  }
0xa: {  	s4 =	smax.u32 s7, $0x1;
	s7 =	simm.s32 $0x2;
	s6 =	sadd.s32 $0x2DA00, s6  }
.LBB2_1:
0xb: {  	s11 =	sadd.s32 $0x0, s6  }
0xc: {  	[tilespmem:s2], [sflag:$0x2] =	stream.linear.gather [hbm4b:s11+s2], $0x80, $0x38;
	[tilespmem:$0x4080] =	vst v63  }
0xd: {  	_ =	swait.ge [sflag:s7], $0x80  }
0xe: {  	[sflag:s7] =	ssyncset.done $0x0  }
0xf: {  	[sflag:s7] =	ssyncadd.s32 $0xFFFFFF80  }
0x10: {  	[tilespmem:s8], [sflag:$0x1] =	stream.indirect.gather [hbm4b:s3+s8], $0x80, s2, s8, $0xb8;
	[tilespmem:$0x4080] =	vst v63  }
0x11: {  	_ =	swait.ge [sflag:s9], $0x4000  }
0x12: {  	[sflag:s9] =	ssyncset.done $0x0  }
0x13: {  	[sflag:s9] =	ssyncadd.s32 $0xFFFFC000  }
0x14: {  	[hbm4b:s5+s2] =	stream.linear.scatter [tilespmem:s8], [sflag:$0x2], $0x4000, $0x38;
	[tilespmem:$0x4080] =	vst v63  }
0x15: {  	s12 =	simm.s32 $0x10;
	_ =	swait.ge [sflag:s7], $0x4000  }
0x16: {  	s13 =	simm.s32 $0x20;
	s11 =	sadd.s32 $0x800, s5;
	[sflag:s7] =	ssyncset.done $0x0  }
.LBB2_2:
0x17: {  	s14 =	sadd.s32 s12, s6  }
0x18: {  	[sflag:s7] =	ssyncadd.s32 $0xFFFFC000;
	s12 =	smov.u32 s13;
	s15 =	sadd.s32 $0x10, s13  }
0x19: {  	[tilespmem:s2], [sflag:$0x2] =	stream.linear.gather [hbm4b:s14+s2], $0x80, $0x38;
	[tilespmem:$0x4080] =	vst v63  }
0x1a: {  	p0 =	sne.s32 s13, $0xF0;
	_ =	swait.ge [sflag:s7], $0x80  }
0x1b: {  	[sflag:s7] =	ssyncset.done $0x0  }
0x1c: {  	[sflag:s7] =	ssyncadd.s32 $0xFFFFFF80  }
0x1d: {  	[tilespmem:s8], [sflag:$0x1] =	stream.indirect.gather [hbm4b:s3+s8], $0x80, s2, s8, $0xb8;
	[tilespmem:$0x4080] =	vst v63  }
0x1e: {  	_ =	swait.ge [sflag:s9], $0x4000  }
.Ltmp0:
0x1f: {  	[sflag:s9] =	ssyncset.done $0x0;
	(pc) =	sbr.rel @p0 .LBB2_2-.Ltmp0, $4  }
0x20: {  	[sflag:s9] =	ssyncadd.s32 $0xFFFFC000  }
0x21: {  	[hbm4b:s11+s2] =	stream.linear.scatter [tilespmem:s8], [sflag:$0x2], $0x4000, $0x38;
	[tilespmem:$0x4080] =	vst v63  }
0x22: {  	_ =	swait.ge [sflag:s7], $0x4000  }
0x23: {  	s13 =	smov.u32 s15;
	s11 =	sadd.s32 $0x800, s11;
	[sflag:s7] =	ssyncset.done $0x0  }
0x24: {  	s12 =	sadd.s32 s12, s6;
	[sflag:s7] =	ssyncadd.s32 $0xFFFFC000  }
0x25: {  	[tilespmem:s2], [sflag:$0x2] =	stream.linear.gather [hbm4b:s12+s2], $0x80, $0x38;
	[tilespmem:$0x4080] =	vst v63  }
0x26: {  	_ =	swait.ge [sflag:s7], $0x80  }
0x27: {  	[sflag:s7] =	ssyncset.done $0x0  }
0x28: {  	[sflag:s7] =	ssyncadd.s32 $0xFFFFFF80  }
0x29: {  	[tilespmem:s8], [sflag:$0x1] =	stream.indirect.gather [hbm4b:s3+s8], $0x80, s2, s8, $0xb8;
	[tilespmem:$0x4080] =	vst v63  }
0x2a: {  	s10 =	sadd.s32 $0x1, s10;
	_ =	swait.ge [sflag:s9], $0x4000  }
0x2b: {  	p0 =	sne.s32 s10, s4;
	[sflag:s9] =	ssyncset.done $0x0  }
.Ltmp1:
0x2c: {  	[sflag:s9] =	ssyncadd.s32 $0xFFFFC000;
	(pc) =	sbr.rel @p0 .LBB2_1-.Ltmp1, $4  }
0x2d: {  	[hbm4b:s11+s2] =	stream.linear.scatter [tilespmem:s8], [sflag:$0x2], $0x4000, $0x38;
	[tilespmem:$0x4080] =	vst v63  }
0x2e: {  	_ =	swait.ge [sflag:s7], $0x4000  }
0x2f: {  	[sflag:s7] =	ssyncset.done $0x0  }
0x30: {  	[sflag:s7] =	ssyncadd.s32 $0xFFFFC000  }
0x31: {  	_ =	sfence.sel $0x180000  }
0x32: {  	[bflag:$0x0] =	sbarrier.arrive $0xFFFF  }
0x33: {  	p0 =	sne.s32 s1, $0x0;
	_ =	strace $0x90000053  }
0x34: {  	s0 =	sadd.s32 @!p0 $0x100000, s0;
	[bflag:$0x2] =	sbarrier.arrive $0xFFFF  }
0x35: {  	[sflag:s0] =	ssyncadd.tile.s32 @!p0 $0x1;
	_ =	shalt  }
.Lfunc_end2:
_tile_overlayer_lowered:
.L_overlay_start_2:
0x36: {  	(tag) =	ssettag $0x2  }
0x37: {  	s0 =	rddreg [dreg:$0x0];
	s2 =	stileid.u32  }
0x38: {  	s1 =	rddreg [dreg:$0x1];
	p0 =	sne.s32 s2, $0x0  }
0x39: {  	s3 =	rddreg [dreg:$0x2];
	[bflag:$0x3] =	sbarrier.arrive $0xFFFF;
	s2 =	simm.s32 @!p0 $0x1C02  }
0x3a: {  	[timem:s3], [sflag:s2] =	dma.local @!p0 [hbm:s0], s1  }
0x3b: {  	s0 =	simm.s32 @!p0 $0x2  }
0x3c: {  	_ =	swait.ge @!p0 [sflag:s0], s1  }
0x3d: {  	s1 =	ssub.s32 @!p0 $0x0, s1;
	[sflag:s0] =	ssyncset.done @!p0 $0x0  }
0x3e: {  	[sflag:s0] =	ssyncadd.s32 @!p0 s1  }
0x3f: {  	[bflag:$0x3] =	sbarrier.arrive $0xFFFF  }
0x40: {  	_ =	shalt  }

// kernel: kernel.42.cloned.1.call-start
scs
__scs_entry_jumppad:
0x0: {  	(pc) =	sbr.rel $0x88, $3  }
0x1: {  	(tag) =	ssettag $0x0;
	lr =	simm.s32 $0x1  }
0x2: {  	[smem:$0x3F98] =	sst lr;
	_ =	strace $0xD0000000  }
0x3: {  	_ = 	snop  }
0x4: {  	_ = 	snop  }
0x5: {  	_ = 	snop  }
0x6: {  	_ = 	snop  }
0x7: {  	_ = 	snop  }
__scs_overlays_trampoline_lowered:
0x8: {  	[smem:$0x3FA7] =	sst s0  }
0x9: {  	[smem:$0x3FA8] =	sst s1  }
0xa: {  	[smem:$0x3FA9] =	sst s2  }
0xb: {  	[smem:$0x3FAA] =	sst s3  }
0xc: {  	[smem:$0x3FAB] =	sst s4  }
0xd: {  	[smem:$0x3FAC] =	sst s5  }
0xe: {  	[smem:$0x3FAD] =	sst s6  }
0xf: {  	[smem:$0x3FAE] =	sst s7  }
0x10: {  	[smem:$0x3FAF] =	sst s8  }
0x11: {  	[smem:$0x3FB0] =	sst s9;
	s0 =	simm.s32 @!p0 $0x0  }
0x12: {  	s1 =	sld [smem:$0x3F96];
	s0 =	simm.s32 @p0 $0x1  }
0x13: {  	[smem:$0x3FB1] =	sst s0;
	s0 =	simm.s32 @!p1 $0x0  }
0x14: {  	s2 =	sld [smem:$0x3F95];
	s0 =	simm.s32 @p1 $0x1  }
0x15: {  	[smem:$0x3FB2] =	sst s0;
	s0 =	simm.s32 @!p2 $0x0  }
0x16: {  	s3 =	sld [smem:$0x3FDB];
	s0 =	simm.s32 @p2 $0x1  }
0x17: {  	s4 =	simm.s32 $0x1BF5;
	[smem:$0x3FB4] =	sst s0  }
0x18: {  	s0 =	sld [smem:$0x3F97];
	_ =	swait.ge [sflag:s4], $0x0  }
0x19: {  	s7 =	sld [smem:$0x3F98]  }
0x1a: {  	s8 =	sadd.s32 $0xFFFFE003, lr  }
0x1b: {  	s9 =	sadd.s32 $0xFFFFFEF7, lr;
	s5 =	simm.s32 $0xFFFFFFFF;
	p2 =	slt.u32 s8, $0xFFFFF086  }
0x1c: {  	p1 =	slt.u32 s9, $0xF7A;
	s5 =	simm.s32 @!p2 $0x0  }
0x1d: {  	s5 =	simm.s32 @p1 $0x1;
	p0 =	seq.s32 s7, s2  }
0x1e: {  	s7 =	smul.u32 @!p0 $0xF7A, s2;
	p2 =	seq.s32 @!p0 s5, $0x0  }
0x1f: {  	s9 =	smul.u32 $0xF7A, s1;
	s8 =	simm.s32 @!p0 $0x1BF5;
	p2 =	por !p2, p0  }
0x20: {  	[sflag:s8] =	ssyncset.s32 @!p0 $0xFFFFF086;
	s6 =	sadd.s32 @!p0 s3, s7;
	s7 =	simm.s32 @!p0 $0x108  }
0x21: {  	s3 =	sadd.s32 s3, s9;
	s6 =	sadd.s32 @!p0 $0x88, s6;
	s7 =	simm.s32 @p2 $0x1082  }
0x22: {  	[simem:s7], [sflag:s8] =	dma.local @!p0 [hbm:s6], $0xF7A  }
0x23: {  	s9 =	sor.u32 $0xD0000000, s2;
	s6 =	simm.s32 $0x108;
	_ =	swait.ge @!p0 [sflag:s8], $0x0  }
0x24: {  	s3 =	sadd.s32 $0x88, s3;
	s6 =	simm.s32 @!p1 $0x1082;
	[sflag:s4] =	ssyncset.s32 $0xFFFFF086  }
0x25: {  	[simem:s6], [sflag:s4] =	dma.local [hbm:s3], $0xF7A  }
0x26: {  	[smem:$0x3F98] =	sst s1;
	(tag) =	ssettag s2;
	_ =	strace s9  }
0x27: {  	s1 =	sld [smem:$0x3FA8]  }
0x28: {  	s2 =	sld [smem:$0x3FA9]  }
0x29: {  	s4 =	sld [smem:$0x3FAB]  }
0x2a: {  	p0 =	seq.s32 s5, $0x0;
	s5 =	sld [smem:$0x3FAC]  }
0x2b: {  	s6 =	sld [smem:$0x3FAD]  }
0x2c: {  	s7 =	sld [smem:$0x3FAE]  }
0x2d: {  	s3 =	simm.s32 $0x108;
	s8 =	sld [smem:$0x3FAF]  }
0x2e: {  	s3 =	simm.s32 @!p0 $0x1082;
	s9 =	sld [smem:$0x3FB0]  }
0x2f: {  	lr =	sadd.s32 s0, s3;
	s0 =	sld [smem:$0x3FA7]  }
0x30: {  	s3 =	sld [smem:$0x3FAA]  }
0x31: {  	[smem:$0x3FB3] =	sst s10  }
0x32: {  	s10 =	sld [smem:$0x3FB1];
	_ =	sdelay $0x3  }
0x33: {  	p0 =	seq.s32 s10, $0x1;
	s10 =	sld [smem:$0x3FB3];
	_ =	sdelay $0x3  }
0x34: {  	[smem:$0x3FB3] =	sst s10  }
0x35: {  	s10 =	sld [smem:$0x3FB2];
	_ =	sdelay $0x3  }
0x36: {  	p1 =	seq.s32 s10, $0x1;
	s10 =	sld [smem:$0x3FB3];
	_ =	sdelay $0x3  }
0x37: {  	[smem:$0x3FB3] =	sst s10  }
0x38: {  	s10 =	sld [smem:$0x3FB4]  }
0x39: {  	_ = 	snop;
	(pc) =	sbr.ind lr, $3  }
0x3a: {  	_ = 	snop  }
0x3b: {  	_ = 	snop  }
0x3c: {  	p2 =	seq.s32 s10, $0x1;
	s10 =	sld [smem:$0x3FB3]  }
0x3d: {  	_ =	shalt  }
0x3e: {  	_ =	shalt  }
0x3f: {  	_ =	shalt  }
0x40: {  	_ =	shalt  }
0x41: {  	_ =	shalt  }
0x42: {  	_ =	shalt  }
0x43: {  	_ =	shalt  }
0x44: {  	_ =	shalt  }
0x45: {  	_ =	shalt  }
0x46: {  	_ =	shalt  }
0x47: {  	_ =	shalt  }
0x48: {  	_ =	shalt  }
0x49: {  	_ =	shalt  }
0x4a: {  	_ =	shalt  }
0x4b: {  	_ =	shalt  }
0x4c: {  	_ =	shalt  }
0x4d: {  	_ =	shalt  }
0x4e: {  	_ =	shalt  }
0x4f: {  	_ =	shalt  }
0x50: {  	_ =	shalt  }
0x51: {  	_ =	shalt  }
0x52: {  	_ =	shalt  }
0x53: {  	_ =	shalt  }
0x54: {  	_ =	shalt  }
0x55: {  	_ =	shalt  }
0x56: {  	_ =	shalt  }
0x57: {  	_ =	shalt  }
0x58: {  	_ =	shalt  }
0x59: {  	_ =	shalt  }
0x5a: {  	_ =	shalt  }
0x5b: {  	_ =	shalt  }
0x5c: {  	_ =	shalt  }
0x5d: {  	_ =	shalt  }
0x5e: {  	_ =	shalt  }
0x5f: {  	_ =	shalt  }
0x60: {  	_ =	shalt  }
0x61: {  	_ =	shalt  }
0x62: {  	_ =	shalt  }
0x63: {  	_ =	shalt  }
0x64: {  	_ =	shalt  }
0x65: {  	_ =	shalt  }
0x66: {  	_ =	shalt  }
0x67: {  	_ =	shalt  }
0x68: {  	_ =	shalt  }
0x69: {  	_ =	shalt  }
0x6a: {  	_ =	shalt  }
0x6b: {  	_ =	shalt  }
0x6c: {  	_ =	shalt  }
0x6d: {  	_ =	shalt  }
0x6e: {  	_ =	shalt  }
0x6f: {  	_ =	shalt  }
0x70: {  	_ =	shalt  }
0x71: {  	_ =	shalt  }
0x72: {  	_ =	shalt  }
0x73: {  	_ =	shalt  }
0x74: {  	_ =	shalt  }
0x75: {  	_ =	shalt  }
0x76: {  	_ =	shalt  }
0x77: {  	_ =	shalt  }
0x78: {  	_ =	shalt  }
0x79: {  	_ =	shalt  }
0x7a: {  	_ =	shalt  }
0x7b: {  	_ =	shalt  }
0x7c: {  	_ =	shalt  }
0x7d: {  	_ =	shalt  }
0x7e: {  	_ =	shalt  }
0x7f: {  	_ =	shalt  }
0x80: {  	_ =	shalt  }
0x81: {  	_ =	shalt  }
0x82: {  	_ =	shalt  }
0x83: {  	_ =	shalt  }
0x84: {  	_ =	shalt  }
0x85: {  	_ =	shalt  }
0x86: {  	_ =	shalt  }
0x87: {  	_ =	shalt  }
.Lfunc_end0:
.L_simem_size_0:
called_computation.6_lowered:
.L_overlay_start_0:
0x88: {  	s2 =	sld [smem:$0x3FD9]  }
0x89: {  	s3 =	sld [smem:$0x3FFE];
	_ =	sdelay $0x1  }
0x8a: {  	s1 =	srdreg.scid  }
0x8b: {  	s0 =	sand.u32 $0x1, s1  }
0x8c: {  	s17 =	sshll.u32 s0, $0xA;
	s2 =	sadd.s32 s3, s2  }
0x8d: {  	s2 =	sadd.s32 s2, s17  }
0x8e: {  	[smem:$0x3FBF] =	sst s2  }
0x8f: {  	_ = 	snop  }
0x90: {  	(tm) =	ssettm $0x1  }
0x91: {  	s18 =	sld [smem:$0x3FFB];
	_ =	sdelay $0x3  }
0x92: {  	_ =	strace s18  }
0x93: {  	s2 =	sld [smem:$0x3FFC];
	_ =	sdelay $0x3  }
0x94: {  	_ =	strace s2  }
0x95: {  	s2 =	sld [smem:$0x3FFD];
	_ =	sdelay $0x3  }
0x96: {  	_ =	strace s2  }
0x97: {  	_ =	strace $0x8FFFFFFF  }
0x98: {  	s19 =	sld [smem:$0x3FDB];
	_ =	sdelay $0x1  }
0x99: {  	s20 =	simm.s32 $_scs_section_size  }
0x9a: {  	s4 =	simm.s32 $_size__tile_overlayer_lowered;
	s5 =	simm.s32 $_tile_overlayer_lowered  }
0x9b: {  	s6 =	simm.s32 $0x1BFF;
	s21 =	sshll.u32 s5, $0x1;
	s3 =	sadd.s32 s20, s19  }
0x9c: {  	s22 =	simm.s32 $0x0;
	s4 =	sshll.u32 s4, $0x1;
	s5 =	sadd.s32 s21, s3  }
0x9d: {  	[timem:s22], [sflag:s6] =	dma.local [hbm:s5], s4  }
0x9e: {  	_ =	swait.ge [sflag:s6], s4  }
0x9f: {  	s4 =	ssub.s32 $0x0, s4;
	[sflag:s6] =	ssyncset.done $0x0  }
0xa0: {  	[sflag:s6] =	ssyncadd.s32 s4;
	_ =	sdelay $0x1  }
0xa1: {  	s23 =	simm.s32 $0x1B8B  }
0xa2: {  	_ =	swait.ge [sflag:s23], $0x1  }
0xa3: {  	[sflag:s23] =	ssyncset.done $0x0  }
0xa4: {  	[sflag:s23] =	ssyncadd.s32 $0xFFFFFFFF  }
0xa5: {  	s4 =	sld [smem:$0x0]  }
0xa6: {  	s5 =	sand.u32 $0xFFFFFFFE, s1  }
0xa7: {  	p0 =	sne.s32 s1, s5  }
0xa8: {  	s5 =	sshll.u32 @p0 s5, $0xE  }
0xa9: {  	s5 =	sadd.s32 @p0 $0x11B8D, s5;
	s6 =	sshll.u32 @p0 s4, $0x11  }
0xaa: {  	s5 =	sor.u32 @p0 s6, s5  }
0xab: {  	[sflag:s5] =	ssyncadd.remote.s32 @p0 $0x1;
	_ =	sdelay $0x1  }
0xac: {  	s5 =	simm.s32 @p0 $0x1B8D  }
0xad: {  	_ =	swait.eq @p0 [sflag:s5], $0x1  }
0xae: {  	[sflag:s5] =	ssyncadd.s32 @p0 $0xFFFFFFFF  }
0xaf: {  	s6 =	sshll.u32 @!p0 s1, $0xE  }
0xb0: {  	s6 =	sor.u32 @!p0 $0x4000, s6;
	s5 =	simm.s32 @!p0 $0x1B8D  }
0xb1: {  	s4 =	sshll.u32 @!p0 s4, $0x11;
	s6 =	sadd.s32 @!p0 $0x11B8D, s6;
	_ =	swait.eq @!p0 [sflag:s5], $0x1  }
0xb2: {  	s4 =	sor.u32 @!p0 s4, s6;
	[sflag:s5] =	ssyncadd.s32 @!p0 $0xFFFFFFFF  }
0xb3: {  	s25 =	simm.s32 $0x1B8E;
	s24 =	sld [smem:$0x3FFE];
	[sflag:s4] =	ssyncadd.remote.s32 @!p0 $0x1  }
0xb4: {  	s26 =	simm.s32 $execute0_lowered;
	[smem:$0x3FD2] =	sst s25  }
0xb5: {  	s5 =	sshll.u32 s26, $0x1;
	_ =	strace $0x80000055;
	[dreg:$0x1] =	wrdreg $0xFFFFFFFF  }
0xb6: {  	s28 =	simm.s32 $_size_execute0_lowered;
	s3 =	sadd.s32 s3, s5;
	[dreg:$0x0] =	wrdreg $0x0  }
0xb7: {  	s5 =	sshll.u32 s28, $0x1;
	[dreg:$0x2] =	wrdreg s3  }
0xb8: {  	[dreg:$0x3] =	wrdreg s5  }
0xb9: {  	[dreg:$0x4] =	wrdreg $0xC0  }
0xba: {  	_ =	task [dreg:s22], $0x5FFFF  }
0xbb: {  	[dreg:$0x1] =	wrdreg $0xFFFFFFFF  }
0xbc: {  	[dreg:$0x0] =	wrdreg $0x60  }
0xbd: {  	[dreg:$0x2] =	wrdreg s24  }
0xbe: {  	[dreg:$0x3] =	wrdreg $0xD  }
0xbf: {  	_ =	task.clear_ibuf [dreg:s22], $0x4FFFF;
	_ =	strace $0x90000055  }
0xc0: {  	s29 =	simm.s32 $0xD;
	_ =	strace $0x80000057  }
0xc1: {  	_ =	swait.ge [sflag:s29], $0x1  }
0xc2: {  	[sflag:s29] =	ssyncadd.s32 $0xFFFFFFFF  }
0xc3: {  	_ =	strace $0x90000057  }
0xc4: {  	_ =	sfence  }
0xc5: {  	s30 =	sld [smem:$0x0];
	_ =	sdelay $0x2  }
0xc6: {  	s31 =	sshll.u32 s1, $0xD;
	s1 =	sshrl.u32 s1, $0x2  }
0xc7: {  	s4 =	sand.u32 $0x4000, s31;
	s1 =	sadd.s32 s1, s30  }
0xc8: {  	s0 =	sor.u32 s4, s0;
	s1 =	sshll.u32 s1, $0x11  }
0xc9: {  	s0 =	sor.u32 s1, s0  }
0xca: {  	s0 =	sadd.s32 $0x8F2B, s0  }
0xcb: {  	[sflag:s0] =	ssyncadd.remote.s32 $0x1  }
0xcc: {  	_ =	sfence.sel $0xFFFF  }
0xcd: {  	[dreg:$0x0] =	wrdreg $0xFFFFFFFF;
	(pc) =	sbr.abs _section_cstart, $3  }
0xce: {  	[dreg:$0x1] =	wrdreg $0xFFFFFFFF  }
0xcf: {  	_ =	task.clear_ibuf [dreg:s22], $0x2FFFF;
	_ =	strace $0x9FFFFFFF  }
0xd0: {  	(tm) =	ssettm $0x7FFFFFFF  }
0xd1: {  	_ =	shalt  }
tec
execute0_lowered:
.L_overlay_start_1:
0x0: {  	(tag) =	ssettag $0x1  }
0x1: {  	s4 =	rddreg [dreg:$0x0]  }
0x2: {  	s0 =	rddreg [dreg:$0x1];
	s2 =	simm.s32 $0x0;
	s3 =	srdreg.scid  }
0x3: {  	s1 =	stileid.u32;
	s10 =	simm.s32 $0x0;
	[smem:$0x7FF] =	sst s2  }
0x4: {  	s5 =	sand.u32 $0x1, s3;
	s6 =	sshll.u32 s1, $0xC;
	s3 =	sadd.s32 $0x105A00, s4  }
0x5: {  	s8 =	sshll.u32 s1, $0x10;
	_ =	strace $0x80000056;
	s7 =	sshll.u32 s5, $0xB  }
0x6: {  	s31 =	ssub.s32 $0x2, s5;
	s8 =	sadd.s32 s8, s4;
	s5 =	sshll.u32 s5, $0xF  }
0x7: {  	s6 =	sor.u32 s7, s6;
	s9 =	sshrl.u32 s31, $0x1;
	s5 =	sadd.s32 s5, s8  }
0x8: {  	s8 =	simm.s32 $0x80;
	s6 =	sshrl.u32 s6, $0x3;
	s7 =	ssub.s32 s31, s9  }
0x9: {  	s5 =	sadd.s32 $0x505A00, s5;
	s9 =	simm.s32 $0x1;
	s6 =	sadd.s32 s6, s4  }
0xa: {  	s4 =	smax.u32 s7, $0x1;
	s7 =	simm.s32 $0x2;
	s6 =	sadd.s32 $0x9A00, s6  }
.LBB2_1:
0xb: {  	s11 =	sadd.s32 $0x0, s6  }
0xc: {  	[tilespmem:s2], [sflag:$0x2] =	stream.linear.gather [hbm4b:s11+s2], $0x80, $0x38;
	[tilespmem:$0x4080] =	vst v63  }
0xd: {  	_ =	swait.ge [sflag:s7], $0x80  }
0xe: {  	[sflag:s7] =	ssyncset.done $0x0  }
0xf: {  	[sflag:s7] =	ssyncadd.s32 $0xFFFFFF80  }
0x10: {  	[tilespmem:s8], [sflag:$0x1] =	stream.indirect.gather [hbm4b:s3+s8], $0x80, s2, s8, $0xb8;
	[tilespmem:$0x4080] =	vst v63  }
0x11: {  	_ =	swait.ge [sflag:s9], $0x4000  }
0x12: {  	[sflag:s9] =	ssyncset.done $0x0  }
0x13: {  	[sflag:s9] =	ssyncadd.s32 $0xFFFFC000  }
0x14: {  	[hbm4b:s5+s2] =	stream.linear.scatter [tilespmem:s8], [sflag:$0x2], $0x4000, $0x38;
	[tilespmem:$0x4080] =	vst v63  }
0x15: {  	s12 =	simm.s32 $0x10;
	_ =	swait.ge [sflag:s7], $0x4000  }
0x16: {  	s13 =	simm.s32 $0x20;
	s11 =	sadd.s32 $0x800, s5;
	[sflag:s7] =	ssyncset.done $0x0  }
.LBB2_2:
0x17: {  	s14 =	sadd.s32 s12, s6  }
0x18: {  	[sflag:s7] =	ssyncadd.s32 $0xFFFFC000;
	s12 =	smov.u32 s13;
	s15 =	sadd.s32 $0x10, s13  }
0x19: {  	[tilespmem:s2], [sflag:$0x2] =	stream.linear.gather [hbm4b:s14+s2], $0x80, $0x38;
	[tilespmem:$0x4080] =	vst v63  }
0x1a: {  	p0 =	sne.s32 s13, $0xF0;
	_ =	swait.ge [sflag:s7], $0x80  }
0x1b: {  	[sflag:s7] =	ssyncset.done $0x0  }
0x1c: {  	[sflag:s7] =	ssyncadd.s32 $0xFFFFFF80  }
0x1d: {  	[tilespmem:s8], [sflag:$0x1] =	stream.indirect.gather [hbm4b:s3+s8], $0x80, s2, s8, $0xb8;
	[tilespmem:$0x4080] =	vst v63  }
0x1e: {  	_ =	swait.ge [sflag:s9], $0x4000  }
.Ltmp0:
0x1f: {  	[sflag:s9] =	ssyncset.done $0x0;
	(pc) =	sbr.rel @p0 .LBB2_2-.Ltmp0, $4  }
0x20: {  	[sflag:s9] =	ssyncadd.s32 $0xFFFFC000  }
0x21: {  	[hbm4b:s11+s2] =	stream.linear.scatter [tilespmem:s8], [sflag:$0x2], $0x4000, $0x38;
	[tilespmem:$0x4080] =	vst v63  }
0x22: {  	_ =	swait.ge [sflag:s7], $0x4000  }
0x23: {  	s13 =	smov.u32 s15;
	s11 =	sadd.s32 $0x800, s11;
	[sflag:s7] =	ssyncset.done $0x0  }
0x24: {  	s12 =	sadd.s32 s12, s6;
	[sflag:s7] =	ssyncadd.s32 $0xFFFFC000  }
0x25: {  	[tilespmem:s2], [sflag:$0x2] =	stream.linear.gather [hbm4b:s12+s2], $0x80, $0x38;
	[tilespmem:$0x4080] =	vst v63  }
0x26: {  	_ =	swait.ge [sflag:s7], $0x80  }
0x27: {  	[sflag:s7] =	ssyncset.done $0x0  }
0x28: {  	[sflag:s7] =	ssyncadd.s32 $0xFFFFFF80  }
0x29: {  	[tilespmem:s8], [sflag:$0x1] =	stream.indirect.gather [hbm4b:s3+s8], $0x80, s2, s8, $0xb8;
	[tilespmem:$0x4080] =	vst v63  }
0x2a: {  	s10 =	sadd.s32 $0x1, s10;
	_ =	swait.ge [sflag:s9], $0x4000  }
0x2b: {  	p0 =	sne.s32 s10, s4;
	[sflag:s9] =	ssyncset.done $0x0  }
.Ltmp1:
0x2c: {  	[sflag:s9] =	ssyncadd.s32 $0xFFFFC000;
	(pc) =	sbr.rel @p0 .LBB2_1-.Ltmp1, $4  }
0x2d: {  	[hbm4b:s11+s2] =	stream.linear.scatter [tilespmem:s8], [sflag:$0x2], $0x4000, $0x38;
	[tilespmem:$0x4080] =	vst v63  }
0x2e: {  	_ =	swait.ge [sflag:s7], $0x4000  }
0x2f: {  	[sflag:s7] =	ssyncset.done $0x0  }
0x30: {  	[sflag:s7] =	ssyncadd.s32 $0xFFFFC000  }
0x31: {  	_ =	sfence.sel $0x180000  }
0x32: {  	[bflag:$0x0] =	sbarrier.arrive $0xFFFF  }
0x33: {  	p0 =	sne.s32 s1, $0x0;
	_ =	strace $0x90000056  }
0x34: {  	s0 =	sadd.s32 @!p0 $0x100000, s0;
	[bflag:$0x2] =	sbarrier.arrive $0xFFFF  }
0x35: {  	[sflag:s0] =	ssyncadd.tile.s32 @!p0 $0x1;
	_ =	shalt  }
.Lfunc_end2:
_tile_overlayer_lowered:
.L_overlay_start_2:
0x36: {  	(tag) =	ssettag $0x2  }
0x37: {  	s0 =	rddreg [dreg:$0x0];
	s2 =	stileid.u32  }
0x38: {  	s1 =	rddreg [dreg:$0x1];
	p0 =	sne.s32 s2, $0x0  }
0x39: {  	s3 =	rddreg [dreg:$0x2];
	[bflag:$0x3] =	sbarrier.arrive $0xFFFF;
	s2 =	simm.s32 @!p0 $0x1C02  }
0x3a: {  	[timem:s3], [sflag:s2] =	dma.local @!p0 [hbm:s0], s1  }
0x3b: {  	s0 =	simm.s32 @!p0 $0x2  }
0x3c: {  	_ =	swait.ge @!p0 [sflag:s0], s1  }
0x3d: {  	s1 =	ssub.s32 @!p0 $0x0, s1;
	[sflag:s0] =	ssyncset.done @!p0 $0x0  }
0x3e: {  	[sflag:s0] =	ssyncadd.s32 @!p0 s1  }
0x3f: {  	[bflag:$0x3] =	sbarrier.arrive $0xFFFF  }
0x40: {  	_ =	shalt  }

// kernel: kernel.45.cloned.1.call-start
scs
__scs_entry_jumppad:
0x0: {  	(pc) =	sbr.rel $0x88, $3  }
0x1: {  	(tag) =	ssettag $0x0;
	lr =	simm.s32 $0x1  }
0x2: {  	[smem:$0x3F98] =	sst lr;
	_ =	strace $0xD0000000  }
0x3: {  	_ = 	snop  }
0x4: {  	_ = 	snop  }
0x5: {  	_ = 	snop  }
0x6: {  	_ = 	snop  }
0x7: {  	_ = 	snop  }
__scs_overlays_trampoline_lowered:
0x8: {  	[smem:$0x3FA7] =	sst s0  }
0x9: {  	[smem:$0x3FA8] =	sst s1  }
0xa: {  	[smem:$0x3FA9] =	sst s2  }
0xb: {  	[smem:$0x3FAA] =	sst s3  }
0xc: {  	[smem:$0x3FAB] =	sst s4  }
0xd: {  	[smem:$0x3FAC] =	sst s5  }
0xe: {  	[smem:$0x3FAD] =	sst s6  }
0xf: {  	[smem:$0x3FAE] =	sst s7  }
0x10: {  	[smem:$0x3FAF] =	sst s8  }
0x11: {  	[smem:$0x3FB0] =	sst s9;
	s0 =	simm.s32 @!p0 $0x0  }
0x12: {  	s1 =	sld [smem:$0x3F96];
	s0 =	simm.s32 @p0 $0x1  }
0x13: {  	[smem:$0x3FB1] =	sst s0;
	s0 =	simm.s32 @!p1 $0x0  }
0x14: {  	s2 =	sld [smem:$0x3F95];
	s0 =	simm.s32 @p1 $0x1  }
0x15: {  	[smem:$0x3FB2] =	sst s0;
	s0 =	simm.s32 @!p2 $0x0  }
0x16: {  	s3 =	sld [smem:$0x3FDB];
	s0 =	simm.s32 @p2 $0x1  }
0x17: {  	s4 =	simm.s32 $0x1BF5;
	[smem:$0x3FB4] =	sst s0  }
0x18: {  	s0 =	sld [smem:$0x3F97];
	_ =	swait.ge [sflag:s4], $0x0  }
0x19: {  	s7 =	sld [smem:$0x3F98]  }
0x1a: {  	s8 =	sadd.s32 $0xFFFFE003, lr  }
0x1b: {  	s9 =	sadd.s32 $0xFFFFFEF7, lr;
	s5 =	simm.s32 $0xFFFFFFFF;
	p2 =	slt.u32 s8, $0xFFFFF086  }
0x1c: {  	p1 =	slt.u32 s9, $0xF7A;
	s5 =	simm.s32 @!p2 $0x0  }
0x1d: {  	s5 =	simm.s32 @p1 $0x1;
	p0 =	seq.s32 s7, s2  }
0x1e: {  	s7 =	smul.u32 @!p0 $0xF7A, s2;
	p2 =	seq.s32 @!p0 s5, $0x0  }
0x1f: {  	s9 =	smul.u32 $0xF7A, s1;
	s8 =	simm.s32 @!p0 $0x1BF5;
	p2 =	por !p2, p0  }
0x20: {  	[sflag:s8] =	ssyncset.s32 @!p0 $0xFFFFF086;
	s6 =	sadd.s32 @!p0 s3, s7;
	s7 =	simm.s32 @!p0 $0x108  }
0x21: {  	s3 =	sadd.s32 s3, s9;
	s6 =	sadd.s32 @!p0 $0x88, s6;
	s7 =	simm.s32 @p2 $0x1082  }
0x22: {  	[simem:s7], [sflag:s8] =	dma.local @!p0 [hbm:s6], $0xF7A  }
0x23: {  	s9 =	sor.u32 $0xD0000000, s2;
	s6 =	simm.s32 $0x108;
	_ =	swait.ge @!p0 [sflag:s8], $0x0  }
0x24: {  	s3 =	sadd.s32 $0x88, s3;
	s6 =	simm.s32 @!p1 $0x1082;
	[sflag:s4] =	ssyncset.s32 $0xFFFFF086  }
0x25: {  	[simem:s6], [sflag:s4] =	dma.local [hbm:s3], $0xF7A  }
0x26: {  	[smem:$0x3F98] =	sst s1;
	(tag) =	ssettag s2;
	_ =	strace s9  }
0x27: {  	s1 =	sld [smem:$0x3FA8]  }
0x28: {  	s2 =	sld [smem:$0x3FA9]  }
0x29: {  	s4 =	sld [smem:$0x3FAB]  }
0x2a: {  	p0 =	seq.s32 s5, $0x0;
	s5 =	sld [smem:$0x3FAC]  }
0x2b: {  	s6 =	sld [smem:$0x3FAD]  }
0x2c: {  	s7 =	sld [smem:$0x3FAE]  }
0x2d: {  	s3 =	simm.s32 $0x108;
	s8 =	sld [smem:$0x3FAF]  }
0x2e: {  	s3 =	simm.s32 @!p0 $0x1082;
	s9 =	sld [smem:$0x3FB0]  }
0x2f: {  	lr =	sadd.s32 s0, s3;
	s0 =	sld [smem:$0x3FA7]  }
0x30: {  	s3 =	sld [smem:$0x3FAA]  }
0x31: {  	[smem:$0x3FB3] =	sst s10  }
0x32: {  	s10 =	sld [smem:$0x3FB1];
	_ =	sdelay $0x3  }
0x33: {  	p0 =	seq.s32 s10, $0x1;
	s10 =	sld [smem:$0x3FB3];
	_ =	sdelay $0x3  }
0x34: {  	[smem:$0x3FB3] =	sst s10  }
0x35: {  	s10 =	sld [smem:$0x3FB2];
	_ =	sdelay $0x3  }
0x36: {  	p1 =	seq.s32 s10, $0x1;
	s10 =	sld [smem:$0x3FB3];
	_ =	sdelay $0x3  }
0x37: {  	[smem:$0x3FB3] =	sst s10  }
0x38: {  	s10 =	sld [smem:$0x3FB4]  }
0x39: {  	_ = 	snop;
	(pc) =	sbr.ind lr, $3  }
0x3a: {  	_ = 	snop  }
0x3b: {  	_ = 	snop  }
0x3c: {  	p2 =	seq.s32 s10, $0x1;
	s10 =	sld [smem:$0x3FB3]  }
0x3d: {  	_ =	shalt  }
0x3e: {  	_ =	shalt  }
0x3f: {  	_ =	shalt  }
0x40: {  	_ =	shalt  }
0x41: {  	_ =	shalt  }
0x42: {  	_ =	shalt  }
0x43: {  	_ =	shalt  }
0x44: {  	_ =	shalt  }
0x45: {  	_ =	shalt  }
0x46: {  	_ =	shalt  }
0x47: {  	_ =	shalt  }
0x48: {  	_ =	shalt  }
0x49: {  	_ =	shalt  }
0x4a: {  	_ =	shalt  }
0x4b: {  	_ =	shalt  }
0x4c: {  	_ =	shalt  }
0x4d: {  	_ =	shalt  }
0x4e: {  	_ =	shalt  }
0x4f: {  	_ =	shalt  }
0x50: {  	_ =	shalt  }
0x51: {  	_ =	shalt  }
0x52: {  	_ =	shalt  }
0x53: {  	_ =	shalt  }
0x54: {  	_ =	shalt  }
0x55: {  	_ =	shalt  }
0x56: {  	_ =	shalt  }
0x57: {  	_ =	shalt  }
0x58: {  	_ =	shalt  }
0x59: {  	_ =	shalt  }
0x5a: {  	_ =	shalt  }
0x5b: {  	_ =	shalt  }
0x5c: {  	_ =	shalt  }
0x5d: {  	_ =	shalt  }
0x5e: {  	_ =	shalt  }
0x5f: {  	_ =	shalt  }
0x60: {  	_ =	shalt  }
0x61: {  	_ =	shalt  }
0x62: {  	_ =	shalt  }
0x63: {  	_ =	shalt  }
0x64: {  	_ =	shalt  }
0x65: {  	_ =	shalt  }
0x66: {  	_ =	shalt  }
0x67: {  	_ =	shalt  }
0x68: {  	_ =	shalt  }
0x69: {  	_ =	shalt  }
0x6a: {  	_ =	shalt  }
0x6b: {  	_ =	shalt  }
0x6c: {  	_ =	shalt  }
0x6d: {  	_ =	shalt  }
0x6e: {  	_ =	shalt  }
0x6f: {  	_ =	shalt  }
0x70: {  	_ =	shalt  }
0x71: {  	_ =	shalt  }
0x72: {  	_ =	shalt  }
0x73: {  	_ =	shalt  }
0x74: {  	_ =	shalt  }
0x75: {  	_ =	shalt  }
0x76: {  	_ =	shalt  }
0x77: {  	_ =	shalt  }
0x78: {  	_ =	shalt  }
0x79: {  	_ =	shalt  }
0x7a: {  	_ =	shalt  }
0x7b: {  	_ =	shalt  }
0x7c: {  	_ =	shalt  }
0x7d: {  	_ =	shalt  }
0x7e: {  	_ =	shalt  }
0x7f: {  	_ =	shalt  }
0x80: {  	_ =	shalt  }
0x81: {  	_ =	shalt  }
0x82: {  	_ =	shalt  }
0x83: {  	_ =	shalt  }
0x84: {  	_ =	shalt  }
0x85: {  	_ =	shalt  }
0x86: {  	_ =	shalt  }
0x87: {  	_ =	shalt  }
.Lfunc_end0:
.L_simem_size_0:
called_computation.7_lowered:
.L_overlay_start_0:
0x88: {  	s2 =	sld [smem:$0x3FD9]  }
0x89: {  	s3 =	sld [smem:$0x3FFE];
	_ =	sdelay $0x1  }
0x8a: {  	s1 =	srdreg.scid  }
0x8b: {  	s0 =	sand.u32 $0x1, s1  }
0x8c: {  	s17 =	sshll.u32 s0, $0xA;
	s2 =	sadd.s32 s3, s2  }
0x8d: {  	s2 =	sadd.s32 s2, s17  }
0x8e: {  	[smem:$0x3FBF] =	sst s2  }
0x8f: {  	_ = 	snop  }
0x90: {  	(tm) =	ssettm $0x1  }
0x91: {  	s18 =	sld [smem:$0x3FFB];
	_ =	sdelay $0x3  }
0x92: {  	_ =	strace s18  }
0x93: {  	s2 =	sld [smem:$0x3FFC];
	_ =	sdelay $0x3  }
0x94: {  	_ =	strace s2  }
0x95: {  	s2 =	sld [smem:$0x3FFD];
	_ =	sdelay $0x3  }
0x96: {  	_ =	strace s2  }
0x97: {  	_ =	strace $0x8FFFFFFF  }
0x98: {  	s19 =	sld [smem:$0x3FDB];
	_ =	sdelay $0x1  }
0x99: {  	s20 =	simm.s32 $_scs_section_size  }
0x9a: {  	s4 =	simm.s32 $_size__tile_overlayer_lowered;
	s5 =	simm.s32 $_tile_overlayer_lowered  }
0x9b: {  	s6 =	simm.s32 $0x1BFF;
	s21 =	sshll.u32 s5, $0x1;
	s3 =	sadd.s32 s20, s19  }
0x9c: {  	s22 =	simm.s32 $0x0;
	s4 =	sshll.u32 s4, $0x1;
	s5 =	sadd.s32 s21, s3  }
0x9d: {  	[timem:s22], [sflag:s6] =	dma.local [hbm:s5], s4  }
0x9e: {  	_ =	swait.ge [sflag:s6], s4  }
0x9f: {  	s4 =	ssub.s32 $0x0, s4;
	[sflag:s6] =	ssyncset.done $0x0  }
0xa0: {  	[sflag:s6] =	ssyncadd.s32 s4;
	_ =	sdelay $0x1  }
0xa1: {  	s23 =	simm.s32 $0x1B8B  }
0xa2: {  	_ =	swait.ge [sflag:s23], $0x1  }
0xa3: {  	[sflag:s23] =	ssyncset.done $0x0  }
0xa4: {  	[sflag:s23] =	ssyncadd.s32 $0xFFFFFFFF  }
0xa5: {  	s4 =	sld [smem:$0x0]  }
0xa6: {  	s5 =	sand.u32 $0xFFFFFFFE, s1  }
0xa7: {  	p0 =	sne.s32 s1, s5  }
0xa8: {  	s5 =	sshll.u32 @p0 s5, $0xE  }
0xa9: {  	s5 =	sadd.s32 @p0 $0x11B8D, s5;
	s6 =	sshll.u32 @p0 s4, $0x11  }
0xaa: {  	s5 =	sor.u32 @p0 s6, s5  }
0xab: {  	[sflag:s5] =	ssyncadd.remote.s32 @p0 $0x1;
	_ =	sdelay $0x1  }
0xac: {  	s5 =	simm.s32 @p0 $0x1B8D  }
0xad: {  	_ =	swait.eq @p0 [sflag:s5], $0x1  }
0xae: {  	[sflag:s5] =	ssyncadd.s32 @p0 $0xFFFFFFFF  }
0xaf: {  	s6 =	sshll.u32 @!p0 s1, $0xE  }
0xb0: {  	s6 =	sor.u32 @!p0 $0x4000, s6;
	s5 =	simm.s32 @!p0 $0x1B8D  }
0xb1: {  	s4 =	sshll.u32 @!p0 s4, $0x11;
	s6 =	sadd.s32 @!p0 $0x11B8D, s6;
	_ =	swait.eq @!p0 [sflag:s5], $0x1  }
0xb2: {  	s4 =	sor.u32 @!p0 s4, s6;
	[sflag:s5] =	ssyncadd.s32 @!p0 $0xFFFFFFFF  }
0xb3: {  	s25 =	simm.s32 $0x1B8E;
	s24 =	sld [smem:$0x3FFE];
	[sflag:s4] =	ssyncadd.remote.s32 @!p0 $0x1  }
0xb4: {  	s26 =	simm.s32 $execute0_lowered;
	[smem:$0x3FD2] =	sst s25  }
0xb5: {  	s5 =	sshll.u32 s26, $0x1;
	_ =	strace $0x80000058;
	[dreg:$0x1] =	wrdreg $0xFFFFFFFF  }
0xb6: {  	s28 =	simm.s32 $_size_execute0_lowered;
	s3 =	sadd.s32 s3, s5;
	[dreg:$0x0] =	wrdreg $0x0  }
0xb7: {  	s5 =	sshll.u32 s28, $0x1;
	[dreg:$0x2] =	wrdreg s3  }
0xb8: {  	[dreg:$0x3] =	wrdreg s5  }
0xb9: {  	[dreg:$0x4] =	wrdreg $0xC0  }
0xba: {  	_ =	task [dreg:s22], $0x5FFFF  }
0xbb: {  	[dreg:$0x1] =	wrdreg $0xFFFFFFFF  }
0xbc: {  	[dreg:$0x0] =	wrdreg $0x60  }
0xbd: {  	[dreg:$0x2] =	wrdreg s24  }
0xbe: {  	[dreg:$0x3] =	wrdreg $0xE  }
0xbf: {  	_ =	task.clear_ibuf [dreg:s22], $0x4FFFF;
	_ =	strace $0x90000058  }
0xc0: {  	s29 =	simm.s32 $0xE;
	_ =	strace $0x8000005A  }
0xc1: {  	_ =	swait.ge [sflag:s29], $0x1  }
0xc2: {  	[sflag:s29] =	ssyncadd.s32 $0xFFFFFFFF  }
0xc3: {  	_ =	strace $0x9000005A  }
0xc4: {  	_ =	sfence  }
0xc5: {  	s30 =	sld [smem:$0x0];
	_ =	sdelay $0x2  }
0xc6: {  	s31 =	sshll.u32 s1, $0xD;
	s1 =	sshrl.u32 s1, $0x2  }
0xc7: {  	s4 =	sand.u32 $0x4000, s31;
	s1 =	sadd.s32 s1, s30  }
0xc8: {  	s0 =	sor.u32 s4, s0;
	s1 =	sshll.u32 s1, $0x11  }
0xc9: {  	s0 =	sor.u32 s1, s0  }
0xca: {  	s0 =	sadd.s32 $0x8F2B, s0  }
0xcb: {  	[sflag:s0] =	ssyncadd.remote.s32 $0x1  }
0xcc: {  	_ =	sfence.sel $0xFFFF  }
0xcd: {  	[dreg:$0x0] =	wrdreg $0xFFFFFFFF;
	(pc) =	sbr.abs _section_cstart, $3  }
0xce: {  	[dreg:$0x1] =	wrdreg $0xFFFFFFFF  }
0xcf: {  	_ =	task.clear_ibuf [dreg:s22], $0x2FFFF;
	_ =	strace $0x9FFFFFFF  }
0xd0: {  	(tm) =	ssettm $0x7FFFFFFF  }
0xd1: {  	_ =	shalt  }
tec
execute0_lowered:
.L_overlay_start_1:
0x0: {  	(tag) =	ssettag $0x1  }
0x1: {  	s4 =	rddreg [dreg:$0x0]  }
0x2: {  	s0 =	rddreg [dreg:$0x1];
	s2 =	simm.s32 $0x0;
	s3 =	srdreg.scid  }
0x3: {  	s1 =	stileid.u32;
	s10 =	simm.s32 $0x0;
	[smem:$0x7FF] =	sst s2  }
0x4: {  	s5 =	sand.u32 $0x1, s3;
	s6 =	sshll.u32 s1, $0xC;
	s3 =	sadd.s32 $0x105A00, s4  }
0x5: {  	s8 =	sshll.u32 s1, $0x10;
	_ =	strace $0x80000059;
	s7 =	sshll.u32 s5, $0xB  }
0x6: {  	s31 =	ssub.s32 $0x2, s5;
	s8 =	sadd.s32 s8, s4;
	s5 =	sshll.u32 s5, $0xF  }
0x7: {  	s6 =	sor.u32 s7, s6;
	s9 =	sshrl.u32 s31, $0x1;
	s5 =	sadd.s32 s5, s8  }
0x8: {  	s8 =	simm.s32 $0x80;
	s6 =	sshrl.u32 s6, $0x3;
	s7 =	ssub.s32 s31, s9  }
0x9: {  	s5 =	sadd.s32 $0x605A00, s5;
	s9 =	simm.s32 $0x1;
	s6 =	sadd.s32 s6, s4  }
0xa: {  	s4 =	smax.u32 s7, $0x1;
	s7 =	simm.s32 $0x2;
	s6 =	sadd.s32 $0x5A00, s6  }
.LBB2_1:
0xb: {  	s11 =	sadd.s32 $0x0, s6  }
0xc: {  	[tilespmem:s2], [sflag:$0x2] =	stream.linear.gather [hbm4b:s11+s2], $0x80, $0x38;
	[tilespmem:$0x4080] =	vst v63  }
0xd: {  	_ =	swait.ge [sflag:s7], $0x80  }
0xe: {  	[sflag:s7] =	ssyncset.done $0x0  }
0xf: {  	[sflag:s7] =	ssyncadd.s32 $0xFFFFFF80  }
0x10: {  	[tilespmem:s8], [sflag:$0x1] =	stream.indirect.gather [hbm4b:s3+s8], $0x80, s2, s8, $0xb8;
	[tilespmem:$0x4080] =	vst v63  }
0x11: {  	_ =	swait.ge [sflag:s9], $0x4000  }
0x12: {  	[sflag:s9] =	ssyncset.done $0x0  }
0x13: {  	[sflag:s9] =	ssyncadd.s32 $0xFFFFC000  }
0x14: {  	[hbm4b:s5+s2] =	stream.linear.scatter [tilespmem:s8], [sflag:$0x2], $0x4000, $0x38;
	[tilespmem:$0x4080] =	vst v63  }
0x15: {  	s12 =	simm.s32 $0x10;
	_ =	swait.ge [sflag:s7], $0x4000  }
0x16: {  	s13 =	simm.s32 $0x20;
	s11 =	sadd.s32 $0x800, s5;
	[sflag:s7] =	ssyncset.done $0x0  }
.LBB2_2:
0x17: {  	s14 =	sadd.s32 s12, s6  }
0x18: {  	[sflag:s7] =	ssyncadd.s32 $0xFFFFC000;
	s12 =	smov.u32 s13;
	s15 =	sadd.s32 $0x10, s13  }
0x19: {  	[tilespmem:s2], [sflag:$0x2] =	stream.linear.gather [hbm4b:s14+s2], $0x80, $0x38;
	[tilespmem:$0x4080] =	vst v63  }
0x1a: {  	p0 =	sne.s32 s13, $0xF0;
	_ =	swait.ge [sflag:s7], $0x80  }
0x1b: {  	[sflag:s7] =	ssyncset.done $0x0  }
0x1c: {  	[sflag:s7] =	ssyncadd.s32 $0xFFFFFF80  }
0x1d: {  	[tilespmem:s8], [sflag:$0x1] =	stream.indirect.gather [hbm4b:s3+s8], $0x80, s2, s8, $0xb8;
	[tilespmem:$0x4080] =	vst v63  }
0x1e: {  	_ =	swait.ge [sflag:s9], $0x4000  }
.Ltmp0:
0x1f: {  	[sflag:s9] =	ssyncset.done $0x0;
	(pc) =	sbr.rel @p0 .LBB2_2-.Ltmp0, $4  }
0x20: {  	[sflag:s9] =	ssyncadd.s32 $0xFFFFC000  }
0x21: {  	[hbm4b:s11+s2] =	stream.linear.scatter [tilespmem:s8], [sflag:$0x2], $0x4000, $0x38;
	[tilespmem:$0x4080] =	vst v63  }
0x22: {  	_ =	swait.ge [sflag:s7], $0x4000  }
0x23: {  	s13 =	smov.u32 s15;
	s11 =	sadd.s32 $0x800, s11;
	[sflag:s7] =	ssyncset.done $0x0  }
0x24: {  	s12 =	sadd.s32 s12, s6;
	[sflag:s7] =	ssyncadd.s32 $0xFFFFC000  }
0x25: {  	[tilespmem:s2], [sflag:$0x2] =	stream.linear.gather [hbm4b:s12+s2], $0x80, $0x38;
	[tilespmem:$0x4080] =	vst v63  }
0x26: {  	_ =	swait.ge [sflag:s7], $0x80  }
0x27: {  	[sflag:s7] =	ssyncset.done $0x0  }
0x28: {  	[sflag:s7] =	ssyncadd.s32 $0xFFFFFF80  }
0x29: {  	[tilespmem:s8], [sflag:$0x1] =	stream.indirect.gather [hbm4b:s3+s8], $0x80, s2, s8, $0xb8;
	[tilespmem:$0x4080] =	vst v63  }
0x2a: {  	s10 =	sadd.s32 $0x1, s10;
	_ =	swait.ge [sflag:s9], $0x4000  }
0x2b: {  	p0 =	sne.s32 s10, s4;
	[sflag:s9] =	ssyncset.done $0x0  }
.Ltmp1:
0x2c: {  	[sflag:s9] =	ssyncadd.s32 $0xFFFFC000;
	(pc) =	sbr.rel @p0 .LBB2_1-.Ltmp1, $4  }
0x2d: {  	[hbm4b:s11+s2] =	stream.linear.scatter [tilespmem:s8], [sflag:$0x2], $0x4000, $0x38;
	[tilespmem:$0x4080] =	vst v63  }
0x2e: {  	_ =	swait.ge [sflag:s7], $0x4000  }
0x2f: {  	[sflag:s7] =	ssyncset.done $0x0  }
0x30: {  	[sflag:s7] =	ssyncadd.s32 $0xFFFFC000  }
0x31: {  	_ =	sfence.sel $0x180000  }
0x32: {  	[bflag:$0x0] =	sbarrier.arrive $0xFFFF  }
0x33: {  	p0 =	sne.s32 s1, $0x0;
	_ =	strace $0x90000059  }
0x34: {  	s0 =	sadd.s32 @!p0 $0x100000, s0;
	[bflag:$0x2] =	sbarrier.arrive $0xFFFF  }
0x35: {  	[sflag:s0] =	ssyncadd.tile.s32 @!p0 $0x1;
	_ =	shalt  }
.Lfunc_end2:
_tile_overlayer_lowered:
.L_overlay_start_2:
0x36: {  	(tag) =	ssettag $0x2  }
0x37: {  	s0 =	rddreg [dreg:$0x0];
	s2 =	stileid.u32  }
0x38: {  	s1 =	rddreg [dreg:$0x1];
	p0 =	sne.s32 s2, $0x0  }
0x39: {  	s3 =	rddreg [dreg:$0x2];
	[bflag:$0x3] =	sbarrier.arrive $0xFFFF;
	s2 =	simm.s32 @!p0 $0x1C02  }
0x3a: {  	[timem:s3], [sflag:s2] =	dma.local @!p0 [hbm:s0], s1  }
0x3b: {  	s0 =	simm.s32 @!p0 $0x2  }
0x3c: {  	_ =	swait.ge @!p0 [sflag:s0], s1  }
0x3d: {  	s1 =	ssub.s32 @!p0 $0x0, s1;
	[sflag:s0] =	ssyncset.done @!p0 $0x0  }
0x3e: {  	[sflag:s0] =	ssyncadd.s32 @!p0 s1  }
0x3f: {  	[bflag:$0x3] =	sbarrier.arrive $0xFFFF  }
0x40: {  	_ =	shalt  }

// kernel: kernel.48.cloned.1.call-start
scs
__scs_entry_jumppad:
0x0: {  	(pc) =	sbr.rel $0x88, $3  }
0x1: {  	(tag) =	ssettag $0x0;
	lr =	simm.s32 $0x1  }
0x2: {  	[smem:$0x3F98] =	sst lr;
	_ =	strace $0xD0000000  }
0x3: {  	_ = 	snop  }
0x4: {  	_ = 	snop  }
0x5: {  	_ = 	snop  }
0x6: {  	_ = 	snop  }
0x7: {  	_ = 	snop  }
__scs_overlays_trampoline_lowered:
0x8: {  	[smem:$0x3FA7] =	sst s0  }
0x9: {  	[smem:$0x3FA8] =	sst s1  }
0xa: {  	[smem:$0x3FA9] =	sst s2  }
0xb: {  	[smem:$0x3FAA] =	sst s3  }
0xc: {  	[smem:$0x3FAB] =	sst s4  }
0xd: {  	[smem:$0x3FAC] =	sst s5  }
0xe: {  	[smem:$0x3FAD] =	sst s6  }
0xf: {  	[smem:$0x3FAE] =	sst s7  }
0x10: {  	[smem:$0x3FAF] =	sst s8  }
0x11: {  	[smem:$0x3FB0] =	sst s9;
	s0 =	simm.s32 @!p0 $0x0  }
0x12: {  	s1 =	sld [smem:$0x3F96];
	s0 =	simm.s32 @p0 $0x1  }
0x13: {  	[smem:$0x3FB1] =	sst s0;
	s0 =	simm.s32 @!p1 $0x0  }
0x14: {  	s2 =	sld [smem:$0x3F95];
	s0 =	simm.s32 @p1 $0x1  }
0x15: {  	[smem:$0x3FB2] =	sst s0;
	s0 =	simm.s32 @!p2 $0x0  }
0x16: {  	s3 =	sld [smem:$0x3FDB];
	s0 =	simm.s32 @p2 $0x1  }
0x17: {  	s4 =	simm.s32 $0x1BF5;
	[smem:$0x3FB4] =	sst s0  }
0x18: {  	s0 =	sld [smem:$0x3F97];
	_ =	swait.ge [sflag:s4], $0x0  }
0x19: {  	s7 =	sld [smem:$0x3F98]  }
0x1a: {  	s8 =	sadd.s32 $0xFFFFE003, lr  }
0x1b: {  	s9 =	sadd.s32 $0xFFFFFEF7, lr;
	s5 =	simm.s32 $0xFFFFFFFF;
	p2 =	slt.u32 s8, $0xFFFFF086  }
0x1c: {  	p1 =	slt.u32 s9, $0xF7A;
	s5 =	simm.s32 @!p2 $0x0  }
0x1d: {  	s5 =	simm.s32 @p1 $0x1;
	p0 =	seq.s32 s7, s2  }
0x1e: {  	s7 =	smul.u32 @!p0 $0xF7A, s2;
	p2 =	seq.s32 @!p0 s5, $0x0  }
0x1f: {  	s9 =	smul.u32 $0xF7A, s1;
	s8 =	simm.s32 @!p0 $0x1BF5;
	p2 =	por !p2, p0  }
0x20: {  	[sflag:s8] =	ssyncset.s32 @!p0 $0xFFFFF086;
	s6 =	sadd.s32 @!p0 s3, s7;
	s7 =	simm.s32 @!p0 $0x108  }
0x21: {  	s3 =	sadd.s32 s3, s9;
	s6 =	sadd.s32 @!p0 $0x88, s6;
	s7 =	simm.s32 @p2 $0x1082  }
0x22: {  	[simem:s7], [sflag:s8] =	dma.local @!p0 [hbm:s6], $0xF7A  }
0x23: {  	s9 =	sor.u32 $0xD0000000, s2;
	s6 =	simm.s32 $0x108;
	_ =	swait.ge @!p0 [sflag:s8], $0x0  }
0x24: {  	s3 =	sadd.s32 $0x88, s3;
	s6 =	simm.s32 @!p1 $0x1082;
	[sflag:s4] =	ssyncset.s32 $0xFFFFF086  }
0x25: {  	[simem:s6], [sflag:s4] =	dma.local [hbm:s3], $0xF7A  }
0x26: {  	[smem:$0x3F98] =	sst s1;
	(tag) =	ssettag s2;
	_ =	strace s9  }
0x27: {  	s1 =	sld [smem:$0x3FA8]  }
0x28: {  	s2 =	sld [smem:$0x3FA9]  }
0x29: {  	s4 =	sld [smem:$0x3FAB]  }
0x2a: {  	p0 =	seq.s32 s5, $0x0;
	s5 =	sld [smem:$0x3FAC]  }
0x2b: {  	s6 =	sld [smem:$0x3FAD]  }
0x2c: {  	s7 =	sld [smem:$0x3FAE]  }
0x2d: {  	s3 =	simm.s32 $0x108;
	s8 =	sld [smem:$0x3FAF]  }
0x2e: {  	s3 =	simm.s32 @!p0 $0x1082;
	s9 =	sld [smem:$0x3FB0]  }
0x2f: {  	lr =	sadd.s32 s0, s3;
	s0 =	sld [smem:$0x3FA7]  }
0x30: {  	s3 =	sld [smem:$0x3FAA]  }
0x31: {  	[smem:$0x3FB3] =	sst s10  }
0x32: {  	s10 =	sld [smem:$0x3FB1];
	_ =	sdelay $0x3  }
0x33: {  	p0 =	seq.s32 s10, $0x1;
	s10 =	sld [smem:$0x3FB3];
	_ =	sdelay $0x3  }
0x34: {  	[smem:$0x3FB3] =	sst s10  }
0x35: {  	s10 =	sld [smem:$0x3FB2];
	_ =	sdelay $0x3  }
0x36: {  	p1 =	seq.s32 s10, $0x1;
	s10 =	sld [smem:$0x3FB3];
	_ =	sdelay $0x3  }
0x37: {  	[smem:$0x3FB3] =	sst s10  }
0x38: {  	s10 =	sld [smem:$0x3FB4]  }
0x39: {  	_ = 	snop;
	(pc) =	sbr.ind lr, $3  }
0x3a: {  	_ = 	snop  }
0x3b: {  	_ = 	snop  }
0x3c: {  	p2 =	seq.s32 s10, $0x1;
	s10 =	sld [smem:$0x3FB3]  }
0x3d: {  	_ =	shalt  }
0x3e: {  	_ =	shalt  }
0x3f: {  	_ =	shalt  }
0x40: {  	_ =	shalt  }
0x41: {  	_ =	shalt  }
0x42: {  	_ =	shalt  }
0x43: {  	_ =	shalt  }
0x44: {  	_ =	shalt  }
0x45: {  	_ =	shalt  }
0x46: {  	_ =	shalt  }
0x47: {  	_ =	shalt  }
0x48: {  	_ =	shalt  }
0x49: {  	_ =	shalt  }
0x4a: {  	_ =	shalt  }
0x4b: {  	_ =	shalt  }
0x4c: {  	_ =	shalt  }
0x4d: {  	_ =	shalt  }
0x4e: {  	_ =	shalt  }
0x4f: {  	_ =	shalt  }
0x50: {  	_ =	shalt  }
0x51: {  	_ =	shalt  }
0x52: {  	_ =	shalt  }
0x53: {  	_ =	shalt  }
0x54: {  	_ =	shalt  }
0x55: {  	_ =	shalt  }
0x56: {  	_ =	shalt  }
0x57: {  	_ =	shalt  }
0x58: {  	_ =	shalt  }
0x59: {  	_ =	shalt  }
0x5a: {  	_ =	shalt  }
0x5b: {  	_ =	shalt  }
0x5c: {  	_ =	shalt  }
0x5d: {  	_ =	shalt  }
0x5e: {  	_ =	shalt  }
0x5f: {  	_ =	shalt  }
0x60: {  	_ =	shalt  }
0x61: {  	_ =	shalt  }
0x62: {  	_ =	shalt  }
0x63: {  	_ =	shalt  }
0x64: {  	_ =	shalt  }
0x65: {  	_ =	shalt  }
0x66: {  	_ =	shalt  }
0x67: {  	_ =	shalt  }
0x68: {  	_ =	shalt  }
0x69: {  	_ =	shalt  }
0x6a: {  	_ =	shalt  }
0x6b: {  	_ =	shalt  }
0x6c: {  	_ =	shalt  }
0x6d: {  	_ =	shalt  }
0x6e: {  	_ =	shalt  }
0x6f: {  	_ =	shalt  }
0x70: {  	_ =	shalt  }
0x71: {  	_ =	shalt  }
0x72: {  	_ =	shalt  }
0x73: {  	_ =	shalt  }
0x74: {  	_ =	shalt  }
0x75: {  	_ =	shalt  }
0x76: {  	_ =	shalt  }
0x77: {  	_ =	shalt  }
0x78: {  	_ =	shalt  }
0x79: {  	_ =	shalt  }
0x7a: {  	_ =	shalt  }
0x7b: {  	_ =	shalt  }
0x7c: {  	_ =	shalt  }
0x7d: {  	_ =	shalt  }
0x7e: {  	_ =	shalt  }
0x7f: {  	_ =	shalt  }
0x80: {  	_ =	shalt  }
0x81: {  	_ =	shalt  }
0x82: {  	_ =	shalt  }
0x83: {  	_ =	shalt  }
0x84: {  	_ =	shalt  }
0x85: {  	_ =	shalt  }
0x86: {  	_ =	shalt  }
0x87: {  	_ =	shalt  }
.Lfunc_end0:
.L_simem_size_0:
called_computation.8_lowered:
.L_overlay_start_0:
0x88: {  	s2 =	sld [smem:$0x3FD9]  }
0x89: {  	s3 =	sld [smem:$0x3FFE];
	_ =	sdelay $0x1  }
0x8a: {  	s1 =	srdreg.scid  }
0x8b: {  	s0 =	sand.u32 $0x1, s1  }
0x8c: {  	s17 =	sshll.u32 s0, $0xA;
	s2 =	sadd.s32 s3, s2  }
0x8d: {  	s2 =	sadd.s32 s2, s17  }
0x8e: {  	[smem:$0x3FBF] =	sst s2  }
0x8f: {  	_ = 	snop  }
0x90: {  	(tm) =	ssettm $0x1  }
0x91: {  	s18 =	sld [smem:$0x3FFB];
	_ =	sdelay $0x3  }
0x92: {  	_ =	strace s18  }
0x93: {  	s2 =	sld [smem:$0x3FFC];
	_ =	sdelay $0x3  }
0x94: {  	_ =	strace s2  }
0x95: {  	s2 =	sld [smem:$0x3FFD];
	_ =	sdelay $0x3  }
0x96: {  	_ =	strace s2  }
0x97: {  	_ =	strace $0x8FFFFFFF  }
0x98: {  	s19 =	sld [smem:$0x3FDB];
	_ =	sdelay $0x1  }
0x99: {  	s20 =	simm.s32 $_scs_section_size  }
0x9a: {  	s4 =	simm.s32 $_size__tile_overlayer_lowered;
	s5 =	simm.s32 $_tile_overlayer_lowered  }
0x9b: {  	s6 =	simm.s32 $0x1BFF;
	s21 =	sshll.u32 s5, $0x1;
	s3 =	sadd.s32 s20, s19  }
0x9c: {  	s22 =	simm.s32 $0x0;
	s4 =	sshll.u32 s4, $0x1;
	s5 =	sadd.s32 s21, s3  }
0x9d: {  	[timem:s22], [sflag:s6] =	dma.local [hbm:s5], s4  }
0x9e: {  	_ =	swait.ge [sflag:s6], s4  }
0x9f: {  	s4 =	ssub.s32 $0x0, s4;
	[sflag:s6] =	ssyncset.done $0x0  }
0xa0: {  	[sflag:s6] =	ssyncadd.s32 s4;
	_ =	sdelay $0x1  }
0xa1: {  	s23 =	simm.s32 $0x1B8B  }
0xa2: {  	_ =	swait.ge [sflag:s23], $0x1  }
0xa3: {  	[sflag:s23] =	ssyncset.done $0x0  }
0xa4: {  	[sflag:s23] =	ssyncadd.s32 $0xFFFFFFFF  }
0xa5: {  	s4 =	sld [smem:$0x0]  }
0xa6: {  	s5 =	sand.u32 $0xFFFFFFFE, s1  }
0xa7: {  	p0 =	sne.s32 s1, s5  }
0xa8: {  	s5 =	sshll.u32 @p0 s5, $0xE  }
0xa9: {  	s5 =	sadd.s32 @p0 $0x11B8D, s5;
	s6 =	sshll.u32 @p0 s4, $0x11  }
0xaa: {  	s5 =	sor.u32 @p0 s6, s5  }
0xab: {  	[sflag:s5] =	ssyncadd.remote.s32 @p0 $0x1;
	_ =	sdelay $0x1  }
0xac: {  	s5 =	simm.s32 @p0 $0x1B8D  }
0xad: {  	_ =	swait.eq @p0 [sflag:s5], $0x1  }
0xae: {  	[sflag:s5] =	ssyncadd.s32 @p0 $0xFFFFFFFF  }
0xaf: {  	s6 =	sshll.u32 @!p0 s1, $0xE  }
0xb0: {  	s6 =	sor.u32 @!p0 $0x4000, s6;
	s5 =	simm.s32 @!p0 $0x1B8D  }
0xb1: {  	s4 =	sshll.u32 @!p0 s4, $0x11;
	s6 =	sadd.s32 @!p0 $0x11B8D, s6;
	_ =	swait.eq @!p0 [sflag:s5], $0x1  }
0xb2: {  	s4 =	sor.u32 @!p0 s4, s6;
	[sflag:s5] =	ssyncadd.s32 @!p0 $0xFFFFFFFF  }
0xb3: {  	s25 =	simm.s32 $0x1B8E;
	s24 =	sld [smem:$0x3FFE];
	[sflag:s4] =	ssyncadd.remote.s32 @!p0 $0x1  }
0xb4: {  	s26 =	simm.s32 $execute0_lowered;
	[smem:$0x3FD2] =	sst s25  }
0xb5: {  	s5 =	sshll.u32 s26, $0x1;
	_ =	strace $0x8000005B;
	[dreg:$0x1] =	wrdreg $0xFFFFFFFF  }
0xb6: {  	s28 =	simm.s32 $_size_execute0_lowered;
	s3 =	sadd.s32 s3, s5;
	[dreg:$0x0] =	wrdreg $0x0  }
0xb7: {  	s5 =	sshll.u32 s28, $0x1;
	[dreg:$0x2] =	wrdreg s3  }
0xb8: {  	[dreg:$0x3] =	wrdreg s5  }
0xb9: {  	[dreg:$0x4] =	wrdreg $0xC0  }
0xba: {  	_ =	task [dreg:s22], $0x5FFFF  }
0xbb: {  	[dreg:$0x1] =	wrdreg $0xFFFFFFFF  }
0xbc: {  	[dreg:$0x0] =	wrdreg $0x60  }
0xbd: {  	[dreg:$0x2] =	wrdreg s24  }
0xbe: {  	[dreg:$0x3] =	wrdreg $0xF  }
0xbf: {  	_ =	task.clear_ibuf [dreg:s22], $0x4FFFF;
	_ =	strace $0x9000005B  }
0xc0: {  	s29 =	simm.s32 $0xF;
	_ =	strace $0x8000005D  }
0xc1: {  	_ =	swait.ge [sflag:s29], $0x1  }
0xc2: {  	[sflag:s29] =	ssyncadd.s32 $0xFFFFFFFF  }
0xc3: {  	_ =	strace $0x9000005D  }
0xc4: {  	_ =	sfence  }
0xc5: {  	s30 =	sld [smem:$0x0];
	_ =	sdelay $0x2  }
0xc6: {  	s31 =	sshll.u32 s1, $0xD;
	s1 =	sshrl.u32 s1, $0x2  }
0xc7: {  	s4 =	sand.u32 $0x4000, s31;
	s1 =	sadd.s32 s1, s30  }
0xc8: {  	s0 =	sor.u32 s4, s0;
	s1 =	sshll.u32 s1, $0x11  }
0xc9: {  	s0 =	sor.u32 s1, s0  }
0xca: {  	s0 =	sadd.s32 $0x8F2B, s0  }
0xcb: {  	[sflag:s0] =	ssyncadd.remote.s32 $0x1  }
0xcc: {  	_ =	sfence.sel $0xFFFF  }
0xcd: {  	[dreg:$0x0] =	wrdreg $0xFFFFFFFF;
	(pc) =	sbr.abs _section_cstart, $3  }
0xce: {  	[dreg:$0x1] =	wrdreg $0xFFFFFFFF  }
0xcf: {  	_ =	task.clear_ibuf [dreg:s22], $0x2FFFF;
	_ =	strace $0x9FFFFFFF  }
0xd0: {  	(tm) =	ssettm $0x7FFFFFFF  }
0xd1: {  	_ =	shalt  }
tec
execute0_lowered:
.L_overlay_start_1:
0x0: {  	(tag) =	ssettag $0x1  }
0x1: {  	s4 =	rddreg [dreg:$0x0]  }
0x2: {  	s0 =	rddreg [dreg:$0x1];
	s2 =	simm.s32 $0x0;
	s3 =	srdreg.scid  }
0x3: {  	s1 =	stileid.u32;
	s10 =	simm.s32 $0x0;
	[smem:$0x7FF] =	sst s2  }
0x4: {  	s5 =	sand.u32 $0x1, s3;
	s6 =	sshll.u32 s1, $0xC;
	s3 =	sadd.s32 $0x105A00, s4  }
0x5: {  	s8 =	sshll.u32 s1, $0x10;
	_ =	strace $0x8000005C;
	s7 =	sshll.u32 s5, $0xB  }
0x6: {  	s31 =	ssub.s32 $0x2, s5;
	s8 =	sadd.s32 s8, s4;
	s5 =	sshll.u32 s5, $0xF  }
0x7: {  	s6 =	sor.u32 s7, s6;
	s9 =	sshrl.u32 s31, $0x1;
	s5 =	sadd.s32 s5, s8  }
0x8: {  	s8 =	simm.s32 $0x80;
	s6 =	sshrl.u32 s6, $0x3;
	s7 =	ssub.s32 s31, s9  }
0x9: {  	s5 =	sadd.s32 $0x705A00, s5;
	s9 =	simm.s32 $0x1;
	s6 =	sadd.s32 s6, s4  }
0xa: {  	s4 =	smax.u32 s7, $0x1;
	s7 =	simm.s32 $0x2;
	s6 =	sadd.s32 $0xBA00, s6  }
.LBB2_1:
0xb: {  	s11 =	sadd.s32 $0x0, s6  }
0xc: {  	[tilespmem:s2], [sflag:$0x2] =	stream.linear.gather [hbm4b:s11+s2], $0x80, $0x38;
	[tilespmem:$0x4080] =	vst v63  }
0xd: {  	_ =	swait.ge [sflag:s7], $0x80  }
0xe: {  	[sflag:s7] =	ssyncset.done $0x0  }
0xf: {  	[sflag:s7] =	ssyncadd.s32 $0xFFFFFF80  }
0x10: {  	[tilespmem:s8], [sflag:$0x1] =	stream.indirect.gather [hbm4b:s3+s8], $0x80, s2, s8, $0xb8;
	[tilespmem:$0x4080] =	vst v63  }
0x11: {  	_ =	swait.ge [sflag:s9], $0x4000  }
0x12: {  	[sflag:s9] =	ssyncset.done $0x0  }
0x13: {  	[sflag:s9] =	ssyncadd.s32 $0xFFFFC000  }
0x14: {  	[hbm4b:s5+s2] =	stream.linear.scatter [tilespmem:s8], [sflag:$0x2], $0x4000, $0x38;
	[tilespmem:$0x4080] =	vst v63  }
0x15: {  	s12 =	simm.s32 $0x10;
	_ =	swait.ge [sflag:s7], $0x4000  }
0x16: {  	s13 =	simm.s32 $0x20;
	s11 =	sadd.s32 $0x800, s5;
	[sflag:s7] =	ssyncset.done $0x0  }
.LBB2_2:
0x17: {  	s14 =	sadd.s32 s12, s6  }
0x18: {  	[sflag:s7] =	ssyncadd.s32 $0xFFFFC000;
	s12 =	smov.u32 s13;
	s15 =	sadd.s32 $0x10, s13  }
0x19: {  	[tilespmem:s2], [sflag:$0x2] =	stream.linear.gather [hbm4b:s14+s2], $0x80, $0x38;
	[tilespmem:$0x4080] =	vst v63  }
0x1a: {  	p0 =	sne.s32 s13, $0xF0;
	_ =	swait.ge [sflag:s7], $0x80  }
0x1b: {  	[sflag:s7] =	ssyncset.done $0x0  }
0x1c: {  	[sflag:s7] =	ssyncadd.s32 $0xFFFFFF80  }
0x1d: {  	[tilespmem:s8], [sflag:$0x1] =	stream.indirect.gather [hbm4b:s3+s8], $0x80, s2, s8, $0xb8;
	[tilespmem:$0x4080] =	vst v63  }
0x1e: {  	_ =	swait.ge [sflag:s9], $0x4000  }
.Ltmp0:
0x1f: {  	[sflag:s9] =	ssyncset.done $0x0;
	(pc) =	sbr.rel @p0 .LBB2_2-.Ltmp0, $4  }
0x20: {  	[sflag:s9] =	ssyncadd.s32 $0xFFFFC000  }
0x21: {  	[hbm4b:s11+s2] =	stream.linear.scatter [tilespmem:s8], [sflag:$0x2], $0x4000, $0x38;
	[tilespmem:$0x4080] =	vst v63  }
0x22: {  	_ =	swait.ge [sflag:s7], $0x4000  }
0x23: {  	s13 =	smov.u32 s15;
	s11 =	sadd.s32 $0x800, s11;
	[sflag:s7] =	ssyncset.done $0x0  }
0x24: {  	s12 =	sadd.s32 s12, s6;
	[sflag:s7] =	ssyncadd.s32 $0xFFFFC000  }
0x25: {  	[tilespmem:s2], [sflag:$0x2] =	stream.linear.gather [hbm4b:s12+s2], $0x80, $0x38;
	[tilespmem:$0x4080] =	vst v63  }
0x26: {  	_ =	swait.ge [sflag:s7], $0x80  }
0x27: {  	[sflag:s7] =	ssyncset.done $0x0  }
0x28: {  	[sflag:s7] =	ssyncadd.s32 $0xFFFFFF80  }
0x29: {  	[tilespmem:s8], [sflag:$0x1] =	stream.indirect.gather [hbm4b:s3+s8], $0x80, s2, s8, $0xb8;
	[tilespmem:$0x4080] =	vst v63  }
0x2a: {  	s10 =	sadd.s32 $0x1, s10;
	_ =	swait.ge [sflag:s9], $0x4000  }
0x2b: {  	p0 =	sne.s32 s10, s4;
	[sflag:s9] =	ssyncset.done $0x0  }
.Ltmp1:
0x2c: {  	[sflag:s9] =	ssyncadd.s32 $0xFFFFC000;
	(pc) =	sbr.rel @p0 .LBB2_1-.Ltmp1, $4  }
0x2d: {  	[hbm4b:s11+s2] =	stream.linear.scatter [tilespmem:s8], [sflag:$0x2], $0x4000, $0x38;
	[tilespmem:$0x4080] =	vst v63  }
0x2e: {  	_ =	swait.ge [sflag:s7], $0x4000  }
0x2f: {  	[sflag:s7] =	ssyncset.done $0x0  }
0x30: {  	[sflag:s7] =	ssyncadd.s32 $0xFFFFC000  }
0x31: {  	_ =	sfence.sel $0x180000  }
0x32: {  	[bflag:$0x0] =	sbarrier.arrive $0xFFFF  }
0x33: {  	p0 =	sne.s32 s1, $0x0;
	_ =	strace $0x9000005C  }
0x34: {  	s0 =	sadd.s32 @!p0 $0x100000, s0;
	[bflag:$0x2] =	sbarrier.arrive $0xFFFF  }
0x35: {  	[sflag:s0] =	ssyncadd.tile.s32 @!p0 $0x1;
	_ =	shalt  }
.Lfunc_end2:
_tile_overlayer_lowered:
.L_overlay_start_2:
0x36: {  	(tag) =	ssettag $0x2  }
0x37: {  	s0 =	rddreg [dreg:$0x0];
	s2 =	stileid.u32  }
0x38: {  	s1 =	rddreg [dreg:$0x1];
	p0 =	sne.s32 s2, $0x0  }
0x39: {  	s3 =	rddreg [dreg:$0x2];
	[bflag:$0x3] =	sbarrier.arrive $0xFFFF;
	s2 =	simm.s32 @!p0 $0x1C02  }
0x3a: {  	[timem:s3], [sflag:s2] =	dma.local @!p0 [hbm:s0], s1  }
0x3b: {  	s0 =	simm.s32 @!p0 $0x2  }
0x3c: {  	_ =	swait.ge @!p0 [sflag:s0], s1  }
0x3d: {  	s1 =	ssub.s32 @!p0 $0x0, s1;
	[sflag:s0] =	ssyncset.done @!p0 $0x0  }
0x3e: {  	[sflag:s0] =	ssyncadd.s32 @!p0 s1  }
0x3f: {  	[bflag:$0x3] =	sbarrier.arrive $0xFFFF  }
0x40: {  	_ =	shalt  }

// kernel: kernel.51.cloned.1.call-start
scs
__scs_entry_jumppad:
0x0: {  	(pc) =	sbr.rel $0x88, $3  }
0x1: {  	(tag) =	ssettag $0x0;
	lr =	simm.s32 $0x1  }
0x2: {  	[smem:$0x3F98] =	sst lr;
	_ =	strace $0xD0000000  }
0x3: {  	_ = 	snop  }
0x4: {  	_ = 	snop  }
0x5: {  	_ = 	snop  }
0x6: {  	_ = 	snop  }
0x7: {  	_ = 	snop  }
__scs_overlays_trampoline_lowered:
0x8: {  	[smem:$0x3FA7] =	sst s0  }
0x9: {  	[smem:$0x3FA8] =	sst s1  }
0xa: {  	[smem:$0x3FA9] =	sst s2  }
0xb: {  	[smem:$0x3FAA] =	sst s3  }
0xc: {  	[smem:$0x3FAB] =	sst s4  }
0xd: {  	[smem:$0x3FAC] =	sst s5  }
0xe: {  	[smem:$0x3FAD] =	sst s6  }
0xf: {  	[smem:$0x3FAE] =	sst s7  }
0x10: {  	[smem:$0x3FAF] =	sst s8  }
0x11: {  	[smem:$0x3FB0] =	sst s9;
	s0 =	simm.s32 @!p0 $0x0  }
0x12: {  	s1 =	sld [smem:$0x3F96];
	s0 =	simm.s32 @p0 $0x1  }
0x13: {  	[smem:$0x3FB1] =	sst s0;
	s0 =	simm.s32 @!p1 $0x0  }
0x14: {  	s2 =	sld [smem:$0x3F95];
	s0 =	simm.s32 @p1 $0x1  }
0x15: {  	[smem:$0x3FB2] =	sst s0;
	s0 =	simm.s32 @!p2 $0x0  }
0x16: {  	s3 =	sld [smem:$0x3FDB];
	s0 =	simm.s32 @p2 $0x1  }
0x17: {  	s4 =	simm.s32 $0x1BF5;
	[smem:$0x3FB4] =	sst s0  }
0x18: {  	s0 =	sld [smem:$0x3F97];
	_ =	swait.ge [sflag:s4], $0x0  }
0x19: {  	s7 =	sld [smem:$0x3F98]  }
0x1a: {  	s8 =	sadd.s32 $0xFFFFE003, lr  }
0x1b: {  	s9 =	sadd.s32 $0xFFFFFEF7, lr;
	s5 =	simm.s32 $0xFFFFFFFF;
	p2 =	slt.u32 s8, $0xFFFFF086  }
0x1c: {  	p1 =	slt.u32 s9, $0xF7A;
	s5 =	simm.s32 @!p2 $0x0  }
0x1d: {  	s5 =	simm.s32 @p1 $0x1;
	p0 =	seq.s32 s7, s2  }
0x1e: {  	s7 =	smul.u32 @!p0 $0xF7A, s2;
	p2 =	seq.s32 @!p0 s5, $0x0  }
0x1f: {  	s9 =	smul.u32 $0xF7A, s1;
	s8 =	simm.s32 @!p0 $0x1BF5;
	p2 =	por !p2, p0  }
0x20: {  	[sflag:s8] =	ssyncset.s32 @!p0 $0xFFFFF086;
	s6 =	sadd.s32 @!p0 s3, s7;
	s7 =	simm.s32 @!p0 $0x108  }
0x21: {  	s3 =	sadd.s32 s3, s9;
	s6 =	sadd.s32 @!p0 $0x88, s6;
	s7 =	simm.s32 @p2 $0x1082  }
0x22: {  	[simem:s7], [sflag:s8] =	dma.local @!p0 [hbm:s6], $0xF7A  }
0x23: {  	s9 =	sor.u32 $0xD0000000, s2;
	s6 =	simm.s32 $0x108;
	_ =	swait.ge @!p0 [sflag:s8], $0x0  }
0x24: {  	s3 =	sadd.s32 $0x88, s3;
	s6 =	simm.s32 @!p1 $0x1082;
	[sflag:s4] =	ssyncset.s32 $0xFFFFF086  }
0x25: {  	[simem:s6], [sflag:s4] =	dma.local [hbm:s3], $0xF7A  }
0x26: {  	[smem:$0x3F98] =	sst s1;
	(tag) =	ssettag s2;
	_ =	strace s9  }
0x27: {  	s1 =	sld [smem:$0x3FA8]  }
0x28: {  	s2 =	sld [smem:$0x3FA9]  }
0x29: {  	s4 =	sld [smem:$0x3FAB]  }
0x2a: {  	p0 =	seq.s32 s5, $0x0;
	s5 =	sld [smem:$0x3FAC]  }
0x2b: {  	s6 =	sld [smem:$0x3FAD]  }
0x2c: {  	s7 =	sld [smem:$0x3FAE]  }
0x2d: {  	s3 =	simm.s32 $0x108;
	s8 =	sld [smem:$0x3FAF]  }
0x2e: {  	s3 =	simm.s32 @!p0 $0x1082;
	s9 =	sld [smem:$0x3FB0]  }
0x2f: {  	lr =	sadd.s32 s0, s3;
	s0 =	sld [smem:$0x3FA7]  }
0x30: {  	s3 =	sld [smem:$0x3FAA]  }
0x31: {  	[smem:$0x3FB3] =	sst s10  }
0x32: {  	s10 =	sld [smem:$0x3FB1];
	_ =	sdelay $0x3  }
0x33: {  	p0 =	seq.s32 s10, $0x1;
	s10 =	sld [smem:$0x3FB3];
	_ =	sdelay $0x3  }
0x34: {  	[smem:$0x3FB3] =	sst s10  }
0x35: {  	s10 =	sld [smem:$0x3FB2];
	_ =	sdelay $0x3  }
0x36: {  	p1 =	seq.s32 s10, $0x1;
	s10 =	sld [smem:$0x3FB3];
	_ =	sdelay $0x3  }
0x37: {  	[smem:$0x3FB3] =	sst s10  }
0x38: {  	s10 =	sld [smem:$0x3FB4]  }
0x39: {  	_ = 	snop;
	(pc) =	sbr.ind lr, $3  }
0x3a: {  	_ = 	snop  }
0x3b: {  	_ = 	snop  }
0x3c: {  	p2 =	seq.s32 s10, $0x1;
	s10 =	sld [smem:$0x3FB3]  }
0x3d: {  	_ =	shalt  }
0x3e: {  	_ =	shalt  }
0x3f: {  	_ =	shalt  }
0x40: {  	_ =	shalt  }
0x41: {  	_ =	shalt  }
0x42: {  	_ =	shalt  }
0x43: {  	_ =	shalt  }
0x44: {  	_ =	shalt  }
0x45: {  	_ =	shalt  }
0x46: {  	_ =	shalt  }
0x47: {  	_ =	shalt  }
0x48: {  	_ =	shalt  }
0x49: {  	_ =	shalt  }
0x4a: {  	_ =	shalt  }
0x4b: {  	_ =	shalt  }
0x4c: {  	_ =	shalt  }
0x4d: {  	_ =	shalt  }
0x4e: {  	_ =	shalt  }
0x4f: {  	_ =	shalt  }
0x50: {  	_ =	shalt  }
0x51: {  	_ =	shalt  }
0x52: {  	_ =	shalt  }
0x53: {  	_ =	shalt  }
0x54: {  	_ =	shalt  }
0x55: {  	_ =	shalt  }
0x56: {  	_ =	shalt  }
0x57: {  	_ =	shalt  }
0x58: {  	_ =	shalt  }
0x59: {  	_ =	shalt  }
0x5a: {  	_ =	shalt  }
0x5b: {  	_ =	shalt  }
0x5c: {  	_ =	shalt  }
0x5d: {  	_ =	shalt  }
0x5e: {  	_ =	shalt  }
0x5f: {  	_ =	shalt  }
0x60: {  	_ =	shalt  }
0x61: {  	_ =	shalt  }
0x62: {  	_ =	shalt  }
0x63: {  	_ =	shalt  }
0x64: {  	_ =	shalt  }
0x65: {  	_ =	shalt  }
0x66: {  	_ =	shalt  }
0x67: {  	_ =	shalt  }
0x68: {  	_ =	shalt  }
0x69: {  	_ =	shalt  }
0x6a: {  	_ =	shalt  }
0x6b: {  	_ =	shalt  }
0x6c: {  	_ =	shalt  }
0x6d: {  	_ =	shalt  }
0x6e: {  	_ =	shalt  }
0x6f: {  	_ =	shalt  }
0x70: {  	_ =	shalt  }
0x71: {  	_ =	shalt  }
0x72: {  	_ =	shalt  }
0x73: {  	_ =	shalt  }
0x74: {  	_ =	shalt  }
0x75: {  	_ =	shalt  }
0x76: {  	_ =	shalt  }
0x77: {  	_ =	shalt  }
0x78: {  	_ =	shalt  }
0x79: {  	_ =	shalt  }
0x7a: {  	_ =	shalt  }
0x7b: {  	_ =	shalt  }
0x7c: {  	_ =	shalt  }
0x7d: {  	_ =	shalt  }
0x7e: {  	_ =	shalt  }
0x7f: {  	_ =	shalt  }
0x80: {  	_ =	shalt  }
0x81: {  	_ =	shalt  }
0x82: {  	_ =	shalt  }
0x83: {  	_ =	shalt  }
0x84: {  	_ =	shalt  }
0x85: {  	_ =	shalt  }
0x86: {  	_ =	shalt  }
0x87: {  	_ =	shalt  }
.Lfunc_end0:
.L_simem_size_0:
called_computation.9_lowered:
.L_overlay_start_0:
0x88: {  	s2 =	sld [smem:$0x3FD9]  }
0x89: {  	s3 =	sld [smem:$0x3FFE];
	_ =	sdelay $0x1  }
0x8a: {  	s1 =	srdreg.scid  }
0x8b: {  	s0 =	sand.u32 $0x1, s1  }
0x8c: {  	s17 =	sshll.u32 s0, $0xA;
	s2 =	sadd.s32 s3, s2  }
0x8d: {  	s2 =	sadd.s32 s2, s17  }
0x8e: {  	[smem:$0x3FBF] =	sst s2  }
0x8f: {  	_ = 	snop  }
0x90: {  	(tm) =	ssettm $0x1  }
0x91: {  	s18 =	sld [smem:$0x3FFB];
	_ =	sdelay $0x3  }
0x92: {  	_ =	strace s18  }
0x93: {  	s2 =	sld [smem:$0x3FFC];
	_ =	sdelay $0x3  }
0x94: {  	_ =	strace s2  }
0x95: {  	s2 =	sld [smem:$0x3FFD];
	_ =	sdelay $0x3  }
0x96: {  	_ =	strace s2  }
0x97: {  	_ =	strace $0x8FFFFFFF  }
0x98: {  	s19 =	sld [smem:$0x3FDB];
	_ =	sdelay $0x1  }
0x99: {  	s20 =	simm.s32 $_scs_section_size  }
0x9a: {  	s4 =	simm.s32 $_size__tile_overlayer_lowered;
	s5 =	simm.s32 $_tile_overlayer_lowered  }
0x9b: {  	s6 =	simm.s32 $0x1BFF;
	s21 =	sshll.u32 s5, $0x1;
	s3 =	sadd.s32 s20, s19  }
0x9c: {  	s22 =	simm.s32 $0x0;
	s4 =	sshll.u32 s4, $0x1;
	s5 =	sadd.s32 s21, s3  }
0x9d: {  	[timem:s22], [sflag:s6] =	dma.local [hbm:s5], s4  }
0x9e: {  	_ =	swait.ge [sflag:s6], s4  }
0x9f: {  	s4 =	ssub.s32 $0x0, s4;
	[sflag:s6] =	ssyncset.done $0x0  }
0xa0: {  	[sflag:s6] =	ssyncadd.s32 s4;
	_ =	sdelay $0x1  }
0xa1: {  	s23 =	simm.s32 $0x1B8B  }
0xa2: {  	_ =	swait.ge [sflag:s23], $0x1  }
0xa3: {  	[sflag:s23] =	ssyncset.done $0x0  }
0xa4: {  	[sflag:s23] =	ssyncadd.s32 $0xFFFFFFFF  }
0xa5: {  	s4 =	sld [smem:$0x0]  }
0xa6: {  	s5 =	sand.u32 $0xFFFFFFFE, s1  }
0xa7: {  	p0 =	sne.s32 s1, s5  }
0xa8: {  	s5 =	sshll.u32 @p0 s5, $0xE  }
0xa9: {  	s5 =	sadd.s32 @p0 $0x11B8D, s5;
	s6 =	sshll.u32 @p0 s4, $0x11  }
0xaa: {  	s5 =	sor.u32 @p0 s6, s5  }
0xab: {  	[sflag:s5] =	ssyncadd.remote.s32 @p0 $0x1;
	_ =	sdelay $0x1  }
0xac: {  	s5 =	simm.s32 @p0 $0x1B8D  }
0xad: {  	_ =	swait.eq @p0 [sflag:s5], $0x1  }
0xae: {  	[sflag:s5] =	ssyncadd.s32 @p0 $0xFFFFFFFF  }
0xaf: {  	s6 =	sshll.u32 @!p0 s1, $0xE  }
0xb0: {  	s6 =	sor.u32 @!p0 $0x4000, s6;
	s5 =	simm.s32 @!p0 $0x1B8D  }
0xb1: {  	s4 =	sshll.u32 @!p0 s4, $0x11;
	s6 =	sadd.s32 @!p0 $0x11B8D, s6;
	_ =	swait.eq @!p0 [sflag:s5], $0x1  }
0xb2: {  	s4 =	sor.u32 @!p0 s4, s6;
	[sflag:s5] =	ssyncadd.s32 @!p0 $0xFFFFFFFF  }
0xb3: {  	s25 =	simm.s32 $0x1B8E;
	s24 =	sld [smem:$0x3FFE];
	[sflag:s4] =	ssyncadd.remote.s32 @!p0 $0x1  }
0xb4: {  	s26 =	simm.s32 $execute0_lowered;
	[smem:$0x3FD2] =	sst s25  }
0xb5: {  	s5 =	sshll.u32 s26, $0x1;
	_ =	strace $0x80000061;
	[dreg:$0x1] =	wrdreg $0xFFFFFFFF  }
0xb6: {  	s28 =	simm.s32 $_size_execute0_lowered;
	s3 =	sadd.s32 s3, s5;
	[dreg:$0x0] =	wrdreg $0x0  }
0xb7: {  	s5 =	sshll.u32 s28, $0x1;
	[dreg:$0x2] =	wrdreg s3  }
0xb8: {  	[dreg:$0x3] =	wrdreg s5  }
0xb9: {  	[dreg:$0x4] =	wrdreg $0xC0  }
0xba: {  	_ =	task [dreg:s22], $0x5FFFF  }
0xbb: {  	[dreg:$0x1] =	wrdreg $0xFFFFFFFF  }
0xbc: {  	[dreg:$0x0] =	wrdreg $0x60  }
0xbd: {  	[dreg:$0x2] =	wrdreg s24  }
0xbe: {  	[dreg:$0x3] =	wrdreg $0x10  }
0xbf: {  	_ =	task.clear_ibuf [dreg:s22], $0x4FFFF;
	_ =	strace $0x90000061  }
0xc0: {  	s29 =	simm.s32 $0x10;
	_ =	strace $0x80000063  }
0xc1: {  	_ =	swait.ge [sflag:s29], $0x1  }
0xc2: {  	[sflag:s29] =	ssyncadd.s32 $0xFFFFFFFF  }
0xc3: {  	_ =	strace $0x90000063  }
0xc4: {  	_ =	sfence  }
0xc5: {  	s30 =	sld [smem:$0x0];
	_ =	sdelay $0x2  }
0xc6: {  	s31 =	sshll.u32 s1, $0xD;
	s1 =	sshrl.u32 s1, $0x2  }
0xc7: {  	s4 =	sand.u32 $0x4000, s31;
	s1 =	sadd.s32 s1, s30  }
0xc8: {  	s0 =	sor.u32 s4, s0;
	s1 =	sshll.u32 s1, $0x11  }
0xc9: {  	s0 =	sor.u32 s1, s0  }
0xca: {  	s0 =	sadd.s32 $0x8F2B, s0  }
0xcb: {  	[sflag:s0] =	ssyncadd.remote.s32 $0x1  }
0xcc: {  	_ =	sfence.sel $0xFFFF  }
0xcd: {  	[dreg:$0x0] =	wrdreg $0xFFFFFFFF;
	(pc) =	sbr.abs _section_cstart, $3  }
0xce: {  	[dreg:$0x1] =	wrdreg $0xFFFFFFFF  }
0xcf: {  	_ =	task.clear_ibuf [dreg:s22], $0x2FFFF;
	_ =	strace $0x9FFFFFFF  }
0xd0: {  	(tm) =	ssettm $0x7FFFFFFF  }
0xd1: {  	_ =	shalt  }
tec
execute0_lowered:
.L_overlay_start_1:
0x0: {  	(tag) =	ssettag $0x1  }
0x1: {  	s4 =	rddreg [dreg:$0x0]  }
0x2: {  	s0 =	rddreg [dreg:$0x1];
	s2 =	simm.s32 $0x0;
	s3 =	srdreg.scid  }
0x3: {  	s1 =	stileid.u32;
	s10 =	simm.s32 $0x0;
	[smem:$0x7FF] =	sst s2  }
0x4: {  	s5 =	sand.u32 $0x1, s3;
	s6 =	sshll.u32 s1, $0xC;
	s3 =	sadd.s32 $0x105A00, s4  }
0x5: {  	s8 =	sshll.u32 s1, $0x10;
	_ =	strace $0x80000062;
	s7 =	sshll.u32 s5, $0xB  }
0x6: {  	s31 =	ssub.s32 $0x2, s5;
	s8 =	sadd.s32 s8, s4;
	s5 =	sshll.u32 s5, $0xF  }
0x7: {  	s6 =	sor.u32 s7, s6;
	s9 =	sshrl.u32 s31, $0x1;
	s5 =	sadd.s32 s5, s8  }
0x8: {  	s8 =	simm.s32 $0x80;
	s6 =	sshrl.u32 s6, $0x3;
	s7 =	ssub.s32 s31, s9  }
0x9: {  	s5 =	sadd.s32 $0x905A00, s5;
	s9 =	simm.s32 $0x1;
	s6 =	sadd.s32 s6, s4  }
0xa: {  	s4 =	smax.u32 s7, $0x1;
	s7 =	simm.s32 $0x2;
	s6 =	sadd.s32 $0x7A00, s6  }
.LBB2_1:
0xb: {  	s11 =	sadd.s32 $0x0, s6  }
0xc: {  	[tilespmem:s2], [sflag:$0x2] =	stream.linear.gather [hbm4b:s11+s2], $0x80, $0x38;
	[tilespmem:$0x4080] =	vst v63  }
0xd: {  	_ =	swait.ge [sflag:s7], $0x80  }
0xe: {  	[sflag:s7] =	ssyncset.done $0x0  }
0xf: {  	[sflag:s7] =	ssyncadd.s32 $0xFFFFFF80  }
0x10: {  	[tilespmem:s8], [sflag:$0x1] =	stream.indirect.gather [hbm4b:s3+s8], $0x80, s2, s8, $0xb8;
	[tilespmem:$0x4080] =	vst v63  }
0x11: {  	_ =	swait.ge [sflag:s9], $0x4000  }
0x12: {  	[sflag:s9] =	ssyncset.done $0x0  }
0x13: {  	[sflag:s9] =	ssyncadd.s32 $0xFFFFC000  }
0x14: {  	[hbm4b:s5+s2] =	stream.linear.scatter [tilespmem:s8], [sflag:$0x2], $0x4000, $0x38;
	[tilespmem:$0x4080] =	vst v63  }
0x15: {  	s12 =	simm.s32 $0x10;
	_ =	swait.ge [sflag:s7], $0x4000  }
0x16: {  	s13 =	simm.s32 $0x20;
	s11 =	sadd.s32 $0x800, s5;
	[sflag:s7] =	ssyncset.done $0x0  }
.LBB2_2:
0x17: {  	s14 =	sadd.s32 s12, s6  }
0x18: {  	[sflag:s7] =	ssyncadd.s32 $0xFFFFC000;
	s12 =	smov.u32 s13;
	s15 =	sadd.s32 $0x10, s13  }
0x19: {  	[tilespmem:s2], [sflag:$0x2] =	stream.linear.gather [hbm4b:s14+s2], $0x80, $0x38;
	[tilespmem:$0x4080] =	vst v63  }
0x1a: {  	p0 =	sne.s32 s13, $0xF0;
	_ =	swait.ge [sflag:s7], $0x80  }
0x1b: {  	[sflag:s7] =	ssyncset.done $0x0  }
0x1c: {  	[sflag:s7] =	ssyncadd.s32 $0xFFFFFF80  }
0x1d: {  	[tilespmem:s8], [sflag:$0x1] =	stream.indirect.gather [hbm4b:s3+s8], $0x80, s2, s8, $0xb8;
	[tilespmem:$0x4080] =	vst v63  }
0x1e: {  	_ =	swait.ge [sflag:s9], $0x4000  }
.Ltmp0:
0x1f: {  	[sflag:s9] =	ssyncset.done $0x0;
	(pc) =	sbr.rel @p0 .LBB2_2-.Ltmp0, $4  }
0x20: {  	[sflag:s9] =	ssyncadd.s32 $0xFFFFC000  }
0x21: {  	[hbm4b:s11+s2] =	stream.linear.scatter [tilespmem:s8], [sflag:$0x2], $0x4000, $0x38;
	[tilespmem:$0x4080] =	vst v63  }
0x22: {  	_ =	swait.ge [sflag:s7], $0x4000  }
0x23: {  	s13 =	smov.u32 s15;
	s11 =	sadd.s32 $0x800, s11;
	[sflag:s7] =	ssyncset.done $0x0  }
0x24: {  	s12 =	sadd.s32 s12, s6;
	[sflag:s7] =	ssyncadd.s32 $0xFFFFC000  }
0x25: {  	[tilespmem:s2], [sflag:$0x2] =	stream.linear.gather [hbm4b:s12+s2], $0x80, $0x38;
	[tilespmem:$0x4080] =	vst v63  }
0x26: {  	_ =	swait.ge [sflag:s7], $0x80  }
0x27: {  	[sflag:s7] =	ssyncset.done $0x0  }
0x28: {  	[sflag:s7] =	ssyncadd.s32 $0xFFFFFF80  }
0x29: {  	[tilespmem:s8], [sflag:$0x1] =	stream.indirect.gather [hbm4b:s3+s8], $0x80, s2, s8, $0xb8;
	[tilespmem:$0x4080] =	vst v63  }
0x2a: {  	s10 =	sadd.s32 $0x1, s10;
	_ =	swait.ge [sflag:s9], $0x4000  }
0x2b: {  	p0 =	sne.s32 s10, s4;
	[sflag:s9] =	ssyncset.done $0x0  }
.Ltmp1:
0x2c: {  	[sflag:s9] =	ssyncadd.s32 $0xFFFFC000;
	(pc) =	sbr.rel @p0 .LBB2_1-.Ltmp1, $4  }
0x2d: {  	[hbm4b:s11+s2] =	stream.linear.scatter [tilespmem:s8], [sflag:$0x2], $0x4000, $0x38;
	[tilespmem:$0x4080] =	vst v63  }
0x2e: {  	_ =	swait.ge [sflag:s7], $0x4000  }
0x2f: {  	[sflag:s7] =	ssyncset.done $0x0  }
0x30: {  	[sflag:s7] =	ssyncadd.s32 $0xFFFFC000  }
0x31: {  	_ =	sfence.sel $0x180000  }
0x32: {  	[bflag:$0x0] =	sbarrier.arrive $0xFFFF  }
0x33: {  	p0 =	sne.s32 s1, $0x0;
	_ =	strace $0x90000062  }
0x34: {  	s0 =	sadd.s32 @!p0 $0x100000, s0;
	[bflag:$0x2] =	sbarrier.arrive $0xFFFF  }
0x35: {  	[sflag:s0] =	ssyncadd.tile.s32 @!p0 $0x1;
	_ =	shalt  }
.Lfunc_end2:
_tile_overlayer_lowered:
.L_overlay_start_2:
0x36: {  	(tag) =	ssettag $0x2  }
0x37: {  	s0 =	rddreg [dreg:$0x0];
	s2 =	stileid.u32  }
0x38: {  	s1 =	rddreg [dreg:$0x1];
	p0 =	sne.s32 s2, $0x0  }
0x39: {  	s3 =	rddreg [dreg:$0x2];
	[bflag:$0x3] =	sbarrier.arrive $0xFFFF;
	s2 =	simm.s32 @!p0 $0x1C02  }
0x3a: {  	[timem:s3], [sflag:s2] =	dma.local @!p0 [hbm:s0], s1  }
0x3b: {  	s0 =	simm.s32 @!p0 $0x2  }
0x3c: {  	_ =	swait.ge @!p0 [sflag:s0], s1  }
0x3d: {  	s1 =	ssub.s32 @!p0 $0x0, s1;
	[sflag:s0] =	ssyncset.done @!p0 $0x0  }
0x3e: {  	[sflag:s0] =	ssyncadd.s32 @!p0 s1  }
0x3f: {  	[bflag:$0x3] =	sbarrier.arrive $0xFFFF  }
0x40: {  	_ =	shalt  }

// kernel: sparse-core-data-format-call.cloned.1.call-start
scs
called_computation_lowered:
.L_overlay_start_0:
0x0: {  	s1 =	sld [smem:$0x3FD9]  }
0x1: {  	s2 =	sld [smem:$0x3FFE];
	_ =	sdelay $0x1  }
0x2: {  	s3 =	srdreg.scid  }
0x3: {  	s0 =	sand.u32 $0x1, s3  }
0x4: {  	s17 =	sshll.u32 s0, $0xA;
	s1 =	sadd.s32 s2, s1  }
0x5: {  	s1 =	sadd.s32 s1, s17  }
0x6: {  	[smem:$0x3FBF] =	sst s1  }
0x7: {  	_ = 	snop  }
0x8: {  	(tm) =	ssettm $0x1  }
0x9: {  	s18 =	sld [smem:$0x3FFB];
	_ =	sdelay $0x3  }
0xa: {  	_ =	strace s18  }
0xb: {  	s1 =	sld [smem:$0x3FFC];
	_ =	sdelay $0x3  }
0xc: {  	_ =	strace s1  }
0xd: {  	s1 =	sld [smem:$0x3FFD];
	_ =	sdelay $0x3  }
0xe: {  	_ =	strace s1  }
0xf: {  	_ =	strace $0x8FFFFFFF  }
0x10: {  	s19 =	sld [smem:$0x3FDB];
	_ =	sdelay $0x1  }
0x11: {  	s20 =	simm.s32 $_scs_section_size  }
0x12: {  	s4 =	simm.s32 $_size__tile_overlayer_lowered;
	s5 =	simm.s32 $_tile_overlayer_lowered  }
0x13: {  	s23 =	simm.s32 $0x1BFF;
	s22 =	sshll.u32 s5, $0x1;
	s1 =	sadd.s32 s20, s19  }
0x14: {  	s6 =	simm.s32 $0x0;
	s21 =	sshll.u32 s4, $0x1;
	s4 =	sadd.s32 s22, s1  }
0x15: {  	[timem:s6], [sflag:s23] =	dma.local [hbm:s4], s21  }
0x16: {  	_ =	swait.ge [sflag:s23], s21  }
0x17: {  	s2 =	ssub.s32 $0x0, s21;
	[sflag:s23] =	ssyncset.done $0x0  }
0x18: {  	[sflag:s23] =	ssyncadd.s32 s2;
	_ =	sdelay $0x1  }
0x19: {  	s24 =	simm.s32 $0x1B8B  }
0x1a: {  	_ =	swait.ge [sflag:s24], $0x1  }
0x1b: {  	[sflag:s24] =	ssyncset.done $0x0  }
0x1c: {  	s26 =	simm.s32 $0x1B8E;
	s25 =	sld [smem:$0x3FFE];
	[sflag:s24] =	ssyncadd.s32 $0xFFFFFFFF  }
0x1d: {  	s27 =	simm.s32 $execute0_lowered;
	[smem:$0x3FD2] =	sst s26  }
0x1e: {  	s4 =	sshll.u32 s27, $0x1;
	_ =	strace $0x80000046;
	[dreg:$0x1] =	wrdreg $0xFFFFFFFF  }
0x1f: {  	s28 =	simm.s32 $_size_execute0_lowered;
	s1 =	sadd.s32 s1, s4;
	[dreg:$0x0] =	wrdreg $0x0  }
0x20: {  	s4 =	sshll.u32 s28, $0x1;
	[dreg:$0x2] =	wrdreg s1  }
0x21: {  	[dreg:$0x3] =	wrdreg s4  }
0x22: {  	[dreg:$0x4] =	wrdreg $0xC0  }
0x23: {  	_ =	task [dreg:s6], $0x5FFFF  }
0x24: {  	[dreg:$0x1] =	wrdreg $0xFFFFFFFF  }
0x25: {  	[dreg:$0x0] =	wrdreg $0x60  }
0x26: {  	[dreg:$0x2] =	wrdreg s25  }
0x27: {  	[dreg:$0x3] =	wrdreg $0x9  }
0x28: {  	_ =	task.clear_ibuf [dreg:s6], $0x4FFFF;
	_ =	strace $0x90000046  }
0x29: {  	s29 =	simm.s32 $0x9;
	_ =	strace $0x80000048  }
0x2a: {  	_ =	swait.ge [sflag:s29], $0x1  }
0x2b: {  	[sflag:s29] =	ssyncadd.s32 $0xFFFFFFFF  }
0x2c: {  	_ =	strace $0x90000048  }
0x2d: {  	_ =	sfence  }
0x2e: {  	s30 =	sld [smem:$0x0];
	_ =	sdelay $0x2  }
0x2f: {  	s31 =	sshll.u32 s3, $0xD;
	s3 =	sshrl.u32 s3, $0x2  }
0x30: {  	s2 =	sand.u32 $0x4000, s31;
	s1 =	sadd.s32 s3, s30  }
0x31: {  	s0 =	sor.u32 s2, s0;
	s1 =	sshll.u32 s1, $0x11  }
0x32: {  	s0 =	sor.u32 s1, s0  }
0x33: {  	s0 =	sadd.s32 $0x8F2B, s0  }
0x34: {  	[sflag:s0] =	ssyncadd.remote.s32 $0x1  }
0x35: {  	_ =	sfence.sel $0xFFFF  }
0x36: {  	[dreg:$0x0] =	wrdreg $0xFFFFFFFF;
	(pc) =	sbr.abs _section_cstart, $3  }
0x37: {  	[dreg:$0x1] =	wrdreg $0xFFFFFFFF  }
0x38: {  	_ =	task.clear_ibuf [dreg:s6], $0x2FFFF;
	_ =	strace $0x9FFFFFFF  }
0x39: {  	(tm) =	ssettm $0x7FFFFFFF  }
tec
execute0_lowered:
.L_overlay_start_1:
0x0: {  	(tag) =	ssettag $0x1  }
0x1: {  	s0 =	stileid.u32  }
0x2: {  	s1 =	srdreg.scid;
	s4 =	rddreg [dreg:$0x0]  }
0x3: {  	s7 =	simm.s32 $0x1;
	s8 =	simm.s32 $0x2;
	s15 =	simm.s32 $0x0  }
0x4: {  	s13 =	simm.s32 $0x0;
	s2 =	sshll.u32 s0, $0x4;
	s1 =	sshll.u32 s1, $0x8  }
0x5: {  	s14 =	simm.s32 $0x0;
	s10 =	simm.s32 $0x0;
	s1 =	sor.u32 s2, s1  }
0x6: {  	s12 =	simm.s32 $0x0;
	s3 =	sadd.s32 $0x5A00, s4;
	s2 =	sand.u32 $0x180, s1  }
0x7: {  	s4 =	sadd.s32 $0x105A00, s4;
	s1 =	rddreg [dreg:$0x1];
	s6 =	ssub.s32 $0x2000, s2  }
.Ltmp0:
0x8: {  	_ =	strace $0x80000047;
	s5 =	sand.u32 $0x180, s6;
	(pc) =	sbr.rel .LBB1_1-.Ltmp0, $4  }
0x9: {  	s9 =	smov.u32 s2;
	p0 =	sne.s32 s5, $0x0;
	s5 =	simm.s32 $0x1  }
0xa: {  	s6 =	sshrl.u32 s6, $0x9;
	s7 =	simm.s32 @!p0 $0x0;
	[sflag:s5] =	ssyncpa.u1 $0x0  }
0xb: {  	p0 =	por $0x0, $0x0;
	s6 =	sadd.s32 s7, s6;
	s7 =	sand.u32 $0x7, s0  }
0xc: {  	[sflag:s8] =	ssyncpa.u1 $0x0;
	s8 =	sadd.s32 $0x1, s6;
	s11 =	smov.u32 s7  }
.LBB1_4:
0xd: {  	v5 =	vld [tilespmem:s19+$0xFFFFFFD0];
	[tilespmem:s18+$0x2040 ss:$0x81] =	vst.msk $0xffff, v1  }
0xe: {  	v58 =	vld [tilespmem:s19+$0xFFFFFFE0];
	[tilespmem:s18+$0x2850 ss:$0x81] =	vst.msk $0xffff, v2  }
0xf: {  	s20 =	sshra.s32 s20, $0x2;
	v59 =	vld [tilespmem:s19+$0xFFFFFFF0];
	[tilespmem:s18+$0x3060 ss:$0x81] =	vst.msk $0xffff, v3  }
0x10: {  	v60 =	vld [tilespmem:s19+$0x0];
	[tilespmem:s18+$0x0 ss:$0x81] =	vst.msk $0xffff, v0;
	s17 =	sadd.s32 s20, s17  }
0x11: {  	v61 =	vld [tilespmem:s19+$0x10];
	[tilespmem:s17+$0x3870 ss:$0x81] =	vst.msk $0xffff, v4  }
0x12: {  	v62 =	vld [tilespmem:s19+$0x20];
	s15 =	sshll.u32 s15, $0x7;
	s28 =	sshll.u32 s13, $0x3;
	[tilespmem:s17+$0x810 ss:$0x81] =	vst.msk $0xffff, v5  }
0x13: {  	v63 =	vld [tilespmem:s19+$0xFFFFFFC0];
	s29 =	sand.u32 $0xFFC00, s15;
	s18 =	sand.u32 $0xFFC00, s28;
	[tilespmem:s17+$0x1020 ss:$0x81] =	vst.msk $0xffff, v58  }
0x14: {  	s15 =	sand.u32 $0x380, s15;
	s18 =	sadd.s32 s18, s29;
	[tilespmem:s17+$0x1830 ss:$0x81] =	vst.msk $0xffff, v59  }
0x15: {  	s14 =	sshll.u32 s14, $0x11;
	s30 =	sshrl.u32 s13, $0x3;
	s15 =	sor.u32 s15, s18;
	[tilespmem:s17+$0x2040 ss:$0x81] =	vst.msk $0xffff, v60  }
0x16: {  	s14 =	sadd.s32 s4, s14;
	s18 =	sand.u32 $0xF, s30;
	s15 =	sshrl.u32 s15, $0x3;
	[tilespmem:s17+$0x2850 ss:$0x81] =	vst.msk $0xffff, v61  }
0x17: {  	s14 =	sadd.s32 s18, s14;
	[tilespmem:s17+$0x3060 ss:$0x81] =	vst.msk $0xffff, v62;
	s15 =	sand.u32 $0x1FFF0, s15  }
0x18: {  	s31 =	sand.u32 $0x7, s13;
	[tilespmem:s17+$0x0 ss:$0x81] =	vst.msk $0xffff, v63;
	s14 =	sadd.s32 s15, s14  }
0x19: {  	[hbm4b:s14+s31] =	stream.linear.scatter [tilespmem:s16], [sflag:$0x2], $0x4000, $0x20;
	[tilespmem:$0x10100] =	vst v63  }
.LBB1_5:
0x1a: {  	s16 =	sadd.s32 $0x200, s9  }
0x1b: {  	s13 =	sadd.s32 $0x80, s10;
	s17 =	smov.u32 s10;
	p2 =	sgt.s32 s16, $0x1FFF  }
0x1c: {  	s17 =	smov.u32 @p2 s13  }
0x1d: {  	s19 =	smov.u32 s11;
	s13 =	sadd.s32 $0x8, s11;
	p3 =	sgt.s32 s17, $0x7F  }
0x1e: {  	s19 =	smov.u32 @p3 s13  }
0x1f: {  	s16 =	smov.u32 @p2 s2;
	p2 =	sgt.s32 s19, $0x7  }
0x20: {  	p1 =	slt.u32 s12, $0x2;
	s19 =	smov.u32 @p2 s7;
	p2 =	sne.s32 s12, s8  }
.Ltmp1:
0x21: {  	s18 =	simm.s32 @!p1 $0x2;
	(pc) =	sbr.rel @!p2 .LBB1_6-.Ltmp1, $4  }
0x22: {  	s15 =	smov.u32 s9;
	s14 =	smov.u32 s11;
	_ =	swait.ge @!p1 [sflag:s18], $0x4000  }
0x23: {  	p0 =	por !p0, !p0;
	[sflag:s18] =	ssyncset.done @!p1 $0x0;
	s9 =	smov.u32 s16  }
0x24: {  	s17 =	simm.s32 @p3 $0x0;
	s13 =	smov.u32 s10;
	[sflag:s18] =	ssyncadd.s32 @!p1 $0xFFFFC000  }
0x25: {  	s10 =	smov.u32 s17;
	s12 =	sadd.s32 $0x1, s12;
	s11 =	smov.u32 s19  }
.LBB1_1:
0x26: {  	p1 =	sge.u32 s12, s6;
	s31 =	sadd.s32 $0xFFFFFFFF, s12  }
0x27: {  	s16 =	sxor.u32 @!p1 $0xFFFFFFFF, s12;
	s17 =	sand.u32 @!p1 $0x78, s9;
	s18 =	sshll.u32 @!p1 s10, $0xD  }
0x28: {  	s19 =	sshll.u32 @!p1 s10, $0x7;
	s20 =	sshll.u32 @!p1 s9, $0x3;
	s16 =	sshll.u32 @!p1 s16, $0xE  }
0x29: {  	s18 =	sand.u32 @!p1 $0xF0000, s18;
	s19 =	sand.u32 @!p1 $0x380, s19;
	s16 =	sand.u32 @!p1 $0x4000, s16  }
0x2a: {  	s18 =	sadd.s32 @!p1 s18, s20;
	s20 =	sand.u32 @!p1 $0x1C00, s20;
	s17 =	sor.u32 @!p1 s19, s17  }
0x2b: {  	s19 =	sshll.u32 @!p1 s11, $0x11;
	s17 =	sor.u32 @!p1 s20, s17;
	s18 =	sshrl.u32 @!p1 s18, $0x3  }
0x2c: {  	s19 =	sadd.s32 @!p1 s3, s19;
	s20 =	sand.u32 @!p1 $0x7, s9;
	s18 =	sand.u32 @!p1 $0x1FC00, s18  }
0x2d: {  	s17 =	sshrl.u32 @!p1 s17, $0x3;
	s18 =	sadd.s32 @!p1 s18, s19;
	s19 =	sshll.u32 @!p1 s20, $0x12  }
0x2e: {  	s17 =	sadd.s32 @!p1 s17, s18;
	s18 =	sor.u32 @!p1 $0x400, s19;
	s19 =	simm.s32 @!p1 $0x10000  }
0x2f: {  	[tilespmem:s16], [sflag:$0x1] =	stream.strided.gather @!p1 [hbm4b:s17+s18], $0x4000, s19, s18, $0x38;
	[tilespmem:$0x10100] =	vst v63  }
0x30: {  	p1 =	sge.u32 s31, s6  }
.Ltmp2:
0x31: {  	_ = 	snop;
	(pc) =	sbr.rel @p1 .LBB1_5-.Ltmp2, $1  }
0x32: {  	_ =	sdelay $0x3  }
0x33: {  	s16 =	simm.s32 $0x1  }
0x34: {  	_ =	swait.ge [sflag:s5], $0x4000;
	s16 =	simm.s32 @!p0 $0x0  }
0x35: {  	[sflag:s5] =	ssyncset.done $0x0;
	s17 =	sshll.u32 s16, $0xE  }
0x36: {  	[sflag:s5] =	ssyncadd.s32 $0xFFFFC000;
	s19 =	sor.u32 $0x40, s17  }
0x37: {  	s16 =	smul.u32 $0x10200, s16;
	v0 =	vld [tilespmem:s19+$0x30]  }
0x38: {  	v3 =	vld [tilespmem:s19+$0xFFFFFFD0]  }
0x39: {  	s16 =	sshrl.u32 s16, $0x2;
	v4 =	vld [tilespmem:s19+$0xFFFFFFE0]  }
0x3a: {  	v5 =	vld [tilespmem:s19+$0xFFFFFFF0];
	s17 =	sor.u32 $0x8000, s16  }
0x3b: {  	s31 =	sand.u32 $0x1, s12;
	v1 =	vld [tilespmem:s19+$0x0];
	s18 =	sadd.s32 $0x0, s17  }
0x3c: {  	v2 =	vld [tilespmem:s19+$0x10];
	s16 =	smul.u32 $0x10200, s31;
	[tilespmem:s18+$0x3870 ss:$0x81] =	vst.msk $0xffff, v0  }
0x3d: {  	[tilespmem:s18+$0x810 ss:$0x81] =	vst.msk $0xffff, v3;
	v3 =	vld [tilespmem:s19+$0x20]  }
0x3e: {  	s16 =	sshrl.u32 s16, $0x2;
	v0 =	vld [tilespmem:s19+$0xFFFFFFC0];
	[tilespmem:s18+$0x1020 ss:$0x81] =	vst.msk $0xffff, v4;
	s19 =	sadd.s32 $0x80, s19  }
0x3f: {  	s20 =	simm.s32 $0x4;
	s21 =	simm.s32 $0x8;
	s16 =	sor.u32 $0x8000, s16;
	[tilespmem:s18+$0x1830 ss:$0x81] =	vst.msk $0xffff, v5;
	v4 =	vld [tilespmem:s19+$0x30]  }
.LBB1_3:
0x40: {  	p1 =	sne.s32 s21, $0x1FC;
	v5 =	vld [tilespmem:s19+$0xFFFFFFD0];
	[tilespmem:s18+$0x2040 ss:$0x81] =	vst.msk $0xffff, v1  }
0x41: {  	v6 =	vld [tilespmem:s19+$0xFFFFFFE0];
	[tilespmem:s18+$0x2850 ss:$0x81] =	vst.msk $0xffff, v2  }
0x42: {  	s22 =	sshra.s32 s20, $0x2;
	s20 =	smov.u32 s21;
	v7 =	vld [tilespmem:s19+$0xFFFFFFF0];
	[tilespmem:s18+$0x3060 ss:$0x81] =	vst.msk $0xffff, v3  }
.Ltmp3:
0x43: {  	v1 =	vld [tilespmem:s19+$0x0];
	[tilespmem:s18+$0x0 ss:$0x81] =	vst.msk $0xffff, v0;
	s18 =	sadd.s32 s22, s17;
	(pc) =	sbr.rel @p1 .LBB1_3-.Ltmp3, $4  }
0x44: {  	v2 =	vld [tilespmem:s19+$0x10];
	[tilespmem:s18+$0x3870 ss:$0x81] =	vst.msk $0xffff, v4  }
0x45: {  	[tilespmem:s18+$0x810 ss:$0x81] =	vst.msk $0xffff, v5;
	v3 =	vld [tilespmem:s19+$0x20]  }
0x46: {  	v0 =	vld [tilespmem:s19+$0xFFFFFFC0];
	[tilespmem:s18+$0x1020 ss:$0x81] =	vst.msk $0xffff, v6;
	s19 =	sadd.s32 $0x80, s19  }
0x47: {  	s21 =	sadd.s32 $0x4, s21;
	v4 =	vld [tilespmem:s19+$0x30];
	[tilespmem:s18+$0x1830 ss:$0x81] =	vst.msk $0xffff, v7  }
.Ltmp4:
0x48: {  	_ = 	snop;
	(pc) =	sbr.rel .LBB1_4-.Ltmp4, $1  }
0x49: {  	_ =	sdelay $0x3  }
.LBB1_6:
0x4a: {  	_ =	sfence.sel $0x180000  }
0x4b: {  	s2 =	simm.s32 $0x1;
	[bflag:$0x0] =	sbarrier.arrive $0xFFFF  }
0x4c: {  	s31 =	simm.s32 $0x2;
	[sflag:s2] =	ssyncpa.u1 $0x1  }
0x4d: {  	[sflag:s31] =	ssyncpa.u1 $0x1  }
0x4e: {  	p0 =	sne.s32 s0, $0x0;
	_ =	strace $0x90000047  }
0x4f: {  	s0 =	sadd.s32 @!p0 $0x100000, s1;
	[bflag:$0x2] =	sbarrier.arrive $0xFFFF  }
0x50: {  	[sflag:s0] =	ssyncadd.tile.s32 @!p0 $0x1;
	_ =	shalt  }
.Lfunc_end1:
_tile_overlayer_lowered:
.L_overlay_start_2:
0x51: {  	(tag) =	ssettag $0x2  }
0x52: {  	s0 =	rddreg [dreg:$0x0];
	s2 =	stileid.u32  }
0x53: {  	s1 =	rddreg [dreg:$0x1];
	p0 =	sne.s32 s2, $0x0  }
0x54: {  	s3 =	rddreg [dreg:$0x2];
	[bflag:$0x3] =	sbarrier.arrive $0xFFFF;
	s2 =	simm.s32 @!p0 $0x1C01  }
0x55: {  	[timem:s3], [sflag:s2] =	dma.local @!p0 [hbm:s0], s1  }
0x56: {  	s0 =	simm.s32 @!p0 $0x1  }
0x57: {  	_ =	swait.ge @!p0 [sflag:s0], s1  }
0x58: {  	s1 =	ssub.s32 @!p0 $0x0, s1;
	[sflag:s0] =	ssyncset.done @!p0 $0x0  }
0x59: {  	[sflag:s0] =	ssyncadd.s32 @!p0 s1  }
0x5a: {  	[bflag:$0x3] =	sbarrier.arrive $0xFFFF  }
0x5b: {  	_ =	shalt  }

</sc_bundles>
